<compile_context>
chip_gen: v7x
topology: tpu7x:2x2x1
jax: 0.10.2.dev20260603
libtpu: 0.0.44.dev20260713+nightly
codegen_flags: <defaults>
</compile_context>

<pallas_src>
import jax
import jax.numpy as jnp
from jax.experimental import pallas as pl
from jax.experimental.pallas import tpu as pltpu
from jax.experimental.pallas import tpu_sc as plsc

_RANK = 16
_GATHER_WINDOW = 128
_TOKEN_BLOCK = 2048


def _sc_mesh():
    return plsc.VectorSubcoreMesh(core_axis_name="c", subcore_axis_name="s")


def _sc_chunk_gather(bpe_table, root_bf, tok2d, rid2d, row):
    n = tok2d.shape[1]
    w = _GATHER_WINDOW
    half = w // 2
    dim = bpe_table.shape[1]
    mesh = _sc_mesh()
    num_units = mesh.num_cores * mesh.num_subcores
    bpu = n // (w * num_units)
    out_type = (
        jax.ShapeDtypeStruct((n, dim), jnp.float32),
        jax.ShapeDtypeStruct((n, 128), jnp.float32),
    )

    @pl.kernel(out_type=out_type, mesh=mesh,
               scratch_types=[
                   pltpu.VMEM((2, 2, w), jnp.int32),
                   pltpu.VMEM((half, dim), jnp.float32),
                   pltpu.VMEM((half, dim), jnp.float32),
                   pltpu.VMEM((half, dim), jnp.float32),
                   pltpu.VMEM((w, 128), jnp.float32),
                   pltpu.SemaphoreType.DMA,
                   pltpu.SemaphoreType.DMA,
                   pltpu.SemaphoreType.DMA,
                   pltpu.SemaphoreType.DMA,
                   pltpu.SemaphoreType.DMA,
               ])
    def chunk_kernel(bpe_hbm, root_hbm, tok_hbm, rid_hbm, bpe_out, root_out,
                     idx, b0, b1, b2, rbuf, sem_i, s0, s1, s2, sem_r):
        unit = jax.lax.axis_index("c") * mesh.num_subcores + jax.lax.axis_index("s")
        base0 = unit * bpu * w
        bufs = (b0, b1, b2)
        sems = (s0, s1, s2)
        wbs = [None, None, None]
        wb_r = [None]

        def load_idx(i):
            s = i % 2
            base = base0 + i * w
            return (
                pltpu.async_copy(tok_hbm.at[row, pl.ds(base, w)], idx.at[s, 0],
                                 sem_i),
                pltpu.async_copy(rid_hbm.at[row, pl.ds(base, w)], idx.at[s, 1],
                                 sem_i),
            )

        pending = load_idx(0)
        for i in range(bpu):
            s = i % 2
            base = base0 + i * w
            for ld in pending:
                ld.wait()
            if i + 1 < bpu:
                pending = load_idx(i + 1)
            if wb_r[0] is not None:
                wb_r[0].wait()
            pltpu.sync_copy(root_hbm.at[idx.at[s, 1]], rbuf)
            wb_r[0] = pltpu.async_copy(rbuf, root_out.at[pl.ds(base, w)],
                                       sem_r)
            for h in range(2):
                j = (2 * i + h) % 3
                if wbs[j] is not None:
                    wbs[j].wait()
                pltpu.sync_copy(bpe_hbm.at[idx.at[s, 0, pl.ds(h * half, half)]],
                                bufs[j])
                wbs[j] = pltpu.async_copy(
                    bufs[j], bpe_out.at[pl.ds(base + h * half, half)], sems[j])
        for wb in wbs + wb_r:
            if wb is not None:
                wb.wait()

    return chunk_kernel(bpe_table, root_bf, tok2d, rid2d)


def _fused_body(ohc_ref, root_ref, bpe_ref,
                vu_ref, uu_ref, e_ref, afx_ref, w1t_ref, b1_ref, w2t_ref,
                b2_ref, gb_ref, out_ref):
    bf = jnp.bfloat16
    x = root_ref[...].astype(bf)
    a = jax.lax.dot_general(x, vu_ref[...].astype(bf),
                            (((1,), (0,)), ((), ())),
                            preferred_element_type=jnp.float32)
    ohc = ohc_ref[...]
    mask = jax.lax.dot_general(ohc, e_ref[...],
                               (((1,), (0,)), ((), ())),
                               preferred_element_type=jnp.float32)
    a = a.astype(bf) * mask.astype(bf)
    morph = jax.lax.dot_general(a, uu_ref[...].astype(bf),
                                (((1,), (0,)), ((), ())),
                                preferred_element_type=jnp.float32)
    affix = jax.lax.dot_general(ohc, afx_ref[...].astype(bf),
                                (((1,), (0,)), ((), ())),
                                preferred_element_type=jnp.float32)
    mf = jnp.concatenate([morph.astype(bf), affix.astype(bf)], axis=1)
    h = jax.lax.dot_general(mf, w1t_ref[...].astype(bf),
                            (((1,), (0,)), ((), ())),
                            preferred_element_type=jnp.float32) + b1_ref[...]
    h = 0.5 * h * (1.0 + jax.lax.erf(h * 0.7071067811865476))
    o = jax.lax.dot_general(h.astype(bf), w2t_ref[...].astype(bf),
                            (((1,), (0,)), ((), ())),
                            preferred_element_type=jnp.float32) + b2_ref[...]
    gate = jax.nn.sigmoid(gb_ref[0, 0])
    bpe = bpe_ref[...]
    out_ref[...] = bpe + gate * (o - bpe)


def _tc_fused_chunk(acc, chunk_idx, ohc, root_vecs, bpe_emb,
                    vu, uu, e, afx, w1t, b1, w2t, b2, gb, n, dim):
    t = _TOKEN_BLOCK
    nc = root_vecs.shape[0]
    off = chunk_idx * (nc // t)

    def chunk_spec(shape):
        return pl.BlockSpec((t,) + tuple(shape[1:]),
                            lambda i: (off + i,) + (0,) * (len(shape) - 1))

    def local_spec(shape):
        return pl.BlockSpec((t,) + tuple(shape[1:]),
                            lambda i: (i,) + (0,) * (len(shape) - 1))

    def full_spec(arr):
        nd = arr.ndim
        return pl.BlockSpec(arr.shape, lambda i, nd=nd: (0,) * nd)

    out_spec = pl.BlockSpec((t, dim), lambda i: (off + i, 0))
    in_specs = [chunk_spec(ohc.shape),
                local_spec(root_vecs.shape), local_spec(bpe_emb.shape)]
    consts = (vu, uu, e, afx, w1t, b1, w2t, b2, gb)
    in_specs += [full_spec(c) for c in consts]
    args = [ohc, root_vecs, bpe_emb, *consts]
    kw = {}
    if acc is not None:
        in_specs = [pl.BlockSpec((8, 128), lambda i: (0, 0))] + in_specs
        args = [acc] + args
        kw["input_output_aliases"] = {0: 0}
        body = lambda acc_ref, *refs: _fused_body(*refs)
    else:
        body = _fused_body
    return pl.pallas_call(
        body,
        grid=(nc // t,),
        in_specs=in_specs,
        out_specs=out_spec,
        out_shape=jax.ShapeDtypeStruct((n, dim), jnp.float32),
        **kw,
    )(*args)


def kernel(token_ids, root_ids, pattern_ids, affix_ids, root_emb, transform_U,
           transform_V, shared_U, shared_V, affix_emb, W1, b1, W2, b2,
           bpe_table, gate_bias):
    b, s = token_ids.shape
    n = b * s
    dim = bpe_table.shape[1]
    num_pat = transform_U.shape[0]
    root_dim = root_emb.shape[1]

    tok2d = token_ids.astype(jnp.int32)
    rid2d = root_ids.astype(jnp.int32)

    n_affix = affix_emb.shape[0]
    shared_lane = n_affix + num_pat + 1
    pat_col = jnp.clip(pattern_ids.reshape(n, 1).astype(jnp.int32), 0,
                       num_pat - 1)
    aid_col = jnp.clip(affix_ids.reshape(n, 1).astype(jnp.int32), 0,
                       n_affix - 1)
    lanes = jnp.arange(128, dtype=jnp.int32)[None, :]
    ohc = (((lanes < n_affix) & (lanes == aid_col))
           | ((lanes >= n_affix) & (lanes < n_affix + num_pat)
              & (lanes - n_affix == pat_col))
           | (lanes == shared_lane)).astype(jnp.bfloat16)
    lane_grp = jnp.where((lanes[0] >= n_affix) & (lanes[0] < n_affix + num_pat),
                         lanes[0] - n_affix,
                         jnp.where(lanes[0] == shared_lane, num_pat, -1))
    cols = jnp.arange((num_pat + 1) * _RANK, dtype=jnp.int32)[None, :] // _RANK
    e = (cols == lane_grp[:, None]).astype(jnp.bfloat16)

    vu = jnp.concatenate(
        [jnp.transpose(transform_V, (2, 0, 1)).reshape(root_dim, num_pat * _RANK),
         shared_V.T], axis=1)
    uu = jnp.concatenate(
        [jnp.transpose(transform_U, (0, 2, 1)).reshape(num_pat * _RANK, root_dim),
         shared_U.T], axis=0)
    afx = jnp.pad(affix_emb, ((0, 128 - affix_emb.shape[0]), (0, 0)))
    gb = gate_bias.reshape(1, 1)
    w1t = W1.T
    w2t = W2.T
    b1r = b1.reshape(1, dim)
    b2r = b2.reshape(1, dim)

    out = None
    for k in range(b):
        bpe_k, root_k = _sc_chunk_gather(bpe_table, root_emb, tok2d, rid2d, k)
        out = _tc_fused_chunk(out, k, ohc, root_k, bpe_k,
                              vu, uu, e, afx, w1t, b1r, w2t, b2r, gb, n, dim)
    return out.reshape(b, s, dim)

# --- scband reference (transcript-rebuilt; emitter-appended) ---
"""Pipeline reference for scband-morphological-embedding-55087250539192 (READ-ONLY COPY).

The authoritative reference and input builder live on the scoring server;
editing this copy changes nothing except your own understanding.
"""

import jax, jax.numpy as jnp
import numpy as np

VOCAB = 100000
DIM = 512
NUM_ROOTS = 3000
NUM_PATTERNS = 21
NUM_AFFIXES = 100
ROOT_DIM = 128
RANK = 16
B = 4
S = 8192


def setup_inputs(seed: int = 0) -> dict:
    key = jax.random.key(seed)
    ks = jax.random.split(key, 16)
    inp = {}
    inp["token_ids"] = jax.random.randint(ks[0], (B, S), 0, VOCAB)
    inp["root_ids"] = jax.random.randint(ks[1], (B, S), 0, NUM_ROOTS)
    inp["pattern_ids"] = jax.random.randint(ks[2], (B, S), 0, NUM_PATTERNS)
    inp["affix_ids"] = jax.random.randint(ks[3], (B, S), 0, NUM_AFFIXES)
    inp["root_emb"] = jax.random.normal(ks[4], (NUM_ROOTS + 1, ROOT_DIM), dtype=jnp.float32) * 0.02
    inp["transform_U"] = jax.random.normal(ks[5], (NUM_PATTERNS, ROOT_DIM, RANK), dtype=jnp.float32) * 0.02
    inp["transform_V"] = jax.random.normal(ks[6], (NUM_PATTERNS, RANK, ROOT_DIM), dtype=jnp.float32) * 0.02
    inp["shared_U"] = jax.random.normal(ks[7], (ROOT_DIM, RANK), dtype=jnp.float32) * 0.02
    inp["shared_V"] = jax.random.normal(ks[8], (RANK, ROOT_DIM), dtype=jnp.float32) * 0.02
    inp["affix_emb"] = jax.random.normal(ks[9], (NUM_AFFIXES + 1, ROOT_DIM // 2), dtype=jnp.float32) * 0.02
    inp["W1"] = jax.random.normal(ks[10], (DIM, ROOT_DIM + ROOT_DIM // 2), dtype=jnp.float32) * 0.02
    inp["b1"] = jnp.zeros((DIM,), dtype=jnp.float32)
    inp["W2"] = jax.random.normal(ks[11], (DIM, DIM), dtype=jnp.float32) * 0.02
    inp["b2"] = jnp.zeros((DIM,), dtype=jnp.float32)
    inp["bpe_table"] = jax.random.normal(ks[12], (VOCAB, DIM), dtype=jnp.float32) * 0.02
    inp["gate_bias"] = jnp.zeros((), dtype=jnp.float32)
    return inp


def reference(token_ids, root_ids, pattern_ids, affix_ids, root_emb, transform_U, transform_V, shared_U, shared_V, affix_emb, W1, b1, W2, b2, bpe_table, gate_bias):
    bpe_emb = jnp.take(bpe_table, token_ids, axis=0)
    has_morph = (root_ids >= 0) & (pattern_ids >= 0)
    safe_root = jnp.clip(root_ids, 0, NUM_ROOTS)
    safe_pat = jnp.clip(pattern_ids, 0, NUM_PATTERNS - 1)
    safe_aff = jnp.clip(affix_ids, 0, NUM_AFFIXES)
    root_vecs = jnp.take(root_emb, safe_root, axis=0)
    t_shared = shared_U @ shared_V
    shared_transformed = root_vecs @ t_shared.T
    sel_u = jnp.take(transform_U, safe_pat, axis=0)
    sel_v = jnp.take(transform_V, safe_pat, axis=0)
    intermediate = jnp.einsum('bsrd,bsd->bsr', sel_v, root_vecs)
    delta = jnp.einsum('bsdr,bsr->bsd', sel_u, intermediate)
    morph_vec = shared_transformed + delta
    affix_vec = jnp.take(affix_emb, safe_aff, axis=0)
    morph_full = jnp.concatenate([morph_vec, affix_vec], axis=-1)
    h = jax.nn.gelu(morph_full @ W1.T + b1, approximate=False)
    morph_emb = h @ W2.T + b2
    gate = jax.nn.sigmoid(gate_bias)
    return jnp.where(has_morph[..., None], gate * morph_emb + (1.0 - gate) * bpe_emb, bpe_emb)

if __name__ == "__main__":
    import jax
    _d = setup_inputs()
    print(jax.jit(kernel)(*tuple(_d.values())))

</pallas_src>

<mosaic_0001>
#map = affine_map<(d0, d1) -> (0, 0)>
module attributes {stable_mosaic.version = 14 : i64} {
  func.func @chunk_kernel(%arg0: i32, %arg1: i32, %arg2: memref<100000x512xf32, #tpu.memory_space<hbm>>, %arg3: memref<3001x128xf32, #tpu.memory_space<hbm>>, %arg4: memref<4x8192xi32, #tpu.memory_space<hbm>>, %arg5: memref<4x8192xi32, #tpu.memory_space<hbm>>, %arg6: memref<8192x512xf32, #tpu.memory_space<hbm>>, %arg7: memref<8192x128xf32, #tpu.memory_space<hbm>>, %arg8: memref<2x2x128xi32, #tpu.memory_space<vmem>>, %arg9: memref<64x512xf32, #tpu.memory_space<vmem>>, %arg10: memref<64x512xf32, #tpu.memory_space<vmem>>, %arg11: memref<64x512xf32, #tpu.memory_space<vmem>>, %arg12: memref<128x128xf32, #tpu.memory_space<vmem>>, %arg13: memref<!tpu.dma_semaphore, #tpu.memory_space<semaphore_mem>>, %arg14: memref<!tpu.dma_semaphore, #tpu.memory_space<semaphore_mem>>, %arg15: memref<!tpu.dma_semaphore, #tpu.memory_space<semaphore_mem>>, %arg16: memref<!tpu.dma_semaphore, #tpu.memory_space<semaphore_mem>>, %arg17: memref<!tpu.dma_semaphore, #tpu.memory_space<semaphore_mem>>) attributes {dimension_semantics = [#tpu.dimension_semantics<core_parallel>, #tpu.dimension_semantics<subcore_parallel>], iteration_bounds = array<i64: 2, 16>, scalar_prefetch = 0 : i64, scratch_operands = 10 : i64, tpu.core_type = #tpu.core_type<sc_vector_subcore>, window_params = [{transform_indices = #map}, {transform_indices = #map}, {transform_indices = #map}, {transform_indices = #map}, {transform_indices = #map}, {transform_indices = #map}]} {
    %mul3A = arith.constant 16 : i32
    %mul3A_0 = arith.muli %arg0, %mul3A : i32
    %add3A = arith.addi %mul3A_0, %arg1 : i32
    %mul3A_1 = arith.constant 2 : i32
    %mul3A_2 = arith.muli %add3A, %mul3A_1 : i32
    %mul3A_3 = arith.constant 128 : i32
    %mul3A_4 = arith.muli %mul3A_2, %mul3A_3 : i32
    %add3A_5 = arith.constant 0 : i32
    %add3A_6 = arith.addi %mul3A_4, %add3A_5 : i32
    %dma_start3A = arith.constant 0 : i32
    %dma_start3A_7 = arith.constant 0 : i32
    %dma_start3A_8 = arith.constant 0 : i32
    %dma_start3A_9 = arith.constant 0 : i32
    %dma_start3A_10 = tpu.memref_slice %arg8[%dma_start3A_7, %dma_start3A_8, %dma_start3A_9] : memref<2x2x128xi32, #tpu.memory_space<vmem>> -> memref<1x1x128xi32, #tpu.memory_space<vmem>>
    %dma_start3A_11 = tpu.memref_squeeze %dma_start3A_10 : memref<1x1x128xi32, #tpu.memory_space<vmem>> -> memref<128xi32, #tpu.memory_space<vmem>>
    %dma_start3A_12 = tpu.memref_slice %arg4[%dma_start3A, %add3A_6] : memref<4x8192xi32, #tpu.memory_space<hbm>> -> memref<1x128xi32, #tpu.memory_space<hbm>>
    %dma_start3A_13 = tpu.memref_squeeze %dma_start3A_12 : memref<1x128xi32, #tpu.memory_space<hbm>> -> memref<128xi32, #tpu.memory_space<hbm>>
    %dma_start3A_14 = arith.constant 0 : i32
    %dma_start3A_15 = tpu.memref_slice %arg8[%dma_start3A_7, %dma_start3A_8, %dma_start3A_14] : memref<2x2x128xi32, #tpu.memory_space<vmem>> -> memref<1x1x128xi32, #tpu.memory_space<vmem>>
    %dma_start3A_16 = tpu.memref_squeeze %dma_start3A_15 : memref<1x1x128xi32, #tpu.memory_space<vmem>> -> memref<128xi32, #tpu.memory_space<vmem>>
    %dma_start3A_17 = tpu.memref_slice %arg4[%dma_start3A, %add3A_6] : memref<4x8192xi32, #tpu.memory_space<hbm>> -> memref<1x128xi32, #tpu.memory_space<hbm>>
    %dma_start3A_18 = tpu.memref_squeeze %dma_start3A_17 : memref<1x128xi32, #tpu.memory_space<hbm>> -> memref<128xi32, #tpu.memory_space<hbm>>
    tpu.enqueue_dma source(%dma_start3A_18 : memref<128xi32, #tpu.memory_space<hbm>>) target(%dma_start3A_16 : memref<128xi32, #tpu.memory_space<vmem>>) target_semaphore(%arg13 : memref<!tpu.dma_semaphore, #tpu.memory_space<semaphore_mem>>)
    %dma_start3A_19 = arith.constant 0 : i32
    %dma_start3A_20 = arith.constant 0 : i32
    %dma_start3A_21 = arith.constant 1 : i32
    %dma_start3A_22 = arith.constant 0 : i32
    %dma_start3A_23 = tpu.memref_slice %arg8[%dma_start3A_20, %dma_start3A_21, %dma_start3A_22] : memref<2x2x128xi32, #tpu.memory_space<vmem>> -> memref<1x1x128xi32, #tpu.memory_space<vmem>>
    %dma_start3A_24 = tpu.memref_squeeze %dma_start3A_23 : memref<1x1x128xi32, #tpu.memory_space<vmem>> -> memref<128xi32, #tpu.memory_space<vmem>>
    %dma_start3A_25 = tpu.memref_slice %arg5[%dma_start3A_19, %add3A_6] : memref<4x8192xi32, #tpu.memory_space<hbm>> -> memref<1x128xi32, #tpu.memory_space<hbm>>
    %dma_start3A_26 = tpu.memref_squeeze %dma_start3A_25 : memref<1x128xi32, #tpu.memory_space<hbm>> -> memref<128xi32, #tpu.memory_space<hbm>>
    %dma_start3A_27 = arith.constant 0 : i32
    %dma_start3A_28 = tpu.memref_slice %arg8[%dma_start3A_20, %dma_start3A_21, %dma_start3A_27] : memref<2x2x128xi32, #tpu.memory_space<vmem>> -> memref<1x1x128xi32, #tpu.memory_space<vmem>>
    %dma_start3A_29 = tpu.memref_squeeze %dma_start3A_28 : memref<1x1x128xi32, #tpu.memory_space<vmem>> -> memref<128xi32, #tpu.memory_space<vmem>>
    %dma_start3A_30 = tpu.memref_slice %arg5[%dma_start3A_19, %add3A_6] : memref<4x8192xi32, #tpu.memory_space<hbm>> -> memref<1x128xi32, #tpu.memory_space<hbm>>
    %dma_start3A_31 = tpu.memref_squeeze %dma_start3A_30 : memref<1x128xi32, #tpu.memory_space<hbm>> -> memref<128xi32, #tpu.memory_space<hbm>>
    tpu.enqueue_dma source(%dma_start3A_31 : memref<128xi32, #tpu.memory_space<hbm>>) target(%dma_start3A_29 : memref<128xi32, #tpu.memory_space<vmem>>) target_semaphore(%arg13 : memref<!tpu.dma_semaphore, #tpu.memory_space<semaphore_mem>>)
    %add3A_32 = arith.constant 0 : i32
    %add3A_33 = arith.addi %mul3A_4, %add3A_32 : i32
    %dma_wait3A = arith.constant 0 : i32
    %dma_wait3A_34 = arith.constant 0 : i32
    %dma_wait3A_35 = arith.constant 0 : i32
    %dma_wait3A_36 = arith.constant 0 : i32
    %dma_wait3A_37 = tpu.memref_slice %arg8[%dma_wait3A_34, %dma_wait3A_35, %dma_wait3A_36] : memref<2x2x128xi32, #tpu.memory_space<vmem>> -> memref<1x1x128xi32, #tpu.memory_space<vmem>>
    %dma_wait3A_38 = tpu.memref_squeeze %dma_wait3A_37 : memref<1x1x128xi32, #tpu.memory_space<vmem>> -> memref<128xi32, #tpu.memory_space<vmem>>
    %dma_wait3A_39 = tpu.memref_slice %arg4[%dma_wait3A, %add3A_6] : memref<4x8192xi32, #tpu.memory_space<hbm>> -> memref<1x128xi32, #tpu.memory_space<hbm>>
    %dma_wait3A_40 = tpu.memref_squeeze %dma_wait3A_39 : memref<1x128xi32, #tpu.memory_space<hbm>> -> memref<128xi32, #tpu.memory_space<hbm>>
    %dma_wait3A_41 = arith.constant 0 : i32
    %dma_wait3A_42 = tpu.memref_slice %arg8[%dma_wait3A_34, %dma_wait3A_35, %dma_wait3A_41] : memref<2x2x128xi32, #tpu.memory_space<vmem>> -> memref<1x1x128xi32, #tpu.memory_space<vmem>>
    %dma_wait3A_43 = tpu.memref_squeeze %dma_wait3A_42 : memref<1x1x128xi32, #tpu.memory_space<vmem>> -> memref<128xi32, #tpu.memory_space<vmem>>
    %dma_wait3A_44 = tpu.memref_slice %arg4[%dma_wait3A, %add3A_6] : memref<4x8192xi32, #tpu.memory_space<hbm>> -> memref<1x128xi32, #tpu.memory_space<hbm>>
    %dma_wait3A_45 = tpu.memref_squeeze %dma_wait3A_44 : memref<1x128xi32, #tpu.memory_space<hbm>> -> memref<128xi32, #tpu.memory_space<hbm>>
    tpu.wait_dma2 semaphore(%arg13 : memref<!tpu.dma_semaphore, #tpu.memory_space<semaphore_mem>>) src(%dma_wait3A_45 : memref<128xi32, #tpu.memory_space<hbm>>) dst(%dma_wait3A_43 : memref<128xi32, #tpu.memory_space<vmem>>)
    %dma_wait3A_46 = arith.constant 0 : i32
    %dma_wait3A_47 = arith.constant 0 : i32
    %dma_wait3A_48 = arith.constant 1 : i32
    %dma_wait3A_49 = arith.constant 0 : i32
    %dma_wait3A_50 = tpu.memref_slice %arg8[%dma_wait3A_47, %dma_wait3A_48, %dma_wait3A_49] : memref<2x2x128xi32, #tpu.memory_space<vmem>> -> memref<1x1x128xi32, #tpu.memory_space<vmem>>
    %dma_wait3A_51 = tpu.memref_squeeze %dma_wait3A_50 : memref<1x1x128xi32, #tpu.memory_space<vmem>> -> memref<128xi32, #tpu.memory_space<vmem>>
    %dma_wait3A_52 = tpu.memref_slice %arg5[%dma_wait3A_46, %add3A_6] : memref<4x8192xi32, #tpu.memory_space<hbm>> -> memref<1x128xi32, #tpu.memory_space<hbm>>
    %dma_wait3A_53 = tpu.memref_squeeze %dma_wait3A_52 : memref<1x128xi32, #tpu.memory_space<hbm>> -> memref<128xi32, #tpu.memory_space<hbm>>
    %dma_wait3A_54 = arith.constant 0 : i32
    %dma_wait3A_55 = tpu.memref_slice %arg8[%dma_wait3A_47, %dma_wait3A_48, %dma_wait3A_54] : memref<2x2x128xi32, #tpu.memory_space<vmem>> -> memref<1x1x128xi32, #tpu.memory_space<vmem>>
    %dma_wait3A_56 = tpu.memref_squeeze %dma_wait3A_55 : memref<1x1x128xi32, #tpu.memory_space<vmem>> -> memref<128xi32, #tpu.memory_space<vmem>>
    %dma_wait3A_57 = tpu.memref_slice %arg5[%dma_wait3A_46, %add3A_6] : memref<4x8192xi32, #tpu.memory_space<hbm>> -> memref<1x128xi32, #tpu.memory_space<hbm>>
    %dma_wait3A_58 = tpu.memref_squeeze %dma_wait3A_57 : memref<1x128xi32, #tpu.memory_space<hbm>> -> memref<128xi32, #tpu.memory_space<hbm>>
    tpu.wait_dma2 semaphore(%arg13 : memref<!tpu.dma_semaphore, #tpu.memory_space<semaphore_mem>>) src(%dma_wait3A_58 : memref<128xi32, #tpu.memory_space<hbm>>) dst(%dma_wait3A_56 : memref<128xi32, #tpu.memory_space<vmem>>)
    %add3A_59 = arith.constant 128 : i32
    %add3A_60 = arith.addi %mul3A_4, %add3A_59 : i32
    %dma_start3A_61 = arith.constant 0 : i32
    %dma_start3A_62 = arith.constant 1 : i32
    %dma_start3A_63 = arith.constant 0 : i32
    %dma_start3A_64 = arith.constant 0 : i32
    %dma_start3A_65 = tpu.memref_slice %arg8[%dma_start3A_62, %dma_start3A_63, %dma_start3A_64] : memref<2x2x128xi32, #tpu.memory_space<vmem>> -> memref<1x1x128xi32, #tpu.memory_space<vmem>>
    %dma_start3A_66 = tpu.memref_squeeze %dma_start3A_65 : memref<1x1x128xi32, #tpu.memory_space<vmem>> -> memref<128xi32, #tpu.memory_space<vmem>>
    %dma_start3A_67 = tpu.memref_slice %arg4[%dma_start3A_61, %add3A_60] : memref<4x8192xi32, #tpu.memory_space<hbm>> -> memref<1x128xi32, #tpu.memory_space<hbm>>
    %dma_start3A_68 = tpu.memref_squeeze %dma_start3A_67 : memref<1x128xi32, #tpu.memory_space<hbm>> -> memref<128xi32, #tpu.memory_space<hbm>>
    %dma_start3A_69 = arith.constant 0 : i32
    %dma_start3A_70 = tpu.memref_slice %arg8[%dma_start3A_62, %dma_start3A_63, %dma_start3A_69] : memref<2x2x128xi32, #tpu.memory_space<vmem>> -> memref<1x1x128xi32, #tpu.memory_space<vmem>>
    %dma_start3A_71 = tpu.memref_squeeze %dma_start3A_70 : memref<1x1x128xi32, #tpu.memory_space<vmem>> -> memref<128xi32, #tpu.memory_space<vmem>>
    %dma_start3A_72 = tpu.memref_slice %arg4[%dma_start3A_61, %add3A_60] : memref<4x8192xi32, #tpu.memory_space<hbm>> -> memref<1x128xi32, #tpu.memory_space<hbm>>
    %dma_start3A_73 = tpu.memref_squeeze %dma_start3A_72 : memref<1x128xi32, #tpu.memory_space<hbm>> -> memref<128xi32, #tpu.memory_space<hbm>>
    tpu.enqueue_dma source(%dma_start3A_73 : memref<128xi32, #tpu.memory_space<hbm>>) target(%dma_start3A_71 : memref<128xi32, #tpu.memory_space<vmem>>) target_semaphore(%arg13 : memref<!tpu.dma_semaphore, #tpu.memory_space<semaphore_mem>>)
    %dma_start3A_74 = arith.constant 0 : i32
    %dma_start3A_75 = arith.constant 1 : i32
    %dma_start3A_76 = arith.constant 1 : i32
    %dma_start3A_77 = arith.constant 0 : i32
    %dma_start3A_78 = tpu.memref_slice %arg8[%dma_start3A_75, %dma_start3A_76, %dma_start3A_77] : memref<2x2x128xi32, #tpu.memory_space<vmem>> -> memref<1x1x128xi32, #tpu.memory_space<vmem>>
    %dma_start3A_79 = tpu.memref_squeeze %dma_start3A_78 : memref<1x1x128xi32, #tpu.memory_space<vmem>> -> memref<128xi32, #tpu.memory_space<vmem>>
    %dma_start3A_80 = tpu.memref_slice %arg5[%dma_start3A_74, %add3A_60] : memref<4x8192xi32, #tpu.memory_space<hbm>> -> memref<1x128xi32, #tpu.memory_space<hbm>>
    %dma_start3A_81 = tpu.memref_squeeze %dma_start3A_80 : memref<1x128xi32, #tpu.memory_space<hbm>> -> memref<128xi32, #tpu.memory_space<hbm>>
    %dma_start3A_82 = arith.constant 0 : i32
    %dma_start3A_83 = tpu.memref_slice %arg8[%dma_start3A_75, %dma_start3A_76, %dma_start3A_82] : memref<2x2x128xi32, #tpu.memory_space<vmem>> -> memref<1x1x128xi32, #tpu.memory_space<vmem>>
    %dma_start3A_84 = tpu.memref_squeeze %dma_start3A_83 : memref<1x1x128xi32, #tpu.memory_space<vmem>> -> memref<128xi32, #tpu.memory_space<vmem>>
    %dma_start3A_85 = tpu.memref_slice %arg5[%dma_start3A_74, %add3A_60] : memref<4x8192xi32, #tpu.memory_space<hbm>> -> memref<1x128xi32, #tpu.memory_space<hbm>>
    %dma_start3A_86 = tpu.memref_squeeze %dma_start3A_85 : memref<1x128xi32, #tpu.memory_space<hbm>> -> memref<128xi32, #tpu.memory_space<hbm>>
    tpu.enqueue_dma source(%dma_start3A_86 : memref<128xi32, #tpu.memory_space<hbm>>) target(%dma_start3A_84 : memref<128xi32, #tpu.memory_space<vmem>>) target_semaphore(%arg13 : memref<!tpu.dma_semaphore, #tpu.memory_space<semaphore_mem>>)
    %run_scoped3A = arith.constant 0 : i32
    %run_scoped3A_87 = arith.constant 1 : i32
    "tpu.region"() ({
      %run_scoped3A_182 = tpu.sem_alloc : memref<!tpu.dma_semaphore, #tpu.memory_space<semaphore_mem>>
      %dma_start3A_183 = arith.constant 0 : i32
      %dma_start3A_184 = tpu.memref_slice %arg8[%run_scoped3A, %run_scoped3A_87, %dma_start3A_183] : memref<2x2x128xi32, #tpu.memory_space<vmem>> -> memref<1x1x128xi32, #tpu.memory_space<vmem>>
      %dma_start3A_185 = tpu.memref_squeeze %dma_start3A_184 : memref<1x1x128xi32, #tpu.memory_space<vmem>> -> memref<128xi32, #tpu.memory_space<vmem>>
      %dma_start3A_186 = arith.constant 0 : i32
      %dma_start3A_187 = arith.constant 0 : i32
      %dma_start3A_188 = tpu.memref_slice %arg3[%dma_start3A_186, %dma_start3A_187] : memref<3001x128xf32, #tpu.memory_space<hbm>> -> memref<3001x128xf32, #tpu.memory_space<hbm>>
      tpu.enqueue_indirect_dma source(%dma_start3A_188 : memref<3001x128xf32, #tpu.memory_space<hbm>>) target(%arg12 : memref<128x128xf32, #tpu.memory_space<vmem>>) offsets(%dma_start3A_185 : memref<128xi32, #tpu.memory_space<vmem>>) semaphore(%run_scoped3A_182 : memref<!tpu.dma_semaphore, #tpu.memory_space<semaphore_mem>>)
      %dma_wait3A_189 = arith.constant 0 : i32
      %dma_wait3A_190 = tpu.memref_slice %arg8[%run_scoped3A, %run_scoped3A_87, %dma_wait3A_189] : memref<2x2x128xi32, #tpu.memory_space<vmem>> -> memref<1x1x128xi32, #tpu.memory_space<vmem>>
      %dma_wait3A_191 = tpu.memref_squeeze %dma_wait3A_190 : memref<1x1x128xi32, #tpu.memory_space<vmem>> -> memref<128xi32, #tpu.memory_space<vmem>>
      %dma_wait3A_192 = arith.constant 0 : i32
      %dma_wait3A_193 = arith.constant 0 : i32
      %dma_wait3A_194 = tpu.memref_slice %arg3[%dma_wait3A_192, %dma_wait3A_193] : memref<3001x128xf32, #tpu.memory_space<hbm>> -> memref<3001x128xf32, #tpu.memory_space<hbm>>
      tpu.wait_indirect_dma semaphore(%run_scoped3A_182 : memref<!tpu.dma_semaphore, #tpu.memory_space<semaphore_mem>>) src(%dma_wait3A_194 : memref<3001x128xf32, #tpu.memory_space<hbm>>) dst(%arg12 : memref<128x128xf32, #tpu.memory_space<vmem>>)
      tpu.yield
    }) : () -> ()
    %dma_start3A_88 = arith.constant 0 : i32
    %dma_start3A_89 = tpu.memref_slice %arg7[%add3A_33, %dma_start3A_88] : memref<8192x128xf32, #tpu.memory_space<hbm>> -> memref<128x128xf32, #tpu.memory_space<hbm>>
    %dma_start3A_90 = arith.constant 0 : i32
    %dma_start3A_91 = tpu.memref_slice %arg7[%add3A_33, %dma_start3A_90] : memref<8192x128xf32, #tpu.memory_space<hbm>> -> memref<128x128xf32, #tpu.memory_space<hbm>>
    tpu.enqueue_dma source(%arg12 : memref<128x128xf32, #tpu.memory_space<vmem>>) target(%dma_start3A_91 : memref<128x128xf32, #tpu.memory_space<hbm>>) target_semaphore(%arg17 : memref<!tpu.dma_semaphore, #tpu.memory_space<semaphore_mem>>)
    %run_scoped3A_92 = arith.constant 0 : i32
    %run_scoped3A_93 = arith.constant 0 : i32
    "tpu.region"() ({
      %run_scoped3A_182 = tpu.sem_alloc : memref<!tpu.dma_semaphore, #tpu.memory_space<semaphore_mem>>
      %dma_start3A_183 = arith.constant 0 : i32
      %dma_start3A_184 = tpu.memref_slice %arg8[%run_scoped3A_92, %run_scoped3A_93, %dma_start3A_183] : memref<2x2x128xi32, #tpu.memory_space<vmem>> -> memref<1x1x64xi32, #tpu.memory_space<vmem>>
      %dma_start3A_185 = tpu.memref_squeeze %dma_start3A_184 : memref<1x1x64xi32, #tpu.memory_space<vmem>> -> memref<64xi32, #tpu.memory_space<vmem>>
      %dma_start3A_186 = arith.constant 0 : i32
      %dma_start3A_187 = arith.constant 0 : i32
      %dma_start3A_188 = tpu.memref_slice %arg2[%dma_start3A_186, %dma_start3A_187] : memref<100000x512xf32, #tpu.memory_space<hbm>> -> memref<100000x512xf32, #tpu.memory_space<hbm>>
      tpu.enqueue_indirect_dma source(%dma_start3A_188 : memref<100000x512xf32, #tpu.memory_space<hbm>>) target(%arg9 : memref<64x512xf32, #tpu.memory_space<vmem>>) offsets(%dma_start3A_185 : memref<64xi32, #tpu.memory_space<vmem>>) semaphore(%run_scoped3A_182 : memref<!tpu.dma_semaphore, #tpu.memory_space<semaphore_mem>>)
      %dma_wait3A_189 = arith.constant 0 : i32
      %dma_wait3A_190 = tpu.memref_slice %arg8[%run_scoped3A_92, %run_scoped3A_93, %dma_wait3A_189] : memref<2x2x128xi32, #tpu.memory_space<vmem>> -> memref<1x1x64xi32, #tpu.memory_space<vmem>>
      %dma_wait3A_191 = tpu.memref_squeeze %dma_wait3A_190 : memref<1x1x64xi32, #tpu.memory_space<vmem>> -> memref<64xi32, #tpu.memory_space<vmem>>
      %dma_wait3A_192 = arith.constant 0 : i32
      %dma_wait3A_193 = arith.constant 0 : i32
      %dma_wait3A_194 = tpu.memref_slice %arg2[%dma_wait3A_192, %dma_wait3A_193] : memref<100000x512xf32, #tpu.memory_space<hbm>> -> memref<100000x512xf32, #tpu.memory_space<hbm>>
      tpu.wait_indirect_dma semaphore(%run_scoped3A_182 : memref<!tpu.dma_semaphore, #tpu.memory_space<semaphore_mem>>) src(%dma_wait3A_194 : memref<100000x512xf32, #tpu.memory_space<hbm>>) dst(%arg9 : memref<64x512xf32, #tpu.memory_space<vmem>>)
      tpu.yield
    }) : () -> ()
    %add3A_94 = arith.constant 0 : i32
    %add3A_95 = arith.addi %add3A_33, %add3A_94 : i32
    %dma_start3A_96 = arith.constant 0 : i32
    %dma_start3A_97 = tpu.memref_slice %arg6[%add3A_95, %dma_start3A_96] : memref<8192x512xf32, #tpu.memory_space<hbm>> -> memref<64x512xf32, #tpu.memory_space<hbm>>
    %dma_start3A_98 = arith.constant 0 : i32
    %dma_start3A_99 = tpu.memref_slice %arg6[%add3A_95, %dma_start3A_98] : memref<8192x512xf32, #tpu.memory_space<hbm>> -> memref<64x512xf32, #tpu.memory_space<hbm>>
    tpu.enqueue_dma source(%arg9 : memref<64x512xf32, #tpu.memory_space<vmem>>) target(%dma_start3A_99 : memref<64x512xf32, #tpu.memory_space<hbm>>) target_semaphore(%arg14 : memref<!tpu.dma_semaphore, #tpu.memory_space<semaphore_mem>>)
    %run_scoped3A_100 = arith.constant 0 : i32
    %run_scoped3A_101 = arith.constant 0 : i32
    "tpu.region"() ({
      %run_scoped3A_182 = tpu.sem_alloc : memref<!tpu.dma_semaphore, #tpu.memory_space<semaphore_mem>>
      %dma_start3A_183 = arith.constant 64 : i32
      %dma_start3A_184 = tpu.memref_slice %arg8[%run_scoped3A_100, %run_scoped3A_101, %dma_start3A_183] : memref<2x2x128xi32, #tpu.memory_space<vmem>> -> memref<1x1x64xi32, #tpu.memory_space<vmem>>
      %dma_start3A_185 = tpu.memref_squeeze %dma_start3A_184 : memref<1x1x64xi32, #tpu.memory_space<vmem>> -> memref<64xi32, #tpu.memory_space<vmem>>
      %dma_start3A_186 = arith.constant 0 : i32
      %dma_start3A_187 = arith.constant 0 : i32
      %dma_start3A_188 = tpu.memref_slice %arg2[%dma_start3A_186, %dma_start3A_187] : memref<100000x512xf32, #tpu.memory_space<hbm>> -> memref<100000x512xf32, #tpu.memory_space<hbm>>
      tpu.enqueue_indirect_dma source(%dma_start3A_188 : memref<100000x512xf32, #tpu.memory_space<hbm>>) target(%arg10 : memref<64x512xf32, #tpu.memory_space<vmem>>) offsets(%dma_start3A_185 : memref<64xi32, #tpu.memory_space<vmem>>) semaphore(%run_scoped3A_182 : memref<!tpu.dma_semaphore, #tpu.memory_space<semaphore_mem>>)
      %dma_wait3A_189 = arith.constant 64 : i32
      %dma_wait3A_190 = tpu.memref_slice %arg8[%run_scoped3A_100, %run_scoped3A_101, %dma_wait3A_189] : memref<2x2x128xi32, #tpu.memory_space<vmem>> -> memref<1x1x64xi32, #tpu.memory_space<vmem>>
      %dma_wait3A_191 = tpu.memref_squeeze %dma_wait3A_190 : memref<1x1x64xi32, #tpu.memory_space<vmem>> -> memref<64xi32, #tpu.memory_space<vmem>>
      %dma_wait3A_192 = arith.constant 0 : i32
      %dma_wait3A_193 = arith.constant 0 : i32
      %dma_wait3A_194 = tpu.memref_slice %arg2[%dma_wait3A_192, %dma_wait3A_193] : memref<100000x512xf32, #tpu.memory_space<hbm>> -> memref<100000x512xf32, #tpu.memory_space<hbm>>
      tpu.wait_indirect_dma semaphore(%run_scoped3A_182 : memref<!tpu.dma_semaphore, #tpu.memory_space<semaphore_mem>>) src(%dma_wait3A_194 : memref<100000x512xf32, #tpu.memory_space<hbm>>) dst(%arg10 : memref<64x512xf32, #tpu.memory_space<vmem>>)
      tpu.yield
    }) : () -> ()
    %add3A_102 = arith.constant 64 : i32
    %add3A_103 = arith.addi %add3A_33, %add3A_102 : i32
    %dma_start3A_104 = arith.constant 0 : i32
    %dma_start3A_105 = tpu.memref_slice %arg6[%add3A_103, %dma_start3A_104] : memref<8192x512xf32, #tpu.memory_space<hbm>> -> memref<64x512xf32, #tpu.memory_space<hbm>>
    %dma_start3A_106 = arith.constant 0 : i32
    %dma_start3A_107 = tpu.memref_slice %arg6[%add3A_103, %dma_start3A_106] : memref<8192x512xf32, #tpu.memory_space<hbm>> -> memref<64x512xf32, #tpu.memory_space<hbm>>
    tpu.enqueue_dma source(%arg10 : memref<64x512xf32, #tpu.memory_space<vmem>>) target(%dma_start3A_107 : memref<64x512xf32, #tpu.memory_space<hbm>>) target_semaphore(%arg15 : memref<!tpu.dma_semaphore, #tpu.memory_space<semaphore_mem>>)
    %add3A_108 = arith.constant 128 : i32
    %add3A_109 = arith.addi %mul3A_4, %add3A_108 : i32
    %dma_wait3A_110 = arith.constant 0 : i32
    %dma_wait3A_111 = arith.constant 1 : i32
    %dma_wait3A_112 = arith.constant 0 : i32
    %dma_wait3A_113 = arith.constant 0 : i32
    %dma_wait3A_114 = tpu.memref_slice %arg8[%dma_wait3A_111, %dma_wait3A_112, %dma_wait3A_113] : memref<2x2x128xi32, #tpu.memory_space<vmem>> -> memref<1x1x128xi32, #tpu.memory_space<vmem>>
    %dma_wait3A_115 = tpu.memref_squeeze %dma_wait3A_114 : memref<1x1x128xi32, #tpu.memory_space<vmem>> -> memref<128xi32, #tpu.memory_space<vmem>>
    %dma_wait3A_116 = tpu.memref_slice %arg4[%dma_wait3A_110, %add3A_60] : memref<4x8192xi32, #tpu.memory_space<hbm>> -> memref<1x128xi32, #tpu.memory_space<hbm>>
    %dma_wait3A_117 = tpu.memref_squeeze %dma_wait3A_116 : memref<1x128xi32, #tpu.memory_space<hbm>> -> memref<128xi32, #tpu.memory_space<hbm>>
    %dma_wait3A_118 = arith.constant 0 : i32
    %dma_wait3A_119 = tpu.memref_slice %arg8[%dma_wait3A_111, %dma_wait3A_112, %dma_wait3A_118] : memref<2x2x128xi32, #tpu.memory_space<vmem>> -> memref<1x1x128xi32, #tpu.memory_space<vmem>>
    %dma_wait3A_120 = tpu.memref_squeeze %dma_wait3A_119 : memref<1x1x128xi32, #tpu.memory_space<vmem>> -> memref<128xi32, #tpu.memory_space<vmem>>
    %dma_wait3A_121 = tpu.memref_slice %arg4[%dma_wait3A_110, %add3A_60] : memref<4x8192xi32, #tpu.memory_space<hbm>> -> memref<1x128xi32, #tpu.memory_space<hbm>>
    %dma_wait3A_122 = tpu.memref_squeeze %dma_wait3A_121 : memref<1x128xi32, #tpu.memory_space<hbm>> -> memref<128xi32, #tpu.memory_space<hbm>>
    tpu.wait_dma2 semaphore(%arg13 : memref<!tpu.dma_semaphore, #tpu.memory_space<semaphore_mem>>) src(%dma_wait3A_122 : memref<128xi32, #tpu.memory_space<hbm>>) dst(%dma_wait3A_120 : memref<128xi32, #tpu.memory_space<vmem>>)
    %dma_wait3A_123 = arith.constant 0 : i32
    %dma_wait3A_124 = arith.constant 1 : i32
    %dma_wait3A_125 = arith.constant 1 : i32
    %dma_wait3A_126 = arith.constant 0 : i32
    %dma_wait3A_127 = tpu.memref_slice %arg8[%dma_wait3A_124, %dma_wait3A_125, %dma_wait3A_126] : memref<2x2x128xi32, #tpu.memory_space<vmem>> -> memref<1x1x128xi32, #tpu.memory_space<vmem>>
    %dma_wait3A_128 = tpu.memref_squeeze %dma_wait3A_127 : memref<1x1x128xi32, #tpu.memory_space<vmem>> -> memref<128xi32, #tpu.memory_space<vmem>>
    %dma_wait3A_129 = tpu.memref_slice %arg5[%dma_wait3A_123, %add3A_60] : memref<4x8192xi32, #tpu.memory_space<hbm>> -> memref<1x128xi32, #tpu.memory_space<hbm>>
    %dma_wait3A_130 = tpu.memref_squeeze %dma_wait3A_129 : memref<1x128xi32, #tpu.memory_space<hbm>> -> memref<128xi32, #tpu.memory_space<hbm>>
    %dma_wait3A_131 = arith.constant 0 : i32
    %dma_wait3A_132 = tpu.memref_slice %arg8[%dma_wait3A_124, %dma_wait3A_125, %dma_wait3A_131] : memref<2x2x128xi32, #tpu.memory_space<vmem>> -> memref<1x1x128xi32, #tpu.memory_space<vmem>>
    %dma_wait3A_133 = tpu.memref_squeeze %dma_wait3A_132 : memref<1x1x128xi32, #tpu.memory_space<vmem>> -> memref<128xi32, #tpu.memory_space<vmem>>
    %dma_wait3A_134 = tpu.memref_slice %arg5[%dma_wait3A_123, %add3A_60] : memref<4x8192xi32, #tpu.memory_space<hbm>> -> memref<1x128xi32, #tpu.memory_space<hbm>>
    %dma_wait3A_135 = tpu.memref_squeeze %dma_wait3A_134 : memref<1x128xi32, #tpu.memory_space<hbm>> -> memref<128xi32, #tpu.memory_space<hbm>>
    tpu.wait_dma2 semaphore(%arg13 : memref<!tpu.dma_semaphore, #tpu.memory_space<semaphore_mem>>) src(%dma_wait3A_135 : memref<128xi32, #tpu.memory_space<hbm>>) dst(%dma_wait3A_133 : memref<128xi32, #tpu.memory_space<vmem>>)
    %dma_wait3A_136 = arith.constant 0 : i32
    %dma_wait3A_137 = tpu.memref_slice %arg7[%add3A_33, %dma_wait3A_136] : memref<8192x128xf32, #tpu.memory_space<hbm>> -> memref<128x128xf32, #tpu.memory_space<hbm>>
    %dma_wait3A_138 = arith.constant 0 : i32
    %dma_wait3A_139 = tpu.memref_slice %arg7[%add3A_33, %dma_wait3A_138] : memref<8192x128xf32, #tpu.memory_space<hbm>> -> memref<128x128xf32, #tpu.memory_space<hbm>>
    tpu.wait_dma2 semaphore(%arg17 : memref<!tpu.dma_semaphore, #tpu.memory_space<semaphore_mem>>) src(%arg12 : memref<128x128xf32, #tpu.memory_space<vmem>>) dst(%dma_wait3A_139 : memref<128x128xf32, #tpu.memory_space<hbm>>)
    %run_scoped3A_140 = arith.constant 1 : i32
    %run_scoped3A_141 = arith.constant 1 : i32
    "tpu.region"() ({
      %run_scoped3A_182 = tpu.sem_alloc : memref<!tpu.dma_semaphore, #tpu.memory_space<semaphore_mem>>
      %dma_start3A_183 = arith.constant 0 : i32
      %dma_start3A_184 = tpu.memref_slice %arg8[%run_scoped3A_140, %run_scoped3A_141, %dma_start3A_183] : memref<2x2x128xi32, #tpu.memory_space<vmem>> -> memref<1x1x128xi32, #tpu.memory_space<vmem>>
      %dma_start3A_185 = tpu.memref_squeeze %dma_start3A_184 : memref<1x1x128xi32, #tpu.memory_space<vmem>> -> memref<128xi32, #tpu.memory_space<vmem>>
      %dma_start3A_186 = arith.constant 0 : i32
      %dma_start3A_187 = arith.constant 0 : i32
      %dma_start3A_188 = tpu.memref_slice %arg3[%dma_start3A_186, %dma_start3A_187] : memref<3001x128xf32, #tpu.memory_space<hbm>> -> memref<3001x128xf32, #tpu.memory_space<hbm>>
      tpu.enqueue_indirect_dma source(%dma_start3A_188 : memref<3001x128xf32, #tpu.memory_space<hbm>>) target(%arg12 : memref<128x128xf32, #tpu.memory_space<vmem>>) offsets(%dma_start3A_185 : memref<128xi32, #tpu.memory_space<vmem>>) semaphore(%run_scoped3A_182 : memref<!tpu.dma_semaphore, #tpu.memory_space<semaphore_mem>>)
      %dma_wait3A_189 = arith.constant 0 : i32
      %dma_wait3A_190 = tpu.memref_slice %arg8[%run_scoped3A_140, %run_scoped3A_141, %dma_wait3A_189] : memref<2x2x128xi32, #tpu.memory_space<vmem>> -> memref<1x1x128xi32, #tpu.memory_space<vmem>>
      %dma_wait3A_191 = tpu.memref_squeeze %dma_wait3A_190 : memref<1x1x128xi32, #tpu.memory_space<vmem>> -> memref<128xi32, #tpu.memory_space<vmem>>
      %dma_wait3A_192 = arith.constant 0 : i32
      %dma_wait3A_193 = arith.constant 0 : i32
      %dma_wait3A_194 = tpu.memref_slice %arg3[%dma_wait3A_192, %dma_wait3A_193] : memref<3001x128xf32, #tpu.memory_space<hbm>> -> memref<3001x128xf32, #tpu.memory_space<hbm>>
      tpu.wait_indirect_dma semaphore(%run_scoped3A_182 : memref<!tpu.dma_semaphore, #tpu.memory_space<semaphore_mem>>) src(%dma_wait3A_194 : memref<3001x128xf32, #tpu.memory_space<hbm>>) dst(%arg12 : memref<128x128xf32, #tpu.memory_space<vmem>>)
      tpu.yield
    }) : () -> ()
    %dma_start3A_142 = arith.constant 0 : i32
    %dma_start3A_143 = tpu.memref_slice %arg7[%add3A_109, %dma_start3A_142] : memref<8192x128xf32, #tpu.memory_space<hbm>> -> memref<128x128xf32, #tpu.memory_space<hbm>>
    %dma_start3A_144 = arith.constant 0 : i32
    %dma_start3A_145 = tpu.memref_slice %arg7[%add3A_109, %dma_start3A_144] : memref<8192x128xf32, #tpu.memory_space<hbm>> -> memref<128x128xf32, #tpu.memory_space<hbm>>
    tpu.enqueue_dma source(%arg12 : memref<128x128xf32, #tpu.memory_space<vmem>>) target(%dma_start3A_145 : memref<128x128xf32, #tpu.memory_space<hbm>>) target_semaphore(%arg17 : memref<!tpu.dma_semaphore, #tpu.memory_space<semaphore_mem>>)
    %run_scoped3A_146 = arith.constant 1 : i32
    %run_scoped3A_147 = arith.constant 0 : i32
    "tpu.region"() ({
      %run_scoped3A_182 = tpu.sem_alloc : memref<!tpu.dma_semaphore, #tpu.memory_space<semaphore_mem>>
      %dma_start3A_183 = arith.constant 0 : i32
      %dma_start3A_184 = tpu.memref_slice %arg8[%run_scoped3A_146, %run_scoped3A_147, %dma_start3A_183] : memref<2x2x128xi32, #tpu.memory_space<vmem>> -> memref<1x1x64xi32, #tpu.memory_space<vmem>>
      %dma_start3A_185 = tpu.memref_squeeze %dma_start3A_184 : memref<1x1x64xi32, #tpu.memory_space<vmem>> -> memref<64xi32, #tpu.memory_space<vmem>>
      %dma_start3A_186 = arith.constant 0 : i32
      %dma_start3A_187 = arith.constant 0 : i32
      %dma_start3A_188 = tpu.memref_slice %arg2[%dma_start3A_186, %dma_start3A_187] : memref<100000x512xf32, #tpu.memory_space<hbm>> -> memref<100000x512xf32, #tpu.memory_space<hbm>>
      tpu.enqueue_indirect_dma source(%dma_start3A_188 : memref<100000x512xf32, #tpu.memory_space<hbm>>) target(%arg11 : memref<64x512xf32, #tpu.memory_space<vmem>>) offsets(%dma_start3A_185 : memref<64xi32, #tpu.memory_space<vmem>>) semaphore(%run_scoped3A_182 : memref<!tpu.dma_semaphore, #tpu.memory_space<semaphore_mem>>)
      %dma_wait3A_189 = arith.constant 0 : i32
      %dma_wait3A_190 = tpu.memref_slice %arg8[%run_scoped3A_146, %run_scoped3A_147, %dma_wait3A_189] : memref<2x2x128xi32, #tpu.memory_space<vmem>> -> memref<1x1x64xi32, #tpu.memory_space<vmem>>
      %dma_wait3A_191 = tpu.memref_squeeze %dma_wait3A_190 : memref<1x1x64xi32, #tpu.memory_space<vmem>> -> memref<64xi32, #tpu.memory_space<vmem>>
      %dma_wait3A_192 = arith.constant 0 : i32
      %dma_wait3A_193 = arith.constant 0 : i32
      %dma_wait3A_194 = tpu.memref_slice %arg2[%dma_wait3A_192, %dma_wait3A_193] : memref<100000x512xf32, #tpu.memory_space<hbm>> -> memref<100000x512xf32, #tpu.memory_space<hbm>>
      tpu.wait_indirect_dma semaphore(%run_scoped3A_182 : memref<!tpu.dma_semaphore, #tpu.memory_space<semaphore_mem>>) src(%dma_wait3A_194 : memref<100000x512xf32, #tpu.memory_space<hbm>>) dst(%arg11 : memref<64x512xf32, #tpu.memory_space<vmem>>)
      tpu.yield
    }) : () -> ()
    %add3A_148 = arith.constant 0 : i32
    %add3A_149 = arith.addi %add3A_109, %add3A_148 : i32
    %dma_start3A_150 = arith.constant 0 : i32
    %dma_start3A_151 = tpu.memref_slice %arg6[%add3A_149, %dma_start3A_150] : memref<8192x512xf32, #tpu.memory_space<hbm>> -> memref<64x512xf32, #tpu.memory_space<hbm>>
    %dma_start3A_152 = arith.constant 0 : i32
    %dma_start3A_153 = tpu.memref_slice %arg6[%add3A_149, %dma_start3A_152] : memref<8192x512xf32, #tpu.memory_space<hbm>> -> memref<64x512xf32, #tpu.memory_space<hbm>>
    tpu.enqueue_dma source(%arg11 : memref<64x512xf32, #tpu.memory_space<vmem>>) target(%dma_start3A_153 : memref<64x512xf32, #tpu.memory_space<hbm>>) target_semaphore(%arg16 : memref<!tpu.dma_semaphore, #tpu.memory_space<semaphore_mem>>)
    %dma_wait3A_154 = arith.constant 0 : i32
    %dma_wait3A_155 = tpu.memref_slice %arg6[%add3A_95, %dma_wait3A_154] : memref<8192x512xf32, #tpu.memory_space<hbm>> -> memref<64x512xf32, #tpu.memory_space<hbm>>
    %dma_wait3A_156 = arith.constant 0 : i32
    %dma_wait3A_157 = tpu.memref_slice %arg6[%add3A_95, %dma_wait3A_156] : memref<8192x512xf32, #tpu.memory_space<hbm>> -> memref<64x512xf32, #tpu.memory_space<hbm>>
    tpu.wait_dma2 semaphore(%arg14 : memref<!tpu.dma_semaphore, #tpu.memory_space<semaphore_mem>>) src(%arg9 : memref<64x512xf32, #tpu.memory_space<vmem>>) dst(%dma_wait3A_157 : memref<64x512xf32, #tpu.memory_space<hbm>>)
    %run_scoped3A_158 = arith.constant 1 : i32
    %run_scoped3A_159 = arith.constant 0 : i32
    "tpu.region"() ({
      %run_scoped3A_182 = tpu.sem_alloc : memref<!tpu.dma_semaphore, #tpu.memory_space<semaphore_mem>>
      %dma_start3A_183 = arith.constant 64 : i32
      %dma_start3A_184 = tpu.memref_slice %arg8[%run_scoped3A_158, %run_scoped3A_159, %dma_start3A_183] : memref<2x2x128xi32, #tpu.memory_space<vmem>> -> memref<1x1x64xi32, #tpu.memory_space<vmem>>
      %dma_start3A_185 = tpu.memref_squeeze %dma_start3A_184 : memref<1x1x64xi32, #tpu.memory_space<vmem>> -> memref<64xi32, #tpu.memory_space<vmem>>
      %dma_start3A_186 = arith.constant 0 : i32
      %dma_start3A_187 = arith.constant 0 : i32
      %dma_start3A_188 = tpu.memref_slice %arg2[%dma_start3A_186, %dma_start3A_187] : memref<100000x512xf32, #tpu.memory_space<hbm>> -> memref<100000x512xf32, #tpu.memory_space<hbm>>
      tpu.enqueue_indirect_dma source(%dma_start3A_188 : memref<100000x512xf32, #tpu.memory_space<hbm>>) target(%arg9 : memref<64x512xf32, #tpu.memory_space<vmem>>) offsets(%dma_start3A_185 : memref<64xi32, #tpu.memory_space<vmem>>) semaphore(%run_scoped3A_182 : memref<!tpu.dma_semaphore, #tpu.memory_space<semaphore_mem>>)
      %dma_wait3A_189 = arith.constant 64 : i32
      %dma_wait3A_190 = tpu.memref_slice %arg8[%run_scoped3A_158, %run_scoped3A_159, %dma_wait3A_189] : memref<2x2x128xi32, #tpu.memory_space<vmem>> -> memref<1x1x64xi32, #tpu.memory_space<vmem>>
      %dma_wait3A_191 = tpu.memref_squeeze %dma_wait3A_190 : memref<1x1x64xi32, #tpu.memory_space<vmem>> -> memref<64xi32, #tpu.memory_space<vmem>>
      %dma_wait3A_192 = arith.constant 0 : i32
      %dma_wait3A_193 = arith.constant 0 : i32
      %dma_wait3A_194 = tpu.memref_slice %arg2[%dma_wait3A_192, %dma_wait3A_193] : memref<100000x512xf32, #tpu.memory_space<hbm>> -> memref<100000x512xf32, #tpu.memory_space<hbm>>
      tpu.wait_indirect_dma semaphore(%run_scoped3A_182 : memref<!tpu.dma_semaphore, #tpu.memory_space<semaphore_mem>>) src(%dma_wait3A_194 : memref<100000x512xf32, #tpu.memory_space<hbm>>) dst(%arg9 : memref<64x512xf32, #tpu.memory_space<vmem>>)
      tpu.yield
    }) : () -> ()
    %add3A_160 = arith.constant 64 : i32
    %add3A_161 = arith.addi %add3A_109, %add3A_160 : i32
    %dma_start3A_162 = arith.constant 0 : i32
    %dma_start3A_163 = tpu.memref_slice %arg6[%add3A_161, %dma_start3A_162] : memref<8192x512xf32, #tpu.memory_space<hbm>> -> memref<64x512xf32, #tpu.memory_space<hbm>>
    %dma_start3A_164 = arith.constant 0 : i32
    %dma_start3A_165 = tpu.memref_slice %arg6[%add3A_161, %dma_start3A_164] : memref<8192x512xf32, #tpu.memory_space<hbm>> -> memref<64x512xf32, #tpu.memory_space<hbm>>
    tpu.enqueue_dma source(%arg9 : memref<64x512xf32, #tpu.memory_space<vmem>>) target(%dma_start3A_165 : memref<64x512xf32, #tpu.memory_space<hbm>>) target_semaphore(%arg14 : memref<!tpu.dma_semaphore, #tpu.memory_space<semaphore_mem>>)
    %dma_wait3A_166 = arith.constant 0 : i32
    %dma_wait3A_167 = tpu.memref_slice %arg6[%add3A_161, %dma_wait3A_166] : memref<8192x512xf32, #tpu.memory_space<hbm>> -> memref<64x512xf32, #tpu.memory_space<hbm>>
    %dma_wait3A_168 = arith.constant 0 : i32
    %dma_wait3A_169 = tpu.memref_slice %arg6[%add3A_161, %dma_wait3A_168] : memref<8192x512xf32, #tpu.memory_space<hbm>> -> memref<64x512xf32, #tpu.memory_space<hbm>>
    tpu.wait_dma2 semaphore(%arg14 : memref<!tpu.dma_semaphore, #tpu.memory_space<semaphore_mem>>) src(%arg9 : memref<64x512xf32, #tpu.memory_space<vmem>>) dst(%dma_wait3A_169 : memref<64x512xf32, #tpu.memory_space<hbm>>)
    %dma_wait3A_170 = arith.constant 0 : i32
    %dma_wait3A_171 = tpu.memref_slice %arg6[%add3A_103, %dma_wait3A_170] : memref<8192x512xf32, #tpu.memory_space<hbm>> -> memref<64x512xf32, #tpu.memory_space<hbm>>
    %dma_wait3A_172 = arith.constant 0 : i32
    %dma_wait3A_173 = tpu.memref_slice %arg6[%add3A_103, %dma_wait3A_172] : memref<8192x512xf32, #tpu.memory_space<hbm>> -> memref<64x512xf32, #tpu.memory_space<hbm>>
    tpu.wait_dma2 semaphore(%arg15 : memref<!tpu.dma_semaphore, #tpu.memory_space<semaphore_mem>>) src(%arg10 : memref<64x512xf32, #tpu.memory_space<vmem>>) dst(%dma_wait3A_173 : memref<64x512xf32, #tpu.memory_space<hbm>>)
    %dma_wait3A_174 = arith.constant 0 : i32
    %dma_wait3A_175 = tpu.memref_slice %arg6[%add3A_149, %dma_wait3A_174] : memref<8192x512xf32, #tpu.memory_space<hbm>> -> memref<64x512xf32, #tpu.memory_space<hbm>>
    %dma_wait3A_176 = arith.constant 0 : i32
    %dma_wait3A_177 = tpu.memref_slice %arg6[%add3A_149, %dma_wait3A_176] : memref<8192x512xf32, #tpu.memory_space<hbm>> -> memref<64x512xf32, #tpu.memory_space<hbm>>
    tpu.wait_dma2 semaphore(%arg16 : memref<!tpu.dma_semaphore, #tpu.memory_space<semaphore_mem>>) src(%arg11 : memref<64x512xf32, #tpu.memory_space<vmem>>) dst(%dma_wait3A_177 : memref<64x512xf32, #tpu.memory_space<hbm>>)
    %dma_wait3A_178 = arith.constant 0 : i32
    %dma_wait3A_179 = tpu.memref_slice %arg7[%add3A_109, %dma_wait3A_178] : memref<8192x128xf32, #tpu.memory_space<hbm>> -> memref<128x128xf32, #tpu.memory_space<hbm>>
    %dma_wait3A_180 = arith.constant 0 : i32
    %dma_wait3A_181 = tpu.memref_slice %arg7[%add3A_109, %dma_wait3A_180] : memref<8192x128xf32, #tpu.memory_space<hbm>> -> memref<128x128xf32, #tpu.memory_space<hbm>>
    tpu.wait_dma2 semaphore(%arg17 : memref<!tpu.dma_semaphore, #tpu.memory_space<semaphore_mem>>) src(%arg12 : memref<128x128xf32, #tpu.memory_space<vmem>>) dst(%dma_wait3A_181 : memref<128x128xf32, #tpu.memory_space<hbm>>)
    return
  }
}

#map = affine_map<(d0, d1) -> (0, 0)>
module attributes {stable_mosaic.version = 14 : i64} {
  func.func @chunk_kernel(%arg0: i32, %arg1: i32, %arg2: memref<100000x512xf32, #tpu.memory_space<hbm>>, %arg3: memref<3001x128xf32, #tpu.memory_space<hbm>>, %arg4: memref<4x8192xi32, #tpu.memory_space<hbm>>, %arg5: memref<4x8192xi32, #tpu.memory_space<hbm>>, %arg6: memref<8192x512xf32, #tpu.memory_space<hbm>>, %arg7: memref<8192x128xf32, #tpu.memory_space<hbm>>, %arg8: memref<2x2x128xi32, #tpu.memory_space<vmem>>, %arg9: memref<64x512xf32, #tpu.memory_space<vmem>>, %arg10: memref<64x512xf32, #tpu.memory_space<vmem>>, %arg11: memref<64x512xf32, #tpu.memory_space<vmem>>, %arg12: memref<128x128xf32, #tpu.memory_space<vmem>>, %arg13: memref<!tpu.dma_semaphore, #tpu.memory_space<semaphore_mem>>, %arg14: memref<!tpu.dma_semaphore, #tpu.memory_space<semaphore_mem>>, %arg15: memref<!tpu.dma_semaphore, #tpu.memory_space<semaphore_mem>>, %arg16: memref<!tpu.dma_semaphore, #tpu.memory_space<semaphore_mem>>, %arg17: memref<!tpu.dma_semaphore, #tpu.memory_space<semaphore_mem>>) attributes {dimension_semantics = [#tpu.dimension_semantics<core_parallel>, #tpu.dimension_semantics<subcore_parallel>], iteration_bounds = array<i64: 2, 16>, scalar_prefetch = 0 : i64, scratch_operands = 10 : i64, tpu.core_type = #tpu.core_type<sc_vector_subcore>, window_params = [{transform_indices = #map}, {transform_indices = #map}, {transform_indices = #map}, {transform_indices = #map}, {transform_indices = #map}, {transform_indices = #map}]} {
    %mul3A = arith.constant 16 : i32
    %mul3A_0 = arith.muli %arg0, %mul3A : i32
    %add3A = arith.addi %mul3A_0, %arg1 : i32
    %mul3A_1 = arith.constant 2 : i32
    %mul3A_2 = arith.muli %add3A, %mul3A_1 : i32
    %mul3A_3 = arith.constant 128 : i32
    %mul3A_4 = arith.muli %mul3A_2, %mul3A_3 : i32
    %add3A_5 = arith.constant 0 : i32
    %add3A_6 = arith.addi %mul3A_4, %add3A_5 : i32
    %dma_start3A = arith.constant 2 : i32
    %dma_start3A_7 = arith.constant 0 : i32
    %dma_start3A_8 = arith.constant 0 : i32
    %dma_start3A_9 = arith.constant 0 : i32
    %dma_start3A_10 = tpu.memref_slice %arg8[%dma_start3A_7, %dma_start3A_8, %dma_start3A_9] : memref<2x2x128xi32, #tpu.memory_space<vmem>> -> memref<1x1x128xi32, #tpu.memory_space<vmem>>
    %dma_start3A_11 = tpu.memref_squeeze %dma_start3A_10 : memref<1x1x128xi32, #tpu.memory_space<vmem>> -> memref<128xi32, #tpu.memory_space<vmem>>
    %dma_start3A_12 = tpu.memref_slice %arg4[%dma_start3A, %add3A_6] : memref<4x8192xi32, #tpu.memory_space<hbm>> -> memref<1x128xi32, #tpu.memory_space<hbm>>
    %dma_start3A_13 = tpu.memref_squeeze %dma_start3A_12 : memref<1x128xi32, #tpu.memory_space<hbm>> -> memref<128xi32, #tpu.memory_space<hbm>>
    %dma_start3A_14 = arith.constant 0 : i32
    %dma_start3A_15 = tpu.memref_slice %arg8[%dma_start3A_7, %dma_start3A_8, %dma_start3A_14] : memref<2x2x128xi32, #tpu.memory_space<vmem>> -> memref<1x1x128xi32, #tpu.memory_space<vmem>>
    %dma_start3A_16 = tpu.memref_squeeze %dma_start3A_15 : memref<1x1x128xi32, #tpu.memory_space<vmem>> -> memref<128xi32, #tpu.memory_space<vmem>>
    %dma_start3A_17 = tpu.memref_slice %arg4[%dma_start3A, %add3A_6] : memref<4x8192xi32, #tpu.memory_space<hbm>> -> memref<1x128xi32, #tpu.memory_space<hbm>>
    %dma_start3A_18 = tpu.memref_squeeze %dma_start3A_17 : memref<1x128xi32, #tpu.memory_space<hbm>> -> memref<128xi32, #tpu.memory_space<hbm>>
    tpu.enqueue_dma source(%dma_start3A_18 : memref<128xi32, #tpu.memory_space<hbm>>) target(%dma_start3A_16 : memref<128xi32, #tpu.memory_space<vmem>>) target_semaphore(%arg13 : memref<!tpu.dma_semaphore, #tpu.memory_space<semaphore_mem>>)
    %dma_start3A_19 = arith.constant 2 : i32
    %dma_start3A_20 = arith.constant 0 : i32
    %dma_start3A_21 = arith.constant 1 : i32
    %dma_start3A_22 = arith.constant 0 : i32
    %dma_start3A_23 = tpu.memref_slice %arg8[%dma_start3A_20, %dma_start3A_21, %dma_start3A_22] : memref<2x2x128xi32, #tpu.memory_space<vmem>> -> memref<1x1x128xi32, #tpu.memory_space<vmem>>
    %dma_start3A_24 = tpu.memref_squeeze %dma_start3A_23 : memref<1x1x128xi32, #tpu.memory_space<vmem>> -> memref<128xi32, #tpu.memory_space<vmem>>
    %dma_start3A_25 = tpu.memref_slice %arg5[%dma_start3A_19, %add3A_6] : memref<4x8192xi32, #tpu.memory_space<hbm>> -> memref<1x128xi32, #tpu.memory_space<hbm>>
    %dma_start3A_26 = tpu.memref_squeeze %dma_start3A_25 : memref<1x128xi32, #tpu.memory_space<hbm>> -> memref<128xi32, #tpu.memory_space<hbm>>
    %dma_start3A_27 = arith.constant 0 : i32
    %dma_start3A_28 = tpu.memref_slice %arg8[%dma_start3A_20, %dma_start3A_21, %dma_start3A_27] : memref<2x2x128xi32, #tpu.memory_space<vmem>> -> memref<1x1x128xi32, #tpu.memory_space<vmem>>
    %dma_start3A_29 = tpu.memref_squeeze %dma_start3A_28 : memref<1x1x128xi32, #tpu.memory_space<vmem>> -> memref<128xi32, #tpu.memory_space<vmem>>
    %dma_start3A_30 = tpu.memref_slice %arg5[%dma_start3A_19, %add3A_6] : memref<4x8192xi32, #tpu.memory_space<hbm>> -> memref<1x128xi32, #tpu.memory_space<hbm>>
    %dma_start3A_31 = tpu.memref_squeeze %dma_start3A_30 : memref<1x128xi32, #tpu.memory_space<hbm>> -> memref<128xi32, #tpu.memory_space<hbm>>
    tpu.enqueue_dma source(%dma_start3A_31 : memref<128xi32, #tpu.memory_space<hbm>>) target(%dma_start3A_29 : memref<128xi32, #tpu.memory_space<vmem>>) target_semaphore(%arg13 : memref<!tpu.dma_semaphore, #tpu.memory_space<semaphore_mem>>)
    %add3A_32 = arith.constant 0 : i32
    %add3A_33 = arith.addi %mul3A_4, %add3A_32 : i32
    %dma_wait3A = arith.constant 2 : i32
    %dma_wait3A_34 = arith.constant 0 : i32
    %dma_wait3A_35 = arith.constant 0 : i32
    %dma_wait3A_36 = arith.constant 0 : i32
    %dma_wait3A_37 = tpu.memref_slice %arg8[%dma_wait3A_34, %dma_wait3A_35, %dma_wait3A_36] : memref<2x2x128xi32, #tpu.memory_space<vmem>> -> memref<1x1x128xi32, #tpu.memory_space<vmem>>
    %dma_wait3A_38 = tpu.memref_squeeze %dma_wait3A_37 : memref<1x1x128xi32, #tpu.memory_space<vmem>> -> memref<128xi32, #tpu.memory_space<vmem>>
    %dma_wait3A_39 = tpu.memref_slice %arg4[%dma_wait3A, %add3A_6] : memref<4x8192xi32, #tpu.memory_space<hbm>> -> memref<1x128xi32, #tpu.memory_space<hbm>>
    %dma_wait3A_40 = tpu.memref_squeeze %dma_wait3A_39 : memref<1x128xi32, #tpu.memory_space<hbm>> -> memref<128xi32, #tpu.memory_space<hbm>>
    %dma_wait3A_41 = arith.constant 0 : i32
    %dma_wait3A_42 = tpu.memref_slice %arg8[%dma_wait3A_34, %dma_wait3A_35, %dma_wait3A_41] : memref<2x2x128xi32, #tpu.memory_space<vmem>> -> memref<1x1x128xi32, #tpu.memory_space<vmem>>
    %dma_wait3A_43 = tpu.memref_squeeze %dma_wait3A_42 : memref<1x1x128xi32, #tpu.memory_space<vmem>> -> memref<128xi32, #tpu.memory_space<vmem>>
    %dma_wait3A_44 = tpu.memref_slice %arg4[%dma_wait3A, %add3A_6] : memref<4x8192xi32, #tpu.memory_space<hbm>> -> memref<1x128xi32, #tpu.memory_space<hbm>>
    %dma_wait3A_45 = tpu.memref_squeeze %dma_wait3A_44 : memref<1x128xi32, #tpu.memory_space<hbm>> -> memref<128xi32, #tpu.memory_space<hbm>>
    tpu.wait_dma2 semaphore(%arg13 : memref<!tpu.dma_semaphore, #tpu.memory_space<semaphore_mem>>) src(%dma_wait3A_45 : memref<128xi32, #tpu.memory_space<hbm>>) dst(%dma_wait3A_43 : memref<128xi32, #tpu.memory_space<vmem>>)
    %dma_wait3A_46 = arith.constant 2 : i32
    %dma_wait3A_47 = arith.constant 0 : i32
    %dma_wait3A_48 = arith.constant 1 : i32
    %dma_wait3A_49 = arith.constant 0 : i32
    %dma_wait3A_50 = tpu.memref_slice %arg8[%dma_wait3A_47, %dma_wait3A_48, %dma_wait3A_49] : memref<2x2x128xi32, #tpu.memory_space<vmem>> -> memref<1x1x128xi32, #tpu.memory_space<vmem>>
    %dma_wait3A_51 = tpu.memref_squeeze %dma_wait3A_50 : memref<1x1x128xi32, #tpu.memory_space<vmem>> -> memref<128xi32, #tpu.memory_space<vmem>>
    %dma_wait3A_52 = tpu.memref_slice %arg5[%dma_wait3A_46, %add3A_6] : memref<4x8192xi32, #tpu.memory_space<hbm>> -> memref<1x128xi32, #tpu.memory_space<hbm>>
    %dma_wait3A_53 = tpu.memref_squeeze %dma_wait3A_52 : memref<1x128xi32, #tpu.memory_space<hbm>> -> memref<128xi32, #tpu.memory_space<hbm>>
    %dma_wait3A_54 = arith.constant 0 : i32
    %dma_wait3A_55 = tpu.memref_slice %arg8[%dma_wait3A_47, %dma_wait3A_48, %dma_wait3A_54] : memref<2x2x128xi32, #tpu.memory_space<vmem>> -> memref<1x1x128xi32, #tpu.memory_space<vmem>>
    %dma_wait3A_56 = tpu.memref_squeeze %dma_wait3A_55 : memref<1x1x128xi32, #tpu.memory_space<vmem>> -> memref<128xi32, #tpu.memory_space<vmem>>
    %dma_wait3A_57 = tpu.memref_slice %arg5[%dma_wait3A_46, %add3A_6] : memref<4x8192xi32, #tpu.memory_space<hbm>> -> memref<1x128xi32, #tpu.memory_space<hbm>>
    %dma_wait3A_58 = tpu.memref_squeeze %dma_wait3A_57 : memref<1x128xi32, #tpu.memory_space<hbm>> -> memref<128xi32, #tpu.memory_space<hbm>>
    tpu.wait_dma2 semaphore(%arg13 : memref<!tpu.dma_semaphore, #tpu.memory_space<semaphore_mem>>) src(%dma_wait3A_58 : memref<128xi32, #tpu.memory_space<hbm>>) dst(%dma_wait3A_56 : memref<128xi32, #tpu.memory_space<vmem>>)
    %add3A_59 = arith.constant 128 : i32
    %add3A_60 = arith.addi %mul3A_4, %add3A_59 : i32
    %dma_start3A_61 = arith.constant 2 : i32
    %dma_start3A_62 = arith.constant 1 : i32
    %dma_start3A_63 = arith.constant 0 : i32
    %dma_start3A_64 = arith.constant 0 : i32
    %dma_start3A_65 = tpu.memref_slice %arg8[%dma_start3A_62, %dma_start3A_63, %dma_start3A_64] : memref<2x2x128xi32, #tpu.memory_space<vmem>> -> memref<1x1x128xi32, #tpu.memory_space<vmem>>
    %dma_start3A_66 = tpu.memref_squeeze %dma_start3A_65 : memref<1x1x128xi32, #tpu.memory_space<vmem>> -> memref<128xi32, #tpu.memory_space<vmem>>
    %dma_start3A_67 = tpu.memref_slice %arg4[%dma_start3A_61, %add3A_60] : memref<4x8192xi32, #tpu.memory_space<hbm>> -> memref<1x128xi32, #tpu.memory_space<hbm>>
    %dma_start3A_68 = tpu.memref_squeeze %dma_start3A_67 : memref<1x128xi32, #tpu.memory_space<hbm>> -> memref<128xi32, #tpu.memory_space<hbm>>
    %dma_start3A_69 = arith.constant 0 : i32
    %dma_start3A_70 = tpu.memref_slice %arg8[%dma_start3A_62, %dma_start3A_63, %dma_start3A_69] : memref<2x2x128xi32, #tpu.memory_space<vmem>> -> memref<1x1x128xi32, #tpu.memory_space<vmem>>
    %dma_start3A_71 = tpu.memref_squeeze %dma_start3A_70 : memref<1x1x128xi32, #tpu.memory_space<vmem>> -> memref<128xi32, #tpu.memory_space<vmem>>
    %dma_start3A_72 = tpu.memref_slice %arg4[%dma_start3A_61, %add3A_60] : memref<4x8192xi32, #tpu.memory_space<hbm>> -> memref<1x128xi32, #tpu.memory_space<hbm>>
    %dma_start3A_73 = tpu.memref_squeeze %dma_start3A_72 : memref<1x128xi32, #tpu.memory_space<hbm>> -> memref<128xi32, #tpu.memory_space<hbm>>
    tpu.enqueue_dma source(%dma_start3A_73 : memref<128xi32, #tpu.memory_space<hbm>>) target(%dma_start3A_71 : memref<128xi32, #tpu.memory_space<vmem>>) target_semaphore(%arg13 : memref<!tpu.dma_semaphore, #tpu.memory_space<semaphore_mem>>)
    %dma_start3A_74 = arith.constant 2 : i32
    %dma_start3A_75 = arith.constant 1 : i32
    %dma_start3A_76 = arith.constant 1 : i32
    %dma_start3A_77 = arith.constant 0 : i32
    %dma_start3A_78 = tpu.memref_slice %arg8[%dma_start3A_75, %dma_start3A_76, %dma_start3A_77] : memref<2x2x128xi32, #tpu.memory_space<vmem>> -> memref<1x1x128xi32, #tpu.memory_space<vmem>>
    %dma_start3A_79 = tpu.memref_squeeze %dma_start3A_78 : memref<1x1x128xi32, #tpu.memory_space<vmem>> -> memref<128xi32, #tpu.memory_space<vmem>>
    %dma_start3A_80 = tpu.memref_slice %arg5[%dma_start3A_74, %add3A_60] : memref<4x8192xi32, #tpu.memory_space<hbm>> -> memref<1x128xi32, #tpu.memory_space<hbm>>
    %dma_start3A_81 = tpu.memref_squeeze %dma_start3A_80 : memref<1x128xi32, #tpu.memory_space<hbm>> -> memref<128xi32, #tpu.memory_space<hbm>>
    %dma_start3A_82 = arith.constant 0 : i32
    %dma_start3A_83 = tpu.memref_slice %arg8[%dma_start3A_75, %dma_start3A_76, %dma_start3A_82] : memref<2x2x128xi32, #tpu.memory_space<vmem>> -> memref<1x1x128xi32, #tpu.memory_space<vmem>>
    %dma_start3A_84 = tpu.memref_squeeze %dma_start3A_83 : memref<1x1x128xi32, #tpu.memory_space<vmem>> -> memref<128xi32, #tpu.memory_space<vmem>>
    %dma_start3A_85 = tpu.memref_slice %arg5[%dma_start3A_74, %add3A_60] : memref<4x8192xi32, #tpu.memory_space<hbm>> -> memref<1x128xi32, #tpu.memory_space<hbm>>
    %dma_start3A_86 = tpu.memref_squeeze %dma_start3A_85 : memref<1x128xi32, #tpu.memory_space<hbm>> -> memref<128xi32, #tpu.memory_space<hbm>>
    tpu.enqueue_dma source(%dma_start3A_86 : memref<128xi32, #tpu.memory_space<hbm>>) target(%dma_start3A_84 : memref<128xi32, #tpu.memory_space<vmem>>) target_semaphore(%arg13 : memref<!tpu.dma_semaphore, #tpu.memory_space<semaphore_mem>>)
    %run_scoped3A = arith.constant 0 : i32
    %run_scoped3A_87 = arith.constant 1 : i32
    "tpu.region"() ({
      %run_scoped3A_182 = tpu.sem_alloc : memref<!tpu.dma_semaphore, #tpu.memory_space<semaphore_mem>>
      %dma_start3A_183 = arith.constant 0 : i32
      %dma_start3A_184 = tpu.memref_slice %arg8[%run_scoped3A, %run_scoped3A_87, %dma_start3A_183] : memref<2x2x128xi32, #tpu.memory_space<vmem>> -> memref<1x1x128xi32, #tpu.memory_space<vmem>>
      %dma_start3A_185 = tpu.memref_squeeze %dma_start3A_184 : memref<1x1x128xi32, #tpu.memory_space<vmem>> -> memref<128xi32, #tpu.memory_space<vmem>>
      %dma_start3A_186 = arith.constant 0 : i32
      %dma_start3A_187 = arith.constant 0 : i32
      %dma_start3A_188 = tpu.memref_slice %arg3[%dma_start3A_186, %dma_start3A_187] : memref<3001x128xf32, #tpu.memory_space<hbm>> -> memref<3001x128xf32, #tpu.memory_space<hbm>>
      tpu.enqueue_indirect_dma source(%dma_start3A_188 : memref<3001x128xf32, #tpu.memory_space<hbm>>) target(%arg12 : memref<128x128xf32, #tpu.memory_space<vmem>>) offsets(%dma_start3A_185 : memref<128xi32, #tpu.memory_space<vmem>>) semaphore(%run_scoped3A_182 : memref<!tpu.dma_semaphore, #tpu.memory_space<semaphore_mem>>)
      %dma_wait3A_189 = arith.constant 0 : i32
      %dma_wait3A_190 = tpu.memref_slice %arg8[%run_scoped3A, %run_scoped3A_87, %dma_wait3A_189] : memref<2x2x128xi32, #tpu.memory_space<vmem>> -> memref<1x1x128xi32, #tpu.memory_space<vmem>>
      %dma_wait3A_191 = tpu.memref_squeeze %dma_wait3A_190 : memref<1x1x128xi32, #tpu.memory_space<vmem>> -> memref<128xi32, #tpu.memory_space<vmem>>
      %dma_wait3A_192 = arith.constant 0 : i32
      %dma_wait3A_193 = arith.constant 0 : i32
      %dma_wait3A_194 = tpu.memref_slice %arg3[%dma_wait3A_192, %dma_wait3A_193] : memref<3001x128xf32, #tpu.memory_space<hbm>> -> memref<3001x128xf32, #tpu.memory_space<hbm>>
      tpu.wait_indirect_dma semaphore(%run_scoped3A_182 : memref<!tpu.dma_semaphore, #tpu.memory_space<semaphore_mem>>) src(%dma_wait3A_194 : memref<3001x128xf32, #tpu.memory_space<hbm>>) dst(%arg12 : memref<128x128xf32, #tpu.memory_space<vmem>>)
      tpu.yield
    }) : () -> ()
    %dma_start3A_88 = arith.constant 0 : i32
    %dma_start3A_89 = tpu.memref_slice %arg7[%add3A_33, %dma_start3A_88] : memref<8192x128xf32, #tpu.memory_space<hbm>> -> memref<128x128xf32, #tpu.memory_space<hbm>>
    %dma_start3A_90 = arith.constant 0 : i32
    %dma_start3A_91 = tpu.memref_slice %arg7[%add3A_33, %dma_start3A_90] : memref<8192x128xf32, #tpu.memory_space<hbm>> -> memref<128x128xf32, #tpu.memory_space<hbm>>
    tpu.enqueue_dma source(%arg12 : memref<128x128xf32, #tpu.memory_space<vmem>>) target(%dma_start3A_91 : memref<128x128xf32, #tpu.memory_space<hbm>>) target_semaphore(%arg17 : memref<!tpu.dma_semaphore, #tpu.memory_space<semaphore_mem>>)
    %run_scoped3A_92 = arith.constant 0 : i32
    %run_scoped3A_93 = arith.constant 0 : i32
    "tpu.region"() ({
      %run_scoped3A_182 = tpu.sem_alloc : memref<!tpu.dma_semaphore, #tpu.memory_space<semaphore_mem>>
      %dma_start3A_183 = arith.constant 0 : i32
      %dma_start3A_184 = tpu.memref_slice %arg8[%run_scoped3A_92, %run_scoped3A_93, %dma_start3A_183] : memref<2x2x128xi32, #tpu.memory_space<vmem>> -> memref<1x1x64xi32, #tpu.memory_space<vmem>>
      %dma_start3A_185 = tpu.memref_squeeze %dma_start3A_184 : memref<1x1x64xi32, #tpu.memory_space<vmem>> -> memref<64xi32, #tpu.memory_space<vmem>>
      %dma_start3A_186 = arith.constant 0 : i32
      %dma_start3A_187 = arith.constant 0 : i32
      %dma_start3A_188 = tpu.memref_slice %arg2[%dma_start3A_186, %dma_start3A_187] : memref<100000x512xf32, #tpu.memory_space<hbm>> -> memref<100000x512xf32, #tpu.memory_space<hbm>>
      tpu.enqueue_indirect_dma source(%dma_start3A_188 : memref<100000x512xf32, #tpu.memory_space<hbm>>) target(%arg9 : memref<64x512xf32, #tpu.memory_space<vmem>>) offsets(%dma_start3A_185 : memref<64xi32, #tpu.memory_space<vmem>>) semaphore(%run_scoped3A_182 : memref<!tpu.dma_semaphore, #tpu.memory_space<semaphore_mem>>)
      %dma_wait3A_189 = arith.constant 0 : i32
      %dma_wait3A_190 = tpu.memref_slice %arg8[%run_scoped3A_92, %run_scoped3A_93, %dma_wait3A_189] : memref<2x2x128xi32, #tpu.memory_space<vmem>> -> memref<1x1x64xi32, #tpu.memory_space<vmem>>
      %dma_wait3A_191 = tpu.memref_squeeze %dma_wait3A_190 : memref<1x1x64xi32, #tpu.memory_space<vmem>> -> memref<64xi32, #tpu.memory_space<vmem>>
      %dma_wait3A_192 = arith.constant 0 : i32
      %dma_wait3A_193 = arith.constant 0 : i32
      %dma_wait3A_194 = tpu.memref_slice %arg2[%dma_wait3A_192, %dma_wait3A_193] : memref<100000x512xf32, #tpu.memory_space<hbm>> -> memref<100000x512xf32, #tpu.memory_space<hbm>>
      tpu.wait_indirect_dma semaphore(%run_scoped3A_182 : memref<!tpu.dma_semaphore, #tpu.memory_space<semaphore_mem>>) src(%dma_wait3A_194 : memref<100000x512xf32, #tpu.memory_space<hbm>>) dst(%arg9 : memref<64x512xf32, #tpu.memory_space<vmem>>)
      tpu.yield
    }) : () -> ()
    %add3A_94 = arith.constant 0 : i32
    %add3A_95 = arith.addi %add3A_33, %add3A_94 : i32
    %dma_start3A_96 = arith.constant 0 : i32
    %dma_start3A_97 = tpu.memref_slice %arg6[%add3A_95, %dma_start3A_96] : memref<8192x512xf32, #tpu.memory_space<hbm>> -> memref<64x512xf32, #tpu.memory_space<hbm>>
    %dma_start3A_98 = arith.constant 0 : i32
    %dma_start3A_99 = tpu.memref_slice %arg6[%add3A_95, %dma_start3A_98] : memref<8192x512xf32, #tpu.memory_space<hbm>> -> memref<64x512xf32, #tpu.memory_space<hbm>>
    tpu.enqueue_dma source(%arg9 : memref<64x512xf32, #tpu.memory_space<vmem>>) target(%dma_start3A_99 : memref<64x512xf32, #tpu.memory_space<hbm>>) target_semaphore(%arg14 : memref<!tpu.dma_semaphore, #tpu.memory_space<semaphore_mem>>)
    %run_scoped3A_100 = arith.constant 0 : i32
    %run_scoped3A_101 = arith.constant 0 : i32
    "tpu.region"() ({
      %run_scoped3A_182 = tpu.sem_alloc : memref<!tpu.dma_semaphore, #tpu.memory_space<semaphore_mem>>
      %dma_start3A_183 = arith.constant 64 : i32
      %dma_start3A_184 = tpu.memref_slice %arg8[%run_scoped3A_100, %run_scoped3A_101, %dma_start3A_183] : memref<2x2x128xi32, #tpu.memory_space<vmem>> -> memref<1x1x64xi32, #tpu.memory_space<vmem>>
      %dma_start3A_185 = tpu.memref_squeeze %dma_start3A_184 : memref<1x1x64xi32, #tpu.memory_space<vmem>> -> memref<64xi32, #tpu.memory_space<vmem>>
      %dma_start3A_186 = arith.constant 0 : i32
      %dma_start3A_187 = arith.constant 0 : i32
      %dma_start3A_188 = tpu.memref_slice %arg2[%dma_start3A_186, %dma_start3A_187] : memref<100000x512xf32, #tpu.memory_space<hbm>> -> memref<100000x512xf32, #tpu.memory_space<hbm>>
      tpu.enqueue_indirect_dma source(%dma_start3A_188 : memref<100000x512xf32, #tpu.memory_space<hbm>>) target(%arg10 : memref<64x512xf32, #tpu.memory_space<vmem>>) offsets(%dma_start3A_185 : memref<64xi32, #tpu.memory_space<vmem>>) semaphore(%run_scoped3A_182 : memref<!tpu.dma_semaphore, #tpu.memory_space<semaphore_mem>>)
      %dma_wait3A_189 = arith.constant 64 : i32
      %dma_wait3A_190 = tpu.memref_slice %arg8[%run_scoped3A_100, %run_scoped3A_101, %dma_wait3A_189] : memref<2x2x128xi32, #tpu.memory_space<vmem>> -> memref<1x1x64xi32, #tpu.memory_space<vmem>>
      %dma_wait3A_191 = tpu.memref_squeeze %dma_wait3A_190 : memref<1x1x64xi32, #tpu.memory_space<vmem>> -> memref<64xi32, #tpu.memory_space<vmem>>
      %dma_wait3A_192 = arith.constant 0 : i32
      %dma_wait3A_193 = arith.constant 0 : i32
      %dma_wait3A_194 = tpu.memref_slice %arg2[%dma_wait3A_192, %dma_wait3A_193] : memref<100000x512xf32, #tpu.memory_space<hbm>> -> memref<100000x512xf32, #tpu.memory_space<hbm>>
      tpu.wait_indirect_dma semaphore(%run_scoped3A_182 : memref<!tpu.dma_semaphore, #tpu.memory_space<semaphore_mem>>) src(%dma_wait3A_194 : memref<100000x512xf32, #tpu.memory_space<hbm>>) dst(%arg10 : memref<64x512xf32, #tpu.memory_space<vmem>>)
      tpu.yield
    }) : () -> ()
    %add3A_102 = arith.constant 64 : i32
    %add3A_103 = arith.addi %add3A_33, %add3A_102 : i32
    %dma_start3A_104 = arith.constant 0 : i32
    %dma_start3A_105 = tpu.memref_slice %arg6[%add3A_103, %dma_start3A_104] : memref<8192x512xf32, #tpu.memory_space<hbm>> -> memref<64x512xf32, #tpu.memory_space<hbm>>
    %dma_start3A_106 = arith.constant 0 : i32
    %dma_start3A_107 = tpu.memref_slice %arg6[%add3A_103, %dma_start3A_106] : memref<8192x512xf32, #tpu.memory_space<hbm>> -> memref<64x512xf32, #tpu.memory_space<hbm>>
    tpu.enqueue_dma source(%arg10 : memref<64x512xf32, #tpu.memory_space<vmem>>) target(%dma_start3A_107 : memref<64x512xf32, #tpu.memory_space<hbm>>) target_semaphore(%arg15 : memref<!tpu.dma_semaphore, #tpu.memory_space<semaphore_mem>>)
    %add3A_108 = arith.constant 128 : i32
    %add3A_109 = arith.addi %mul3A_4, %add3A_108 : i32
    %dma_wait3A_110 = arith.constant 2 : i32
    %dma_wait3A_111 = arith.constant 1 : i32
    %dma_wait3A_112 = arith.constant 0 : i32
    %dma_wait3A_113 = arith.constant 0 : i32
    %dma_wait3A_114 = tpu.memref_slice %arg8[%dma_wait3A_111, %dma_wait3A_112, %dma_wait3A_113] : memref<2x2x128xi32, #tpu.memory_space<vmem>> -> memref<1x1x128xi32, #tpu.memory_space<vmem>>
    %dma_wait3A_115 = tpu.memref_squeeze %dma_wait3A_114 : memref<1x1x128xi32, #tpu.memory_space<vmem>> -> memref<128xi32, #tpu.memory_space<vmem>>
    %dma_wait3A_116 = tpu.memref_slice %arg4[%dma_wait3A_110, %add3A_60] : memref<4x8192xi32, #tpu.memory_space<hbm>> -> memref<1x128xi32, #tpu.memory_space<hbm>>
    %dma_wait3A_117 = tpu.memref_squeeze %dma_wait3A_116 : memref<1x128xi32, #tpu.memory_space<hbm>> -> memref<128xi32, #tpu.memory_space<hbm>>
    %dma_wait3A_118 = arith.constant 0 : i32
    %dma_wait3A_119 = tpu.memref_slice %arg8[%dma_wait3A_111, %dma_wait3A_112, %dma_wait3A_118] : memref<2x2x128xi32, #tpu.memory_space<vmem>> -> memref<1x1x128xi32, #tpu.memory_space<vmem>>
    %dma_wait3A_120 = tpu.memref_squeeze %dma_wait3A_119 : memref<1x1x128xi32, #tpu.memory_space<vmem>> -> memref<128xi32, #tpu.memory_space<vmem>>
    %dma_wait3A_121 = tpu.memref_slice %arg4[%dma_wait3A_110, %add3A_60] : memref<4x8192xi32, #tpu.memory_space<hbm>> -> memref<1x128xi32, #tpu.memory_space<hbm>>
    %dma_wait3A_122 = tpu.memref_squeeze %dma_wait3A_121 : memref<1x128xi32, #tpu.memory_space<hbm>> -> memref<128xi32, #tpu.memory_space<hbm>>
    tpu.wait_dma2 semaphore(%arg13 : memref<!tpu.dma_semaphore, #tpu.memory_space<semaphore_mem>>) src(%dma_wait3A_122 : memref<128xi32, #tpu.memory_space<hbm>>) dst(%dma_wait3A_120 : memref<128xi32, #tpu.memory_space<vmem>>)
    %dma_wait3A_123 = arith.constant 2 : i32
    %dma_wait3A_124 = arith.constant 1 : i32
    %dma_wait3A_125 = arith.constant 1 : i32
    %dma_wait3A_126 = arith.constant 0 : i32
    %dma_wait3A_127 = tpu.memref_slice %arg8[%dma_wait3A_124, %dma_wait3A_125, %dma_wait3A_126] : memref<2x2x128xi32, #tpu.memory_space<vmem>> -> memref<1x1x128xi32, #tpu.memory_space<vmem>>
    %dma_wait3A_128 = tpu.memref_squeeze %dma_wait3A_127 : memref<1x1x128xi32, #tpu.memory_space<vmem>> -> memref<128xi32, #tpu.memory_space<vmem>>
    %dma_wait3A_129 = tpu.memref_slice %arg5[%dma_wait3A_123, %add3A_60] : memref<4x8192xi32, #tpu.memory_space<hbm>> -> memref<1x128xi32, #tpu.memory_space<hbm>>
    %dma_wait3A_130 = tpu.memref_squeeze %dma_wait3A_129 : memref<1x128xi32, #tpu.memory_space<hbm>> -> memref<128xi32, #tpu.memory_space<hbm>>
    %dma_wait3A_131 = arith.constant 0 : i32
    %dma_wait3A_132 = tpu.memref_slice %arg8[%dma_wait3A_124, %dma_wait3A_125, %dma_wait3A_131] : memref<2x2x128xi32, #tpu.memory_space<vmem>> -> memref<1x1x128xi32, #tpu.memory_space<vmem>>
    %dma_wait3A_133 = tpu.memref_squeeze %dma_wait3A_132 : memref<1x1x128xi32, #tpu.memory_space<vmem>> -> memref<128xi32, #tpu.memory_space<vmem>>
    %dma_wait3A_134 = tpu.memref_slice %arg5[%dma_wait3A_123, %add3A_60] : memref<4x8192xi32, #tpu.memory_space<hbm>> -> memref<1x128xi32, #tpu.memory_space<hbm>>
    %dma_wait3A_135 = tpu.memref_squeeze %dma_wait3A_134 : memref<1x128xi32, #tpu.memory_space<hbm>> -> memref<128xi32, #tpu.memory_space<hbm>>
    tpu.wait_dma2 semaphore(%arg13 : memref<!tpu.dma_semaphore, #tpu.memory_space<semaphore_mem>>) src(%dma_wait3A_135 : memref<128xi32, #tpu.memory_space<hbm>>) dst(%dma_wait3A_133 : memref<128xi32, #tpu.memory_space<vmem>>)
    %dma_wait3A_136 = arith.constant 0 : i32
    %dma_wait3A_137 = tpu.memref_slice %arg7[%add3A_33, %dma_wait3A_136] : memref<8192x128xf32, #tpu.memory_space<hbm>> -> memref<128x128xf32, #tpu.memory_space<hbm>>
    %dma_wait3A_138 = arith.constant 0 : i32
    %dma_wait3A_139 = tpu.memref_slice %arg7[%add3A_33, %dma_wait3A_138] : memref<8192x128xf32, #tpu.memory_space<hbm>> -> memref<128x128xf32, #tpu.memory_space<hbm>>
    tpu.wait_dma2 semaphore(%arg17 : memref<!tpu.dma_semaphore, #tpu.memory_space<semaphore_mem>>) src(%arg12 : memref<128x128xf32, #tpu.memory_space<vmem>>) dst(%dma_wait3A_139 : memref<128x128xf32, #tpu.memory_space<hbm>>)
    %run_scoped3A_140 = arith.constant 1 : i32
    %run_scoped3A_141 = arith.constant 1 : i32
    "tpu.region"() ({
      %run_scoped3A_182 = tpu.sem_alloc : memref<!tpu.dma_semaphore, #tpu.memory_space<semaphore_mem>>
      %dma_start3A_183 = arith.constant 0 : i32
      %dma_start3A_184 = tpu.memref_slice %arg8[%run_scoped3A_140, %run_scoped3A_141, %dma_start3A_183] : memref<2x2x128xi32, #tpu.memory_space<vmem>> -> memref<1x1x128xi32, #tpu.memory_space<vmem>>
      %dma_start3A_185 = tpu.memref_squeeze %dma_start3A_184 : memref<1x1x128xi32, #tpu.memory_space<vmem>> -> memref<128xi32, #tpu.memory_space<vmem>>
      %dma_start3A_186 = arith.constant 0 : i32
      %dma_start3A_187 = arith.constant 0 : i32
      %dma_start3A_188 = tpu.memref_slice %arg3[%dma_start3A_186, %dma_start3A_187] : memref<3001x128xf32, #tpu.memory_space<hbm>> -> memref<3001x128xf32, #tpu.memory_space<hbm>>
      tpu.enqueue_indirect_dma source(%dma_start3A_188 : memref<3001x128xf32, #tpu.memory_space<hbm>>) target(%arg12 : memref<128x128xf32, #tpu.memory_space<vmem>>) offsets(%dma_start3A_185 : memref<128xi32, #tpu.memory_space<vmem>>) semaphore(%run_scoped3A_182 : memref<!tpu.dma_semaphore, #tpu.memory_space<semaphore_mem>>)
      %dma_wait3A_189 = arith.constant 0 : i32
      %dma_wait3A_190 = tpu.memref_slice %arg8[%run_scoped3A_140, %run_scoped3A_141, %dma_wait3A_189] : memref<2x2x128xi32, #tpu.memory_space<vmem>> -> memref<1x1x128xi32, #tpu.memory_space<vmem>>
      %dma_wait3A_191 = tpu.memref_squeeze %dma_wait3A_190 : memref<1x1x128xi32, #tpu.memory_space<vmem>> -> memref<128xi32, #tpu.memory_space<vmem>>
      %dma_wait3A_192 = arith.constant 0 : i32
      %dma_wait3A_193 = arith.constant 0 : i32
      %dma_wait3A_194 = tpu.memref_slice %arg3[%dma_wait3A_192, %dma_wait3A_193] : memref<3001x128xf32, #tpu.memory_space<hbm>> -> memref<3001x128xf32, #tpu.memory_space<hbm>>
      tpu.wait_indirect_dma semaphore(%run_scoped3A_182 : memref<!tpu.dma_semaphore, #tpu.memory_space<semaphore_mem>>) src(%dma_wait3A_194 : memref<3001x128xf32, #tpu.memory_space<hbm>>) dst(%arg12 : memref<128x128xf32, #tpu.memory_space<vmem>>)
      tpu.yield
    }) : () -> ()
    %dma_start3A_142 = arith.constant 0 : i32
    %dma_start3A_143 = tpu.memref_slice %arg7[%add3A_109, %dma_start3A_142] : memref<8192x128xf32, #tpu.memory_space<hbm>> -> memref<128x128xf32, #tpu.memory_space<hbm>>
    %dma_start3A_144 = arith.constant 0 : i32
    %dma_start3A_145 = tpu.memref_slice %arg7[%add3A_109, %dma_start3A_144] : memref<8192x128xf32, #tpu.memory_space<hbm>> -> memref<128x128xf32, #tpu.memory_space<hbm>>
    tpu.enqueue_dma source(%arg12 : memref<128x128xf32, #tpu.memory_space<vmem>>) target(%dma_start3A_145 : memref<128x128xf32, #tpu.memory_space<hbm>>) target_semaphore(%arg17 : memref<!tpu.dma_semaphore, #tpu.memory_space<semaphore_mem>>)
    %run_scoped3A_146 = arith.constant 1 : i32
    %run_scoped3A_147 = arith.constant 0 : i32
    "tpu.region"() ({
      %run_scoped3A_182 = tpu.sem_alloc : memref<!tpu.dma_semaphore, #tpu.memory_space<semaphore_mem>>
      %dma_start3A_183 = arith.constant 0 : i32
      %dma_start3A_184 = tpu.memref_slice %arg8[%run_scoped3A_146, %run_scoped3A_147, %dma_start3A_183] : memref<2x2x128xi32, #tpu.memory_space<vmem>> -> memref<1x1x64xi32, #tpu.memory_space<vmem>>
      %dma_start3A_185 = tpu.memref_squeeze %dma_start3A_184 : memref<1x1x64xi32, #tpu.memory_space<vmem>> -> memref<64xi32, #tpu.memory_space<vmem>>
      %dma_start3A_186 = arith.constant 0 : i32
      %dma_start3A_187 = arith.constant 0 : i32
      %dma_start3A_188 = tpu.memref_slice %arg2[%dma_start3A_186, %dma_start3A_187] : memref<100000x512xf32, #tpu.memory_space<hbm>> -> memref<100000x512xf32, #tpu.memory_space<hbm>>
      tpu.enqueue_indirect_dma source(%dma_start3A_188 : memref<100000x512xf32, #tpu.memory_space<hbm>>) target(%arg11 : memref<64x512xf32, #tpu.memory_space<vmem>>) offsets(%dma_start3A_185 : memref<64xi32, #tpu.memory_space<vmem>>) semaphore(%run_scoped3A_182 : memref<!tpu.dma_semaphore, #tpu.memory_space<semaphore_mem>>)
      %dma_wait3A_189 = arith.constant 0 : i32
      %dma_wait3A_190 = tpu.memref_slice %arg8[%run_scoped3A_146, %run_scoped3A_147, %dma_wait3A_189] : memref<2x2x128xi32, #tpu.memory_space<vmem>> -> memref<1x1x64xi32, #tpu.memory_space<vmem>>
      %dma_wait3A_191 = tpu.memref_squeeze %dma_wait3A_190 : memref<1x1x64xi32, #tpu.memory_space<vmem>> -> memref<64xi32, #tpu.memory_space<vmem>>
      %dma_wait3A_192 = arith.constant 0 : i32
      %dma_wait3A_193 = arith.constant 0 : i32
      %dma_wait3A_194 = tpu.memref_slice %arg2[%dma_wait3A_192, %dma_wait3A_193] : memref<100000x512xf32, #tpu.memory_space<hbm>> -> memref<100000x512xf32, #tpu.memory_space<hbm>>
      tpu.wait_indirect_dma semaphore(%run_scoped3A_182 : memref<!tpu.dma_semaphore, #tpu.memory_space<semaphore_mem>>) src(%dma_wait3A_194 : memref<100000x512xf32, #tpu.memory_space<hbm>>) dst(%arg11 : memref<64x512xf32, #tpu.memory_space<vmem>>)
      tpu.yield
    }) : () -> ()
    %add3A_148 = arith.constant 0 : i32
    %add3A_149 = arith.addi %add3A_109, %add3A_148 : i32
    %dma_start3A_150 = arith.constant 0 : i32
    %dma_start3A_151 = tpu.memref_slice %arg6[%add3A_149, %dma_start3A_150] : memref<8192x512xf32, #tpu.memory_space<hbm>> -> memref<64x512xf32, #tpu.memory_space<hbm>>
    %dma_start3A_152 = arith.constant 0 : i32
    %dma_start3A_153 = tpu.memref_slice %arg6[%add3A_149, %dma_start3A_152] : memref<8192x512xf32, #tpu.memory_space<hbm>> -> memref<64x512xf32, #tpu.memory_space<hbm>>
    tpu.enqueue_dma source(%arg11 : memref<64x512xf32, #tpu.memory_space<vmem>>) target(%dma_start3A_153 : memref<64x512xf32, #tpu.memory_space<hbm>>) target_semaphore(%arg16 : memref<!tpu.dma_semaphore, #tpu.memory_space<semaphore_mem>>)
    %dma_wait3A_154 = arith.constant 0 : i32
    %dma_wait3A_155 = tpu.memref_slice %arg6[%add3A_95, %dma_wait3A_154] : memref<8192x512xf32, #tpu.memory_space<hbm>> -> memref<64x512xf32, #tpu.memory_space<hbm>>
    %dma_wait3A_156 = arith.constant 0 : i32
    %dma_wait3A_157 = tpu.memref_slice %arg6[%add3A_95, %dma_wait3A_156] : memref<8192x512xf32, #tpu.memory_space<hbm>> -> memref<64x512xf32, #tpu.memory_space<hbm>>
    tpu.wait_dma2 semaphore(%arg14 : memref<!tpu.dma_semaphore, #tpu.memory_space<semaphore_mem>>) src(%arg9 : memref<64x512xf32, #tpu.memory_space<vmem>>) dst(%dma_wait3A_157 : memref<64x512xf32, #tpu.memory_space<hbm>>)
    %run_scoped3A_158 = arith.constant 1 : i32
    %run_scoped3A_159 = arith.constant 0 : i32
    "tpu.region"() ({
      %run_scoped3A_182 = tpu.sem_alloc : memref<!tpu.dma_semaphore, #tpu.memory_space<semaphore_mem>>
      %dma_start3A_183 = arith.constant 64 : i32
      %dma_start3A_184 = tpu.memref_slice %arg8[%run_scoped3A_158, %run_scoped3A_159, %dma_start3A_183] : memref<2x2x128xi32, #tpu.memory_space<vmem>> -> memref<1x1x64xi32, #tpu.memory_space<vmem>>
      %dma_start3A_185 = tpu.memref_squeeze %dma_start3A_184 : memref<1x1x64xi32, #tpu.memory_space<vmem>> -> memref<64xi32, #tpu.memory_space<vmem>>
      %dma_start3A_186 = arith.constant 0 : i32
      %dma_start3A_187 = arith.constant 0 : i32
      %dma_start3A_188 = tpu.memref_slice %arg2[%dma_start3A_186, %dma_start3A_187] : memref<100000x512xf32, #tpu.memory_space<hbm>> -> memref<100000x512xf32, #tpu.memory_space<hbm>>
      tpu.enqueue_indirect_dma source(%dma_start3A_188 : memref<100000x512xf32, #tpu.memory_space<hbm>>) target(%arg9 : memref<64x512xf32, #tpu.memory_space<vmem>>) offsets(%dma_start3A_185 : memref<64xi32, #tpu.memory_space<vmem>>) semaphore(%run_scoped3A_182 : memref<!tpu.dma_semaphore, #tpu.memory_space<semaphore_mem>>)
      %dma_wait3A_189 = arith.constant 64 : i32
      %dma_wait3A_190 = tpu.memref_slice %arg8[%run_scoped3A_158, %run_scoped3A_159, %dma_wait3A_189] : memref<2x2x128xi32, #tpu.memory_space<vmem>> -> memref<1x1x64xi32, #tpu.memory_space<vmem>>
      %dma_wait3A_191 = tpu.memref_squeeze %dma_wait3A_190 : memref<1x1x64xi32, #tpu.memory_space<vmem>> -> memref<64xi32, #tpu.memory_space<vmem>>
      %dma_wait3A_192 = arith.constant 0 : i32
      %dma_wait3A_193 = arith.constant 0 : i32
      %dma_wait3A_194 = tpu.memref_slice %arg2[%dma_wait3A_192, %dma_wait3A_193] : memref<100000x512xf32, #tpu.memory_space<hbm>> -> memref<100000x512xf32, #tpu.memory_space<hbm>>
      tpu.wait_indirect_dma semaphore(%run_scoped3A_182 : memref<!tpu.dma_semaphore, #tpu.memory_space<semaphore_mem>>) src(%dma_wait3A_194 : memref<100000x512xf32, #tpu.memory_space<hbm>>) dst(%arg9 : memref<64x512xf32, #tpu.memory_space<vmem>>)
      tpu.yield
    }) : () -> ()
    %add3A_160 = arith.constant 64 : i32
    %add3A_161 = arith.addi %add3A_109, %add3A_160 : i32
    %dma_start3A_162 = arith.constant 0 : i32
    %dma_start3A_163 = tpu.memref_slice %arg6[%add3A_161, %dma_start3A_162] : memref<8192x512xf32, #tpu.memory_space<hbm>> -> memref<64x512xf32, #tpu.memory_space<hbm>>
    %dma_start3A_164 = arith.constant 0 : i32
    %dma_start3A_165 = tpu.memref_slice %arg6[%add3A_161, %dma_start3A_164] : memref<8192x512xf32, #tpu.memory_space<hbm>> -> memref<64x512xf32, #tpu.memory_space<hbm>>
    tpu.enqueue_dma source(%arg9 : memref<64x512xf32, #tpu.memory_space<vmem>>) target(%dma_start3A_165 : memref<64x512xf32, #tpu.memory_space<hbm>>) target_semaphore(%arg14 : memref<!tpu.dma_semaphore, #tpu.memory_space<semaphore_mem>>)
    %dma_wait3A_166 = arith.constant 0 : i32
    %dma_wait3A_167 = tpu.memref_slice %arg6[%add3A_161, %dma_wait3A_166] : memref<8192x512xf32, #tpu.memory_space<hbm>> -> memref<64x512xf32, #tpu.memory_space<hbm>>
    %dma_wait3A_168 = arith.constant 0 : i32
    %dma_wait3A_169 = tpu.memref_slice %arg6[%add3A_161, %dma_wait3A_168] : memref<8192x512xf32, #tpu.memory_space<hbm>> -> memref<64x512xf32, #tpu.memory_space<hbm>>
    tpu.wait_dma2 semaphore(%arg14 : memref<!tpu.dma_semaphore, #tpu.memory_space<semaphore_mem>>) src(%arg9 : memref<64x512xf32, #tpu.memory_space<vmem>>) dst(%dma_wait3A_169 : memref<64x512xf32, #tpu.memory_space<hbm>>)
    %dma_wait3A_170 = arith.constant 0 : i32
    %dma_wait3A_171 = tpu.memref_slice %arg6[%add3A_103, %dma_wait3A_170] : memref<8192x512xf32, #tpu.memory_space<hbm>> -> memref<64x512xf32, #tpu.memory_space<hbm>>
    %dma_wait3A_172 = arith.constant 0 : i32
    %dma_wait3A_173 = tpu.memref_slice %arg6[%add3A_103, %dma_wait3A_172] : memref<8192x512xf32, #tpu.memory_space<hbm>> -> memref<64x512xf32, #tpu.memory_space<hbm>>
    tpu.wait_dma2 semaphore(%arg15 : memref<!tpu.dma_semaphore, #tpu.memory_space<semaphore_mem>>) src(%arg10 : memref<64x512xf32, #tpu.memory_space<vmem>>) dst(%dma_wait3A_173 : memref<64x512xf32, #tpu.memory_space<hbm>>)
    %dma_wait3A_174 = arith.constant 0 : i32
    %dma_wait3A_175 = tpu.memref_slice %arg6[%add3A_149, %dma_wait3A_174] : memref<8192x512xf32, #tpu.memory_space<hbm>> -> memref<64x512xf32, #tpu.memory_space<hbm>>
    %dma_wait3A_176 = arith.constant 0 : i32
    %dma_wait3A_177 = tpu.memref_slice %arg6[%add3A_149, %dma_wait3A_176] : memref<8192x512xf32, #tpu.memory_space<hbm>> -> memref<64x512xf32, #tpu.memory_space<hbm>>
    tpu.wait_dma2 semaphore(%arg16 : memref<!tpu.dma_semaphore, #tpu.memory_space<semaphore_mem>>) src(%arg11 : memref<64x512xf32, #tpu.memory_space<vmem>>) dst(%dma_wait3A_177 : memref<64x512xf32, #tpu.memory_space<hbm>>)
    %dma_wait3A_178 = arith.constant 0 : i32
    %dma_wait3A_179 = tpu.memref_slice %arg7[%add3A_109, %dma_wait3A_178] : memref<8192x128xf32, #tpu.memory_space<hbm>> -> memref<128x128xf32, #tpu.memory_space<hbm>>
    %dma_wait3A_180 = arith.constant 0 : i32
    %dma_wait3A_181 = tpu.memref_slice %arg7[%add3A_109, %dma_wait3A_180] : memref<8192x128xf32, #tpu.memory_space<hbm>> -> memref<128x128xf32, #tpu.memory_space<hbm>>
    tpu.wait_dma2 semaphore(%arg17 : memref<!tpu.dma_semaphore, #tpu.memory_space<semaphore_mem>>) src(%arg12 : memref<128x128xf32, #tpu.memory_space<vmem>>) dst(%dma_wait3A_181 : memref<128x128xf32, #tpu.memory_space<hbm>>)
    return
  }
}

#map = affine_map<(d0, d1) -> (0, 0)>
module attributes {stable_mosaic.version = 14 : i64} {
  func.func @chunk_kernel(%arg0: i32, %arg1: i32, %arg2: memref<100000x512xf32, #tpu.memory_space<hbm>>, %arg3: memref<3001x128xf32, #tpu.memory_space<hbm>>, %arg4: memref<4x8192xi32, #tpu.memory_space<hbm>>, %arg5: memref<4x8192xi32, #tpu.memory_space<hbm>>, %arg6: memref<8192x512xf32, #tpu.memory_space<hbm>>, %arg7: memref<8192x128xf32, #tpu.memory_space<hbm>>, %arg8: memref<2x2x128xi32, #tpu.memory_space<vmem>>, %arg9: memref<64x512xf32, #tpu.memory_space<vmem>>, %arg10: memref<64x512xf32, #tpu.memory_space<vmem>>, %arg11: memref<64x512xf32, #tpu.memory_space<vmem>>, %arg12: memref<128x128xf32, #tpu.memory_space<vmem>>, %arg13: memref<!tpu.dma_semaphore, #tpu.memory_space<semaphore_mem>>, %arg14: memref<!tpu.dma_semaphore, #tpu.memory_space<semaphore_mem>>, %arg15: memref<!tpu.dma_semaphore, #tpu.memory_space<semaphore_mem>>, %arg16: memref<!tpu.dma_semaphore, #tpu.memory_space<semaphore_mem>>, %arg17: memref<!tpu.dma_semaphore, #tpu.memory_space<semaphore_mem>>) attributes {dimension_semantics = [#tpu.dimension_semantics<core_parallel>, #tpu.dimension_semantics<subcore_parallel>], iteration_bounds = array<i64: 2, 16>, scalar_prefetch = 0 : i64, scratch_operands = 10 : i64, tpu.core_type = #tpu.core_type<sc_vector_subcore>, window_params = [{transform_indices = #map}, {transform_indices = #map}, {transform_indices = #map}, {transform_indices = #map}, {transform_indices = #map}, {transform_indices = #map}]} {
    %mul3A = arith.constant 16 : i32
    %mul3A_0 = arith.muli %arg0, %mul3A : i32
    %add3A = arith.addi %mul3A_0, %arg1 : i32
    %mul3A_1 = arith.constant 2 : i32
    %mul3A_2 = arith.muli %add3A, %mul3A_1 : i32
    %mul3A_3 = arith.constant 128 : i32
    %mul3A_4 = arith.muli %mul3A_2, %mul3A_3 : i32
    %add3A_5 = arith.constant 0 : i32
    %add3A_6 = arith.addi %mul3A_4, %add3A_5 : i32
    %dma_start3A = arith.constant 1 : i32
    %dma_start3A_7 = arith.constant 0 : i32
    %dma_start3A_8 = arith.constant 0 : i32
    %dma_start3A_9 = arith.constant 0 : i32
    %dma_start3A_10 = tpu.memref_slice %arg8[%dma_start3A_7, %dma_start3A_8, %dma_start3A_9] : memref<2x2x128xi32, #tpu.memory_space<vmem>> -> memref<1x1x128xi32, #tpu.memory_space<vmem>>
    %dma_start3A_11 = tpu.memref_squeeze %dma_start3A_10 : memref<1x1x128xi32, #tpu.memory_space<vmem>> -> memref<128xi32, #tpu.memory_space<vmem>>
    %dma_start3A_12 = tpu.memref_slice %arg4[%dma_start3A, %add3A_6] : memref<4x8192xi32, #tpu.memory_space<hbm>> -> memref<1x128xi32, #tpu.memory_space<hbm>>
    %dma_start3A_13 = tpu.memref_squeeze %dma_start3A_12 : memref<1x128xi32, #tpu.memory_space<hbm>> -> memref<128xi32, #tpu.memory_space<hbm>>
    %dma_start3A_14 = arith.constant 0 : i32
    %dma_start3A_15 = tpu.memref_slice %arg8[%dma_start3A_7, %dma_start3A_8, %dma_start3A_14] : memref<2x2x128xi32, #tpu.memory_space<vmem>> -> memref<1x1x128xi32, #tpu.memory_space<vmem>>
    %dma_start3A_16 = tpu.memref_squeeze %dma_start3A_15 : memref<1x1x128xi32, #tpu.memory_space<vmem>> -> memref<128xi32, #tpu.memory_space<vmem>>
    %dma_start3A_17 = tpu.memref_slice %arg4[%dma_start3A, %add3A_6] : memref<4x8192xi32, #tpu.memory_space<hbm>> -> memref<1x128xi32, #tpu.memory_space<hbm>>
    %dma_start3A_18 = tpu.memref_squeeze %dma_start3A_17 : memref<1x128xi32, #tpu.memory_space<hbm>> -> memref<128xi32, #tpu.memory_space<hbm>>
    tpu.enqueue_dma source(%dma_start3A_18 : memref<128xi32, #tpu.memory_space<hbm>>) target(%dma_start3A_16 : memref<128xi32, #tpu.memory_space<vmem>>) target_semaphore(%arg13 : memref<!tpu.dma_semaphore, #tpu.memory_space<semaphore_mem>>)
    %dma_start3A_19 = arith.constant 1 : i32
    %dma_start3A_20 = arith.constant 0 : i32
    %dma_start3A_21 = arith.constant 1 : i32
    %dma_start3A_22 = arith.constant 0 : i32
    %dma_start3A_23 = tpu.memref_slice %arg8[%dma_start3A_20, %dma_start3A_21, %dma_start3A_22] : memref<2x2x128xi32, #tpu.memory_space<vmem>> -> memref<1x1x128xi32, #tpu.memory_space<vmem>>
    %dma_start3A_24 = tpu.memref_squeeze %dma_start3A_23 : memref<1x1x128xi32, #tpu.memory_space<vmem>> -> memref<128xi32, #tpu.memory_space<vmem>>
    %dma_start3A_25 = tpu.memref_slice %arg5[%dma_start3A_19, %add3A_6] : memref<4x8192xi32, #tpu.memory_space<hbm>> -> memref<1x128xi32, #tpu.memory_space<hbm>>
    %dma_start3A_26 = tpu.memref_squeeze %dma_start3A_25 : memref<1x128xi32, #tpu.memory_space<hbm>> -> memref<128xi32, #tpu.memory_space<hbm>>
    %dma_start3A_27 = arith.constant 0 : i32
    %dma_start3A_28 = tpu.memref_slice %arg8[%dma_start3A_20, %dma_start3A_21, %dma_start3A_27] : memref<2x2x128xi32, #tpu.memory_space<vmem>> -> memref<1x1x128xi32, #tpu.memory_space<vmem>>
    %dma_start3A_29 = tpu.memref_squeeze %dma_start3A_28 : memref<1x1x128xi32, #tpu.memory_space<vmem>> -> memref<128xi32, #tpu.memory_space<vmem>>
    %dma_start3A_30 = tpu.memref_slice %arg5[%dma_start3A_19, %add3A_6] : memref<4x8192xi32, #tpu.memory_space<hbm>> -> memref<1x128xi32, #tpu.memory_space<hbm>>
    %dma_start3A_31 = tpu.memref_squeeze %dma_start3A_30 : memref<1x128xi32, #tpu.memory_space<hbm>> -> memref<128xi32, #tpu.memory_space<hbm>>
    tpu.enqueue_dma source(%dma_start3A_31 : memref<128xi32, #tpu.memory_space<hbm>>) target(%dma_start3A_29 : memref<128xi32, #tpu.memory_space<vmem>>) target_semaphore(%arg13 : memref<!tpu.dma_semaphore, #tpu.memory_space<semaphore_mem>>)
    %add3A_32 = arith.constant 0 : i32
    %add3A_33 = arith.addi %mul3A_4, %add3A_32 : i32
    %dma_wait3A = arith.constant 1 : i32
    %dma_wait3A_34 = arith.constant 0 : i32
    %dma_wait3A_35 = arith.constant 0 : i32
    %dma_wait3A_36 = arith.constant 0 : i32
    %dma_wait3A_37 = tpu.memref_slice %arg8[%dma_wait3A_34, %dma_wait3A_35, %dma_wait3A_36] : memref<2x2x128xi32, #tpu.memory_space<vmem>> -> memref<1x1x128xi32, #tpu.memory_space<vmem>>
    %dma_wait3A_38 = tpu.memref_squeeze %dma_wait3A_37 : memref<1x1x128xi32, #tpu.memory_space<vmem>> -> memref<128xi32, #tpu.memory_space<vmem>>
    %dma_wait3A_39 = tpu.memref_slice %arg4[%dma_wait3A, %add3A_6] : memref<4x8192xi32, #tpu.memory_space<hbm>> -> memref<1x128xi32, #tpu.memory_space<hbm>>
    %dma_wait3A_40 = tpu.memref_squeeze %dma_wait3A_39 : memref<1x128xi32, #tpu.memory_space<hbm>> -> memref<128xi32, #tpu.memory_space<hbm>>
    %dma_wait3A_41 = arith.constant 0 : i32
    %dma_wait3A_42 = tpu.memref_slice %arg8[%dma_wait3A_34, %dma_wait3A_35, %dma_wait3A_41] : memref<2x2x128xi32, #tpu.memory_space<vmem>> -> memref<1x1x128xi32, #tpu.memory_space<vmem>>
    %dma_wait3A_43 = tpu.memref_squeeze %dma_wait3A_42 : memref<1x1x128xi32, #tpu.memory_space<vmem>> -> memref<128xi32, #tpu.memory_space<vmem>>
    %dma_wait3A_44 = tpu.memref_slice %arg4[%dma_wait3A, %add3A_6] : memref<4x8192xi32, #tpu.memory_space<hbm>> -> memref<1x128xi32, #tpu.memory_space<hbm>>
    %dma_wait3A_45 = tpu.memref_squeeze %dma_wait3A_44 : memref<1x128xi32, #tpu.memory_space<hbm>> -> memref<128xi32, #tpu.memory_space<hbm>>
    tpu.wait_dma2 semaphore(%arg13 : memref<!tpu.dma_semaphore, #tpu.memory_space<semaphore_mem>>) src(%dma_wait3A_45 : memref<128xi32, #tpu.memory_space<hbm>>) dst(%dma_wait3A_43 : memref<128xi32, #tpu.memory_space<vmem>>)
    %dma_wait3A_46 = arith.constant 1 : i32
    %dma_wait3A_47 = arith.constant 0 : i32
    %dma_wait3A_48 = arith.constant 1 : i32
    %dma_wait3A_49 = arith.constant 0 : i32
    %dma_wait3A_50 = tpu.memref_slice %arg8[%dma_wait3A_47, %dma_wait3A_48, %dma_wait3A_49] : memref<2x2x128xi32, #tpu.memory_space<vmem>> -> memref<1x1x128xi32, #tpu.memory_space<vmem>>
    %dma_wait3A_51 = tpu.memref_squeeze %dma_wait3A_50 : memref<1x1x128xi32, #tpu.memory_space<vmem>> -> memref<128xi32, #tpu.memory_space<vmem>>
    %dma_wait3A_52 = tpu.memref_slice %arg5[%dma_wait3A_46, %add3A_6] : memref<4x8192xi32, #tpu.memory_space<hbm>> -> memref<1x128xi32, #tpu.memory_space<hbm>>
    %dma_wait3A_53 = tpu.memref_squeeze %dma_wait3A_52 : memref<1x128xi32, #tpu.memory_space<hbm>> -> memref<128xi32, #tpu.memory_space<hbm>>
    %dma_wait3A_54 = arith.constant 0 : i32
    %dma_wait3A_55 = tpu.memref_slice %arg8[%dma_wait3A_47, %dma_wait3A_48, %dma_wait3A_54] : memref<2x2x128xi32, #tpu.memory_space<vmem>> -> memref<1x1x128xi32, #tpu.memory_space<vmem>>
    %dma_wait3A_56 = tpu.memref_squeeze %dma_wait3A_55 : memref<1x1x128xi32, #tpu.memory_space<vmem>> -> memref<128xi32, #tpu.memory_space<vmem>>
    %dma_wait3A_57 = tpu.memref_slice %arg5[%dma_wait3A_46, %add3A_6] : memref<4x8192xi32, #tpu.memory_space<hbm>> -> memref<1x128xi32, #tpu.memory_space<hbm>>
    %dma_wait3A_58 = tpu.memref_squeeze %dma_wait3A_57 : memref<1x128xi32, #tpu.memory_space<hbm>> -> memref<128xi32, #tpu.memory_space<hbm>>
    tpu.wait_dma2 semaphore(%arg13 : memref<!tpu.dma_semaphore, #tpu.memory_space<semaphore_mem>>) src(%dma_wait3A_58 : memref<128xi32, #tpu.memory_space<hbm>>) dst(%dma_wait3A_56 : memref<128xi32, #tpu.memory_space<vmem>>)
    %add3A_59 = arith.constant 128 : i32
    %add3A_60 = arith.addi %mul3A_4, %add3A_59 : i32
    %dma_start3A_61 = arith.constant 1 : i32
    %dma_start3A_62 = arith.constant 1 : i32
    %dma_start3A_63 = arith.constant 0 : i32
    %dma_start3A_64 = arith.constant 0 : i32
    %dma_start3A_65 = tpu.memref_slice %arg8[%dma_start3A_62, %dma_start3A_63, %dma_start3A_64] : memref<2x2x128xi32, #tpu.memory_space<vmem>> -> memref<1x1x128xi32, #tpu.memory_space<vmem>>
    %dma_start3A_66 = tpu.memref_squeeze %dma_start3A_65 : memref<1x1x128xi32, #tpu.memory_space<vmem>> -> memref<128xi32, #tpu.memory_space<vmem>>
    %dma_start3A_67 = tpu.memref_slice %arg4[%dma_start3A_61, %add3A_60] : memref<4x8192xi32, #tpu.memory_space<hbm>> -> memref<1x128xi32, #tpu.memory_space<hbm>>
    %dma_start3A_68 = tpu.memref_squeeze %dma_start3A_67 : memref<1x128xi32, #tpu.memory_space<hbm>> -> memref<128xi32, #tpu.memory_space<hbm>>
    %dma_start3A_69 = arith.constant 0 : i32
    %dma_start3A_70 = tpu.memref_slice %arg8[%dma_start3A_62, %dma_start3A_63, %dma_start3A_69] : memref<2x2x128xi32, #tpu.memory_space<vmem>> -> memref<1x1x128xi32, #tpu.memory_space<vmem>>
    %dma_start3A_71 = tpu.memref_squeeze %dma_start3A_70 : memref<1x1x128xi32, #tpu.memory_space<vmem>> -> memref<128xi32, #tpu.memory_space<vmem>>
    %dma_start3A_72 = tpu.memref_slice %arg4[%dma_start3A_61, %add3A_60] : memref<4x8192xi32, #tpu.memory_space<hbm>> -> memref<1x128xi32, #tpu.memory_space<hbm>>
    %dma_start3A_73 = tpu.memref_squeeze %dma_start3A_72 : memref<1x128xi32, #tpu.memory_space<hbm>> -> memref<128xi32, #tpu.memory_space<hbm>>
    tpu.enqueue_dma source(%dma_start3A_73 : memref<128xi32, #tpu.memory_space<hbm>>) target(%dma_start3A_71 : memref<128xi32, #tpu.memory_space<vmem>>) target_semaphore(%arg13 : memref<!tpu.dma_semaphore, #tpu.memory_space<semaphore_mem>>)
    %dma_start3A_74 = arith.constant 1 : i32
    %dma_start3A_75 = arith.constant 1 : i32
    %dma_start3A_76 = arith.constant 1 : i32
    %dma_start3A_77 = arith.constant 0 : i32
    %dma_start3A_78 = tpu.memref_slice %arg8[%dma_start3A_75, %dma_start3A_76, %dma_start3A_77] : memref<2x2x128xi32, #tpu.memory_space<vmem>> -> memref<1x1x128xi32, #tpu.memory_space<vmem>>
    %dma_start3A_79 = tpu.memref_squeeze %dma_start3A_78 : memref<1x1x128xi32, #tpu.memory_space<vmem>> -> memref<128xi32, #tpu.memory_space<vmem>>
    %dma_start3A_80 = tpu.memref_slice %arg5[%dma_start3A_74, %add3A_60] : memref<4x8192xi32, #tpu.memory_space<hbm>> -> memref<1x128xi32, #tpu.memory_space<hbm>>
    %dma_start3A_81 = tpu.memref_squeeze %dma_start3A_80 : memref<1x128xi32, #tpu.memory_space<hbm>> -> memref<128xi32, #tpu.memory_space<hbm>>
    %dma_start3A_82 = arith.constant 0 : i32
    %dma_start3A_83 = tpu.memref_slice %arg8[%dma_start3A_75, %dma_start3A_76, %dma_start3A_82] : memref<2x2x128xi32, #tpu.memory_space<vmem>> -> memref<1x1x128xi32, #tpu.memory_space<vmem>>
    %dma_start3A_84 = tpu.memref_squeeze %dma_start3A_83 : memref<1x1x128xi32, #tpu.memory_space<vmem>> -> memref<128xi32, #tpu.memory_space<vmem>>
    %dma_start3A_85 = tpu.memref_slice %arg5[%dma_start3A_74, %add3A_60] : memref<4x8192xi32, #tpu.memory_space<hbm>> -> memref<1x128xi32, #tpu.memory_space<hbm>>
    %dma_start3A_86 = tpu.memref_squeeze %dma_start3A_85 : memref<1x128xi32, #tpu.memory_space<hbm>> -> memref<128xi32, #tpu.memory_space<hbm>>
    tpu.enqueue_dma source(%dma_start3A_86 : memref<128xi32, #tpu.memory_space<hbm>>) target(%dma_start3A_84 : memref<128xi32, #tpu.memory_space<vmem>>) target_semaphore(%arg13 : memref<!tpu.dma_semaphore, #tpu.memory_space<semaphore_mem>>)
    %run_scoped3A = arith.constant 0 : i32
    %run_scoped3A_87 = arith.constant 1 : i32
    "tpu.region"() ({
      %run_scoped3A_182 = tpu.sem_alloc : memref<!tpu.dma_semaphore, #tpu.memory_space<semaphore_mem>>
      %dma_start3A_183 = arith.constant 0 : i32
      %dma_start3A_184 = tpu.memref_slice %arg8[%run_scoped3A, %run_scoped3A_87, %dma_start3A_183] : memref<2x2x128xi32, #tpu.memory_space<vmem>> -> memref<1x1x128xi32, #tpu.memory_space<vmem>>
      %dma_start3A_185 = tpu.memref_squeeze %dma_start3A_184 : memref<1x1x128xi32, #tpu.memory_space<vmem>> -> memref<128xi32, #tpu.memory_space<vmem>>
      %dma_start3A_186 = arith.constant 0 : i32
      %dma_start3A_187 = arith.constant 0 : i32
      %dma_start3A_188 = tpu.memref_slice %arg3[%dma_start3A_186, %dma_start3A_187] : memref<3001x128xf32, #tpu.memory_space<hbm>> -> memref<3001x128xf32, #tpu.memory_space<hbm>>
      tpu.enqueue_indirect_dma source(%dma_start3A_188 : memref<3001x128xf32, #tpu.memory_space<hbm>>) target(%arg12 : memref<128x128xf32, #tpu.memory_space<vmem>>) offsets(%dma_start3A_185 : memref<128xi32, #tpu.memory_space<vmem>>) semaphore(%run_scoped3A_182 : memref<!tpu.dma_semaphore, #tpu.memory_space<semaphore_mem>>)
      %dma_wait3A_189 = arith.constant 0 : i32
      %dma_wait3A_190 = tpu.memref_slice %arg8[%run_scoped3A, %run_scoped3A_87, %dma_wait3A_189] : memref<2x2x128xi32, #tpu.memory_space<vmem>> -> memref<1x1x128xi32, #tpu.memory_space<vmem>>
      %dma_wait3A_191 = tpu.memref_squeeze %dma_wait3A_190 : memref<1x1x128xi32, #tpu.memory_space<vmem>> -> memref<128xi32, #tpu.memory_space<vmem>>
      %dma_wait3A_192 = arith.constant 0 : i32
      %dma_wait3A_193 = arith.constant 0 : i32
      %dma_wait3A_194 = tpu.memref_slice %arg3[%dma_wait3A_192, %dma_wait3A_193] : memref<3001x128xf32, #tpu.memory_space<hbm>> -> memref<3001x128xf32, #tpu.memory_space<hbm>>
      tpu.wait_indirect_dma semaphore(%run_scoped3A_182 : memref<!tpu.dma_semaphore, #tpu.memory_space<semaphore_mem>>) src(%dma_wait3A_194 : memref<3001x128xf32, #tpu.memory_space<hbm>>) dst(%arg12 : memref<128x128xf32, #tpu.memory_space<vmem>>)
      tpu.yield
    }) : () -> ()
    %dma_start3A_88 = arith.constant 0 : i32
    %dma_start3A_89 = tpu.memref_slice %arg7[%add3A_33, %dma_start3A_88] : memref<8192x128xf32, #tpu.memory_space<hbm>> -> memref<128x128xf32, #tpu.memory_space<hbm>>
    %dma_start3A_90 = arith.constant 0 : i32
    %dma_start3A_91 = tpu.memref_slice %arg7[%add3A_33, %dma_start3A_90] : memref<8192x128xf32, #tpu.memory_space<hbm>> -> memref<128x128xf32, #tpu.memory_space<hbm>>
    tpu.enqueue_dma source(%arg12 : memref<128x128xf32, #tpu.memory_space<vmem>>) target(%dma_start3A_91 : memref<128x128xf32, #tpu.memory_space<hbm>>) target_semaphore(%arg17 : memref<!tpu.dma_semaphore, #tpu.memory_space<semaphore_mem>>)
    %run_scoped3A_92 = arith.constant 0 : i32
    %run_scoped3A_93 = arith.constant 0 : i32
    "tpu.region"() ({
      %run_scoped3A_182 = tpu.sem_alloc : memref<!tpu.dma_semaphore, #tpu.memory_space<semaphore_mem>>
      %dma_start3A_183 = arith.constant 0 : i32
      %dma_start3A_184 = tpu.memref_slice %arg8[%run_scoped3A_92, %run_scoped3A_93, %dma_start3A_183] : memref<2x2x128xi32, #tpu.memory_space<vmem>> -> memref<1x1x64xi32, #tpu.memory_space<vmem>>
      %dma_start3A_185 = tpu.memref_squeeze %dma_start3A_184 : memref<1x1x64xi32, #tpu.memory_space<vmem>> -> memref<64xi32, #tpu.memory_space<vmem>>
      %dma_start3A_186 = arith.constant 0 : i32
      %dma_start3A_187 = arith.constant 0 : i32
      %dma_start3A_188 = tpu.memref_slice %arg2[%dma_start3A_186, %dma_start3A_187] : memref<100000x512xf32, #tpu.memory_space<hbm>> -> memref<100000x512xf32, #tpu.memory_space<hbm>>
      tpu.enqueue_indirect_dma source(%dma_start3A_188 : memref<100000x512xf32, #tpu.memory_space<hbm>>) target(%arg9 : memref<64x512xf32, #tpu.memory_space<vmem>>) offsets(%dma_start3A_185 : memref<64xi32, #tpu.memory_space<vmem>>) semaphore(%run_scoped3A_182 : memref<!tpu.dma_semaphore, #tpu.memory_space<semaphore_mem>>)
      %dma_wait3A_189 = arith.constant 0 : i32
      %dma_wait3A_190 = tpu.memref_slice %arg8[%run_scoped3A_92, %run_scoped3A_93, %dma_wait3A_189] : memref<2x2x128xi32, #tpu.memory_space<vmem>> -> memref<1x1x64xi32, #tpu.memory_space<vmem>>
      %dma_wait3A_191 = tpu.memref_squeeze %dma_wait3A_190 : memref<1x1x64xi32, #tpu.memory_space<vmem>> -> memref<64xi32, #tpu.memory_space<vmem>>
      %dma_wait3A_192 = arith.constant 0 : i32
      %dma_wait3A_193 = arith.constant 0 : i32
      %dma_wait3A_194 = tpu.memref_slice %arg2[%dma_wait3A_192, %dma_wait3A_193] : memref<100000x512xf32, #tpu.memory_space<hbm>> -> memref<100000x512xf32, #tpu.memory_space<hbm>>
      tpu.wait_indirect_dma semaphore(%run_scoped3A_182 : memref<!tpu.dma_semaphore, #tpu.memory_space<semaphore_mem>>) src(%dma_wait3A_194 : memref<100000x512xf32, #tpu.memory_space<hbm>>) dst(%arg9 : memref<64x512xf32, #tpu.memory_space<vmem>>)
      tpu.yield
    }) : () -> ()
    %add3A_94 = arith.constant 0 : i32
    %add3A_95 = arith.addi %add3A_33, %add3A_94 : i32
    %dma_start3A_96 = arith.constant 0 : i32
    %dma_start3A_97 = tpu.memref_slice %arg6[%add3A_95, %dma_start3A_96] : memref<8192x512xf32, #tpu.memory_space<hbm>> -> memref<64x512xf32, #tpu.memory_space<hbm>>
    %dma_start3A_98 = arith.constant 0 : i32
    %dma_start3A_99 = tpu.memref_slice %arg6[%add3A_95, %dma_start3A_98] : memref<8192x512xf32, #tpu.memory_space<hbm>> -> memref<64x512xf32, #tpu.memory_space<hbm>>
    tpu.enqueue_dma source(%arg9 : memref<64x512xf32, #tpu.memory_space<vmem>>) target(%dma_start3A_99 : memref<64x512xf32, #tpu.memory_space<hbm>>) target_semaphore(%arg14 : memref<!tpu.dma_semaphore, #tpu.memory_space<semaphore_mem>>)
    %run_scoped3A_100 = arith.constant 0 : i32
    %run_scoped3A_101 = arith.constant 0 : i32
    "tpu.region"() ({
      %run_scoped3A_182 = tpu.sem_alloc : memref<!tpu.dma_semaphore, #tpu.memory_space<semaphore_mem>>
      %dma_start3A_183 = arith.constant 64 : i32
      %dma_start3A_184 = tpu.memref_slice %arg8[%run_scoped3A_100, %run_scoped3A_101, %dma_start3A_183] : memref<2x2x128xi32, #tpu.memory_space<vmem>> -> memref<1x1x64xi32, #tpu.memory_space<vmem>>
      %dma_start3A_185 = tpu.memref_squeeze %dma_start3A_184 : memref<1x1x64xi32, #tpu.memory_space<vmem>> -> memref<64xi32, #tpu.memory_space<vmem>>
      %dma_start3A_186 = arith.constant 0 : i32
      %dma_start3A_187 = arith.constant 0 : i32
      %dma_start3A_188 = tpu.memref_slice %arg2[%dma_start3A_186, %dma_start3A_187] : memref<100000x512xf32, #tpu.memory_space<hbm>> -> memref<100000x512xf32, #tpu.memory_space<hbm>>
      tpu.enqueue_indirect_dma source(%dma_start3A_188 : memref<100000x512xf32, #tpu.memory_space<hbm>>) target(%arg10 : memref<64x512xf32, #tpu.memory_space<vmem>>) offsets(%dma_start3A_185 : memref<64xi32, #tpu.memory_space<vmem>>) semaphore(%run_scoped3A_182 : memref<!tpu.dma_semaphore, #tpu.memory_space<semaphore_mem>>)
      %dma_wait3A_189 = arith.constant 64 : i32
      %dma_wait3A_190 = tpu.memref_slice %arg8[%run_scoped3A_100, %run_scoped3A_101, %dma_wait3A_189] : memref<2x2x128xi32, #tpu.memory_space<vmem>> -> memref<1x1x64xi32, #tpu.memory_space<vmem>>
      %dma_wait3A_191 = tpu.memref_squeeze %dma_wait3A_190 : memref<1x1x64xi32, #tpu.memory_space<vmem>> -> memref<64xi32, #tpu.memory_space<vmem>>
      %dma_wait3A_192 = arith.constant 0 : i32
      %dma_wait3A_193 = arith.constant 0 : i32
      %dma_wait3A_194 = tpu.memref_slice %arg2[%dma_wait3A_192, %dma_wait3A_193] : memref<100000x512xf32, #tpu.memory_space<hbm>> -> memref<100000x512xf32, #tpu.memory_space<hbm>>
      tpu.wait_indirect_dma semaphore(%run_scoped3A_182 : memref<!tpu.dma_semaphore, #tpu.memory_space<semaphore_mem>>) src(%dma_wait3A_194 : memref<100000x512xf32, #tpu.memory_space<hbm>>) dst(%arg10 : memref<64x512xf32, #tpu.memory_space<vmem>>)
      tpu.yield
    }) : () -> ()
    %add3A_102 = arith.constant 64 : i32
    %add3A_103 = arith.addi %add3A_33, %add3A_102 : i32
    %dma_start3A_104 = arith.constant 0 : i32
    %dma_start3A_105 = tpu.memref_slice %arg6[%add3A_103, %dma_start3A_104] : memref<8192x512xf32, #tpu.memory_space<hbm>> -> memref<64x512xf32, #tpu.memory_space<hbm>>
    %dma_start3A_106 = arith.constant 0 : i32
    %dma_start3A_107 = tpu.memref_slice %arg6[%add3A_103, %dma_start3A_106] : memref<8192x512xf32, #tpu.memory_space<hbm>> -> memref<64x512xf32, #tpu.memory_space<hbm>>
    tpu.enqueue_dma source(%arg10 : memref<64x512xf32, #tpu.memory_space<vmem>>) target(%dma_start3A_107 : memref<64x512xf32, #tpu.memory_space<hbm>>) target_semaphore(%arg15 : memref<!tpu.dma_semaphore, #tpu.memory_space<semaphore_mem>>)
    %add3A_108 = arith.constant 128 : i32
    %add3A_109 = arith.addi %mul3A_4, %add3A_108 : i32
    %dma_wait3A_110 = arith.constant 1 : i32
    %dma_wait3A_111 = arith.constant 1 : i32
    %dma_wait3A_112 = arith.constant 0 : i32
    %dma_wait3A_113 = arith.constant 0 : i32
    %dma_wait3A_114 = tpu.memref_slice %arg8[%dma_wait3A_111, %dma_wait3A_112, %dma_wait3A_113] : memref<2x2x128xi32, #tpu.memory_space<vmem>> -> memref<1x1x128xi32, #tpu.memory_space<vmem>>
    %dma_wait3A_115 = tpu.memref_squeeze %dma_wait3A_114 : memref<1x1x128xi32, #tpu.memory_space<vmem>> -> memref<128xi32, #tpu.memory_space<vmem>>
    %dma_wait3A_116 = tpu.memref_slice %arg4[%dma_wait3A_110, %add3A_60] : memref<4x8192xi32, #tpu.memory_space<hbm>> -> memref<1x128xi32, #tpu.memory_space<hbm>>
    %dma_wait3A_117 = tpu.memref_squeeze %dma_wait3A_116 : memref<1x128xi32, #tpu.memory_space<hbm>> -> memref<128xi32, #tpu.memory_space<hbm>>
    %dma_wait3A_118 = arith.constant 0 : i32
    %dma_wait3A_119 = tpu.memref_slice %arg8[%dma_wait3A_111, %dma_wait3A_112, %dma_wait3A_118] : memref<2x2x128xi32, #tpu.memory_space<vmem>> -> memref<1x1x128xi32, #tpu.memory_space<vmem>>
    %dma_wait3A_120 = tpu.memref_squeeze %dma_wait3A_119 : memref<1x1x128xi32, #tpu.memory_space<vmem>> -> memref<128xi32, #tpu.memory_space<vmem>>
    %dma_wait3A_121 = tpu.memref_slice %arg4[%dma_wait3A_110, %add3A_60] : memref<4x8192xi32, #tpu.memory_space<hbm>> -> memref<1x128xi32, #tpu.memory_space<hbm>>
    %dma_wait3A_122 = tpu.memref_squeeze %dma_wait3A_121 : memref<1x128xi32, #tpu.memory_space<hbm>> -> memref<128xi32, #tpu.memory_space<hbm>>
    tpu.wait_dma2 semaphore(%arg13 : memref<!tpu.dma_semaphore, #tpu.memory_space<semaphore_mem>>) src(%dma_wait3A_122 : memref<128xi32, #tpu.memory_space<hbm>>) dst(%dma_wait3A_120 : memref<128xi32, #tpu.memory_space<vmem>>)
    %dma_wait3A_123 = arith.constant 1 : i32
    %dma_wait3A_124 = arith.constant 1 : i32
    %dma_wait3A_125 = arith.constant 1 : i32
    %dma_wait3A_126 = arith.constant 0 : i32
    %dma_wait3A_127 = tpu.memref_slice %arg8[%dma_wait3A_124, %dma_wait3A_125, %dma_wait3A_126] : memref<2x2x128xi32, #tpu.memory_space<vmem>> -> memref<1x1x128xi32, #tpu.memory_space<vmem>>
    %dma_wait3A_128 = tpu.memref_squeeze %dma_wait3A_127 : memref<1x1x128xi32, #tpu.memory_space<vmem>> -> memref<128xi32, #tpu.memory_space<vmem>>
    %dma_wait3A_129 = tpu.memref_slice %arg5[%dma_wait3A_123, %add3A_60] : memref<4x8192xi32, #tpu.memory_space<hbm>> -> memref<1x128xi32, #tpu.memory_space<hbm>>
    %dma_wait3A_130 = tpu.memref_squeeze %dma_wait3A_129 : memref<1x128xi32, #tpu.memory_space<hbm>> -> memref<128xi32, #tpu.memory_space<hbm>>
    %dma_wait3A_131 = arith.constant 0 : i32
    %dma_wait3A_132 = tpu.memref_slice %arg8[%dma_wait3A_124, %dma_wait3A_125, %dma_wait3A_131] : memref<2x2x128xi32, #tpu.memory_space<vmem>> -> memref<1x1x128xi32, #tpu.memory_space<vmem>>
    %dma_wait3A_133 = tpu.memref_squeeze %dma_wait3A_132 : memref<1x1x128xi32, #tpu.memory_space<vmem>> -> memref<128xi32, #tpu.memory_space<vmem>>
    %dma_wait3A_134 = tpu.memref_slice %arg5[%dma_wait3A_123, %add3A_60] : memref<4x8192xi32, #tpu.memory_space<hbm>> -> memref<1x128xi32, #tpu.memory_space<hbm>>
    %dma_wait3A_135 = tpu.memref_squeeze %dma_wait3A_134 : memref<1x128xi32, #tpu.memory_space<hbm>> -> memref<128xi32, #tpu.memory_space<hbm>>
    tpu.wait_dma2 semaphore(%arg13 : memref<!tpu.dma_semaphore, #tpu.memory_space<semaphore_mem>>) src(%dma_wait3A_135 : memref<128xi32, #tpu.memory_space<hbm>>) dst(%dma_wait3A_133 : memref<128xi32, #tpu.memory_space<vmem>>)
    %dma_wait3A_136 = arith.constant 0 : i32
    %dma_wait3A_137 = tpu.memref_slice %arg7[%add3A_33, %dma_wait3A_136] : memref<8192x128xf32, #tpu.memory_space<hbm>> -> memref<128x128xf32, #tpu.memory_space<hbm>>
    %dma_wait3A_138 = arith.constant 0 : i32
    %dma_wait3A_139 = tpu.memref_slice %arg7[%add3A_33, %dma_wait3A_138] : memref<8192x128xf32, #tpu.memory_space<hbm>> -> memref<128x128xf32, #tpu.memory_space<hbm>>
    tpu.wait_dma2 semaphore(%arg17 : memref<!tpu.dma_semaphore, #tpu.memory_space<semaphore_mem>>) src(%arg12 : memref<128x128xf32, #tpu.memory_space<vmem>>) dst(%dma_wait3A_139 : memref<128x128xf32, #tpu.memory_space<hbm>>)
    %run_scoped3A_140 = arith.constant 1 : i32
    %run_scoped3A_141 = arith.constant 1 : i32
    "tpu.region"() ({
      %run_scoped3A_182 = tpu.sem_alloc : memref<!tpu.dma_semaphore, #tpu.memory_space<semaphore_mem>>
      %dma_start3A_183 = arith.constant 0 : i32
      %dma_start3A_184 = tpu.memref_slice %arg8[%run_scoped3A_140, %run_scoped3A_141, %dma_start3A_183] : memref<2x2x128xi32, #tpu.memory_space<vmem>> -> memref<1x1x128xi32, #tpu.memory_space<vmem>>
      %dma_start3A_185 = tpu.memref_squeeze %dma_start3A_184 : memref<1x1x128xi32, #tpu.memory_space<vmem>> -> memref<128xi32, #tpu.memory_space<vmem>>
      %dma_start3A_186 = arith.constant 0 : i32
      %dma_start3A_187 = arith.constant 0 : i32
      %dma_start3A_188 = tpu.memref_slice %arg3[%dma_start3A_186, %dma_start3A_187] : memref<3001x128xf32, #tpu.memory_space<hbm>> -> memref<3001x128xf32, #tpu.memory_space<hbm>>
      tpu.enqueue_indirect_dma source(%dma_start3A_188 : memref<3001x128xf32, #tpu.memory_space<hbm>>) target(%arg12 : memref<128x128xf32, #tpu.memory_space<vmem>>) offsets(%dma_start3A_185 : memref<128xi32, #tpu.memory_space<vmem>>) semaphore(%run_scoped3A_182 : memref<!tpu.dma_semaphore, #tpu.memory_space<semaphore_mem>>)
      %dma_wait3A_189 = arith.constant 0 : i32
      %dma_wait3A_190 = tpu.memref_slice %arg8[%run_scoped3A_140, %run_scoped3A_141, %dma_wait3A_189] : memref<2x2x128xi32, #tpu.memory_space<vmem>> -> memref<1x1x128xi32, #tpu.memory_space<vmem>>
      %dma_wait3A_191 = tpu.memref_squeeze %dma_wait3A_190 : memref<1x1x128xi32, #tpu.memory_space<vmem>> -> memref<128xi32, #tpu.memory_space<vmem>>
      %dma_wait3A_192 = arith.constant 0 : i32
      %dma_wait3A_193 = arith.constant 0 : i32
      %dma_wait3A_194 = tpu.memref_slice %arg3[%dma_wait3A_192, %dma_wait3A_193] : memref<3001x128xf32, #tpu.memory_space<hbm>> -> memref<3001x128xf32, #tpu.memory_space<hbm>>
      tpu.wait_indirect_dma semaphore(%run_scoped3A_182 : memref<!tpu.dma_semaphore, #tpu.memory_space<semaphore_mem>>) src(%dma_wait3A_194 : memref<3001x128xf32, #tpu.memory_space<hbm>>) dst(%arg12 : memref<128x128xf32, #tpu.memory_space<vmem>>)
      tpu.yield
    }) : () -> ()
    %dma_start3A_142 = arith.constant 0 : i32
    %dma_start3A_143 = tpu.memref_slice %arg7[%add3A_109, %dma_start3A_142] : memref<8192x128xf32, #tpu.memory_space<hbm>> -> memref<128x128xf32, #tpu.memory_space<hbm>>
    %dma_start3A_144 = arith.constant 0 : i32
    %dma_start3A_145 = tpu.memref_slice %arg7[%add3A_109, %dma_start3A_144] : memref<8192x128xf32, #tpu.memory_space<hbm>> -> memref<128x128xf32, #tpu.memory_space<hbm>>
    tpu.enqueue_dma source(%arg12 : memref<128x128xf32, #tpu.memory_space<vmem>>) target(%dma_start3A_145 : memref<128x128xf32, #tpu.memory_space<hbm>>) target_semaphore(%arg17 : memref<!tpu.dma_semaphore, #tpu.memory_space<semaphore_mem>>)
    %run_scoped3A_146 = arith.constant 1 : i32
    %run_scoped3A_147 = arith.constant 0 : i32
    "tpu.region"() ({
      %run_scoped3A_182 = tpu.sem_alloc : memref<!tpu.dma_semaphore, #tpu.memory_space<semaphore_mem>>
      %dma_start3A_183 = arith.constant 0 : i32
      %dma_start3A_184 = tpu.memref_slice %arg8[%run_scoped3A_146, %run_scoped3A_147, %dma_start3A_183] : memref<2x2x128xi32, #tpu.memory_space<vmem>> -> memref<1x1x64xi32, #tpu.memory_space<vmem>>
      %dma_start3A_185 = tpu.memref_squeeze %dma_start3A_184 : memref<1x1x64xi32, #tpu.memory_space<vmem>> -> memref<64xi32, #tpu.memory_space<vmem>>
      %dma_start3A_186 = arith.constant 0 : i32
      %dma_start3A_187 = arith.constant 0 : i32
      %dma_start3A_188 = tpu.memref_slice %arg2[%dma_start3A_186, %dma_start3A_187] : memref<100000x512xf32, #tpu.memory_space<hbm>> -> memref<100000x512xf32, #tpu.memory_space<hbm>>
      tpu.enqueue_indirect_dma source(%dma_start3A_188 : memref<100000x512xf32, #tpu.memory_space<hbm>>) target(%arg11 : memref<64x512xf32, #tpu.memory_space<vmem>>) offsets(%dma_start3A_185 : memref<64xi32, #tpu.memory_space<vmem>>) semaphore(%run_scoped3A_182 : memref<!tpu.dma_semaphore, #tpu.memory_space<semaphore_mem>>)
      %dma_wait3A_189 = arith.constant 0 : i32
      %dma_wait3A_190 = tpu.memref_slice %arg8[%run_scoped3A_146, %run_scoped3A_147, %dma_wait3A_189] : memref<2x2x128xi32, #tpu.memory_space<vmem>> -> memref<1x1x64xi32, #tpu.memory_space<vmem>>
      %dma_wait3A_191 = tpu.memref_squeeze %dma_wait3A_190 : memref<1x1x64xi32, #tpu.memory_space<vmem>> -> memref<64xi32, #tpu.memory_space<vmem>>
      %dma_wait3A_192 = arith.constant 0 : i32
      %dma_wait3A_193 = arith.constant 0 : i32
      %dma_wait3A_194 = tpu.memref_slice %arg2[%dma_wait3A_192, %dma_wait3A_193] : memref<100000x512xf32, #tpu.memory_space<hbm>> -> memref<100000x512xf32, #tpu.memory_space<hbm>>
      tpu.wait_indirect_dma semaphore(%run_scoped3A_182 : memref<!tpu.dma_semaphore, #tpu.memory_space<semaphore_mem>>) src(%dma_wait3A_194 : memref<100000x512xf32, #tpu.memory_space<hbm>>) dst(%arg11 : memref<64x512xf32, #tpu.memory_space<vmem>>)
      tpu.yield
    }) : () -> ()
    %add3A_148 = arith.constant 0 : i32
    %add3A_149 = arith.addi %add3A_109, %add3A_148 : i32
    %dma_start3A_150 = arith.constant 0 : i32
    %dma_start3A_151 = tpu.memref_slice %arg6[%add3A_149, %dma_start3A_150] : memref<8192x512xf32, #tpu.memory_space<hbm>> -> memref<64x512xf32, #tpu.memory_space<hbm>>
    %dma_start3A_152 = arith.constant 0 : i32
    %dma_start3A_153 = tpu.memref_slice %arg6[%add3A_149, %dma_start3A_152] : memref<8192x512xf32, #tpu.memory_space<hbm>> -> memref<64x512xf32, #tpu.memory_space<hbm>>
    tpu.enqueue_dma source(%arg11 : memref<64x512xf32, #tpu.memory_space<vmem>>) target(%dma_start3A_153 : memref<64x512xf32, #tpu.memory_space<hbm>>) target_semaphore(%arg16 : memref<!tpu.dma_semaphore, #tpu.memory_space<semaphore_mem>>)
    %dma_wait3A_154 = arith.constant 0 : i32
    %dma_wait3A_155 = tpu.memref_slice %arg6[%add3A_95, %dma_wait3A_154] : memref<8192x512xf32, #tpu.memory_space<hbm>> -> memref<64x512xf32, #tpu.memory_space<hbm>>
    %dma_wait3A_156 = arith.constant 0 : i32
    %dma_wait3A_157 = tpu.memref_slice %arg6[%add3A_95, %dma_wait3A_156] : memref<8192x512xf32, #tpu.memory_space<hbm>> -> memref<64x512xf32, #tpu.memory_space<hbm>>
    tpu.wait_dma2 semaphore(%arg14 : memref<!tpu.dma_semaphore, #tpu.memory_space<semaphore_mem>>) src(%arg9 : memref<64x512xf32, #tpu.memory_space<vmem>>) dst(%dma_wait3A_157 : memref<64x512xf32, #tpu.memory_space<hbm>>)
    %run_scoped3A_158 = arith.constant 1 : i32
    %run_scoped3A_159 = arith.constant 0 : i32
    "tpu.region"() ({
      %run_scoped3A_182 = tpu.sem_alloc : memref<!tpu.dma_semaphore, #tpu.memory_space<semaphore_mem>>
      %dma_start3A_183 = arith.constant 64 : i32
      %dma_start3A_184 = tpu.memref_slice %arg8[%run_scoped3A_158, %run_scoped3A_159, %dma_start3A_183] : memref<2x2x128xi32, #tpu.memory_space<vmem>> -> memref<1x1x64xi32, #tpu.memory_space<vmem>>
      %dma_start3A_185 = tpu.memref_squeeze %dma_start3A_184 : memref<1x1x64xi32, #tpu.memory_space<vmem>> -> memref<64xi32, #tpu.memory_space<vmem>>
      %dma_start3A_186 = arith.constant 0 : i32
      %dma_start3A_187 = arith.constant 0 : i32
      %dma_start3A_188 = tpu.memref_slice %arg2[%dma_start3A_186, %dma_start3A_187] : memref<100000x512xf32, #tpu.memory_space<hbm>> -> memref<100000x512xf32, #tpu.memory_space<hbm>>
      tpu.enqueue_indirect_dma source(%dma_start3A_188 : memref<100000x512xf32, #tpu.memory_space<hbm>>) target(%arg9 : memref<64x512xf32, #tpu.memory_space<vmem>>) offsets(%dma_start3A_185 : memref<64xi32, #tpu.memory_space<vmem>>) semaphore(%run_scoped3A_182 : memref<!tpu.dma_semaphore, #tpu.memory_space<semaphore_mem>>)
      %dma_wait3A_189 = arith.constant 64 : i32
      %dma_wait3A_190 = tpu.memref_slice %arg8[%run_scoped3A_158, %run_scoped3A_159, %dma_wait3A_189] : memref<2x2x128xi32, #tpu.memory_space<vmem>> -> memref<1x1x64xi32, #tpu.memory_space<vmem>>
      %dma_wait3A_191 = tpu.memref_squeeze %dma_wait3A_190 : memref<1x1x64xi32, #tpu.memory_space<vmem>> -> memref<64xi32, #tpu.memory_space<vmem>>
      %dma_wait3A_192 = arith.constant 0 : i32
      %dma_wait3A_193 = arith.constant 0 : i32
      %dma_wait3A_194 = tpu.memref_slice %arg2[%dma_wait3A_192, %dma_wait3A_193] : memref<100000x512xf32, #tpu.memory_space<hbm>> -> memref<100000x512xf32, #tpu.memory_space<hbm>>
      tpu.wait_indirect_dma semaphore(%run_scoped3A_182 : memref<!tpu.dma_semaphore, #tpu.memory_space<semaphore_mem>>) src(%dma_wait3A_194 : memref<100000x512xf32, #tpu.memory_space<hbm>>) dst(%arg9 : memref<64x512xf32, #tpu.memory_space<vmem>>)
      tpu.yield
    }) : () -> ()
    %add3A_160 = arith.constant 64 : i32
    %add3A_161 = arith.addi %add3A_109, %add3A_160 : i32
    %dma_start3A_162 = arith.constant 0 : i32
    %dma_start3A_163 = tpu.memref_slice %arg6[%add3A_161, %dma_start3A_162] : memref<8192x512xf32, #tpu.memory_space<hbm>> -> memref<64x512xf32, #tpu.memory_space<hbm>>
    %dma_start3A_164 = arith.constant 0 : i32
    %dma_start3A_165 = tpu.memref_slice %arg6[%add3A_161, %dma_start3A_164] : memref<8192x512xf32, #tpu.memory_space<hbm>> -> memref<64x512xf32, #tpu.memory_space<hbm>>
    tpu.enqueue_dma source(%arg9 : memref<64x512xf32, #tpu.memory_space<vmem>>) target(%dma_start3A_165 : memref<64x512xf32, #tpu.memory_space<hbm>>) target_semaphore(%arg14 : memref<!tpu.dma_semaphore, #tpu.memory_space<semaphore_mem>>)
    %dma_wait3A_166 = arith.constant 0 : i32
    %dma_wait3A_167 = tpu.memref_slice %arg6[%add3A_161, %dma_wait3A_166] : memref<8192x512xf32, #tpu.memory_space<hbm>> -> memref<64x512xf32, #tpu.memory_space<hbm>>
    %dma_wait3A_168 = arith.constant 0 : i32
    %dma_wait3A_169 = tpu.memref_slice %arg6[%add3A_161, %dma_wait3A_168] : memref<8192x512xf32, #tpu.memory_space<hbm>> -> memref<64x512xf32, #tpu.memory_space<hbm>>
    tpu.wait_dma2 semaphore(%arg14 : memref<!tpu.dma_semaphore, #tpu.memory_space<semaphore_mem>>) src(%arg9 : memref<64x512xf32, #tpu.memory_space<vmem>>) dst(%dma_wait3A_169 : memref<64x512xf32, #tpu.memory_space<hbm>>)
    %dma_wait3A_170 = arith.constant 0 : i32
    %dma_wait3A_171 = tpu.memref_slice %arg6[%add3A_103, %dma_wait3A_170] : memref<8192x512xf32, #tpu.memory_space<hbm>> -> memref<64x512xf32, #tpu.memory_space<hbm>>
    %dma_wait3A_172 = arith.constant 0 : i32
    %dma_wait3A_173 = tpu.memref_slice %arg6[%add3A_103, %dma_wait3A_172] : memref<8192x512xf32, #tpu.memory_space<hbm>> -> memref<64x512xf32, #tpu.memory_space<hbm>>
    tpu.wait_dma2 semaphore(%arg15 : memref<!tpu.dma_semaphore, #tpu.memory_space<semaphore_mem>>) src(%arg10 : memref<64x512xf32, #tpu.memory_space<vmem>>) dst(%dma_wait3A_173 : memref<64x512xf32, #tpu.memory_space<hbm>>)
    %dma_wait3A_174 = arith.constant 0 : i32
    %dma_wait3A_175 = tpu.memref_slice %arg6[%add3A_149, %dma_wait3A_174] : memref<8192x512xf32, #tpu.memory_space<hbm>> -> memref<64x512xf32, #tpu.memory_space<hbm>>
    %dma_wait3A_176 = arith.constant 0 : i32
    %dma_wait3A_177 = tpu.memref_slice %arg6[%add3A_149, %dma_wait3A_176] : memref<8192x512xf32, #tpu.memory_space<hbm>> -> memref<64x512xf32, #tpu.memory_space<hbm>>
    tpu.wait_dma2 semaphore(%arg16 : memref<!tpu.dma_semaphore, #tpu.memory_space<semaphore_mem>>) src(%arg11 : memref<64x512xf32, #tpu.memory_space<vmem>>) dst(%dma_wait3A_177 : memref<64x512xf32, #tpu.memory_space<hbm>>)
    %dma_wait3A_178 = arith.constant 0 : i32
    %dma_wait3A_179 = tpu.memref_slice %arg7[%add3A_109, %dma_wait3A_178] : memref<8192x128xf32, #tpu.memory_space<hbm>> -> memref<128x128xf32, #tpu.memory_space<hbm>>
    %dma_wait3A_180 = arith.constant 0 : i32
    %dma_wait3A_181 = tpu.memref_slice %arg7[%add3A_109, %dma_wait3A_180] : memref<8192x128xf32, #tpu.memory_space<hbm>> -> memref<128x128xf32, #tpu.memory_space<hbm>>
    tpu.wait_dma2 semaphore(%arg17 : memref<!tpu.dma_semaphore, #tpu.memory_space<semaphore_mem>>) src(%arg12 : memref<128x128xf32, #tpu.memory_space<vmem>>) dst(%dma_wait3A_181 : memref<128x128xf32, #tpu.memory_space<hbm>>)
    return
  }
}

#map = affine_map<(d0, d1) -> (0, 0)>
module attributes {stable_mosaic.version = 14 : i64} {
  func.func @chunk_kernel(%arg0: i32, %arg1: i32, %arg2: memref<100000x512xf32, #tpu.memory_space<hbm>>, %arg3: memref<3001x128xf32, #tpu.memory_space<hbm>>, %arg4: memref<4x8192xi32, #tpu.memory_space<hbm>>, %arg5: memref<4x8192xi32, #tpu.memory_space<hbm>>, %arg6: memref<8192x512xf32, #tpu.memory_space<hbm>>, %arg7: memref<8192x128xf32, #tpu.memory_space<hbm>>, %arg8: memref<2x2x128xi32, #tpu.memory_space<vmem>>, %arg9: memref<64x512xf32, #tpu.memory_space<vmem>>, %arg10: memref<64x512xf32, #tpu.memory_space<vmem>>, %arg11: memref<64x512xf32, #tpu.memory_space<vmem>>, %arg12: memref<128x128xf32, #tpu.memory_space<vmem>>, %arg13: memref<!tpu.dma_semaphore, #tpu.memory_space<semaphore_mem>>, %arg14: memref<!tpu.dma_semaphore, #tpu.memory_space<semaphore_mem>>, %arg15: memref<!tpu.dma_semaphore, #tpu.memory_space<semaphore_mem>>, %arg16: memref<!tpu.dma_semaphore, #tpu.memory_space<semaphore_mem>>, %arg17: memref<!tpu.dma_semaphore, #tpu.memory_space<semaphore_mem>>) attributes {dimension_semantics = [#tpu.dimension_semantics<core_parallel>, #tpu.dimension_semantics<subcore_parallel>], iteration_bounds = array<i64: 2, 16>, scalar_prefetch = 0 : i64, scratch_operands = 10 : i64, tpu.core_type = #tpu.core_type<sc_vector_subcore>, window_params = [{transform_indices = #map}, {transform_indices = #map}, {transform_indices = #map}, {transform_indices = #map}, {transform_indices = #map}, {transform_indices = #map}]} {
    %mul3A = arith.constant 16 : i32
    %mul3A_0 = arith.muli %arg0, %mul3A : i32
    %add3A = arith.addi %mul3A_0, %arg1 : i32
    %mul3A_1 = arith.constant 2 : i32
    %mul3A_2 = arith.muli %add3A, %mul3A_1 : i32
    %mul3A_3 = arith.constant 128 : i32
    %mul3A_4 = arith.muli %mul3A_2, %mul3A_3 : i32
    %add3A_5 = arith.constant 0 : i32
    %add3A_6 = arith.addi %mul3A_4, %add3A_5 : i32
    %dma_start3A = arith.constant 3 : i32
    %dma_start3A_7 = arith.constant 0 : i32
    %dma_start3A_8 = arith.constant 0 : i32
    %dma_start3A_9 = arith.constant 0 : i32
    %dma_start3A_10 = tpu.memref_slice %arg8[%dma_start3A_7, %dma_start3A_8, %dma_start3A_9] : memref<2x2x128xi32, #tpu.memory_space<vmem>> -> memref<1x1x128xi32, #tpu.memory_space<vmem>>
    %dma_start3A_11 = tpu.memref_squeeze %dma_start3A_10 : memref<1x1x128xi32, #tpu.memory_space<vmem>> -> memref<128xi32, #tpu.memory_space<vmem>>
    %dma_start3A_12 = tpu.memref_slice %arg4[%dma_start3A, %add3A_6] : memref<4x8192xi32, #tpu.memory_space<hbm>> -> memref<1x128xi32, #tpu.memory_space<hbm>>
    %dma_start3A_13 = tpu.memref_squeeze %dma_start3A_12 : memref<1x128xi32, #tpu.memory_space<hbm>> -> memref<128xi32, #tpu.memory_space<hbm>>
    %dma_start3A_14 = arith.constant 0 : i32
    %dma_start3A_15 = tpu.memref_slice %arg8[%dma_start3A_7, %dma_start3A_8, %dma_start3A_14] : memref<2x2x128xi32, #tpu.memory_space<vmem>> -> memref<1x1x128xi32, #tpu.memory_space<vmem>>
    %dma_start3A_16 = tpu.memref_squeeze %dma_start3A_15 : memref<1x1x128xi32, #tpu.memory_space<vmem>> -> memref<128xi32, #tpu.memory_space<vmem>>
    %dma_start3A_17 = tpu.memref_slice %arg4[%dma_start3A, %add3A_6] : memref<4x8192xi32, #tpu.memory_space<hbm>> -> memref<1x128xi32, #tpu.memory_space<hbm>>
    %dma_start3A_18 = tpu.memref_squeeze %dma_start3A_17 : memref<1x128xi32, #tpu.memory_space<hbm>> -> memref<128xi32, #tpu.memory_space<hbm>>
    tpu.enqueue_dma source(%dma_start3A_18 : memref<128xi32, #tpu.memory_space<hbm>>) target(%dma_start3A_16 : memref<128xi32, #tpu.memory_space<vmem>>) target_semaphore(%arg13 : memref<!tpu.dma_semaphore, #tpu.memory_space<semaphore_mem>>)
    %dma_start3A_19 = arith.constant 3 : i32
    %dma_start3A_20 = arith.constant 0 : i32
    %dma_start3A_21 = arith.constant 1 : i32
    %dma_start3A_22 = arith.constant 0 : i32
    %dma_start3A_23 = tpu.memref_slice %arg8[%dma_start3A_20, %dma_start3A_21, %dma_start3A_22] : memref<2x2x128xi32, #tpu.memory_space<vmem>> -> memref<1x1x128xi32, #tpu.memory_space<vmem>>
    %dma_start3A_24 = tpu.memref_squeeze %dma_start3A_23 : memref<1x1x128xi32, #tpu.memory_space<vmem>> -> memref<128xi32, #tpu.memory_space<vmem>>
    %dma_start3A_25 = tpu.memref_slice %arg5[%dma_start3A_19, %add3A_6] : memref<4x8192xi32, #tpu.memory_space<hbm>> -> memref<1x128xi32, #tpu.memory_space<hbm>>
    %dma_start3A_26 = tpu.memref_squeeze %dma_start3A_25 : memref<1x128xi32, #tpu.memory_space<hbm>> -> memref<128xi32, #tpu.memory_space<hbm>>
    %dma_start3A_27 = arith.constant 0 : i32
    %dma_start3A_28 = tpu.memref_slice %arg8[%dma_start3A_20, %dma_start3A_21, %dma_start3A_27] : memref<2x2x128xi32, #tpu.memory_space<vmem>> -> memref<1x1x128xi32, #tpu.memory_space<vmem>>
    %dma_start3A_29 = tpu.memref_squeeze %dma_start3A_28 : memref<1x1x128xi32, #tpu.memory_space<vmem>> -> memref<128xi32, #tpu.memory_space<vmem>>
    %dma_start3A_30 = tpu.memref_slice %arg5[%dma_start3A_19, %add3A_6] : memref<4x8192xi32, #tpu.memory_space<hbm>> -> memref<1x128xi32, #tpu.memory_space<hbm>>
    %dma_start3A_31 = tpu.memref_squeeze %dma_start3A_30 : memref<1x128xi32, #tpu.memory_space<hbm>> -> memref<128xi32, #tpu.memory_space<hbm>>
    tpu.enqueue_dma source(%dma_start3A_31 : memref<128xi32, #tpu.memory_space<hbm>>) target(%dma_start3A_29 : memref<128xi32, #tpu.memory_space<vmem>>) target_semaphore(%arg13 : memref<!tpu.dma_semaphore, #tpu.memory_space<semaphore_mem>>)
    %add3A_32 = arith.constant 0 : i32
    %add3A_33 = arith.addi %mul3A_4, %add3A_32 : i32
    %dma_wait3A = arith.constant 3 : i32
    %dma_wait3A_34 = arith.constant 0 : i32
    %dma_wait3A_35 = arith.constant 0 : i32
    %dma_wait3A_36 = arith.constant 0 : i32
    %dma_wait3A_37 = tpu.memref_slice %arg8[%dma_wait3A_34, %dma_wait3A_35, %dma_wait3A_36] : memref<2x2x128xi32, #tpu.memory_space<vmem>> -> memref<1x1x128xi32, #tpu.memory_space<vmem>>
    %dma_wait3A_38 = tpu.memref_squeeze %dma_wait3A_37 : memref<1x1x128xi32, #tpu.memory_space<vmem>> -> memref<128xi32, #tpu.memory_space<vmem>>
    %dma_wait3A_39 = tpu.memref_slice %arg4[%dma_wait3A, %add3A_6] : memref<4x8192xi32, #tpu.memory_space<hbm>> -> memref<1x128xi32, #tpu.memory_space<hbm>>
    %dma_wait3A_40 = tpu.memref_squeeze %dma_wait3A_39 : memref<1x128xi32, #tpu.memory_space<hbm>> -> memref<128xi32, #tpu.memory_space<hbm>>
    %dma_wait3A_41 = arith.constant 0 : i32
    %dma_wait3A_42 = tpu.memref_slice %arg8[%dma_wait3A_34, %dma_wait3A_35, %dma_wait3A_41] : memref<2x2x128xi32, #tpu.memory_space<vmem>> -> memref<1x1x128xi32, #tpu.memory_space<vmem>>
    %dma_wait3A_43 = tpu.memref_squeeze %dma_wait3A_42 : memref<1x1x128xi32, #tpu.memory_space<vmem>> -> memref<128xi32, #tpu.memory_space<vmem>>
    %dma_wait3A_44 = tpu.memref_slice %arg4[%dma_wait3A, %add3A_6] : memref<4x8192xi32, #tpu.memory_space<hbm>> -> memref<1x128xi32, #tpu.memory_space<hbm>>
    %dma_wait3A_45 = tpu.memref_squeeze %dma_wait3A_44 : memref<1x128xi32, #tpu.memory_space<hbm>> -> memref<128xi32, #tpu.memory_space<hbm>>
    tpu.wait_dma2 semaphore(%arg13 : memref<!tpu.dma_semaphore, #tpu.memory_space<semaphore_mem>>) src(%dma_wait3A_45 : memref<128xi32, #tpu.memory_space<hbm>>) dst(%dma_wait3A_43 : memref<128xi32, #tpu.memory_space<vmem>>)
    %dma_wait3A_46 = arith.constant 3 : i32
    %dma_wait3A_47 = arith.constant 0 : i32
    %dma_wait3A_48 = arith.constant 1 : i32
    %dma_wait3A_49 = arith.constant 0 : i32
    %dma_wait3A_50 = tpu.memref_slice %arg8[%dma_wait3A_47, %dma_wait3A_48, %dma_wait3A_49] : memref<2x2x128xi32, #tpu.memory_space<vmem>> -> memref<1x1x128xi32, #tpu.memory_space<vmem>>
    %dma_wait3A_51 = tpu.memref_squeeze %dma_wait3A_50 : memref<1x1x128xi32, #tpu.memory_space<vmem>> -> memref<128xi32, #tpu.memory_space<vmem>>
    %dma_wait3A_52 = tpu.memref_slice %arg5[%dma_wait3A_46, %add3A_6] : memref<4x8192xi32, #tpu.memory_space<hbm>> -> memref<1x128xi32, #tpu.memory_space<hbm>>
    %dma_wait3A_53 = tpu.memref_squeeze %dma_wait3A_52 : memref<1x128xi32, #tpu.memory_space<hbm>> -> memref<128xi32, #tpu.memory_space<hbm>>
    %dma_wait3A_54 = arith.constant 0 : i32
    %dma_wait3A_55 = tpu.memref_slice %arg8[%dma_wait3A_47, %dma_wait3A_48, %dma_wait3A_54] : memref<2x2x128xi32, #tpu.memory_space<vmem>> -> memref<1x1x128xi32, #tpu.memory_space<vmem>>
    %dma_wait3A_56 = tpu.memref_squeeze %dma_wait3A_55 : memref<1x1x128xi32, #tpu.memory_space<vmem>> -> memref<128xi32, #tpu.memory_space<vmem>>
    %dma_wait3A_57 = tpu.memref_slice %arg5[%dma_wait3A_46, %add3A_6] : memref<4x8192xi32, #tpu.memory_space<hbm>> -> memref<1x128xi32, #tpu.memory_space<hbm>>
    %dma_wait3A_58 = tpu.memref_squeeze %dma_wait3A_57 : memref<1x128xi32, #tpu.memory_space<hbm>> -> memref<128xi32, #tpu.memory_space<hbm>>
    tpu.wait_dma2 semaphore(%arg13 : memref<!tpu.dma_semaphore, #tpu.memory_space<semaphore_mem>>) src(%dma_wait3A_58 : memref<128xi32, #tpu.memory_space<hbm>>) dst(%dma_wait3A_56 : memref<128xi32, #tpu.memory_space<vmem>>)
    %add3A_59 = arith.constant 128 : i32
    %add3A_60 = arith.addi %mul3A_4, %add3A_59 : i32
    %dma_start3A_61 = arith.constant 3 : i32
    %dma_start3A_62 = arith.constant 1 : i32
    %dma_start3A_63 = arith.constant 0 : i32
    %dma_start3A_64 = arith.constant 0 : i32
    %dma_start3A_65 = tpu.memref_slice %arg8[%dma_start3A_62, %dma_start3A_63, %dma_start3A_64] : memref<2x2x128xi32, #tpu.memory_space<vmem>> -> memref<1x1x128xi32, #tpu.memory_space<vmem>>
    %dma_start3A_66 = tpu.memref_squeeze %dma_start3A_65 : memref<1x1x128xi32, #tpu.memory_space<vmem>> -> memref<128xi32, #tpu.memory_space<vmem>>
    %dma_start3A_67 = tpu.memref_slice %arg4[%dma_start3A_61, %add3A_60] : memref<4x8192xi32, #tpu.memory_space<hbm>> -> memref<1x128xi32, #tpu.memory_space<hbm>>
    %dma_start3A_68 = tpu.memref_squeeze %dma_start3A_67 : memref<1x128xi32, #tpu.memory_space<hbm>> -> memref<128xi32, #tpu.memory_space<hbm>>
    %dma_start3A_69 = arith.constant 0 : i32
    %dma_start3A_70 = tpu.memref_slice %arg8[%dma_start3A_62, %dma_start3A_63, %dma_start3A_69] : memref<2x2x128xi32, #tpu.memory_space<vmem>> -> memref<1x1x128xi32, #tpu.memory_space<vmem>>
    %dma_start3A_71 = tpu.memref_squeeze %dma_start3A_70 : memref<1x1x128xi32, #tpu.memory_space<vmem>> -> memref<128xi32, #tpu.memory_space<vmem>>
    %dma_start3A_72 = tpu.memref_slice %arg4[%dma_start3A_61, %add3A_60] : memref<4x8192xi32, #tpu.memory_space<hbm>> -> memref<1x128xi32, #tpu.memory_space<hbm>>
    %dma_start3A_73 = tpu.memref_squeeze %dma_start3A_72 : memref<1x128xi32, #tpu.memory_space<hbm>> -> memref<128xi32, #tpu.memory_space<hbm>>
    tpu.enqueue_dma source(%dma_start3A_73 : memref<128xi32, #tpu.memory_space<hbm>>) target(%dma_start3A_71 : memref<128xi32, #tpu.memory_space<vmem>>) target_semaphore(%arg13 : memref<!tpu.dma_semaphore, #tpu.memory_space<semaphore_mem>>)
    %dma_start3A_74 = arith.constant 3 : i32
    %dma_start3A_75 = arith.constant 1 : i32
    %dma_start3A_76 = arith.constant 1 : i32
    %dma_start3A_77 = arith.constant 0 : i32
    %dma_start3A_78 = tpu.memref_slice %arg8[%dma_start3A_75, %dma_start3A_76, %dma_start3A_77] : memref<2x2x128xi32, #tpu.memory_space<vmem>> -> memref<1x1x128xi32, #tpu.memory_space<vmem>>
    %dma_start3A_79 = tpu.memref_squeeze %dma_start3A_78 : memref<1x1x128xi32, #tpu.memory_space<vmem>> -> memref<128xi32, #tpu.memory_space<vmem>>
    %dma_start3A_80 = tpu.memref_slice %arg5[%dma_start3A_74, %add3A_60] : memref<4x8192xi32, #tpu.memory_space<hbm>> -> memref<1x128xi32, #tpu.memory_space<hbm>>
    %dma_start3A_81 = tpu.memref_squeeze %dma_start3A_80 : memref<1x128xi32, #tpu.memory_space<hbm>> -> memref<128xi32, #tpu.memory_space<hbm>>
    %dma_start3A_82 = arith.constant 0 : i32
    %dma_start3A_83 = tpu.memref_slice %arg8[%dma_start3A_75, %dma_start3A_76, %dma_start3A_82] : memref<2x2x128xi32, #tpu.memory_space<vmem>> -> memref<1x1x128xi32, #tpu.memory_space<vmem>>
    %dma_start3A_84 = tpu.memref_squeeze %dma_start3A_83 : memref<1x1x128xi32, #tpu.memory_space<vmem>> -> memref<128xi32, #tpu.memory_space<vmem>>
    %dma_start3A_85 = tpu.memref_slice %arg5[%dma_start3A_74, %add3A_60] : memref<4x8192xi32, #tpu.memory_space<hbm>> -> memref<1x128xi32, #tpu.memory_space<hbm>>
    %dma_start3A_86 = tpu.memref_squeeze %dma_start3A_85 : memref<1x128xi32, #tpu.memory_space<hbm>> -> memref<128xi32, #tpu.memory_space<hbm>>
    tpu.enqueue_dma source(%dma_start3A_86 : memref<128xi32, #tpu.memory_space<hbm>>) target(%dma_start3A_84 : memref<128xi32, #tpu.memory_space<vmem>>) target_semaphore(%arg13 : memref<!tpu.dma_semaphore, #tpu.memory_space<semaphore_mem>>)
    %run_scoped3A = arith.constant 0 : i32
    %run_scoped3A_87 = arith.constant 1 : i32
    "tpu.region"() ({
      %run_scoped3A_182 = tpu.sem_alloc : memref<!tpu.dma_semaphore, #tpu.memory_space<semaphore_mem>>
      %dma_start3A_183 = arith.constant 0 : i32
      %dma_start3A_184 = tpu.memref_slice %arg8[%run_scoped3A, %run_scoped3A_87, %dma_start3A_183] : memref<2x2x128xi32, #tpu.memory_space<vmem>> -> memref<1x1x128xi32, #tpu.memory_space<vmem>>
      %dma_start3A_185 = tpu.memref_squeeze %dma_start3A_184 : memref<1x1x128xi32, #tpu.memory_space<vmem>> -> memref<128xi32, #tpu.memory_space<vmem>>
      %dma_start3A_186 = arith.constant 0 : i32
      %dma_start3A_187 = arith.constant 0 : i32
      %dma_start3A_188 = tpu.memref_slice %arg3[%dma_start3A_186, %dma_start3A_187] : memref<3001x128xf32, #tpu.memory_space<hbm>> -> memref<3001x128xf32, #tpu.memory_space<hbm>>
      tpu.enqueue_indirect_dma source(%dma_start3A_188 : memref<3001x128xf32, #tpu.memory_space<hbm>>) target(%arg12 : memref<128x128xf32, #tpu.memory_space<vmem>>) offsets(%dma_start3A_185 : memref<128xi32, #tpu.memory_space<vmem>>) semaphore(%run_scoped3A_182 : memref<!tpu.dma_semaphore, #tpu.memory_space<semaphore_mem>>)
      %dma_wait3A_189 = arith.constant 0 : i32
      %dma_wait3A_190 = tpu.memref_slice %arg8[%run_scoped3A, %run_scoped3A_87, %dma_wait3A_189] : memref<2x2x128xi32, #tpu.memory_space<vmem>> -> memref<1x1x128xi32, #tpu.memory_space<vmem>>
      %dma_wait3A_191 = tpu.memref_squeeze %dma_wait3A_190 : memref<1x1x128xi32, #tpu.memory_space<vmem>> -> memref<128xi32, #tpu.memory_space<vmem>>
      %dma_wait3A_192 = arith.constant 0 : i32
      %dma_wait3A_193 = arith.constant 0 : i32
      %dma_wait3A_194 = tpu.memref_slice %arg3[%dma_wait3A_192, %dma_wait3A_193] : memref<3001x128xf32, #tpu.memory_space<hbm>> -> memref<3001x128xf32, #tpu.memory_space<hbm>>
      tpu.wait_indirect_dma semaphore(%run_scoped3A_182 : memref<!tpu.dma_semaphore, #tpu.memory_space<semaphore_mem>>) src(%dma_wait3A_194 : memref<3001x128xf32, #tpu.memory_space<hbm>>) dst(%arg12 : memref<128x128xf32, #tpu.memory_space<vmem>>)
      tpu.yield
    }) : () -> ()
    %dma_start3A_88 = arith.constant 0 : i32
    %dma_start3A_89 = tpu.memref_slice %arg7[%add3A_33, %dma_start3A_88] : memref<8192x128xf32, #tpu.memory_space<hbm>> -> memref<128x128xf32, #tpu.memory_space<hbm>>
    %dma_start3A_90 = arith.constant 0 : i32
    %dma_start3A_91 = tpu.memref_slice %arg7[%add3A_33, %dma_start3A_90] : memref<8192x128xf32, #tpu.memory_space<hbm>> -> memref<128x128xf32, #tpu.memory_space<hbm>>
    tpu.enqueue_dma source(%arg12 : memref<128x128xf32, #tpu.memory_space<vmem>>) target(%dma_start3A_91 : memref<128x128xf32, #tpu.memory_space<hbm>>) target_semaphore(%arg17 : memref<!tpu.dma_semaphore, #tpu.memory_space<semaphore_mem>>)
    %run_scoped3A_92 = arith.constant 0 : i32
    %run_scoped3A_93 = arith.constant 0 : i32
    "tpu.region"() ({
      %run_scoped3A_182 = tpu.sem_alloc : memref<!tpu.dma_semaphore, #tpu.memory_space<semaphore_mem>>
      %dma_start3A_183 = arith.constant 0 : i32
      %dma_start3A_184 = tpu.memref_slice %arg8[%run_scoped3A_92, %run_scoped3A_93, %dma_start3A_183] : memref<2x2x128xi32, #tpu.memory_space<vmem>> -> memref<1x1x64xi32, #tpu.memory_space<vmem>>
      %dma_start3A_185 = tpu.memref_squeeze %dma_start3A_184 : memref<1x1x64xi32, #tpu.memory_space<vmem>> -> memref<64xi32, #tpu.memory_space<vmem>>
      %dma_start3A_186 = arith.constant 0 : i32
      %dma_start3A_187 = arith.constant 0 : i32
      %dma_start3A_188 = tpu.memref_slice %arg2[%dma_start3A_186, %dma_start3A_187] : memref<100000x512xf32, #tpu.memory_space<hbm>> -> memref<100000x512xf32, #tpu.memory_space<hbm>>
      tpu.enqueue_indirect_dma source(%dma_start3A_188 : memref<100000x512xf32, #tpu.memory_space<hbm>>) target(%arg9 : memref<64x512xf32, #tpu.memory_space<vmem>>) offsets(%dma_start3A_185 : memref<64xi32, #tpu.memory_space<vmem>>) semaphore(%run_scoped3A_182 : memref<!tpu.dma_semaphore, #tpu.memory_space<semaphore_mem>>)
      %dma_wait3A_189 = arith.constant 0 : i32
      %dma_wait3A_190 = tpu.memref_slice %arg8[%run_scoped3A_92, %run_scoped3A_93, %dma_wait3A_189] : memref<2x2x128xi32, #tpu.memory_space<vmem>> -> memref<1x1x64xi32, #tpu.memory_space<vmem>>
      %dma_wait3A_191 = tpu.memref_squeeze %dma_wait3A_190 : memref<1x1x64xi32, #tpu.memory_space<vmem>> -> memref<64xi32, #tpu.memory_space<vmem>>
      %dma_wait3A_192 = arith.constant 0 : i32
      %dma_wait3A_193 = arith.constant 0 : i32
      %dma_wait3A_194 = tpu.memref_slice %arg2[%dma_wait3A_192, %dma_wait3A_193] : memref<100000x512xf32, #tpu.memory_space<hbm>> -> memref<100000x512xf32, #tpu.memory_space<hbm>>
      tpu.wait_indirect_dma semaphore(%run_scoped3A_182 : memref<!tpu.dma_semaphore, #tpu.memory_space<semaphore_mem>>) src(%dma_wait3A_194 : memref<100000x512xf32, #tpu.memory_space<hbm>>) dst(%arg9 : memref<64x512xf32, #tpu.memory_space<vmem>>)
      tpu.yield
    }) : () -> ()
    %add3A_94 = arith.constant 0 : i32
    %add3A_95 = arith.addi %add3A_33, %add3A_94 : i32
    %dma_start3A_96 = arith.constant 0 : i32
    %dma_start3A_97 = tpu.memref_slice %arg6[%add3A_95, %dma_start3A_96] : memref<8192x512xf32, #tpu.memory_space<hbm>> -> memref<64x512xf32, #tpu.memory_space<hbm>>
    %dma_start3A_98 = arith.constant 0 : i32
    %dma_start3A_99 = tpu.memref_slice %arg6[%add3A_95, %dma_start3A_98] : memref<8192x512xf32, #tpu.memory_space<hbm>> -> memref<64x512xf32, #tpu.memory_space<hbm>>
    tpu.enqueue_dma source(%arg9 : memref<64x512xf32, #tpu.memory_space<vmem>>) target(%dma_start3A_99 : memref<64x512xf32, #tpu.memory_space<hbm>>) target_semaphore(%arg14 : memref<!tpu.dma_semaphore, #tpu.memory_space<semaphore_mem>>)
    %run_scoped3A_100 = arith.constant 0 : i32
    %run_scoped3A_101 = arith.constant 0 : i32
    "tpu.region"() ({
      %run_scoped3A_182 = tpu.sem_alloc : memref<!tpu.dma_semaphore, #tpu.memory_space<semaphore_mem>>
      %dma_start3A_183 = arith.constant 64 : i32
      %dma_start3A_184 = tpu.memref_slice %arg8[%run_scoped3A_100, %run_scoped3A_101, %dma_start3A_183] : memref<2x2x128xi32, #tpu.memory_space<vmem>> -> memref<1x1x64xi32, #tpu.memory_space<vmem>>
      %dma_start3A_185 = tpu.memref_squeeze %dma_start3A_184 : memref<1x1x64xi32, #tpu.memory_space<vmem>> -> memref<64xi32, #tpu.memory_space<vmem>>
      %dma_start3A_186 = arith.constant 0 : i32
      %dma_start3A_187 = arith.constant 0 : i32
      %dma_start3A_188 = tpu.memref_slice %arg2[%dma_start3A_186, %dma_start3A_187] : memref<100000x512xf32, #tpu.memory_space<hbm>> -> memref<100000x512xf32, #tpu.memory_space<hbm>>
      tpu.enqueue_indirect_dma source(%dma_start3A_188 : memref<100000x512xf32, #tpu.memory_space<hbm>>) target(%arg10 : memref<64x512xf32, #tpu.memory_space<vmem>>) offsets(%dma_start3A_185 : memref<64xi32, #tpu.memory_space<vmem>>) semaphore(%run_scoped3A_182 : memref<!tpu.dma_semaphore, #tpu.memory_space<semaphore_mem>>)
      %dma_wait3A_189 = arith.constant 64 : i32
      %dma_wait3A_190 = tpu.memref_slice %arg8[%run_scoped3A_100, %run_scoped3A_101, %dma_wait3A_189] : memref<2x2x128xi32, #tpu.memory_space<vmem>> -> memref<1x1x64xi32, #tpu.memory_space<vmem>>
      %dma_wait3A_191 = tpu.memref_squeeze %dma_wait3A_190 : memref<1x1x64xi32, #tpu.memory_space<vmem>> -> memref<64xi32, #tpu.memory_space<vmem>>
      %dma_wait3A_192 = arith.constant 0 : i32
      %dma_wait3A_193 = arith.constant 0 : i32
      %dma_wait3A_194 = tpu.memref_slice %arg2[%dma_wait3A_192, %dma_wait3A_193] : memref<100000x512xf32, #tpu.memory_space<hbm>> -> memref<100000x512xf32, #tpu.memory_space<hbm>>
      tpu.wait_indirect_dma semaphore(%run_scoped3A_182 : memref<!tpu.dma_semaphore, #tpu.memory_space<semaphore_mem>>) src(%dma_wait3A_194 : memref<100000x512xf32, #tpu.memory_space<hbm>>) dst(%arg10 : memref<64x512xf32, #tpu.memory_space<vmem>>)
      tpu.yield
    }) : () -> ()
    %add3A_102 = arith.constant 64 : i32
    %add3A_103 = arith.addi %add3A_33, %add3A_102 : i32
    %dma_start3A_104 = arith.constant 0 : i32
    %dma_start3A_105 = tpu.memref_slice %arg6[%add3A_103, %dma_start3A_104] : memref<8192x512xf32, #tpu.memory_space<hbm>> -> memref<64x512xf32, #tpu.memory_space<hbm>>
    %dma_start3A_106 = arith.constant 0 : i32
    %dma_start3A_107 = tpu.memref_slice %arg6[%add3A_103, %dma_start3A_106] : memref<8192x512xf32, #tpu.memory_space<hbm>> -> memref<64x512xf32, #tpu.memory_space<hbm>>
    tpu.enqueue_dma source(%arg10 : memref<64x512xf32, #tpu.memory_space<vmem>>) target(%dma_start3A_107 : memref<64x512xf32, #tpu.memory_space<hbm>>) target_semaphore(%arg15 : memref<!tpu.dma_semaphore, #tpu.memory_space<semaphore_mem>>)
    %add3A_108 = arith.constant 128 : i32
    %add3A_109 = arith.addi %mul3A_4, %add3A_108 : i32
    %dma_wait3A_110 = arith.constant 3 : i32
    %dma_wait3A_111 = arith.constant 1 : i32
    %dma_wait3A_112 = arith.constant 0 : i32
    %dma_wait3A_113 = arith.constant 0 : i32
    %dma_wait3A_114 = tpu.memref_slice %arg8[%dma_wait3A_111, %dma_wait3A_112, %dma_wait3A_113] : memref<2x2x128xi32, #tpu.memory_space<vmem>> -> memref<1x1x128xi32, #tpu.memory_space<vmem>>
    %dma_wait3A_115 = tpu.memref_squeeze %dma_wait3A_114 : memref<1x1x128xi32, #tpu.memory_space<vmem>> -> memref<128xi32, #tpu.memory_space<vmem>>
    %dma_wait3A_116 = tpu.memref_slice %arg4[%dma_wait3A_110, %add3A_60] : memref<4x8192xi32, #tpu.memory_space<hbm>> -> memref<1x128xi32, #tpu.memory_space<hbm>>
    %dma_wait3A_117 = tpu.memref_squeeze %dma_wait3A_116 : memref<1x128xi32, #tpu.memory_space<hbm>> -> memref<128xi32, #tpu.memory_space<hbm>>
    %dma_wait3A_118 = arith.constant 0 : i32
    %dma_wait3A_119 = tpu.memref_slice %arg8[%dma_wait3A_111, %dma_wait3A_112, %dma_wait3A_118] : memref<2x2x128xi32, #tpu.memory_space<vmem>> -> memref<1x1x128xi32, #tpu.memory_space<vmem>>
    %dma_wait3A_120 = tpu.memref_squeeze %dma_wait3A_119 : memref<1x1x128xi32, #tpu.memory_space<vmem>> -> memref<128xi32, #tpu.memory_space<vmem>>
    %dma_wait3A_121 = tpu.memref_slice %arg4[%dma_wait3A_110, %add3A_60] : memref<4x8192xi32, #tpu.memory_space<hbm>> -> memref<1x128xi32, #tpu.memory_space<hbm>>
    %dma_wait3A_122 = tpu.memref_squeeze %dma_wait3A_121 : memref<1x128xi32, #tpu.memory_space<hbm>> -> memref<128xi32, #tpu.memory_space<hbm>>
    tpu.wait_dma2 semaphore(%arg13 : memref<!tpu.dma_semaphore, #tpu.memory_space<semaphore_mem>>) src(%dma_wait3A_122 : memref<128xi32, #tpu.memory_space<hbm>>) dst(%dma_wait3A_120 : memref<128xi32, #tpu.memory_space<vmem>>)
    %dma_wait3A_123 = arith.constant 3 : i32
    %dma_wait3A_124 = arith.constant 1 : i32
    %dma_wait3A_125 = arith.constant 1 : i32
    %dma_wait3A_126 = arith.constant 0 : i32
    %dma_wait3A_127 = tpu.memref_slice %arg8[%dma_wait3A_124, %dma_wait3A_125, %dma_wait3A_126] : memref<2x2x128xi32, #tpu.memory_space<vmem>> -> memref<1x1x128xi32, #tpu.memory_space<vmem>>
    %dma_wait3A_128 = tpu.memref_squeeze %dma_wait3A_127 : memref<1x1x128xi32, #tpu.memory_space<vmem>> -> memref<128xi32, #tpu.memory_space<vmem>>
    %dma_wait3A_129 = tpu.memref_slice %arg5[%dma_wait3A_123, %add3A_60] : memref<4x8192xi32, #tpu.memory_space<hbm>> -> memref<1x128xi32, #tpu.memory_space<hbm>>
    %dma_wait3A_130 = tpu.memref_squeeze %dma_wait3A_129 : memref<1x128xi32, #tpu.memory_space<hbm>> -> memref<128xi32, #tpu.memory_space<hbm>>
    %dma_wait3A_131 = arith.constant 0 : i32
    %dma_wait3A_132 = tpu.memref_slice %arg8[%dma_wait3A_124, %dma_wait3A_125, %dma_wait3A_131] : memref<2x2x128xi32, #tpu.memory_space<vmem>> -> memref<1x1x128xi32, #tpu.memory_space<vmem>>
    %dma_wait3A_133 = tpu.memref_squeeze %dma_wait3A_132 : memref<1x1x128xi32, #tpu.memory_space<vmem>> -> memref<128xi32, #tpu.memory_space<vmem>>
    %dma_wait3A_134 = tpu.memref_slice %arg5[%dma_wait3A_123, %add3A_60] : memref<4x8192xi32, #tpu.memory_space<hbm>> -> memref<1x128xi32, #tpu.memory_space<hbm>>
    %dma_wait3A_135 = tpu.memref_squeeze %dma_wait3A_134 : memref<1x128xi32, #tpu.memory_space<hbm>> -> memref<128xi32, #tpu.memory_space<hbm>>
    tpu.wait_dma2 semaphore(%arg13 : memref<!tpu.dma_semaphore, #tpu.memory_space<semaphore_mem>>) src(%dma_wait3A_135 : memref<128xi32, #tpu.memory_space<hbm>>) dst(%dma_wait3A_133 : memref<128xi32, #tpu.memory_space<vmem>>)
    %dma_wait3A_136 = arith.constant 0 : i32
    %dma_wait3A_137 = tpu.memref_slice %arg7[%add3A_33, %dma_wait3A_136] : memref<8192x128xf32, #tpu.memory_space<hbm>> -> memref<128x128xf32, #tpu.memory_space<hbm>>
    %dma_wait3A_138 = arith.constant 0 : i32
    %dma_wait3A_139 = tpu.memref_slice %arg7[%add3A_33, %dma_wait3A_138] : memref<8192x128xf32, #tpu.memory_space<hbm>> -> memref<128x128xf32, #tpu.memory_space<hbm>>
    tpu.wait_dma2 semaphore(%arg17 : memref<!tpu.dma_semaphore, #tpu.memory_space<semaphore_mem>>) src(%arg12 : memref<128x128xf32, #tpu.memory_space<vmem>>) dst(%dma_wait3A_139 : memref<128x128xf32, #tpu.memory_space<hbm>>)
    %run_scoped3A_140 = arith.constant 1 : i32
    %run_scoped3A_141 = arith.constant 1 : i32
    "tpu.region"() ({
      %run_scoped3A_182 = tpu.sem_alloc : memref<!tpu.dma_semaphore, #tpu.memory_space<semaphore_mem>>
      %dma_start3A_183 = arith.constant 0 : i32
      %dma_start3A_184 = tpu.memref_slice %arg8[%run_scoped3A_140, %run_scoped3A_141, %dma_start3A_183] : memref<2x2x128xi32, #tpu.memory_space<vmem>> -> memref<1x1x128xi32, #tpu.memory_space<vmem>>
      %dma_start3A_185 = tpu.memref_squeeze %dma_start3A_184 : memref<1x1x128xi32, #tpu.memory_space<vmem>> -> memref<128xi32, #tpu.memory_space<vmem>>
      %dma_start3A_186 = arith.constant 0 : i32
      %dma_start3A_187 = arith.constant 0 : i32
      %dma_start3A_188 = tpu.memref_slice %arg3[%dma_start3A_186, %dma_start3A_187] : memref<3001x128xf32, #tpu.memory_space<hbm>> -> memref<3001x128xf32, #tpu.memory_space<hbm>>
      tpu.enqueue_indirect_dma source(%dma_start3A_188 : memref<3001x128xf32, #tpu.memory_space<hbm>>) target(%arg12 : memref<128x128xf32, #tpu.memory_space<vmem>>) offsets(%dma_start3A_185 : memref<128xi32, #tpu.memory_space<vmem>>) semaphore(%run_scoped3A_182 : memref<!tpu.dma_semaphore, #tpu.memory_space<semaphore_mem>>)
      %dma_wait3A_189 = arith.constant 0 : i32
      %dma_wait3A_190 = tpu.memref_slice %arg8[%run_scoped3A_140, %run_scoped3A_141, %dma_wait3A_189] : memref<2x2x128xi32, #tpu.memory_space<vmem>> -> memref<1x1x128xi32, #tpu.memory_space<vmem>>
      %dma_wait3A_191 = tpu.memref_squeeze %dma_wait3A_190 : memref<1x1x128xi32, #tpu.memory_space<vmem>> -> memref<128xi32, #tpu.memory_space<vmem>>
      %dma_wait3A_192 = arith.constant 0 : i32
      %dma_wait3A_193 = arith.constant 0 : i32
      %dma_wait3A_194 = tpu.memref_slice %arg3[%dma_wait3A_192, %dma_wait3A_193] : memref<3001x128xf32, #tpu.memory_space<hbm>> -> memref<3001x128xf32, #tpu.memory_space<hbm>>
      tpu.wait_indirect_dma semaphore(%run_scoped3A_182 : memref<!tpu.dma_semaphore, #tpu.memory_space<semaphore_mem>>) src(%dma_wait3A_194 : memref<3001x128xf32, #tpu.memory_space<hbm>>) dst(%arg12 : memref<128x128xf32, #tpu.memory_space<vmem>>)
      tpu.yield
    }) : () -> ()
    %dma_start3A_142 = arith.constant 0 : i32
    %dma_start3A_143 = tpu.memref_slice %arg7[%add3A_109, %dma_start3A_142] : memref<8192x128xf32, #tpu.memory_space<hbm>> -> memref<128x128xf32, #tpu.memory_space<hbm>>
    %dma_start3A_144 = arith.constant 0 : i32
    %dma_start3A_145 = tpu.memref_slice %arg7[%add3A_109, %dma_start3A_144] : memref<8192x128xf32, #tpu.memory_space<hbm>> -> memref<128x128xf32, #tpu.memory_space<hbm>>
    tpu.enqueue_dma source(%arg12 : memref<128x128xf32, #tpu.memory_space<vmem>>) target(%dma_start3A_145 : memref<128x128xf32, #tpu.memory_space<hbm>>) target_semaphore(%arg17 : memref<!tpu.dma_semaphore, #tpu.memory_space<semaphore_mem>>)
    %run_scoped3A_146 = arith.constant 1 : i32
    %run_scoped3A_147 = arith.constant 0 : i32
    "tpu.region"() ({
      %run_scoped3A_182 = tpu.sem_alloc : memref<!tpu.dma_semaphore, #tpu.memory_space<semaphore_mem>>
      %dma_start3A_183 = arith.constant 0 : i32
      %dma_start3A_184 = tpu.memref_slice %arg8[%run_scoped3A_146, %run_scoped3A_147, %dma_start3A_183] : memref<2x2x128xi32, #tpu.memory_space<vmem>> -> memref<1x1x64xi32, #tpu.memory_space<vmem>>
      %dma_start3A_185 = tpu.memref_squeeze %dma_start3A_184 : memref<1x1x64xi32, #tpu.memory_space<vmem>> -> memref<64xi32, #tpu.memory_space<vmem>>
      %dma_start3A_186 = arith.constant 0 : i32
      %dma_start3A_187 = arith.constant 0 : i32
      %dma_start3A_188 = tpu.memref_slice %arg2[%dma_start3A_186, %dma_start3A_187] : memref<100000x512xf32, #tpu.memory_space<hbm>> -> memref<100000x512xf32, #tpu.memory_space<hbm>>
      tpu.enqueue_indirect_dma source(%dma_start3A_188 : memref<100000x512xf32, #tpu.memory_space<hbm>>) target(%arg11 : memref<64x512xf32, #tpu.memory_space<vmem>>) offsets(%dma_start3A_185 : memref<64xi32, #tpu.memory_space<vmem>>) semaphore(%run_scoped3A_182 : memref<!tpu.dma_semaphore, #tpu.memory_space<semaphore_mem>>)
      %dma_wait3A_189 = arith.constant 0 : i32
      %dma_wait3A_190 = tpu.memref_slice %arg8[%run_scoped3A_146, %run_scoped3A_147, %dma_wait3A_189] : memref<2x2x128xi32, #tpu.memory_space<vmem>> -> memref<1x1x64xi32, #tpu.memory_space<vmem>>
      %dma_wait3A_191 = tpu.memref_squeeze %dma_wait3A_190 : memref<1x1x64xi32, #tpu.memory_space<vmem>> -> memref<64xi32, #tpu.memory_space<vmem>>
      %dma_wait3A_192 = arith.constant 0 : i32
      %dma_wait3A_193 = arith.constant 0 : i32
      %dma_wait3A_194 = tpu.memref_slice %arg2[%dma_wait3A_192, %dma_wait3A_193] : memref<100000x512xf32, #tpu.memory_space<hbm>> -> memref<100000x512xf32, #tpu.memory_space<hbm>>
      tpu.wait_indirect_dma semaphore(%run_scoped3A_182 : memref<!tpu.dma_semaphore, #tpu.memory_space<semaphore_mem>>) src(%dma_wait3A_194 : memref<100000x512xf32, #tpu.memory_space<hbm>>) dst(%arg11 : memref<64x512xf32, #tpu.memory_space<vmem>>)
      tpu.yield
    }) : () -> ()
    %add3A_148 = arith.constant 0 : i32
    %add3A_149 = arith.addi %add3A_109, %add3A_148 : i32
    %dma_start3A_150 = arith.constant 0 : i32
    %dma_start3A_151 = tpu.memref_slice %arg6[%add3A_149, %dma_start3A_150] : memref<8192x512xf32, #tpu.memory_space<hbm>> -> memref<64x512xf32, #tpu.memory_space<hbm>>
    %dma_start3A_152 = arith.constant 0 : i32
    %dma_start3A_153 = tpu.memref_slice %arg6[%add3A_149, %dma_start3A_152] : memref<8192x512xf32, #tpu.memory_space<hbm>> -> memref<64x512xf32, #tpu.memory_space<hbm>>
    tpu.enqueue_dma source(%arg11 : memref<64x512xf32, #tpu.memory_space<vmem>>) target(%dma_start3A_153 : memref<64x512xf32, #tpu.memory_space<hbm>>) target_semaphore(%arg16 : memref<!tpu.dma_semaphore, #tpu.memory_space<semaphore_mem>>)
    %dma_wait3A_154 = arith.constant 0 : i32
    %dma_wait3A_155 = tpu.memref_slice %arg6[%add3A_95, %dma_wait3A_154] : memref<8192x512xf32, #tpu.memory_space<hbm>> -> memref<64x512xf32, #tpu.memory_space<hbm>>
    %dma_wait3A_156 = arith.constant 0 : i32
    %dma_wait3A_157 = tpu.memref_slice %arg6[%add3A_95, %dma_wait3A_156] : memref<8192x512xf32, #tpu.memory_space<hbm>> -> memref<64x512xf32, #tpu.memory_space<hbm>>
    tpu.wait_dma2 semaphore(%arg14 : memref<!tpu.dma_semaphore, #tpu.memory_space<semaphore_mem>>) src(%arg9 : memref<64x512xf32, #tpu.memory_space<vmem>>) dst(%dma_wait3A_157 : memref<64x512xf32, #tpu.memory_space<hbm>>)
    %run_scoped3A_158 = arith.constant 1 : i32
    %run_scoped3A_159 = arith.constant 0 : i32
    "tpu.region"() ({
      %run_scoped3A_182 = tpu.sem_alloc : memref<!tpu.dma_semaphore, #tpu.memory_space<semaphore_mem>>
      %dma_start3A_183 = arith.constant 64 : i32
      %dma_start3A_184 = tpu.memref_slice %arg8[%run_scoped3A_158, %run_scoped3A_159, %dma_start3A_183] : memref<2x2x128xi32, #tpu.memory_space<vmem>> -> memref<1x1x64xi32, #tpu.memory_space<vmem>>
      %dma_start3A_185 = tpu.memref_squeeze %dma_start3A_184 : memref<1x1x64xi32, #tpu.memory_space<vmem>> -> memref<64xi32, #tpu.memory_space<vmem>>
      %dma_start3A_186 = arith.constant 0 : i32
      %dma_start3A_187 = arith.constant 0 : i32
      %dma_start3A_188 = tpu.memref_slice %arg2[%dma_start3A_186, %dma_start3A_187] : memref<100000x512xf32, #tpu.memory_space<hbm>> -> memref<100000x512xf32, #tpu.memory_space<hbm>>
      tpu.enqueue_indirect_dma source(%dma_start3A_188 : memref<100000x512xf32, #tpu.memory_space<hbm>>) target(%arg9 : memref<64x512xf32, #tpu.memory_space<vmem>>) offsets(%dma_start3A_185 : memref<64xi32, #tpu.memory_space<vmem>>) semaphore(%run_scoped3A_182 : memref<!tpu.dma_semaphore, #tpu.memory_space<semaphore_mem>>)
      %dma_wait3A_189 = arith.constant 64 : i32
      %dma_wait3A_190 = tpu.memref_slice %arg8[%run_scoped3A_158, %run_scoped3A_159, %dma_wait3A_189] : memref<2x2x128xi32, #tpu.memory_space<vmem>> -> memref<1x1x64xi32, #tpu.memory_space<vmem>>
      %dma_wait3A_191 = tpu.memref_squeeze %dma_wait3A_190 : memref<1x1x64xi32, #tpu.memory_space<vmem>> -> memref<64xi32, #tpu.memory_space<vmem>>
      %dma_wait3A_192 = arith.constant 0 : i32
      %dma_wait3A_193 = arith.constant 0 : i32
      %dma_wait3A_194 = tpu.memref_slice %arg2[%dma_wait3A_192, %dma_wait3A_193] : memref<100000x512xf32, #tpu.memory_space<hbm>> -> memref<100000x512xf32, #tpu.memory_space<hbm>>
      tpu.wait_indirect_dma semaphore(%run_scoped3A_182 : memref<!tpu.dma_semaphore, #tpu.memory_space<semaphore_mem>>) src(%dma_wait3A_194 : memref<100000x512xf32, #tpu.memory_space<hbm>>) dst(%arg9 : memref<64x512xf32, #tpu.memory_space<vmem>>)
      tpu.yield
    }) : () -> ()
    %add3A_160 = arith.constant 64 : i32
    %add3A_161 = arith.addi %add3A_109, %add3A_160 : i32
    %dma_start3A_162 = arith.constant 0 : i32
    %dma_start3A_163 = tpu.memref_slice %arg6[%add3A_161, %dma_start3A_162] : memref<8192x512xf32, #tpu.memory_space<hbm>> -> memref<64x512xf32, #tpu.memory_space<hbm>>
    %dma_start3A_164 = arith.constant 0 : i32
    %dma_start3A_165 = tpu.memref_slice %arg6[%add3A_161, %dma_start3A_164] : memref<8192x512xf32, #tpu.memory_space<hbm>> -> memref<64x512xf32, #tpu.memory_space<hbm>>
    tpu.enqueue_dma source(%arg9 : memref<64x512xf32, #tpu.memory_space<vmem>>) target(%dma_start3A_165 : memref<64x512xf32, #tpu.memory_space<hbm>>) target_semaphore(%arg14 : memref<!tpu.dma_semaphore, #tpu.memory_space<semaphore_mem>>)
    %dma_wait3A_166 = arith.constant 0 : i32
    %dma_wait3A_167 = tpu.memref_slice %arg6[%add3A_161, %dma_wait3A_166] : memref<8192x512xf32, #tpu.memory_space<hbm>> -> memref<64x512xf32, #tpu.memory_space<hbm>>
    %dma_wait3A_168 = arith.constant 0 : i32
    %dma_wait3A_169 = tpu.memref_slice %arg6[%add3A_161, %dma_wait3A_168] : memref<8192x512xf32, #tpu.memory_space<hbm>> -> memref<64x512xf32, #tpu.memory_space<hbm>>
    tpu.wait_dma2 semaphore(%arg14 : memref<!tpu.dma_semaphore, #tpu.memory_space<semaphore_mem>>) src(%arg9 : memref<64x512xf32, #tpu.memory_space<vmem>>) dst(%dma_wait3A_169 : memref<64x512xf32, #tpu.memory_space<hbm>>)
    %dma_wait3A_170 = arith.constant 0 : i32
    %dma_wait3A_171 = tpu.memref_slice %arg6[%add3A_103, %dma_wait3A_170] : memref<8192x512xf32, #tpu.memory_space<hbm>> -> memref<64x512xf32, #tpu.memory_space<hbm>>
    %dma_wait3A_172 = arith.constant 0 : i32
    %dma_wait3A_173 = tpu.memref_slice %arg6[%add3A_103, %dma_wait3A_172] : memref<8192x512xf32, #tpu.memory_space<hbm>> -> memref<64x512xf32, #tpu.memory_space<hbm>>
    tpu.wait_dma2 semaphore(%arg15 : memref<!tpu.dma_semaphore, #tpu.memory_space<semaphore_mem>>) src(%arg10 : memref<64x512xf32, #tpu.memory_space<vmem>>) dst(%dma_wait3A_173 : memref<64x512xf32, #tpu.memory_space<hbm>>)
    %dma_wait3A_174 = arith.constant 0 : i32
    %dma_wait3A_175 = tpu.memref_slice %arg6[%add3A_149, %dma_wait3A_174] : memref<8192x512xf32, #tpu.memory_space<hbm>> -> memref<64x512xf32, #tpu.memory_space<hbm>>
    %dma_wait3A_176 = arith.constant 0 : i32
    %dma_wait3A_177 = tpu.memref_slice %arg6[%add3A_149, %dma_wait3A_176] : memref<8192x512xf32, #tpu.memory_space<hbm>> -> memref<64x512xf32, #tpu.memory_space<hbm>>
    tpu.wait_dma2 semaphore(%arg16 : memref<!tpu.dma_semaphore, #tpu.memory_space<semaphore_mem>>) src(%arg11 : memref<64x512xf32, #tpu.memory_space<vmem>>) dst(%dma_wait3A_177 : memref<64x512xf32, #tpu.memory_space<hbm>>)
    %dma_wait3A_178 = arith.constant 0 : i32
    %dma_wait3A_179 = tpu.memref_slice %arg7[%add3A_109, %dma_wait3A_178] : memref<8192x128xf32, #tpu.memory_space<hbm>> -> memref<128x128xf32, #tpu.memory_space<hbm>>
    %dma_wait3A_180 = arith.constant 0 : i32
    %dma_wait3A_181 = tpu.memref_slice %arg7[%add3A_109, %dma_wait3A_180] : memref<8192x128xf32, #tpu.memory_space<hbm>> -> memref<128x128xf32, #tpu.memory_space<hbm>>
    tpu.wait_dma2 semaphore(%arg17 : memref<!tpu.dma_semaphore, #tpu.memory_space<semaphore_mem>>) src(%arg12 : memref<128x128xf32, #tpu.memory_space<vmem>>) dst(%dma_wait3A_181 : memref<128x128xf32, #tpu.memory_space<hbm>>)
    return
  }
}

module attributes {stable_mosaic.version = 14 : i64} {
  func.func @_fused_body(%arg0: i32, %arg1: memref<2048x128xbf16, #tpu.memory_space<vmem>>, %arg2: memref<2048x128xf32, #tpu.memory_space<vmem>>, %arg3: memref<2048x512xf32, #tpu.memory_space<vmem>>, %arg4: memref<128x352xf32, #tpu.memory_space<vmem>>, %arg5: memref<352x128xf32, #tpu.memory_space<vmem>>, %arg6: memref<128x352xbf16, #tpu.memory_space<vmem>>, %arg7: memref<128x64xf32, #tpu.memory_space<vmem>>, %arg8: memref<192x512xf32, #tpu.memory_space<vmem>>, %arg9: memref<1x512xf32, #tpu.memory_space<vmem>>, %arg10: memref<512x512xf32, #tpu.memory_space<vmem>>, %arg11: memref<1x512xf32, #tpu.memory_space<vmem>>, %arg12: memref<1x1xf32, #tpu.memory_space<vmem>>, %arg13: memref<2048x512xf32, #tpu.memory_space<vmem>>) attributes {dimension_semantics = [#tpu.dimension_semantics<arbitrary>], iteration_bounds = array<i64: 4>, scalar_prefetch = 0 : i64, scratch_operands = 0 : i64, tpu.core_type = #tpu.core_type<tc>, window_params = [{transform_indices = @transform_0, window_bounds = array<i64: 2048, 128>}, {transform_indices = @transform_1, window_bounds = array<i64: 2048, 128>}, {transform_indices = @transform_2, window_bounds = array<i64: 2048, 512>}, {pipeline_mode = #tpu.pipeline_mode<synchronous>, transform_indices = @transform_3, window_bounds = array<i64: 128, 352>}, {pipeline_mode = #tpu.pipeline_mode<synchronous>, transform_indices = @transform_4, window_bounds = array<i64: 352, 128>}, {pipeline_mode = #tpu.pipeline_mode<synchronous>, transform_indices = @transform_5, window_bounds = array<i64: 128, 352>}, {pipeline_mode = #tpu.pipeline_mode<synchronous>, transform_indices = @transform_6, window_bounds = array<i64: 128, 64>}, {pipeline_mode = #tpu.pipeline_mode<synchronous>, transform_indices = @transform_7, window_bounds = array<i64: 192, 512>}, {pipeline_mode = #tpu.pipeline_mode<synchronous>, transform_indices = @transform_8, window_bounds = array<i64: 1, 512>}, {pipeline_mode = #tpu.pipeline_mode<synchronous>, transform_indices = @transform_9, window_bounds = array<i64: 512, 512>}, {pipeline_mode = #tpu.pipeline_mode<synchronous>, transform_indices = @transform_10, window_bounds = array<i64: 1, 512>}, {pipeline_mode = #tpu.pipeline_mode<synchronous>, transform_indices = @transform_11, window_bounds = array<i64: 1, 1>}, {transform_indices = @transform_12, window_bounds = array<i64: 2048, 512>}]} {
    %get3A = arith.constant 0 : index
    %get3A_0 = arith.constant 0 : index
    %get3A_1 = vector.load %arg2[%get3A, %get3A_0] : memref<2048x128xf32, #tpu.memory_space<vmem>>, vector<2048x128xf32>
    %convert_element_type3A = arith.truncf %get3A_1 : vector<2048x128xf32> to vector<2048x128xbf16>
    %get3A_2 = arith.constant 0 : index
    %get3A_3 = arith.constant 0 : index
    %get3A_4 = vector.load %arg4[%get3A_2, %get3A_3] : memref<128x352xf32, #tpu.memory_space<vmem>>, vector<128x352xf32>
    %convert_element_type3A_5 = arith.truncf %get3A_4 : vector<128x352xf32> to vector<128x352xbf16>
    %dot_general3A = arith.constant dense<0.000000e+00> : vector<2048x352xf32>
    %dot_general3A_6 = tpu.matmul %convert_element_type3A, %convert_element_type3A_5, %dot_general3A {dimension_numbers = #tpu.dot_dimension_numbers<[1], [0], [0], [1], [0, 0, 1, 1], [], []>, transpose_lhs_hint = false} : vector<2048x128xbf16>, vector<128x352xbf16>, vector<2048x352xf32> -> vector<2048x352xf32>
    %get3A_7 = arith.constant 0 : index
    %get3A_8 = arith.constant 0 : index
    %get3A_9 = vector.load %arg1[%get3A_7, %get3A_8] : memref<2048x128xbf16, #tpu.memory_space<vmem>>, vector<2048x128xbf16>
    %get3A_10 = arith.constant 0 : index
    %get3A_11 = arith.constant 0 : index
    %get3A_12 = vector.load %arg6[%get3A_10, %get3A_11] : memref<128x352xbf16, #tpu.memory_space<vmem>>, vector<128x352xbf16>
    %dot_general3A_13 = arith.constant dense<0.000000e+00> : vector<2048x352xf32>
    %dot_general3A_14 = tpu.matmul %get3A_9, %get3A_12, %dot_general3A_13 {dimension_numbers = #tpu.dot_dimension_numbers<[1], [0], [0], [1], [0, 0, 1, 1], [], []>, transpose_lhs_hint = false} : vector<2048x128xbf16>, vector<128x352xbf16>, vector<2048x352xf32> -> vector<2048x352xf32>
    %convert_element_type3A_15 = arith.truncf %dot_general3A_6 : vector<2048x352xf32> to vector<2048x352xbf16>
    %convert_element_type3A_16 = arith.truncf %dot_general3A_14 : vector<2048x352xf32> to vector<2048x352xbf16>
    %mul3A = arith.mulf %convert_element_type3A_15, %convert_element_type3A_16 : vector<2048x352xbf16>
    %get3A_17 = arith.constant 0 : index
    %get3A_18 = arith.constant 0 : index
    %get3A_19 = vector.load %arg5[%get3A_17, %get3A_18] : memref<352x128xf32, #tpu.memory_space<vmem>>, vector<352x128xf32>
    %convert_element_type3A_20 = arith.truncf %get3A_19 : vector<352x128xf32> to vector<352x128xbf16>
    %dot_general3A_21 = arith.constant dense<0.000000e+00> : vector<2048x128xf32>
    %dot_general3A_22 = tpu.matmul %mul3A, %convert_element_type3A_20, %dot_general3A_21 {dimension_numbers = #tpu.dot_dimension_numbers<[1], [0], [0], [1], [0, 0, 1, 1], [], []>, transpose_lhs_hint = false} : vector<2048x352xbf16>, vector<352x128xbf16>, vector<2048x128xf32> -> vector<2048x128xf32>
    %get3A_23 = arith.constant 0 : index
    %get3A_24 = arith.constant 0 : index
    %get3A_25 = vector.load %arg7[%get3A_23, %get3A_24] : memref<128x64xf32, #tpu.memory_space<vmem>>, vector<128x64xf32>
    %convert_element_type3A_26 = arith.truncf %get3A_25 : vector<128x64xf32> to vector<128x64xbf16>
    %dot_general3A_27 = arith.constant dense<0.000000e+00> : vector<2048x64xf32>
    %dot_general3A_28 = tpu.matmul %get3A_9, %convert_element_type3A_26, %dot_general3A_27 {dimension_numbers = #tpu.dot_dimension_numbers<[1], [0], [0], [1], [0, 0, 1, 1], [], []>, transpose_lhs_hint = false} : vector<2048x128xbf16>, vector<128x64xbf16>, vector<2048x64xf32> -> vector<2048x64xf32>
    %convert_element_type3A_29 = arith.truncf %dot_general3A_22 : vector<2048x128xf32> to vector<2048x128xbf16>
    %convert_element_type3A_30 = arith.truncf %dot_general3A_28 : vector<2048x64xf32> to vector<2048x64xbf16>
    %concatenate3A = tpu.concatenate %convert_element_type3A_29, %convert_element_type3A_30 in 1 : vector<2048x128xbf16>, vector<2048x64xbf16> -> vector<2048x192xbf16>
    %get3A_31 = arith.constant 0 : index
    %get3A_32 = arith.constant 0 : index
    %get3A_33 = vector.load %arg8[%get3A_31, %get3A_32] : memref<192x512xf32, #tpu.memory_space<vmem>>, vector<192x512xf32>
    %convert_element_type3A_34 = arith.truncf %get3A_33 : vector<192x512xf32> to vector<192x512xbf16>
    %dot_general3A_35 = arith.constant dense<0.000000e+00> : vector<2048x512xf32>
    %dot_general3A_36 = tpu.matmul %concatenate3A, %convert_element_type3A_34, %dot_general3A_35 {dimension_numbers = #tpu.dot_dimension_numbers<[1], [0], [0], [1], [0, 0, 1, 1], [], []>, transpose_lhs_hint = false} : vector<2048x192xbf16>, vector<192x512xbf16>, vector<2048x512xf32> -> vector<2048x512xf32>
    %get3A_37 = arith.constant 0 : index
    %get3A_38 = arith.constant 0 : index
    %get3A_39 = vector.load %arg9[%get3A_37, %get3A_38] : memref<1x512xf32, #tpu.memory_space<vmem>>, vector<1x512xf32>
    %add3A = vector.broadcast %get3A_39 : vector<1x512xf32> to vector<2048x512xf32>
    %add3A_40 = arith.addf %dot_general3A_36, %add3A : vector<2048x512xf32>
    %mul3A_41 = arith.constant 5.000000e-01 : f32
    %mul3A_42 = vector.broadcast %mul3A_41 : f32 to vector<2048x512xf32>
    %mul3A_43 = arith.mulf %mul3A_42, %add3A_40 : vector<2048x512xf32>
    %mul3A_44 = arith.constant 0.707106769 : f32
    %mul3A_45 = vector.broadcast %mul3A_44 : f32 to vector<2048x512xf32>
    %mul3A_46 = arith.mulf %add3A_40, %mul3A_45 : vector<2048x512xf32>
    %erf3A = math.erf %mul3A_46 : vector<2048x512xf32>
    %add3A_47 = arith.constant 1.000000e+00 : f32
    %add3A_48 = vector.broadcast %add3A_47 : f32 to vector<2048x512xf32>
    %add3A_49 = arith.addf %add3A_48, %erf3A : vector<2048x512xf32>
    %mul3A_50 = arith.mulf %mul3A_43, %add3A_49 : vector<2048x512xf32>
    %convert_element_type3A_51 = arith.truncf %mul3A_50 : vector<2048x512xf32> to vector<2048x512xbf16>
    %get3A_52 = arith.constant 0 : index
    %get3A_53 = arith.constant 0 : index
    %get3A_54 = vector.load %arg10[%get3A_52, %get3A_53] : memref<512x512xf32, #tpu.memory_space<vmem>>, vector<512x512xf32>
    %convert_element_type3A_55 = arith.truncf %get3A_54 : vector<512x512xf32> to vector<512x512xbf16>
    %dot_general3A_56 = arith.constant dense<0.000000e+00> : vector<2048x512xf32>
    %dot_general3A_57 = tpu.matmul %convert_element_type3A_51, %convert_element_type3A_55, %dot_general3A_56 {dimension_numbers = #tpu.dot_dimension_numbers<[1], [0], [0], [1], [0, 0, 1, 1], [], []>, transpose_lhs_hint = false} : vector<2048x512xbf16>, vector<512x512xbf16>, vector<2048x512xf32> -> vector<2048x512xf32>
    %get3A_58 = arith.constant 0 : index
    %get3A_59 = arith.constant 0 : index
    %get3A_60 = vector.load %arg11[%get3A_58, %get3A_59] : memref<1x512xf32, #tpu.memory_space<vmem>>, vector<1x512xf32>
    %add3A_61 = vector.broadcast %get3A_60 : vector<1x512xf32> to vector<2048x512xf32>
    %add3A_62 = arith.addf %dot_general3A_57, %add3A_61 : vector<2048x512xf32>
    %get3A_63 = arith.constant 0 : index
    %get3A_64 = arith.constant 0 : index
    %get3A_65 = vector.load %arg12[%get3A_63, %get3A_64] : memref<1x1xf32, #tpu.memory_space<vmem>>, vector<1x1xf32>
    %get3A_66 = vector.extract %get3A_65[0, 0] : f32 from vector<1x1xf32>
    %logistic3A = arith.negf %get3A_66 : f32
    %logistic3A_67 = math.exp %logistic3A : f32
    %logistic3A_68 = arith.constant 1.000000e+00 : f32
    %logistic3A_69 = arith.addf %logistic3A_68, %logistic3A_67 : f32
    %logistic3A_70 = arith.divf %logistic3A_68, %logistic3A_69 : f32
    %get3A_71 = arith.constant 0 : index
    %get3A_72 = arith.constant 0 : index
    %get3A_73 = vector.load %arg3[%get3A_71, %get3A_72] : memref<2048x512xf32, #tpu.memory_space<vmem>>, vector<2048x512xf32>
    %sub3A = arith.subf %add3A_62, %get3A_73 : vector<2048x512xf32>
    %mul3A_74 = vector.broadcast %logistic3A_70 : f32 to vector<2048x512xf32>
    %mul3A_75 = arith.mulf %mul3A_74, %sub3A : vector<2048x512xf32>
    %add3A_76 = arith.addf %get3A_73, %mul3A_75 : vector<2048x512xf32>
    %swap3A = arith.constant 0 : index
    %swap3A_77 = arith.constant 0 : index
    %swap3A_78 = vector.load %arg13[%swap3A, %swap3A_77] : memref<2048x512xf32, #tpu.memory_space<vmem>>, vector<2048x512xf32>
    tpu.vector_store %arg13[%swap3A, %swap3A_77], %add3A_76 {strides = array<i32>} : memref<2048x512xf32, #tpu.memory_space<vmem>>, vector<2048x512xf32>,
    return
  }
  func.func @transform_0(%arg0: i32) -> (i32, i32) {
    %add3A = arith.constant 0 : i32
    %add3A_0 = arith.addi %add3A, %arg0 : i32
    %c0_i32 = arith.constant 0 : i32
    %c0_i32_1 = arith.constant 0 : i32
    return %add3A_0, %c0_i32 : i32, i32
  }
  func.func @transform_1(%arg0: i32) -> (i32, i32) {
    %c0_i32 = arith.constant 0 : i32
    %c0_i32_0 = arith.constant 0 : i32
    return %arg0, %c0_i32 : i32, i32
  }
  func.func @transform_2(%arg0: i32) -> (i32, i32) {
    %c0_i32 = arith.constant 0 : i32
    %c0_i32_0 = arith.constant 0 : i32
    return %arg0, %c0_i32 : i32, i32
  }
  func.func @transform_3(%arg0: i32) -> (i32, i32) {
    %c0_i32 = arith.constant 0 : i32
    %c0_i32_0 = arith.constant 0 : i32
    %c0_i32_1 = arith.constant 0 : i32
    return %c0_i32, %c0_i32_0 : i32, i32
  }
  func.func @transform_4(%arg0: i32) -> (i32, i32) {
    %c0_i32 = arith.constant 0 : i32
    %c0_i32_0 = arith.constant 0 : i32
    %c0_i32_1 = arith.constant 0 : i32
    return %c0_i32, %c0_i32_0 : i32, i32
  }
  func.func @transform_5(%arg0: i32) -> (i32, i32) {
    %c0_i32 = arith.constant 0 : i32
    %c0_i32_0 = arith.constant 0 : i32
    %c0_i32_1 = arith.constant 0 : i32
    return %c0_i32, %c0_i32_0 : i32, i32
  }
  func.func @transform_6(%arg0: i32) -> (i32, i32) {
    %c0_i32 = arith.constant 0 : i32
    %c0_i32_0 = arith.constant 0 : i32
    %c0_i32_1 = arith.constant 0 : i32
    return %c0_i32, %c0_i32_0 : i32, i32
  }
  func.func @transform_7(%arg0: i32) -> (i32, i32) {
    %c0_i32 = arith.constant 0 : i32
    %c0_i32_0 = arith.constant 0 : i32
    %c0_i32_1 = arith.constant 0 : i32
    return %c0_i32, %c0_i32_0 : i32, i32
  }
  func.func @transform_8(%arg0: i32) -> (i32, i32) {
    %c0_i32 = arith.constant 0 : i32
    %c0_i32_0 = arith.constant 0 : i32
    %c0_i32_1 = arith.constant 0 : i32
    return %c0_i32, %c0_i32_0 : i32, i32
  }
  func.func @transform_9(%arg0: i32) -> (i32, i32) {
    %c0_i32 = arith.constant 0 : i32
    %c0_i32_0 = arith.constant 0 : i32
    %c0_i32_1 = arith.constant 0 : i32
    return %c0_i32, %c0_i32_0 : i32, i32
  }
  func.func @transform_10(%arg0: i32) -> (i32, i32) {
    %c0_i32 = arith.constant 0 : i32
    %c0_i32_0 = arith.constant 0 : i32
    %c0_i32_1 = arith.constant 0 : i32
    return %c0_i32, %c0_i32_0 : i32, i32
  }
  func.func @transform_11(%arg0: i32) -> (i32, i32) {
    %c0_i32 = arith.constant 0 : i32
    %c0_i32_0 = arith.constant 0 : i32
    %c0_i32_1 = arith.constant 0 : i32
    return %c0_i32, %c0_i32_0 : i32, i32
  }
  func.func @transform_12(%arg0: i32) -> (i32, i32) {
    %add3A = arith.constant 0 : i32
    %add3A_0 = arith.addi %add3A, %arg0 : i32
    %c0_i32 = arith.constant 0 : i32
    %c0_i32_1 = arith.constant 0 : i32
    return %add3A_0, %c0_i32 : i32, i32
  }
}

module attributes {stable_mosaic.version = 14 : i64} {
  func.func @_lambda_(%arg0: i32, %arg1: memref<8x128xf32, #tpu.memory_space<vmem>>, %arg2: memref<2048x128xbf16, #tpu.memory_space<vmem>>, %arg3: memref<2048x128xf32, #tpu.memory_space<vmem>>, %arg4: memref<2048x512xf32, #tpu.memory_space<vmem>>, %arg5: memref<128x352xf32, #tpu.memory_space<vmem>>, %arg6: memref<352x128xf32, #tpu.memory_space<vmem>>, %arg7: memref<128x352xbf16, #tpu.memory_space<vmem>>, %arg8: memref<128x64xf32, #tpu.memory_space<vmem>>, %arg9: memref<192x512xf32, #tpu.memory_space<vmem>>, %arg10: memref<1x512xf32, #tpu.memory_space<vmem>>, %arg11: memref<512x512xf32, #tpu.memory_space<vmem>>, %arg12: memref<1x512xf32, #tpu.memory_space<vmem>>, %arg13: memref<1x1xf32, #tpu.memory_space<vmem>>, %arg14: memref<2048x512xf32, #tpu.memory_space<vmem>>) attributes {dimension_semantics = [#tpu.dimension_semantics<arbitrary>], iteration_bounds = array<i64: 4>, scalar_prefetch = 0 : i64, scratch_operands = 0 : i64, tpu.core_type = #tpu.core_type<tc>, window_params = [{transform_indices = @transform_0, window_bounds = array<i64: 8, 128>}, {transform_indices = @transform_1, window_bounds = array<i64: 2048, 128>}, {transform_indices = @transform_2, window_bounds = array<i64: 2048, 128>}, {transform_indices = @transform_3, window_bounds = array<i64: 2048, 512>}, {pipeline_mode = #tpu.pipeline_mode<synchronous>, transform_indices = @transform_4, window_bounds = array<i64: 128, 352>}, {pipeline_mode = #tpu.pipeline_mode<synchronous>, transform_indices = @transform_5, window_bounds = array<i64: 352, 128>}, {pipeline_mode = #tpu.pipeline_mode<synchronous>, transform_indices = @transform_6, window_bounds = array<i64: 128, 352>}, {pipeline_mode = #tpu.pipeline_mode<synchronous>, transform_indices = @transform_7, window_bounds = array<i64: 128, 64>}, {pipeline_mode = #tpu.pipeline_mode<synchronous>, transform_indices = @transform_8, window_bounds = array<i64: 192, 512>}, {pipeline_mode = #tpu.pipeline_mode<synchronous>, transform_indices = @transform_9, window_bounds = array<i64: 1, 512>}, {pipeline_mode = #tpu.pipeline_mode<synchronous>, transform_indices = @transform_10, window_bounds = array<i64: 512, 512>}, {pipeline_mode = #tpu.pipeline_mode<synchronous>, transform_indices = @transform_11, window_bounds = array<i64: 1, 512>}, {pipeline_mode = #tpu.pipeline_mode<synchronous>, transform_indices = @transform_12, window_bounds = array<i64: 1, 1>}, {transform_indices = @transform_13, window_bounds = array<i64: 2048, 512>}]} {
    %get3A = arith.constant 0 : index
    %get3A_0 = arith.constant 0 : index
    %get3A_1 = vector.load %arg3[%get3A, %get3A_0] : memref<2048x128xf32, #tpu.memory_space<vmem>>, vector<2048x128xf32>
    %convert_element_type3A = arith.truncf %get3A_1 : vector<2048x128xf32> to vector<2048x128xbf16>
    %get3A_2 = arith.constant 0 : index
    %get3A_3 = arith.constant 0 : index
    %get3A_4 = vector.load %arg5[%get3A_2, %get3A_3] : memref<128x352xf32, #tpu.memory_space<vmem>>, vector<128x352xf32>
    %convert_element_type3A_5 = arith.truncf %get3A_4 : vector<128x352xf32> to vector<128x352xbf16>
    %dot_general3A = arith.constant dense<0.000000e+00> : vector<2048x352xf32>
    %dot_general3A_6 = tpu.matmul %convert_element_type3A, %convert_element_type3A_5, %dot_general3A {dimension_numbers = #tpu.dot_dimension_numbers<[1], [0], [0], [1], [0, 0, 1, 1], [], []>, transpose_lhs_hint = false} : vector<2048x128xbf16>, vector<128x352xbf16>, vector<2048x352xf32> -> vector<2048x352xf32>
    %get3A_7 = arith.constant 0 : index
    %get3A_8 = arith.constant 0 : index
    %get3A_9 = vector.load %arg2[%get3A_7, %get3A_8] : memref<2048x128xbf16, #tpu.memory_space<vmem>>, vector<2048x128xbf16>
    %get3A_10 = arith.constant 0 : index
    %get3A_11 = arith.constant 0 : index
    %get3A_12 = vector.load %arg7[%get3A_10, %get3A_11] : memref<128x352xbf16, #tpu.memory_space<vmem>>, vector<128x352xbf16>
    %dot_general3A_13 = arith.constant dense<0.000000e+00> : vector<2048x352xf32>
    %dot_general3A_14 = tpu.matmul %get3A_9, %get3A_12, %dot_general3A_13 {dimension_numbers = #tpu.dot_dimension_numbers<[1], [0], [0], [1], [0, 0, 1, 1], [], []>, transpose_lhs_hint = false} : vector<2048x128xbf16>, vector<128x352xbf16>, vector<2048x352xf32> -> vector<2048x352xf32>
    %convert_element_type3A_15 = arith.truncf %dot_general3A_6 : vector<2048x352xf32> to vector<2048x352xbf16>
    %convert_element_type3A_16 = arith.truncf %dot_general3A_14 : vector<2048x352xf32> to vector<2048x352xbf16>
    %mul3A = arith.mulf %convert_element_type3A_15, %convert_element_type3A_16 : vector<2048x352xbf16>
    %get3A_17 = arith.constant 0 : index
    %get3A_18 = arith.constant 0 : index
    %get3A_19 = vector.load %arg6[%get3A_17, %get3A_18] : memref<352x128xf32, #tpu.memory_space<vmem>>, vector<352x128xf32>
    %convert_element_type3A_20 = arith.truncf %get3A_19 : vector<352x128xf32> to vector<352x128xbf16>
    %dot_general3A_21 = arith.constant dense<0.000000e+00> : vector<2048x128xf32>
    %dot_general3A_22 = tpu.matmul %mul3A, %convert_element_type3A_20, %dot_general3A_21 {dimension_numbers = #tpu.dot_dimension_numbers<[1], [0], [0], [1], [0, 0, 1, 1], [], []>, transpose_lhs_hint = false} : vector<2048x352xbf16>, vector<352x128xbf16>, vector<2048x128xf32> -> vector<2048x128xf32>
    %get3A_23 = arith.constant 0 : index
    %get3A_24 = arith.constant 0 : index
    %get3A_25 = vector.load %arg8[%get3A_23, %get3A_24] : memref<128x64xf32, #tpu.memory_space<vmem>>, vector<128x64xf32>
    %convert_element_type3A_26 = arith.truncf %get3A_25 : vector<128x64xf32> to vector<128x64xbf16>
    %dot_general3A_27 = arith.constant dense<0.000000e+00> : vector<2048x64xf32>
    %dot_general3A_28 = tpu.matmul %get3A_9, %convert_element_type3A_26, %dot_general3A_27 {dimension_numbers = #tpu.dot_dimension_numbers<[1], [0], [0], [1], [0, 0, 1, 1], [], []>, transpose_lhs_hint = false} : vector<2048x128xbf16>, vector<128x64xbf16>, vector<2048x64xf32> -> vector<2048x64xf32>
    %convert_element_type3A_29 = arith.truncf %dot_general3A_22 : vector<2048x128xf32> to vector<2048x128xbf16>
    %convert_element_type3A_30 = arith.truncf %dot_general3A_28 : vector<2048x64xf32> to vector<2048x64xbf16>
    %concatenate3A = tpu.concatenate %convert_element_type3A_29, %convert_element_type3A_30 in 1 : vector<2048x128xbf16>, vector<2048x64xbf16> -> vector<2048x192xbf16>
    %get3A_31 = arith.constant 0 : index
    %get3A_32 = arith.constant 0 : index
    %get3A_33 = vector.load %arg9[%get3A_31, %get3A_32] : memref<192x512xf32, #tpu.memory_space<vmem>>, vector<192x512xf32>
    %convert_element_type3A_34 = arith.truncf %get3A_33 : vector<192x512xf32> to vector<192x512xbf16>
    %dot_general3A_35 = arith.constant dense<0.000000e+00> : vector<2048x512xf32>
    %dot_general3A_36 = tpu.matmul %concatenate3A, %convert_element_type3A_34, %dot_general3A_35 {dimension_numbers = #tpu.dot_dimension_numbers<[1], [0], [0], [1], [0, 0, 1, 1], [], []>, transpose_lhs_hint = false} : vector<2048x192xbf16>, vector<192x512xbf16>, vector<2048x512xf32> -> vector<2048x512xf32>
    %get3A_37 = arith.constant 0 : index
    %get3A_38 = arith.constant 0 : index
    %get3A_39 = vector.load %arg10[%get3A_37, %get3A_38] : memref<1x512xf32, #tpu.memory_space<vmem>>, vector<1x512xf32>
    %add3A = vector.broadcast %get3A_39 : vector<1x512xf32> to vector<2048x512xf32>
    %add3A_40 = arith.addf %dot_general3A_36, %add3A : vector<2048x512xf32>
    %mul3A_41 = arith.constant 5.000000e-01 : f32
    %mul3A_42 = vector.broadcast %mul3A_41 : f32 to vector<2048x512xf32>
    %mul3A_43 = arith.mulf %mul3A_42, %add3A_40 : vector<2048x512xf32>
    %mul3A_44 = arith.constant 0.707106769 : f32
    %mul3A_45 = vector.broadcast %mul3A_44 : f32 to vector<2048x512xf32>
    %mul3A_46 = arith.mulf %add3A_40, %mul3A_45 : vector<2048x512xf32>
    %erf3A = math.erf %mul3A_46 : vector<2048x512xf32>
    %add3A_47 = arith.constant 1.000000e+00 : f32
    %add3A_48 = vector.broadcast %add3A_47 : f32 to vector<2048x512xf32>
    %add3A_49 = arith.addf %add3A_48, %erf3A : vector<2048x512xf32>
    %mul3A_50 = arith.mulf %mul3A_43, %add3A_49 : vector<2048x512xf32>
    %convert_element_type3A_51 = arith.truncf %mul3A_50 : vector<2048x512xf32> to vector<2048x512xbf16>
    %get3A_52 = arith.constant 0 : index
    %get3A_53 = arith.constant 0 : index
    %get3A_54 = vector.load %arg11[%get3A_52, %get3A_53] : memref<512x512xf32, #tpu.memory_space<vmem>>, vector<512x512xf32>
    %convert_element_type3A_55 = arith.truncf %get3A_54 : vector<512x512xf32> to vector<512x512xbf16>
    %dot_general3A_56 = arith.constant dense<0.000000e+00> : vector<2048x512xf32>
    %dot_general3A_57 = tpu.matmul %convert_element_type3A_51, %convert_element_type3A_55, %dot_general3A_56 {dimension_numbers = #tpu.dot_dimension_numbers<[1], [0], [0], [1], [0, 0, 1, 1], [], []>, transpose_lhs_hint = false} : vector<2048x512xbf16>, vector<512x512xbf16>, vector<2048x512xf32> -> vector<2048x512xf32>
    %get3A_58 = arith.constant 0 : index
    %get3A_59 = arith.constant 0 : index
    %get3A_60 = vector.load %arg12[%get3A_58, %get3A_59] : memref<1x512xf32, #tpu.memory_space<vmem>>, vector<1x512xf32>
    %add3A_61 = vector.broadcast %get3A_60 : vector<1x512xf32> to vector<2048x512xf32>
    %add3A_62 = arith.addf %dot_general3A_57, %add3A_61 : vector<2048x512xf32>
    %get3A_63 = arith.constant 0 : index
    %get3A_64 = arith.constant 0 : index
    %get3A_65 = vector.load %arg13[%get3A_63, %get3A_64] : memref<1x1xf32, #tpu.memory_space<vmem>>, vector<1x1xf32>
    %get3A_66 = vector.extract %get3A_65[0, 0] : f32 from vector<1x1xf32>
    %logistic3A = arith.negf %get3A_66 : f32
    %logistic3A_67 = math.exp %logistic3A : f32
    %logistic3A_68 = arith.constant 1.000000e+00 : f32
    %logistic3A_69 = arith.addf %logistic3A_68, %logistic3A_67 : f32
    %logistic3A_70 = arith.divf %logistic3A_68, %logistic3A_69 : f32
    %get3A_71 = arith.constant 0 : index
    %get3A_72 = arith.constant 0 : index
    %get3A_73 = vector.load %arg4[%get3A_71, %get3A_72] : memref<2048x512xf32, #tpu.memory_space<vmem>>, vector<2048x512xf32>
    %sub3A = arith.subf %add3A_62, %get3A_73 : vector<2048x512xf32>
    %mul3A_74 = vector.broadcast %logistic3A_70 : f32 to vector<2048x512xf32>
    %mul3A_75 = arith.mulf %mul3A_74, %sub3A : vector<2048x512xf32>
    %add3A_76 = arith.addf %get3A_73, %mul3A_75 : vector<2048x512xf32>
    %swap3A = arith.constant 0 : index
    %swap3A_77 = arith.constant 0 : index
    %swap3A_78 = vector.load %arg14[%swap3A, %swap3A_77] : memref<2048x512xf32, #tpu.memory_space<vmem>>, vector<2048x512xf32>
    tpu.vector_store %arg14[%swap3A, %swap3A_77], %add3A_76 {strides = array<i32>} : memref<2048x512xf32, #tpu.memory_space<vmem>>, vector<2048x512xf32>,
    return
  }
  func.func @transform_0(%arg0: i32) -> (i32, i32) {
    %c0_i32 = arith.constant 0 : i32
    %c0_i32_0 = arith.constant 0 : i32
    %c0_i32_1 = arith.constant 0 : i32
    return %c0_i32, %c0_i32_0 : i32, i32
  }
  func.func @transform_1(%arg0: i32) -> (i32, i32) {
    %add3A = arith.constant 4 : i32
    %add3A_0 = arith.addi %add3A, %arg0 : i32
    %c0_i32 = arith.constant 0 : i32
    %c0_i32_1 = arith.constant 0 : i32
    return %add3A_0, %c0_i32 : i32, i32
  }
  func.func @transform_2(%arg0: i32) -> (i32, i32) {
    %c0_i32 = arith.constant 0 : i32
    %c0_i32_0 = arith.constant 0 : i32
    return %arg0, %c0_i32 : i32, i32
  }
  func.func @transform_3(%arg0: i32) -> (i32, i32) {
    %c0_i32 = arith.constant 0 : i32
    %c0_i32_0 = arith.constant 0 : i32
    return %arg0, %c0_i32 : i32, i32
  }
  func.func @transform_4(%arg0: i32) -> (i32, i32) {
    %c0_i32 = arith.constant 0 : i32
    %c0_i32_0 = arith.constant 0 : i32
    %c0_i32_1 = arith.constant 0 : i32
    return %c0_i32, %c0_i32_0 : i32, i32
  }
  func.func @transform_5(%arg0: i32) -> (i32, i32) {
    %c0_i32 = arith.constant 0 : i32
    %c0_i32_0 = arith.constant 0 : i32
    %c0_i32_1 = arith.constant 0 : i32
    return %c0_i32, %c0_i32_0 : i32, i32
  }
  func.func @transform_6(%arg0: i32) -> (i32, i32) {
    %c0_i32 = arith.constant 0 : i32
    %c0_i32_0 = arith.constant 0 : i32
    %c0_i32_1 = arith.constant 0 : i32
    return %c0_i32, %c0_i32_0 : i32, i32
  }
  func.func @transform_7(%arg0: i32) -> (i32, i32) {
    %c0_i32 = arith.constant 0 : i32
    %c0_i32_0 = arith.constant 0 : i32
    %c0_i32_1 = arith.constant 0 : i32
    return %c0_i32, %c0_i32_0 : i32, i32
  }
  func.func @transform_8(%arg0: i32) -> (i32, i32) {
    %c0_i32 = arith.constant 0 : i32
    %c0_i32_0 = arith.constant 0 : i32
    %c0_i32_1 = arith.constant 0 : i32
    return %c0_i32, %c0_i32_0 : i32, i32
  }
  func.func @transform_9(%arg0: i32) -> (i32, i32) {
    %c0_i32 = arith.constant 0 : i32
    %c0_i32_0 = arith.constant 0 : i32
    %c0_i32_1 = arith.constant 0 : i32
    return %c0_i32, %c0_i32_0 : i32, i32
  }
  func.func @transform_10(%arg0: i32) -> (i32, i32) {
    %c0_i32 = arith.constant 0 : i32
    %c0_i32_0 = arith.constant 0 : i32
    %c0_i32_1 = arith.constant 0 : i32
    return %c0_i32, %c0_i32_0 : i32, i32
  }
  func.func @transform_11(%arg0: i32) -> (i32, i32) {
    %c0_i32 = arith.constant 0 : i32
    %c0_i32_0 = arith.constant 0 : i32
    %c0_i32_1 = arith.constant 0 : i32
    return %c0_i32, %c0_i32_0 : i32, i32
  }
  func.func @transform_12(%arg0: i32) -> (i32, i32) {
    %c0_i32 = arith.constant 0 : i32
    %c0_i32_0 = arith.constant 0 : i32
    %c0_i32_1 = arith.constant 0 : i32
    return %c0_i32, %c0_i32_0 : i32, i32
  }
  func.func @transform_13(%arg0: i32) -> (i32, i32) {
    %add3A = arith.constant 4 : i32
    %add3A_0 = arith.addi %add3A, %arg0 : i32
    %c0_i32 = arith.constant 0 : i32
    %c0_i32_1 = arith.constant 0 : i32
    return %add3A_0, %c0_i32 : i32, i32
  }
}

module attributes {stable_mosaic.version = 14 : i64} {
  func.func @_lambda_(%arg0: i32, %arg1: memref<8x128xf32, #tpu.memory_space<vmem>>, %arg2: memref<2048x128xbf16, #tpu.memory_space<vmem>>, %arg3: memref<2048x128xf32, #tpu.memory_space<vmem>>, %arg4: memref<2048x512xf32, #tpu.memory_space<vmem>>, %arg5: memref<128x352xf32, #tpu.memory_space<vmem>>, %arg6: memref<352x128xf32, #tpu.memory_space<vmem>>, %arg7: memref<128x352xbf16, #tpu.memory_space<vmem>>, %arg8: memref<128x64xf32, #tpu.memory_space<vmem>>, %arg9: memref<192x512xf32, #tpu.memory_space<vmem>>, %arg10: memref<1x512xf32, #tpu.memory_space<vmem>>, %arg11: memref<512x512xf32, #tpu.memory_space<vmem>>, %arg12: memref<1x512xf32, #tpu.memory_space<vmem>>, %arg13: memref<1x1xf32, #tpu.memory_space<vmem>>, %arg14: memref<2048x512xf32, #tpu.memory_space<vmem>>) attributes {dimension_semantics = [#tpu.dimension_semantics<arbitrary>], iteration_bounds = array<i64: 4>, scalar_prefetch = 0 : i64, scratch_operands = 0 : i64, tpu.core_type = #tpu.core_type<tc>, window_params = [{transform_indices = @transform_0, window_bounds = array<i64: 8, 128>}, {transform_indices = @transform_1, window_bounds = array<i64: 2048, 128>}, {transform_indices = @transform_2, window_bounds = array<i64: 2048, 128>}, {transform_indices = @transform_3, window_bounds = array<i64: 2048, 512>}, {pipeline_mode = #tpu.pipeline_mode<synchronous>, transform_indices = @transform_4, window_bounds = array<i64: 128, 352>}, {pipeline_mode = #tpu.pipeline_mode<synchronous>, transform_indices = @transform_5, window_bounds = array<i64: 352, 128>}, {pipeline_mode = #tpu.pipeline_mode<synchronous>, transform_indices = @transform_6, window_bounds = array<i64: 128, 352>}, {pipeline_mode = #tpu.pipeline_mode<synchronous>, transform_indices = @transform_7, window_bounds = array<i64: 128, 64>}, {pipeline_mode = #tpu.pipeline_mode<synchronous>, transform_indices = @transform_8, window_bounds = array<i64: 192, 512>}, {pipeline_mode = #tpu.pipeline_mode<synchronous>, transform_indices = @transform_9, window_bounds = array<i64: 1, 512>}, {pipeline_mode = #tpu.pipeline_mode<synchronous>, transform_indices = @transform_10, window_bounds = array<i64: 512, 512>}, {pipeline_mode = #tpu.pipeline_mode<synchronous>, transform_indices = @transform_11, window_bounds = array<i64: 1, 512>}, {pipeline_mode = #tpu.pipeline_mode<synchronous>, transform_indices = @transform_12, window_bounds = array<i64: 1, 1>}, {transform_indices = @transform_13, window_bounds = array<i64: 2048, 512>}]} {
    %get3A = arith.constant 0 : index
    %get3A_0 = arith.constant 0 : index
    %get3A_1 = vector.load %arg3[%get3A, %get3A_0] : memref<2048x128xf32, #tpu.memory_space<vmem>>, vector<2048x128xf32>
    %convert_element_type3A = arith.truncf %get3A_1 : vector<2048x128xf32> to vector<2048x128xbf16>
    %get3A_2 = arith.constant 0 : index
    %get3A_3 = arith.constant 0 : index
    %get3A_4 = vector.load %arg5[%get3A_2, %get3A_3] : memref<128x352xf32, #tpu.memory_space<vmem>>, vector<128x352xf32>
    %convert_element_type3A_5 = arith.truncf %get3A_4 : vector<128x352xf32> to vector<128x352xbf16>
    %dot_general3A = arith.constant dense<0.000000e+00> : vector<2048x352xf32>
    %dot_general3A_6 = tpu.matmul %convert_element_type3A, %convert_element_type3A_5, %dot_general3A {dimension_numbers = #tpu.dot_dimension_numbers<[1], [0], [0], [1], [0, 0, 1, 1], [], []>, transpose_lhs_hint = false} : vector<2048x128xbf16>, vector<128x352xbf16>, vector<2048x352xf32> -> vector<2048x352xf32>
    %get3A_7 = arith.constant 0 : index
    %get3A_8 = arith.constant 0 : index
    %get3A_9 = vector.load %arg2[%get3A_7, %get3A_8] : memref<2048x128xbf16, #tpu.memory_space<vmem>>, vector<2048x128xbf16>
    %get3A_10 = arith.constant 0 : index
    %get3A_11 = arith.constant 0 : index
    %get3A_12 = vector.load %arg7[%get3A_10, %get3A_11] : memref<128x352xbf16, #tpu.memory_space<vmem>>, vector<128x352xbf16>
    %dot_general3A_13 = arith.constant dense<0.000000e+00> : vector<2048x352xf32>
    %dot_general3A_14 = tpu.matmul %get3A_9, %get3A_12, %dot_general3A_13 {dimension_numbers = #tpu.dot_dimension_numbers<[1], [0], [0], [1], [0, 0, 1, 1], [], []>, transpose_lhs_hint = false} : vector<2048x128xbf16>, vector<128x352xbf16>, vector<2048x352xf32> -> vector<2048x352xf32>
    %convert_element_type3A_15 = arith.truncf %dot_general3A_6 : vector<2048x352xf32> to vector<2048x352xbf16>
    %convert_element_type3A_16 = arith.truncf %dot_general3A_14 : vector<2048x352xf32> to vector<2048x352xbf16>
    %mul3A = arith.mulf %convert_element_type3A_15, %convert_element_type3A_16 : vector<2048x352xbf16>
    %get3A_17 = arith.constant 0 : index
    %get3A_18 = arith.constant 0 : index
    %get3A_19 = vector.load %arg6[%get3A_17, %get3A_18] : memref<352x128xf32, #tpu.memory_space<vmem>>, vector<352x128xf32>
    %convert_element_type3A_20 = arith.truncf %get3A_19 : vector<352x128xf32> to vector<352x128xbf16>
    %dot_general3A_21 = arith.constant dense<0.000000e+00> : vector<2048x128xf32>
    %dot_general3A_22 = tpu.matmul %mul3A, %convert_element_type3A_20, %dot_general3A_21 {dimension_numbers = #tpu.dot_dimension_numbers<[1], [0], [0], [1], [0, 0, 1, 1], [], []>, transpose_lhs_hint = false} : vector<2048x352xbf16>, vector<352x128xbf16>, vector<2048x128xf32> -> vector<2048x128xf32>
    %get3A_23 = arith.constant 0 : index
    %get3A_24 = arith.constant 0 : index
    %get3A_25 = vector.load %arg8[%get3A_23, %get3A_24] : memref<128x64xf32, #tpu.memory_space<vmem>>, vector<128x64xf32>
    %convert_element_type3A_26 = arith.truncf %get3A_25 : vector<128x64xf32> to vector<128x64xbf16>
    %dot_general3A_27 = arith.constant dense<0.000000e+00> : vector<2048x64xf32>
    %dot_general3A_28 = tpu.matmul %get3A_9, %convert_element_type3A_26, %dot_general3A_27 {dimension_numbers = #tpu.dot_dimension_numbers<[1], [0], [0], [1], [0, 0, 1, 1], [], []>, transpose_lhs_hint = false} : vector<2048x128xbf16>, vector<128x64xbf16>, vector<2048x64xf32> -> vector<2048x64xf32>
    %convert_element_type3A_29 = arith.truncf %dot_general3A_22 : vector<2048x128xf32> to vector<2048x128xbf16>
    %convert_element_type3A_30 = arith.truncf %dot_general3A_28 : vector<2048x64xf32> to vector<2048x64xbf16>
    %concatenate3A = tpu.concatenate %convert_element_type3A_29, %convert_element_type3A_30 in 1 : vector<2048x128xbf16>, vector<2048x64xbf16> -> vector<2048x192xbf16>
    %get3A_31 = arith.constant 0 : index
    %get3A_32 = arith.constant 0 : index
    %get3A_33 = vector.load %arg9[%get3A_31, %get3A_32] : memref<192x512xf32, #tpu.memory_space<vmem>>, vector<192x512xf32>
    %convert_element_type3A_34 = arith.truncf %get3A_33 : vector<192x512xf32> to vector<192x512xbf16>
    %dot_general3A_35 = arith.constant dense<0.000000e+00> : vector<2048x512xf32>
    %dot_general3A_36 = tpu.matmul %concatenate3A, %convert_element_type3A_34, %dot_general3A_35 {dimension_numbers = #tpu.dot_dimension_numbers<[1], [0], [0], [1], [0, 0, 1, 1], [], []>, transpose_lhs_hint = false} : vector<2048x192xbf16>, vector<192x512xbf16>, vector<2048x512xf32> -> vector<2048x512xf32>
    %get3A_37 = arith.constant 0 : index
    %get3A_38 = arith.constant 0 : index
    %get3A_39 = vector.load %arg10[%get3A_37, %get3A_38] : memref<1x512xf32, #tpu.memory_space<vmem>>, vector<1x512xf32>
    %add3A = vector.broadcast %get3A_39 : vector<1x512xf32> to vector<2048x512xf32>
    %add3A_40 = arith.addf %dot_general3A_36, %add3A : vector<2048x512xf32>
    %mul3A_41 = arith.constant 5.000000e-01 : f32
    %mul3A_42 = vector.broadcast %mul3A_41 : f32 to vector<2048x512xf32>
    %mul3A_43 = arith.mulf %mul3A_42, %add3A_40 : vector<2048x512xf32>
    %mul3A_44 = arith.constant 0.707106769 : f32
    %mul3A_45 = vector.broadcast %mul3A_44 : f32 to vector<2048x512xf32>
    %mul3A_46 = arith.mulf %add3A_40, %mul3A_45 : vector<2048x512xf32>
    %erf3A = math.erf %mul3A_46 : vector<2048x512xf32>
    %add3A_47 = arith.constant 1.000000e+00 : f32
    %add3A_48 = vector.broadcast %add3A_47 : f32 to vector<2048x512xf32>
    %add3A_49 = arith.addf %add3A_48, %erf3A : vector<2048x512xf32>
    %mul3A_50 = arith.mulf %mul3A_43, %add3A_49 : vector<2048x512xf32>
    %convert_element_type3A_51 = arith.truncf %mul3A_50 : vector<2048x512xf32> to vector<2048x512xbf16>
    %get3A_52 = arith.constant 0 : index
    %get3A_53 = arith.constant 0 : index
    %get3A_54 = vector.load %arg11[%get3A_52, %get3A_53] : memref<512x512xf32, #tpu.memory_space<vmem>>, vector<512x512xf32>
    %convert_element_type3A_55 = arith.truncf %get3A_54 : vector<512x512xf32> to vector<512x512xbf16>
    %dot_general3A_56 = arith.constant dense<0.000000e+00> : vector<2048x512xf32>
    %dot_general3A_57 = tpu.matmul %convert_element_type3A_51, %convert_element_type3A_55, %dot_general3A_56 {dimension_numbers = #tpu.dot_dimension_numbers<[1], [0], [0], [1], [0, 0, 1, 1], [], []>, transpose_lhs_hint = false} : vector<2048x512xbf16>, vector<512x512xbf16>, vector<2048x512xf32> -> vector<2048x512xf32>
    %get3A_58 = arith.constant 0 : index
    %get3A_59 = arith.constant 0 : index
    %get3A_60 = vector.load %arg12[%get3A_58, %get3A_59] : memref<1x512xf32, #tpu.memory_space<vmem>>, vector<1x512xf32>
    %add3A_61 = vector.broadcast %get3A_60 : vector<1x512xf32> to vector<2048x512xf32>
    %add3A_62 = arith.addf %dot_general3A_57, %add3A_61 : vector<2048x512xf32>
    %get3A_63 = arith.constant 0 : index
    %get3A_64 = arith.constant 0 : index
    %get3A_65 = vector.load %arg13[%get3A_63, %get3A_64] : memref<1x1xf32, #tpu.memory_space<vmem>>, vector<1x1xf32>
    %get3A_66 = vector.extract %get3A_65[0, 0] : f32 from vector<1x1xf32>
    %logistic3A = arith.negf %get3A_66 : f32
    %logistic3A_67 = math.exp %logistic3A : f32
    %logistic3A_68 = arith.constant 1.000000e+00 : f32
    %logistic3A_69 = arith.addf %logistic3A_68, %logistic3A_67 : f32
    %logistic3A_70 = arith.divf %logistic3A_68, %logistic3A_69 : f32
    %get3A_71 = arith.constant 0 : index
    %get3A_72 = arith.constant 0 : index
    %get3A_73 = vector.load %arg4[%get3A_71, %get3A_72] : memref<2048x512xf32, #tpu.memory_space<vmem>>, vector<2048x512xf32>
    %sub3A = arith.subf %add3A_62, %get3A_73 : vector<2048x512xf32>
    %mul3A_74 = vector.broadcast %logistic3A_70 : f32 to vector<2048x512xf32>
    %mul3A_75 = arith.mulf %mul3A_74, %sub3A : vector<2048x512xf32>
    %add3A_76 = arith.addf %get3A_73, %mul3A_75 : vector<2048x512xf32>
    %swap3A = arith.constant 0 : index
    %swap3A_77 = arith.constant 0 : index
    %swap3A_78 = vector.load %arg14[%swap3A, %swap3A_77] : memref<2048x512xf32, #tpu.memory_space<vmem>>, vector<2048x512xf32>
    tpu.vector_store %arg14[%swap3A, %swap3A_77], %add3A_76 {strides = array<i32>} : memref<2048x512xf32, #tpu.memory_space<vmem>>, vector<2048x512xf32>,
    return
  }
  func.func @transform_0(%arg0: i32) -> (i32, i32) {
    %c0_i32 = arith.constant 0 : i32
    %c0_i32_0 = arith.constant 0 : i32
    %c0_i32_1 = arith.constant 0 : i32
    return %c0_i32, %c0_i32_0 : i32, i32
  }
  func.func @transform_1(%arg0: i32) -> (i32, i32) {
    %add3A = arith.constant 8 : i32
    %add3A_0 = arith.addi %add3A, %arg0 : i32
    %c0_i32 = arith.constant 0 : i32
    %c0_i32_1 = arith.constant 0 : i32
    return %add3A_0, %c0_i32 : i32, i32
  }
  func.func @transform_2(%arg0: i32) -> (i32, i32) {
    %c0_i32 = arith.constant 0 : i32
    %c0_i32_0 = arith.constant 0 : i32
    return %arg0, %c0_i32 : i32, i32
  }
  func.func @transform_3(%arg0: i32) -> (i32, i32) {
    %c0_i32 = arith.constant 0 : i32
    %c0_i32_0 = arith.constant 0 : i32
    return %arg0, %c0_i32 : i32, i32
  }
  func.func @transform_4(%arg0: i32) -> (i32, i32) {
    %c0_i32 = arith.constant 0 : i32
    %c0_i32_0 = arith.constant 0 : i32
    %c0_i32_1 = arith.constant 0 : i32
    return %c0_i32, %c0_i32_0 : i32, i32
  }
  func.func @transform_5(%arg0: i32) -> (i32, i32) {
    %c0_i32 = arith.constant 0 : i32
    %c0_i32_0 = arith.constant 0 : i32
    %c0_i32_1 = arith.constant 0 : i32
    return %c0_i32, %c0_i32_0 : i32, i32
  }
  func.func @transform_6(%arg0: i32) -> (i32, i32) {
    %c0_i32 = arith.constant 0 : i32
    %c0_i32_0 = arith.constant 0 : i32
    %c0_i32_1 = arith.constant 0 : i32
    return %c0_i32, %c0_i32_0 : i32, i32
  }
  func.func @transform_7(%arg0: i32) -> (i32, i32) {
    %c0_i32 = arith.constant 0 : i32
    %c0_i32_0 = arith.constant 0 : i32
    %c0_i32_1 = arith.constant 0 : i32
    return %c0_i32, %c0_i32_0 : i32, i32
  }
  func.func @transform_8(%arg0: i32) -> (i32, i32) {
    %c0_i32 = arith.constant 0 : i32
    %c0_i32_0 = arith.constant 0 : i32
    %c0_i32_1 = arith.constant 0 : i32
    return %c0_i32, %c0_i32_0 : i32, i32
  }
  func.func @transform_9(%arg0: i32) -> (i32, i32) {
    %c0_i32 = arith.constant 0 : i32
    %c0_i32_0 = arith.constant 0 : i32
    %c0_i32_1 = arith.constant 0 : i32
    return %c0_i32, %c0_i32_0 : i32, i32
  }
  func.func @transform_10(%arg0: i32) -> (i32, i32) {
    %c0_i32 = arith.constant 0 : i32
    %c0_i32_0 = arith.constant 0 : i32
    %c0_i32_1 = arith.constant 0 : i32
    return %c0_i32, %c0_i32_0 : i32, i32
  }
  func.func @transform_11(%arg0: i32) -> (i32, i32) {
    %c0_i32 = arith.constant 0 : i32
    %c0_i32_0 = arith.constant 0 : i32
    %c0_i32_1 = arith.constant 0 : i32
    return %c0_i32, %c0_i32_0 : i32, i32
  }
  func.func @transform_12(%arg0: i32) -> (i32, i32) {
    %c0_i32 = arith.constant 0 : i32
    %c0_i32_0 = arith.constant 0 : i32
    %c0_i32_1 = arith.constant 0 : i32
    return %c0_i32, %c0_i32_0 : i32, i32
  }
  func.func @transform_13(%arg0: i32) -> (i32, i32) {
    %add3A = arith.constant 8 : i32
    %add3A_0 = arith.addi %add3A, %arg0 : i32
    %c0_i32 = arith.constant 0 : i32
    %c0_i32_1 = arith.constant 0 : i32
    return %add3A_0, %c0_i32 : i32, i32
  }
}

module attributes {stable_mosaic.version = 14 : i64} {
  func.func @_lambda_(%arg0: i32, %arg1: memref<8x128xf32, #tpu.memory_space<vmem>>, %arg2: memref<2048x128xbf16, #tpu.memory_space<vmem>>, %arg3: memref<2048x128xf32, #tpu.memory_space<vmem>>, %arg4: memref<2048x512xf32, #tpu.memory_space<vmem>>, %arg5: memref<128x352xf32, #tpu.memory_space<vmem>>, %arg6: memref<352x128xf32, #tpu.memory_space<vmem>>, %arg7: memref<128x352xbf16, #tpu.memory_space<vmem>>, %arg8: memref<128x64xf32, #tpu.memory_space<vmem>>, %arg9: memref<192x512xf32, #tpu.memory_space<vmem>>, %arg10: memref<1x512xf32, #tpu.memory_space<vmem>>, %arg11: memref<512x512xf32, #tpu.memory_space<vmem>>, %arg12: memref<1x512xf32, #tpu.memory_space<vmem>>, %arg13: memref<1x1xf32, #tpu.memory_space<vmem>>, %arg14: memref<2048x512xf32, #tpu.memory_space<vmem>>) attributes {dimension_semantics = [#tpu.dimension_semantics<arbitrary>], iteration_bounds = array<i64: 4>, scalar_prefetch = 0 : i64, scratch_operands = 0 : i64, tpu.core_type = #tpu.core_type<tc>, window_params = [{transform_indices = @transform_0, window_bounds = array<i64: 8, 128>}, {transform_indices = @transform_1, window_bounds = array<i64: 2048, 128>}, {transform_indices = @transform_2, window_bounds = array<i64: 2048, 128>}, {transform_indices = @transform_3, window_bounds = array<i64: 2048, 512>}, {pipeline_mode = #tpu.pipeline_mode<synchronous>, transform_indices = @transform_4, window_bounds = array<i64: 128, 352>}, {pipeline_mode = #tpu.pipeline_mode<synchronous>, transform_indices = @transform_5, window_bounds = array<i64: 352, 128>}, {pipeline_mode = #tpu.pipeline_mode<synchronous>, transform_indices = @transform_6, window_bounds = array<i64: 128, 352>}, {pipeline_mode = #tpu.pipeline_mode<synchronous>, transform_indices = @transform_7, window_bounds = array<i64: 128, 64>}, {pipeline_mode = #tpu.pipeline_mode<synchronous>, transform_indices = @transform_8, window_bounds = array<i64: 192, 512>}, {pipeline_mode = #tpu.pipeline_mode<synchronous>, transform_indices = @transform_9, window_bounds = array<i64: 1, 512>}, {pipeline_mode = #tpu.pipeline_mode<synchronous>, transform_indices = @transform_10, window_bounds = array<i64: 512, 512>}, {pipeline_mode = #tpu.pipeline_mode<synchronous>, transform_indices = @transform_11, window_bounds = array<i64: 1, 512>}, {pipeline_mode = #tpu.pipeline_mode<synchronous>, transform_indices = @transform_12, window_bounds = array<i64: 1, 1>}, {transform_indices = @transform_13, window_bounds = array<i64: 2048, 512>}]} {
    %get3A = arith.constant 0 : index
    %get3A_0 = arith.constant 0 : index
    %get3A_1 = vector.load %arg3[%get3A, %get3A_0] : memref<2048x128xf32, #tpu.memory_space<vmem>>, vector<2048x128xf32>
    %convert_element_type3A = arith.truncf %get3A_1 : vector<2048x128xf32> to vector<2048x128xbf16>
    %get3A_2 = arith.constant 0 : index
    %get3A_3 = arith.constant 0 : index
    %get3A_4 = vector.load %arg5[%get3A_2, %get3A_3] : memref<128x352xf32, #tpu.memory_space<vmem>>, vector<128x352xf32>
    %convert_element_type3A_5 = arith.truncf %get3A_4 : vector<128x352xf32> to vector<128x352xbf16>
    %dot_general3A = arith.constant dense<0.000000e+00> : vector<2048x352xf32>
    %dot_general3A_6 = tpu.matmul %convert_element_type3A, %convert_element_type3A_5, %dot_general3A {dimension_numbers = #tpu.dot_dimension_numbers<[1], [0], [0], [1], [0, 0, 1, 1], [], []>, transpose_lhs_hint = false} : vector<2048x128xbf16>, vector<128x352xbf16>, vector<2048x352xf32> -> vector<2048x352xf32>
    %get3A_7 = arith.constant 0 : index
    %get3A_8 = arith.constant 0 : index
    %get3A_9 = vector.load %arg2[%get3A_7, %get3A_8] : memref<2048x128xbf16, #tpu.memory_space<vmem>>, vector<2048x128xbf16>
    %get3A_10 = arith.constant 0 : index
    %get3A_11 = arith.constant 0 : index
    %get3A_12 = vector.load %arg7[%get3A_10, %get3A_11] : memref<128x352xbf16, #tpu.memory_space<vmem>>, vector<128x352xbf16>
    %dot_general3A_13 = arith.constant dense<0.000000e+00> : vector<2048x352xf32>
    %dot_general3A_14 = tpu.matmul %get3A_9, %get3A_12, %dot_general3A_13 {dimension_numbers = #tpu.dot_dimension_numbers<[1], [0], [0], [1], [0, 0, 1, 1], [], []>, transpose_lhs_hint = false} : vector<2048x128xbf16>, vector<128x352xbf16>, vector<2048x352xf32> -> vector<2048x352xf32>
    %convert_element_type3A_15 = arith.truncf %dot_general3A_6 : vector<2048x352xf32> to vector<2048x352xbf16>
    %convert_element_type3A_16 = arith.truncf %dot_general3A_14 : vector<2048x352xf32> to vector<2048x352xbf16>
    %mul3A = arith.mulf %convert_element_type3A_15, %convert_element_type3A_16 : vector<2048x352xbf16>
    %get3A_17 = arith.constant 0 : index
    %get3A_18 = arith.constant 0 : index
    %get3A_19 = vector.load %arg6[%get3A_17, %get3A_18] : memref<352x128xf32, #tpu.memory_space<vmem>>, vector<352x128xf32>
    %convert_element_type3A_20 = arith.truncf %get3A_19 : vector<352x128xf32> to vector<352x128xbf16>
    %dot_general3A_21 = arith.constant dense<0.000000e+00> : vector<2048x128xf32>
    %dot_general3A_22 = tpu.matmul %mul3A, %convert_element_type3A_20, %dot_general3A_21 {dimension_numbers = #tpu.dot_dimension_numbers<[1], [0], [0], [1], [0, 0, 1, 1], [], []>, transpose_lhs_hint = false} : vector<2048x352xbf16>, vector<352x128xbf16>, vector<2048x128xf32> -> vector<2048x128xf32>
    %get3A_23 = arith.constant 0 : index
    %get3A_24 = arith.constant 0 : index
    %get3A_25 = vector.load %arg8[%get3A_23, %get3A_24] : memref<128x64xf32, #tpu.memory_space<vmem>>, vector<128x64xf32>
    %convert_element_type3A_26 = arith.truncf %get3A_25 : vector<128x64xf32> to vector<128x64xbf16>
    %dot_general3A_27 = arith.constant dense<0.000000e+00> : vector<2048x64xf32>
    %dot_general3A_28 = tpu.matmul %get3A_9, %convert_element_type3A_26, %dot_general3A_27 {dimension_numbers = #tpu.dot_dimension_numbers<[1], [0], [0], [1], [0, 0, 1, 1], [], []>, transpose_lhs_hint = false} : vector<2048x128xbf16>, vector<128x64xbf16>, vector<2048x64xf32> -> vector<2048x64xf32>
    %convert_element_type3A_29 = arith.truncf %dot_general3A_22 : vector<2048x128xf32> to vector<2048x128xbf16>
    %convert_element_type3A_30 = arith.truncf %dot_general3A_28 : vector<2048x64xf32> to vector<2048x64xbf16>
    %concatenate3A = tpu.concatenate %convert_element_type3A_29, %convert_element_type3A_30 in 1 : vector<2048x128xbf16>, vector<2048x64xbf16> -> vector<2048x192xbf16>
    %get3A_31 = arith.constant 0 : index
    %get3A_32 = arith.constant 0 : index
    %get3A_33 = vector.load %arg9[%get3A_31, %get3A_32] : memref<192x512xf32, #tpu.memory_space<vmem>>, vector<192x512xf32>
    %convert_element_type3A_34 = arith.truncf %get3A_33 : vector<192x512xf32> to vector<192x512xbf16>
    %dot_general3A_35 = arith.constant dense<0.000000e+00> : vector<2048x512xf32>
    %dot_general3A_36 = tpu.matmul %concatenate3A, %convert_element_type3A_34, %dot_general3A_35 {dimension_numbers = #tpu.dot_dimension_numbers<[1], [0], [0], [1], [0, 0, 1, 1], [], []>, transpose_lhs_hint = false} : vector<2048x192xbf16>, vector<192x512xbf16>, vector<2048x512xf32> -> vector<2048x512xf32>
    %get3A_37 = arith.constant 0 : index
    %get3A_38 = arith.constant 0 : index
    %get3A_39 = vector.load %arg10[%get3A_37, %get3A_38] : memref<1x512xf32, #tpu.memory_space<vmem>>, vector<1x512xf32>
    %add3A = vector.broadcast %get3A_39 : vector<1x512xf32> to vector<2048x512xf32>
    %add3A_40 = arith.addf %dot_general3A_36, %add3A : vector<2048x512xf32>
    %mul3A_41 = arith.constant 5.000000e-01 : f32
    %mul3A_42 = vector.broadcast %mul3A_41 : f32 to vector<2048x512xf32>
    %mul3A_43 = arith.mulf %mul3A_42, %add3A_40 : vector<2048x512xf32>
    %mul3A_44 = arith.constant 0.707106769 : f32
    %mul3A_45 = vector.broadcast %mul3A_44 : f32 to vector<2048x512xf32>
    %mul3A_46 = arith.mulf %add3A_40, %mul3A_45 : vector<2048x512xf32>
    %erf3A = math.erf %mul3A_46 : vector<2048x512xf32>
    %add3A_47 = arith.constant 1.000000e+00 : f32
    %add3A_48 = vector.broadcast %add3A_47 : f32 to vector<2048x512xf32>
    %add3A_49 = arith.addf %add3A_48, %erf3A : vector<2048x512xf32>
    %mul3A_50 = arith.mulf %mul3A_43, %add3A_49 : vector<2048x512xf32>
    %convert_element_type3A_51 = arith.truncf %mul3A_50 : vector<2048x512xf32> to vector<2048x512xbf16>
    %get3A_52 = arith.constant 0 : index
    %get3A_53 = arith.constant 0 : index
    %get3A_54 = vector.load %arg11[%get3A_52, %get3A_53] : memref<512x512xf32, #tpu.memory_space<vmem>>, vector<512x512xf32>
    %convert_element_type3A_55 = arith.truncf %get3A_54 : vector<512x512xf32> to vector<512x512xbf16>
    %dot_general3A_56 = arith.constant dense<0.000000e+00> : vector<2048x512xf32>
    %dot_general3A_57 = tpu.matmul %convert_element_type3A_51, %convert_element_type3A_55, %dot_general3A_56 {dimension_numbers = #tpu.dot_dimension_numbers<[1], [0], [0], [1], [0, 0, 1, 1], [], []>, transpose_lhs_hint = false} : vector<2048x512xbf16>, vector<512x512xbf16>, vector<2048x512xf32> -> vector<2048x512xf32>
    %get3A_58 = arith.constant 0 : index
    %get3A_59 = arith.constant 0 : index
    %get3A_60 = vector.load %arg12[%get3A_58, %get3A_59] : memref<1x512xf32, #tpu.memory_space<vmem>>, vector<1x512xf32>
    %add3A_61 = vector.broadcast %get3A_60 : vector<1x512xf32> to vector<2048x512xf32>
    %add3A_62 = arith.addf %dot_general3A_57, %add3A_61 : vector<2048x512xf32>
    %get3A_63 = arith.constant 0 : index
    %get3A_64 = arith.constant 0 : index
    %get3A_65 = vector.load %arg13[%get3A_63, %get3A_64] : memref<1x1xf32, #tpu.memory_space<vmem>>, vector<1x1xf32>
    %get3A_66 = vector.extract %get3A_65[0, 0] : f32 from vector<1x1xf32>
    %logistic3A = arith.negf %get3A_66 : f32
    %logistic3A_67 = math.exp %logistic3A : f32
    %logistic3A_68 = arith.constant 1.000000e+00 : f32
    %logistic3A_69 = arith.addf %logistic3A_68, %logistic3A_67 : f32
    %logistic3A_70 = arith.divf %logistic3A_68, %logistic3A_69 : f32
    %get3A_71 = arith.constant 0 : index
    %get3A_72 = arith.constant 0 : index
    %get3A_73 = vector.load %arg4[%get3A_71, %get3A_72] : memref<2048x512xf32, #tpu.memory_space<vmem>>, vector<2048x512xf32>
    %sub3A = arith.subf %add3A_62, %get3A_73 : vector<2048x512xf32>
    %mul3A_74 = vector.broadcast %logistic3A_70 : f32 to vector<2048x512xf32>
    %mul3A_75 = arith.mulf %mul3A_74, %sub3A : vector<2048x512xf32>
    %add3A_76 = arith.addf %get3A_73, %mul3A_75 : vector<2048x512xf32>
    %swap3A = arith.constant 0 : index
    %swap3A_77 = arith.constant 0 : index
    %swap3A_78 = vector.load %arg14[%swap3A, %swap3A_77] : memref<2048x512xf32, #tpu.memory_space<vmem>>, vector<2048x512xf32>
    tpu.vector_store %arg14[%swap3A, %swap3A_77], %add3A_76 {strides = array<i32>} : memref<2048x512xf32, #tpu.memory_space<vmem>>, vector<2048x512xf32>,
    return
  }
  func.func @transform_0(%arg0: i32) -> (i32, i32) {
    %c0_i32 = arith.constant 0 : i32
    %c0_i32_0 = arith.constant 0 : i32
    %c0_i32_1 = arith.constant 0 : i32
    return %c0_i32, %c0_i32_0 : i32, i32
  }
  func.func @transform_1(%arg0: i32) -> (i32, i32) {
    %add3A = arith.constant 12 : i32
    %add3A_0 = arith.addi %add3A, %arg0 : i32
    %c0_i32 = arith.constant 0 : i32
    %c0_i32_1 = arith.constant 0 : i32
    return %add3A_0, %c0_i32 : i32, i32
  }
  func.func @transform_2(%arg0: i32) -> (i32, i32) {
    %c0_i32 = arith.constant 0 : i32
    %c0_i32_0 = arith.constant 0 : i32
    return %arg0, %c0_i32 : i32, i32
  }
  func.func @transform_3(%arg0: i32) -> (i32, i32) {
    %c0_i32 = arith.constant 0 : i32
    %c0_i32_0 = arith.constant 0 : i32
    return %arg0, %c0_i32 : i32, i32
  }
  func.func @transform_4(%arg0: i32) -> (i32, i32) {
    %c0_i32 = arith.constant 0 : i32
    %c0_i32_0 = arith.constant 0 : i32
    %c0_i32_1 = arith.constant 0 : i32
    return %c0_i32, %c0_i32_0 : i32, i32
  }
  func.func @transform_5(%arg0: i32) -> (i32, i32) {
    %c0_i32 = arith.constant 0 : i32
    %c0_i32_0 = arith.constant 0 : i32
    %c0_i32_1 = arith.constant 0 : i32
    return %c0_i32, %c0_i32_0 : i32, i32
  }
  func.func @transform_6(%arg0: i32) -> (i32, i32) {
    %c0_i32 = arith.constant 0 : i32
    %c0_i32_0 = arith.constant 0 : i32
    %c0_i32_1 = arith.constant 0 : i32
    return %c0_i32, %c0_i32_0 : i32, i32
  }
  func.func @transform_7(%arg0: i32) -> (i32, i32) {
    %c0_i32 = arith.constant 0 : i32
    %c0_i32_0 = arith.constant 0 : i32
    %c0_i32_1 = arith.constant 0 : i32
    return %c0_i32, %c0_i32_0 : i32, i32
  }
  func.func @transform_8(%arg0: i32) -> (i32, i32) {
    %c0_i32 = arith.constant 0 : i32
    %c0_i32_0 = arith.constant 0 : i32
    %c0_i32_1 = arith.constant 0 : i32
    return %c0_i32, %c0_i32_0 : i32, i32
  }
  func.func @transform_9(%arg0: i32) -> (i32, i32) {
    %c0_i32 = arith.constant 0 : i32
    %c0_i32_0 = arith.constant 0 : i32
    %c0_i32_1 = arith.constant 0 : i32
    return %c0_i32, %c0_i32_0 : i32, i32
  }
  func.func @transform_10(%arg0: i32) -> (i32, i32) {
    %c0_i32 = arith.constant 0 : i32
    %c0_i32_0 = arith.constant 0 : i32
    %c0_i32_1 = arith.constant 0 : i32
    return %c0_i32, %c0_i32_0 : i32, i32
  }
  func.func @transform_11(%arg0: i32) -> (i32, i32) {
    %c0_i32 = arith.constant 0 : i32
    %c0_i32_0 = arith.constant 0 : i32
    %c0_i32_1 = arith.constant 0 : i32
    return %c0_i32, %c0_i32_0 : i32, i32
  }
  func.func @transform_12(%arg0: i32) -> (i32, i32) {
    %c0_i32 = arith.constant 0 : i32
    %c0_i32_0 = arith.constant 0 : i32
    %c0_i32_1 = arith.constant 0 : i32
    return %c0_i32, %c0_i32_0 : i32, i32
  }
  func.func @transform_13(%arg0: i32) -> (i32, i32) {
    %add3A = arith.constant 12 : i32
    %add3A_0 = arith.addi %add3A, %arg0 : i32
    %c0_i32 = arith.constant 0 : i32
    %c0_i32_1 = arith.constant 0 : i32
    return %add3A_0, %c0_i32 : i32, i32
  }
}

</mosaic_0001>

<sc_bundles>
// kernel: kernel.10.cloned.1.call-start
scs
__scs_entry_jumppad:
0x0: {  	(pc) =	sbr.rel $0x88, $3  }
0x1: {  	(tag) =	ssettag $0x0;
	lr =	simm.s32 $0x1  }
0x2: {  	[smem:$0x3F91] =	sst lr;
	_ =	strace $0xD0000000  }
0x3: {  	_ = 	snop  }
0x4: {  	_ = 	snop  }
0x5: {  	_ = 	snop  }
0x6: {  	_ = 	snop  }
0x7: {  	_ = 	snop  }
__scs_overlays_trampoline_lowered:
0x8: {  	[smem:$0x3FA0] =	sst s0  }
0x9: {  	[smem:$0x3FA1] =	sst s1  }
0xa: {  	[smem:$0x3FA2] =	sst s2  }
0xb: {  	[smem:$0x3FA3] =	sst s3  }
0xc: {  	[smem:$0x3FA4] =	sst s4  }
0xd: {  	[smem:$0x3FA5] =	sst s5  }
0xe: {  	[smem:$0x3FA6] =	sst s6  }
0xf: {  	[smem:$0x3FA7] =	sst s7  }
0x10: {  	[smem:$0x3FA8] =	sst s8  }
0x11: {  	[smem:$0x3FA9] =	sst s9;
	s0 =	simm.s32 @!p0 $0x0  }
0x12: {  	s1 =	sld [smem:$0x3F8F];
	s0 =	simm.s32 @p0 $0x1  }
0x13: {  	[smem:$0x3FAA] =	sst s0;
	s0 =	simm.s32 @!p1 $0x0  }
0x14: {  	s2 =	sld [smem:$0x3F8E];
	s0 =	simm.s32 @p1 $0x1  }
0x15: {  	[smem:$0x3FAB] =	sst s0;
	s0 =	simm.s32 @!p2 $0x0  }
0x16: {  	s3 =	sld [smem:$0x3FDB];
	s0 =	simm.s32 @p2 $0x1  }
0x17: {  	s4 =	simm.s32 $0x1BF5;
	[smem:$0x3FAD] =	sst s0  }
0x18: {  	s0 =	sld [smem:$0x3F90];
	_ =	swait.ge [sflag:s4], $0x0  }
0x19: {  	s7 =	sld [smem:$0x3F91]  }
0x1a: {  	s8 =	sadd.s32 $0xFFFFE003, lr  }
0x1b: {  	s9 =	sadd.s32 $0xFFFFFEF7, lr;
	s5 =	simm.s32 $0xFFFFFFFF;
	p2 =	slt.u32 s8, $0xFFFFF086  }
0x1c: {  	p1 =	slt.u32 s9, $0xF7A;
	s5 =	simm.s32 @!p2 $0x0  }
0x1d: {  	s5 =	simm.s32 @p1 $0x1;
	p0 =	seq.s32 s7, s2  }
0x1e: {  	s7 =	smul.u32 @!p0 $0xF7A, s2;
	p2 =	seq.s32 @!p0 s5, $0x0  }
0x1f: {  	s9 =	smul.u32 $0xF7A, s1;
	s8 =	simm.s32 @!p0 $0x1BF5;
	p2 =	por !p2, p0  }
0x20: {  	[sflag:s8] =	ssyncset.s32 @!p0 $0xFFFFF086;
	s6 =	sadd.s32 @!p0 s3, s7;
	s7 =	simm.s32 @!p0 $0x108  }
0x21: {  	s3 =	sadd.s32 s3, s9;
	s6 =	sadd.s32 @!p0 $0x88, s6;
	s7 =	simm.s32 @p2 $0x1082  }
0x22: {  	[simem:s7], [sflag:s8] =	dma.local @!p0 [hbm:s6], $0xF7A  }
0x23: {  	s9 =	sor.u32 $0xD0000000, s2;
	s6 =	simm.s32 $0x108;
	_ =	swait.ge @!p0 [sflag:s8], $0x0  }
0x24: {  	s3 =	sadd.s32 $0x88, s3;
	s6 =	simm.s32 @!p1 $0x1082;
	[sflag:s4] =	ssyncset.s32 $0xFFFFF086  }
0x25: {  	[simem:s6], [sflag:s4] =	dma.local [hbm:s3], $0xF7A  }
0x26: {  	[smem:$0x3F91] =	sst s1;
	(tag) =	ssettag s2;
	_ =	strace s9  }
0x27: {  	s1 =	sld [smem:$0x3FA1]  }
0x28: {  	s2 =	sld [smem:$0x3FA2]  }
0x29: {  	s4 =	sld [smem:$0x3FA4]  }
0x2a: {  	p0 =	seq.s32 s5, $0x0;
	s5 =	sld [smem:$0x3FA5]  }
0x2b: {  	s6 =	sld [smem:$0x3FA6]  }
0x2c: {  	s7 =	sld [smem:$0x3FA7]  }
0x2d: {  	s3 =	simm.s32 $0x108;
	s8 =	sld [smem:$0x3FA8]  }
0x2e: {  	s3 =	simm.s32 @!p0 $0x1082;
	s9 =	sld [smem:$0x3FA9]  }
0x2f: {  	lr =	sadd.s32 s0, s3;
	s0 =	sld [smem:$0x3FA0]  }
0x30: {  	s3 =	sld [smem:$0x3FA3]  }
0x31: {  	[smem:$0x3FAC] =	sst s10  }
0x32: {  	s10 =	sld [smem:$0x3FAA];
	_ =	sdelay $0x3  }
0x33: {  	p0 =	seq.s32 s10, $0x1;
	s10 =	sld [smem:$0x3FAC];
	_ =	sdelay $0x3  }
0x34: {  	[smem:$0x3FAC] =	sst s10  }
0x35: {  	s10 =	sld [smem:$0x3FAB];
	_ =	sdelay $0x3  }
0x36: {  	p1 =	seq.s32 s10, $0x1;
	s10 =	sld [smem:$0x3FAC];
	_ =	sdelay $0x3  }
0x37: {  	[smem:$0x3FAC] =	sst s10  }
0x38: {  	s10 =	sld [smem:$0x3FAD]  }
0x39: {  	_ = 	snop;
	(pc) =	sbr.ind lr, $3  }
0x3a: {  	_ = 	snop  }
0x3b: {  	_ = 	snop  }
0x3c: {  	p2 =	seq.s32 s10, $0x1;
	s10 =	sld [smem:$0x3FAC]  }
0x3d: {  	_ =	shalt  }
0x3e: {  	_ =	shalt  }
0x3f: {  	_ =	shalt  }
0x40: {  	_ =	shalt  }
0x41: {  	_ =	shalt  }
0x42: {  	_ =	shalt  }
0x43: {  	_ =	shalt  }
0x44: {  	_ =	shalt  }
0x45: {  	_ =	shalt  }
0x46: {  	_ =	shalt  }
0x47: {  	_ =	shalt  }
0x48: {  	_ =	shalt  }
0x49: {  	_ =	shalt  }
0x4a: {  	_ =	shalt  }
0x4b: {  	_ =	shalt  }
0x4c: {  	_ =	shalt  }
0x4d: {  	_ =	shalt  }
0x4e: {  	_ =	shalt  }
0x4f: {  	_ =	shalt  }
0x50: {  	_ =	shalt  }
0x51: {  	_ =	shalt  }
0x52: {  	_ =	shalt  }
0x53: {  	_ =	shalt  }
0x54: {  	_ =	shalt  }
0x55: {  	_ =	shalt  }
0x56: {  	_ =	shalt  }
0x57: {  	_ =	shalt  }
0x58: {  	_ =	shalt  }
0x59: {  	_ =	shalt  }
0x5a: {  	_ =	shalt  }
0x5b: {  	_ =	shalt  }
0x5c: {  	_ =	shalt  }
0x5d: {  	_ =	shalt  }
0x5e: {  	_ =	shalt  }
0x5f: {  	_ =	shalt  }
0x60: {  	_ =	shalt  }
0x61: {  	_ =	shalt  }
0x62: {  	_ =	shalt  }
0x63: {  	_ =	shalt  }
0x64: {  	_ =	shalt  }
0x65: {  	_ =	shalt  }
0x66: {  	_ =	shalt  }
0x67: {  	_ =	shalt  }
0x68: {  	_ =	shalt  }
0x69: {  	_ =	shalt  }
0x6a: {  	_ =	shalt  }
0x6b: {  	_ =	shalt  }
0x6c: {  	_ =	shalt  }
0x6d: {  	_ =	shalt  }
0x6e: {  	_ =	shalt  }
0x6f: {  	_ =	shalt  }
0x70: {  	_ =	shalt  }
0x71: {  	_ =	shalt  }
0x72: {  	_ =	shalt  }
0x73: {  	_ =	shalt  }
0x74: {  	_ =	shalt  }
0x75: {  	_ =	shalt  }
0x76: {  	_ =	shalt  }
0x77: {  	_ =	shalt  }
0x78: {  	_ =	shalt  }
0x79: {  	_ =	shalt  }
0x7a: {  	_ =	shalt  }
0x7b: {  	_ =	shalt  }
0x7c: {  	_ =	shalt  }
0x7d: {  	_ =	shalt  }
0x7e: {  	_ =	shalt  }
0x7f: {  	_ =	shalt  }
0x80: {  	_ =	shalt  }
0x81: {  	_ =	shalt  }
0x82: {  	_ =	shalt  }
0x83: {  	_ =	shalt  }
0x84: {  	_ =	shalt  }
0x85: {  	_ =	shalt  }
0x86: {  	_ =	shalt  }
0x87: {  	_ =	shalt  }
.Lfunc_end0:
.L_simem_size_0:
called_computation_lowered:
.L_overlay_start_0:
0x88: {  	s2 =	sld [smem:$0x3FD9]  }
0x89: {  	s3 =	sld [smem:$0x3FFE];
	_ =	sdelay $0x1  }
0x8a: {  	s1 =	srdreg.scid  }
0x8b: {  	s0 =	sand.u32 $0x1, s1  }
0x8c: {  	s17 =	sshll.u32 s0, $0xA;
	s2 =	sadd.s32 s3, s2  }
0x8d: {  	s2 =	sadd.s32 s2, s17  }
0x8e: {  	[smem:$0x3FB8] =	sst s2  }
0x8f: {  	_ = 	snop  }
0x90: {  	s2 =	sld [smem:$0x3FC9]  }
0x91: {  	s18 =	sld [smem:$0x3FC8]  }
0x92: {  	s4 =	sld [smem:$0x3FC5]  }
0x93: {  	s5 =	sld [smem:$0x3FBB]  }
0x94: {  	s6 =	sld [smem:$0x3FD0];
	(tm) =	ssettm $0x1  }
0x95: {  	s7 =	sld [smem:$0x3FFB];
	_ =	sdelay $0x3  }
0x96: {  	_ =	strace s7  }
0x97: {  	s7 =	sld [smem:$0x3FFC];
	_ =	sdelay $0x3  }
0x98: {  	_ =	strace s7  }
0x99: {  	s7 =	sld [smem:$0x3FFD];
	_ =	sdelay $0x3  }
0x9a: {  	_ =	strace s7  }
0x9b: {  	_ =	strace $0x8FFFFFFF  }
0x9c: {  	s19 =	sld [smem:$0x3FDB];
	_ =	sdelay $0x1  }
0x9d: {  	s8 =	simm.s32 $_scs_section_size  }
0x9e: {  	s9 =	simm.s32 $_size__tile_overlayer_lowered;
	s10 =	simm.s32 $_tile_overlayer_lowered  }
0x9f: {  	s22 =	simm.s32 $0x1BFF;
	s21 =	sshll.u32 s10, $0x1;
	s7 =	sadd.s32 s8, s19  }
0xa0: {  	s11 =	simm.s32 $0x0;
	s20 =	sshll.u32 s9, $0x1;
	s9 =	sadd.s32 s21, s7  }
0xa1: {  	[timem:s11], [sflag:s22] =	dma.local [hbm:s9], s20  }
0xa2: {  	_ =	swait.ge [sflag:s22], s20  }
0xa3: {  	s8 =	ssub.s32 $0x0, s20;
	[sflag:s22] =	ssyncset.done $0x0  }
0xa4: {  	[sflag:s22] =	ssyncadd.s32 s8;
	_ =	sdelay $0x1  }
0xa5: {  	s23 =	simm.s32 $0x1B8B  }
0xa6: {  	_ =	swait.ge [sflag:s23], $0x1  }
0xa7: {  	[sflag:s23] =	ssyncset.done $0x0  }
0xa8: {  	s25 =	simm.s32 $0x1B8E;
	s24 =	sld [smem:$0x3FFE];
	[sflag:s23] =	ssyncadd.s32 $0xFFFFFFFF  }
0xa9: {  	s26 =	simm.s32 $execute0_lowered;
	[smem:$0x3FD2] =	sst s25  }
0xaa: {  	s9 =	sshll.u32 s26, $0x1;
	_ =	strace $0x80000046;
	[dreg:$0x1] =	wrdreg $0xFFFFFFFF  }
0xab: {  	s28 =	simm.s32 $_size_execute0_lowered;
	s7 =	sadd.s32 s7, s9;
	[dreg:$0x0] =	wrdreg $0x0  }
0xac: {  	s9 =	sshll.u32 s28, $0x1;
	[dreg:$0x2] =	wrdreg s7  }
0xad: {  	[dreg:$0x3] =	wrdreg s9  }
0xae: {  	[dreg:$0x4] =	wrdreg $0xC0  }
0xaf: {  	_ =	task [dreg:s11], $0x5FFFF  }
0xb0: {  	[dreg:$0x1] =	wrdreg $0xFFFFFFFF  }
0xb1: {  	[dreg:$0x0] =	wrdreg $0x60  }
0xb2: {  	[dreg:$0x2] =	wrdreg s5  }
0xb3: {  	[dreg:$0x3] =	wrdreg s4  }
0xb4: {  	[dreg:$0x4] =	wrdreg s2  }
0xb5: {  	[dreg:$0x5] =	wrdreg s18  }
0xb6: {  	[dreg:$0x6] =	wrdreg s24  }
0xb7: {  	[dreg:$0x7] =	wrdreg s6  }
0xb8: {  	[dreg:$0x8] =	wrdreg $0x9  }
0xb9: {  	_ =	task.clear_ibuf [dreg:s11], $0x9FFFF;
	_ =	strace $0x90000046  }
0xba: {  	s29 =	simm.s32 $0x9;
	_ =	strace $0x80000048  }
0xbb: {  	_ =	swait.ge [sflag:s29], $0x1  }
0xbc: {  	[sflag:s29] =	ssyncadd.s32 $0xFFFFFFFF  }
0xbd: {  	_ =	strace $0x90000048  }
0xbe: {  	_ =	sfence  }
0xbf: {  	s30 =	sld [smem:$0x0];
	_ =	sdelay $0x2  }
0xc0: {  	s31 =	sshll.u32 s1, $0xD;
	s1 =	sshrl.u32 s1, $0x2  }
0xc1: {  	s3 =	sand.u32 $0x4000, s31;
	s1 =	sadd.s32 s1, s30  }
0xc2: {  	s0 =	sor.u32 s3, s0;
	s1 =	sshll.u32 s1, $0x11  }
0xc3: {  	s0 =	sor.u32 s1, s0  }
0xc4: {  	s0 =	sadd.s32 $0x8F2B, s0  }
0xc5: {  	[sflag:s0] =	ssyncadd.remote.s32 $0x1  }
0xc6: {  	_ =	sfence.sel $0xFFFF  }
0xc7: {  	[dreg:$0x0] =	wrdreg $0xFFFFFFFF;
	(pc) =	sbr.abs _section_cstart, $3  }
0xc8: {  	[dreg:$0x1] =	wrdreg $0xFFFFFFFF  }
0xc9: {  	_ =	task.clear_ibuf [dreg:s11], $0x2FFFF;
	_ =	strace $0x9FFFFFFF  }
0xca: {  	(tm) =	ssettm $0x7FFFFFFF  }
0xcb: {  	_ =	shalt  }
tec
execute0_lowered:
.L_overlay_start_1:
0x0: {  	(tag) =	ssettag $0x1  }
0x1: {  	s0 =	rddreg [dreg:$0x0]  }
0x2: {  	s1 =	rddreg [dreg:$0x2]  }
0x3: {  	s2 =	rddreg [dreg:$0x3]  }
0x4: {  	s5 =	rddreg [dreg:$0x4];
	s4 =	stileid.u32  }
0x5: {  	s6 =	rddreg [dreg:$0x5];
	s8 =	sshll.u32 s4, $0x8;
	s4 =	simm.s32 $0x0  }
0x6: {  	s18 =	simm.s32 $0x100;
	[smem:$0x7FF] =	sst s4  }
0x7: {  	s19 =	simm.s32 $0x8A00;
	_ =	strace $0x80000047;
	[dreg:$0x10] =	wrdreg s18  }
0x8: {  	s20 =	simm.s32 $0x9200;
	[dreg:$0x11] =	wrdreg s19  }
0x9: {  	s21 =	simm.s32 $0x9A00;
	[dreg:$0x12] =	wrdreg s20  }
0xa: {  	s22 =	simm.s32 $0xA200;
	[dreg:$0x13] =	wrdreg s21  }
0xb: {  	s23 =	simm.s32 $0xAA00;
	[dreg:$0x14] =	wrdreg s22  }
0xc: {  	s3 =	srdreg.scid;
	s24 =	simm.s32 $0xB200;
	[dreg:$0x15] =	wrdreg s23  }
0xd: {  	s25 =	simm.s32 $0xBA00;
	s31 =	simm.s32 $0x5;
	[dreg:$0x16] =	wrdreg s24  }
0xe: {  	s28 =	simm.s32 $0x5A00;
	[dreg:$0x17] =	wrdreg s25;
	s18 =	simm.s32 $0x13A00  }
0xf: {  	s29 =	simm.s32 $0x6200;
	s19 =	simm.s32 $0x14200;
	[smem:$0x7F5] =	sst s18  }
0x10: {  	s30 =	simm.s32 $0x6A00;
	s20 =	simm.s32 $0x14A00;
	[smem:$0x7F6] =	sst s19  }
0x11: {  	s3 =	sand.u32 $0x1, s3;
	s21 =	simm.s32 $0x15200;
	[smem:$0x7F7] =	sst s20  }
0x12: {  	s7 =	sshll.u32 s3, $0xC;
	s22 =	simm.s32 $0x15A00;
	[smem:$0x7F8] =	sst s21  }
0x13: {  	s7 =	sor.u32 s8, s7;
	s23 =	simm.s32 $0x16200;
	[smem:$0x7F9] =	sst s22  }
0x14: {  	s24 =	simm.s32 $0x16A00;
	s25 =	simm.s32 $0x17200;
	[smem:$0x7FA] =	sst s23  }
0x15: {  	s8 =	sshrl.u32 s7, $0x1;
	s10 =	sor.u32 $0x80, s7;
	[smem:$0x7FB] =	sst s24  }
0x16: {  	[smem:$0x7FC] =	sst s25;
	s9 =	sadd.s32 s1, s8;
	s8 =	sadd.s32 s2, s8  }
0x17: {  	s26 =	sshrl.u32 s10, $0x1;
	s13 =	sshll.u32 s10, $0x4;
	[dreg:$0x7] =	wrdreg s9  }
0x18: {  	s15 =	sshll.u32 s10, $0x6;
	s10 =	simm.s32 $0xF200;
	[dreg:$0x8] =	wrdreg s8  }
0x19: {  	s5 =	sadd.s32 $0x4000, s5;
	s1 =	sadd.s32 s1, s26;
	[dreg:$0x1e] =	wrdreg s10  }
0x1a: {  	s18 =	simm.s32 $0x1200;
	s8 =	sadd.s32 s2, s26;
	[dreg:$0x9] =	wrdreg s1  }
0x1b: {  	s19 =	simm.s32 $0x1A00;
	s14 =	sadd.s32 s6, s13;
	[dreg:$0xa] =	wrdreg s8  }
0x1c: {  	s20 =	simm.s32 $0x2200;
	s16 =	sadd.s32 s5, s15;
	[dreg:$0xd] =	wrdreg s14  }
0x1d: {  	s21 =	simm.s32 $0x2A00;
	s26 =	simm.s32 $0xC200;
	[dreg:$0xe] =	wrdreg s16  }
0x1e: {  	s22 =	simm.s32 $0x3200;
	s2 =	simm.s32 $0xCA00;
	[dreg:$0x18] =	wrdreg s26  }
0x1f: {  	s23 =	simm.s32 $0x3A00;
	s13 =	simm.s32 $0x11200;
	[dreg:$0x19] =	wrdreg s2  }
0x20: {  	s9 =	sshll.u32 s7, $0x4;
	s15 =	simm.s32 $0x12200;
	[smem:$0x7F0] =	sst s13  }
0x21: {  	s7 =	sshll.u32 s7, $0x6;
	s11 =	sadd.s32 s6, s9;
	[smem:$0x7F2] =	sst s15  }
0x22: {  	s24 =	simm.s32 $0x4200;
	s7 =	sadd.s32 s5, s7;
	[dreg:$0xb] =	wrdreg s11  }
0x23: {  	s25 =	simm.s32 $0x4A00;
	s6 =	simm.s32 $0xD200;
	[smem:$0x7EE] =	sst s7  }
0x24: {  	s5 =	ssub.s32 $0x2, s3;
	s8 =	simm.s32 $0xE200;
	[dreg:$0x1a] =	wrdreg s6  }
0x25: {  	s9 =	simm.s32 $0xEA00;
	s14 =	simm.s32 $0x11A00;
	[dreg:$0x1c] =	wrdreg s8  }
0x26: {  	s13 =	simm.s32 $0x200;
	s16 =	simm.s32 $0x12A00;
	[dreg:$0x1d] =	wrdreg s9  }
0x27: {  	s26 =	simm.s32 $0x17A00;
	s12 =	sadd.s32 $0x1000, s7;
	[smem:$0x7F1] =	sst s14  }
0x28: {  	s17 =	sadd.s32 $0x3000, s7;
	s3 =	sshrl.u32 s5, $0x1;
	[smem:$0x7F3] =	sst s16  }
0x29: {  	s7 =	simm.s32 $0xDA00;
	s6 =	sadd.s32 $0x100, s0;
	[smem:$0x7FD] =	sst s26  }
0x2a: {  	s11 =	simm.s32 $0xFA00;
	s9 =	simm.s32 $0x1;
	[dreg:$0xc] =	wrdreg s12  }
0x2b: {  	s16 =	simm.s32 $0x180;
	s26 =	simm.s32 $0x5200;
	[dreg:$0xf] =	wrdreg s17  }
0x2c: {  	s8 =	simm.s32 $0x7A00;
	s2 =	ssub.s32 s5, s3;
	[dreg:$0x1b] =	wrdreg s7  }
0x2d: {  	[dreg:$0x1f] =	wrdreg s11;
	s12 =	simm.s32 $0x10A00;
	s11 =	simm.s32 $0x18200  }
0x2e: {  	v2 =	vlaneseq.u32;
	s17 =	simm.s32 $0x13200;
	s3 =	simm.s32 $0x7200;
	s5 =	simm.s32 $0x8200  }
0x2f: {  	vm0 =	vmmov $0xffff;
	v1 =	vshrl.u32 v2, $0x3;
	s7 =	smax.u32 s2, $0x1;
	[smem:$0x7EF] =	sst s12;
	s12 =	simm.s32 $0x6  }
0x30: {  	v0 =	vand.u32 $0x7, v2;
	v2 =	vor.u32 $0x8, v2;
	v1 =	vmul.u32 $0x8, v1;
	[smem:$0x7F4] =	sst s17;
	s2 =	simm.s32 $0x2;
	s17 =	simm.s32 $0xA00  }
.LBB2_1:
0x31: {  	s10 =	rddreg [dreg:$0x7]  }
0x32: {  	[tilespmem:s4], [sflag:$0x1] =	stream.linear.gather [hbm4b:s10+s4], $0x80, $0x38;
	[tilespmem:$0x1C200] =	vst v63  }
0x33: {  	s14 =	rddreg [dreg:$0x8];
	s1 =	simm.s32 $0x80  }
0x34: {  	[tilespmem:s1], [sflag:$0x1] =	stream.linear.gather [hbm4b:s14+s4], $0x80, $0x38;
	[tilespmem:$0x1C200] =	vst v63  }
0x35: {  	_ =	swait.ge [sflag:s9], $0x80  }
0x36: {  	[sflag:s9] =	ssyncset.done $0x0  }
0x37: {  	[sflag:s9] =	ssyncadd.s32 $0xFFFFFF80  }
0x38: {  	_ =	swait.ge [sflag:s9], $0x80  }
0x39: {  	s10 =	rddreg [dreg:$0x9];
	[sflag:s9] =	ssyncset.done $0x0  }
0x3a: {  	s14 =	rddreg [dreg:$0x10];
	[sflag:s9] =	ssyncadd.s32 $0xFFFFFF80  }
0x3b: {  	[tilespmem:s14], [sflag:$0x1] =	stream.linear.gather [hbm4b:s10+s4], $0x80, $0x38;
	[tilespmem:$0x1C200] =	vst v63  }
0x3c: {  	s15 =	rddreg [dreg:$0xa]  }
0x3d: {  	[tilespmem:s16], [sflag:$0x1] =	stream.linear.gather [hbm4b:s15+s4], $0x80, $0x38;
	[tilespmem:$0x1C200] =	vst v63  }
0x3e: {  	s15 =	rddreg [dreg:$0x1]  }
0x3f: {  	[tilespmem:s11], [sflag:$0x6] =	stream.indirect.gather [hbm4b:s15+s1], $0x80, s1, s1, $0xb8;
	[tilespmem:$0x1C200] =	vst v63  }
0x40: {  	_ =	swait.ge [sflag:s12], $0x4000  }
0x41: {  	[sflag:s12] =	ssyncset.done $0x0  }
0x42: {  	s14 =	rddreg [dreg:$0xb];
	[sflag:s12] =	ssyncadd.s32 $0xFFFFC000  }
0x43: {  	[hbm4b:s14+s4] =	stream.linear.scatter [tilespmem:s11], [sflag:$0x5], $0x4000, $0x38;
	[tilespmem:$0x1C200] =	vst v63  }
0x44: {  	v3 =	vld [tilespmem:$0x0];
	_ =	sdelay $0x4  }
0x45: {  	v4 =	vshll.u32 v3, $0x2  }
0x46: {  	v3 =	vand.u32 $0x7, v3;
	v4 =	vand.u32 $0xFFFFFFE0, v4  }
0x47: {  	v3 =	vor.u32 v3, v4  }
0x48: {  	v4 =	vperm.xlane v3, v0;
	_ =	sdelay $0x1  }
0x49: {  	v4 =	vadd.s32 v1, v4;
	_ =	sdelay $0x1  }
0x4a: {  	v3 =	vperm.xlane v3, v2;
	_ =	sdelay $0x1  }
0x4b: {  	v3 =	vadd.s32 v1, v3  }
0x4c: {  	[tilespmem:s13], [sflag:$0x6] =	stream.indirect_vreg.gather [hbm4b:s0+s4], $0x80, v4, vm0, $0xb8;
	[tilespmem:$0x1C200] =	vst v63  }
0x4d: {  	_ = 	snop  }
0x4e: {  	[tilespmem:s17], [sflag:$0x6] =	stream.indirect_vreg.gather [hbm4b:s6+s4], $0x80, v4, vm0, $0xb8;
	[tilespmem:$0x1C200] =	vst v63  }
0x4f: {  	_ = 	snop  }
0x50: {  	[tilespmem:s18], [sflag:$0x6] =	stream.indirect_vreg.gather [hbm4b:s0+s4], $0x80, v3, vm0, $0xb8;
	[tilespmem:$0x1C200] =	vst v63  }
0x51: {  	_ = 	snop  }
0x52: {  	[tilespmem:s19], [sflag:$0x6] =	stream.indirect_vreg.gather [hbm4b:s6+s4], $0x80, v3, vm0, $0xb8;
	[tilespmem:$0x1C200] =	vst v63  }
0x53: {  	v3 =	vld [tilespmem:$0x10];
	_ =	sdelay $0x4  }
0x54: {  	v49 =	vshll.u32 v3, $0x2  }
0x55: {  	v3 =	vand.u32 $0x7, v3;
	v4 =	vand.u32 $0xFFFFFFE0, v49  }
0x56: {  	v3 =	vor.u32 v3, v4  }
0x57: {  	v4 =	vperm.xlane v3, v0;
	_ =	sdelay $0x1  }
0x58: {  	v4 =	vadd.s32 v1, v4;
	_ =	sdelay $0x1  }
0x59: {  	v3 =	vperm.xlane v3, v2;
	_ =	sdelay $0x1  }
0x5a: {  	v3 =	vadd.s32 v1, v3  }
0x5b: {  	[tilespmem:s20], [sflag:$0x6] =	stream.indirect_vreg.gather [hbm4b:s0+s4], $0x80, v4, vm0, $0xb8;
	[tilespmem:$0x1C200] =	vst v63  }
0x5c: {  	_ = 	snop  }
0x5d: {  	[tilespmem:s21], [sflag:$0x6] =	stream.indirect_vreg.gather [hbm4b:s6+s4], $0x80, v4, vm0, $0xb8;
	[tilespmem:$0x1C200] =	vst v63  }
0x5e: {  	_ = 	snop  }
0x5f: {  	[tilespmem:s22], [sflag:$0x6] =	stream.indirect_vreg.gather [hbm4b:s0+s4], $0x80, v3, vm0, $0xb8;
	[tilespmem:$0x1C200] =	vst v63  }
0x60: {  	_ = 	snop  }
0x61: {  	[tilespmem:s23], [sflag:$0x6] =	stream.indirect_vreg.gather [hbm4b:s6+s4], $0x80, v3, vm0, $0xb8;
	[tilespmem:$0x1C200] =	vst v63  }
0x62: {  	v3 =	vld [tilespmem:$0x20];
	_ =	sdelay $0x4  }
0x63: {  	v50 =	vshll.u32 v3, $0x2  }
0x64: {  	v3 =	vand.u32 $0x7, v3;
	v4 =	vand.u32 $0xFFFFFFE0, v50  }
0x65: {  	v3 =	vor.u32 v3, v4  }
0x66: {  	v4 =	vperm.xlane v3, v0;
	_ =	sdelay $0x1  }
0x67: {  	v4 =	vadd.s32 v1, v4;
	_ =	sdelay $0x1  }
0x68: {  	v3 =	vperm.xlane v3, v2;
	_ =	sdelay $0x1  }
0x69: {  	v3 =	vadd.s32 v1, v3  }
0x6a: {  	[tilespmem:s24], [sflag:$0x6] =	stream.indirect_vreg.gather [hbm4b:s0+s4], $0x80, v4, vm0, $0xb8;
	[tilespmem:$0x1C200] =	vst v63  }
0x6b: {  	_ = 	snop  }
0x6c: {  	[tilespmem:s25], [sflag:$0x6] =	stream.indirect_vreg.gather [hbm4b:s6+s4], $0x80, v4, vm0, $0xb8;
	[tilespmem:$0x1C200] =	vst v63  }
0x6d: {  	_ = 	snop  }
0x6e: {  	[tilespmem:s26], [sflag:$0x6] =	stream.indirect_vreg.gather [hbm4b:s0+s4], $0x80, v3, vm0, $0xb8;
	[tilespmem:$0x1C200] =	vst v63  }
0x6f: {  	_ = 	snop  }
0x70: {  	[tilespmem:s28], [sflag:$0x6] =	stream.indirect_vreg.gather [hbm4b:s6+s4], $0x80, v3, vm0, $0xb8;
	[tilespmem:$0x1C200] =	vst v63  }
0x71: {  	v3 =	vld [tilespmem:$0x30];
	_ =	sdelay $0x4  }
0x72: {  	v51 =	vshll.u32 v3, $0x2  }
0x73: {  	v3 =	vand.u32 $0x7, v3;
	v4 =	vand.u32 $0xFFFFFFE0, v51  }
0x74: {  	v3 =	vor.u32 v3, v4  }
0x75: {  	v4 =	vperm.xlane v3, v0;
	_ =	sdelay $0x1  }
0x76: {  	v4 =	vadd.s32 v1, v4;
	_ =	sdelay $0x1  }
0x77: {  	v3 =	vperm.xlane v3, v2;
	_ =	sdelay $0x1  }
0x78: {  	v3 =	vadd.s32 v1, v3  }
0x79: {  	[tilespmem:s29], [sflag:$0x6] =	stream.indirect_vreg.gather [hbm4b:s0+s4], $0x80, v4, vm0, $0xb8;
	[tilespmem:$0x1C200] =	vst v63  }
0x7a: {  	_ = 	snop  }
0x7b: {  	[tilespmem:s30], [sflag:$0x6] =	stream.indirect_vreg.gather [hbm4b:s6+s4], $0x80, v4, vm0, $0xb8;
	[tilespmem:$0x1C200] =	vst v63  }
0x7c: {  	_ = 	snop  }
0x7d: {  	[tilespmem:s3], [sflag:$0x6] =	stream.indirect_vreg.gather [hbm4b:s0+s4], $0x80, v3, vm0, $0xb8;
	[tilespmem:$0x1C200] =	vst v63  }
0x7e: {  	_ = 	snop  }
0x7f: {  	[tilespmem:s8], [sflag:$0x6] =	stream.indirect_vreg.gather [hbm4b:s6+s4], $0x80, v3, vm0, $0xb8;
	[tilespmem:$0x1C200] =	vst v63  }
0x80: {  	_ =	swait.ge [sflag:s12], $0x8000  }
0x81: {  	s14 =	sld [smem:$0x7EE]  }
0x82: {  	[sflag:s12] =	ssyncset.done $0x0  }
0x83: {  	[sflag:s12] =	ssyncadd.s32 $0xFFFF8000  }
0x84: {  	[hbm4b:s14+s4] =	stream.linear.scatter [tilespmem:s13], [sflag:$0x2], $0x8000, $0x38;
	[tilespmem:$0x1C200] =	vst v63  }
0x85: {  	v3 =	vld [tilespmem:$0x40];
	_ =	sdelay $0x4  }
0x86: {  	v52 =	vshll.u32 v3, $0x2  }
0x87: {  	v3 =	vand.u32 $0x7, v3;
	v4 =	vand.u32 $0xFFFFFFE0, v52  }
0x88: {  	v3 =	vor.u32 v3, v4  }
0x89: {  	v4 =	vperm.xlane v3, v0;
	_ =	sdelay $0x1  }
0x8a: {  	v4 =	vadd.s32 v1, v4;
	_ =	sdelay $0x1  }
0x8b: {  	v3 =	vperm.xlane v3, v2;
	_ =	sdelay $0x1  }
0x8c: {  	v3 =	vadd.s32 v1, v3  }
0x8d: {  	[tilespmem:s5], [sflag:$0x6] =	stream.indirect_vreg.gather [hbm4b:s0+s4], $0x80, v4, vm0, $0xb8;
	[tilespmem:$0x1C200] =	vst v63  }
0x8e: {  	s10 =	rddreg [dreg:$0x11]  }
0x8f: {  	[tilespmem:s10], [sflag:$0x6] =	stream.indirect_vreg.gather [hbm4b:s6+s4], $0x80, v4, vm0, $0xb8;
	[tilespmem:$0x1C200] =	vst v63  }
0x90: {  	s14 =	rddreg [dreg:$0x12]  }
0x91: {  	[tilespmem:s14], [sflag:$0x6] =	stream.indirect_vreg.gather [hbm4b:s0+s4], $0x80, v3, vm0, $0xb8;
	[tilespmem:$0x1C200] =	vst v63  }
0x92: {  	s10 =	rddreg [dreg:$0x13]  }
0x93: {  	[tilespmem:s10], [sflag:$0x6] =	stream.indirect_vreg.gather [hbm4b:s6+s4], $0x80, v3, vm0, $0xb8;
	[tilespmem:$0x1C200] =	vst v63  }
0x94: {  	v3 =	vld [tilespmem:$0x50];
	_ =	sdelay $0x4  }
0x95: {  	v53 =	vshll.u32 v3, $0x2  }
0x96: {  	v3 =	vand.u32 $0x7, v3;
	v4 =	vand.u32 $0xFFFFFFE0, v53  }
0x97: {  	v3 =	vor.u32 v3, v4  }
0x98: {  	v4 =	vperm.xlane v3, v0;
	_ =	sdelay $0x1  }
0x99: {  	v4 =	vadd.s32 v1, v4;
	_ =	sdelay $0x1  }
0x9a: {  	v3 =	vperm.xlane v3, v2;
	_ =	sdelay $0x1  }
0x9b: {  	s10 =	rddreg [dreg:$0x14];
	v3 =	vadd.s32 v1, v3  }
0x9c: {  	[tilespmem:s10], [sflag:$0x6] =	stream.indirect_vreg.gather [hbm4b:s0+s4], $0x80, v4, vm0, $0xb8;
	[tilespmem:$0x1C200] =	vst v63  }
0x9d: {  	s14 =	rddreg [dreg:$0x15]  }
0x9e: {  	[tilespmem:s14], [sflag:$0x6] =	stream.indirect_vreg.gather [hbm4b:s6+s4], $0x80, v4, vm0, $0xb8;
	[tilespmem:$0x1C200] =	vst v63  }
0x9f: {  	s10 =	rddreg [dreg:$0x16]  }
0xa0: {  	[tilespmem:s10], [sflag:$0x6] =	stream.indirect_vreg.gather [hbm4b:s0+s4], $0x80, v3, vm0, $0xb8;
	[tilespmem:$0x1C200] =	vst v63  }
0xa1: {  	s14 =	rddreg [dreg:$0x17]  }
0xa2: {  	[tilespmem:s14], [sflag:$0x6] =	stream.indirect_vreg.gather [hbm4b:s6+s4], $0x80, v3, vm0, $0xb8;
	[tilespmem:$0x1C200] =	vst v63  }
0xa3: {  	v3 =	vld [tilespmem:$0x60];
	_ =	sdelay $0x4  }
0xa4: {  	v54 =	vshll.u32 v3, $0x2  }
0xa5: {  	v3 =	vand.u32 $0x7, v3;
	v4 =	vand.u32 $0xFFFFFFE0, v54  }
0xa6: {  	v3 =	vor.u32 v3, v4  }
0xa7: {  	v4 =	vperm.xlane v3, v0;
	_ =	sdelay $0x1  }
0xa8: {  	v4 =	vadd.s32 v1, v4;
	_ =	sdelay $0x1  }
0xa9: {  	v3 =	vperm.xlane v3, v2;
	_ =	sdelay $0x1  }
0xaa: {  	s10 =	rddreg [dreg:$0x18];
	v3 =	vadd.s32 v1, v3  }
0xab: {  	[tilespmem:s10], [sflag:$0x6] =	stream.indirect_vreg.gather [hbm4b:s0+s4], $0x80, v4, vm0, $0xb8;
	[tilespmem:$0x1C200] =	vst v63  }
0xac: {  	s14 =	rddreg [dreg:$0x19]  }
0xad: {  	[tilespmem:s14], [sflag:$0x6] =	stream.indirect_vreg.gather [hbm4b:s6+s4], $0x80, v4, vm0, $0xb8;
	[tilespmem:$0x1C200] =	vst v63  }
0xae: {  	s10 =	rddreg [dreg:$0x1a]  }
0xaf: {  	[tilespmem:s10], [sflag:$0x6] =	stream.indirect_vreg.gather [hbm4b:s0+s4], $0x80, v3, vm0, $0xb8;
	[tilespmem:$0x1C200] =	vst v63  }
0xb0: {  	s14 =	rddreg [dreg:$0x1b]  }
0xb1: {  	[tilespmem:s14], [sflag:$0x6] =	stream.indirect_vreg.gather [hbm4b:s6+s4], $0x80, v3, vm0, $0xb8;
	[tilespmem:$0x1C200] =	vst v63  }
0xb2: {  	v3 =	vld [tilespmem:$0x70];
	_ =	sdelay $0x4  }
0xb3: {  	v55 =	vshll.u32 v3, $0x2  }
0xb4: {  	v3 =	vand.u32 $0x7, v3;
	v4 =	vand.u32 $0xFFFFFFE0, v55  }
0xb5: {  	v3 =	vor.u32 v3, v4  }
0xb6: {  	v4 =	vperm.xlane v3, v0;
	_ =	sdelay $0x1  }
0xb7: {  	v4 =	vadd.s32 v1, v4;
	_ =	sdelay $0x1  }
0xb8: {  	v3 =	vperm.xlane v3, v2;
	_ =	sdelay $0x1  }
0xb9: {  	s10 =	rddreg [dreg:$0x1c];
	v3 =	vadd.s32 v1, v3  }
0xba: {  	[tilespmem:s10], [sflag:$0x6] =	stream.indirect_vreg.gather [hbm4b:s0+s4], $0x80, v4, vm0, $0xb8;
	[tilespmem:$0x1C200] =	vst v63  }
0xbb: {  	s14 =	rddreg [dreg:$0x1d]  }
0xbc: {  	[tilespmem:s14], [sflag:$0x6] =	stream.indirect_vreg.gather [hbm4b:s6+s4], $0x80, v4, vm0, $0xb8;
	[tilespmem:$0x1C200] =	vst v63  }
0xbd: {  	s10 =	rddreg [dreg:$0x1e]  }
0xbe: {  	[tilespmem:s10], [sflag:$0x6] =	stream.indirect_vreg.gather [hbm4b:s0+s4], $0x80, v3, vm0, $0xb8;
	[tilespmem:$0x1C200] =	vst v63  }
0xbf: {  	s14 =	rddreg [dreg:$0x1f]  }
0xc0: {  	[tilespmem:s14], [sflag:$0x6] =	stream.indirect_vreg.gather [hbm4b:s6+s4], $0x80, v3, vm0, $0xb8;
	[tilespmem:$0x1C200] =	vst v63  }
0xc1: {  	_ =	swait.ge [sflag:s12], $0x8000  }
0xc2: {  	[sflag:s12] =	ssyncset.done $0x0  }
0xc3: {  	s14 =	rddreg [dreg:$0xc];
	[sflag:s12] =	ssyncadd.s32 $0xFFFF8000  }
0xc4: {  	[hbm4b:s14+s4] =	stream.linear.scatter [tilespmem:s5], [sflag:$0x3], $0x8000, $0x38;
	[tilespmem:$0x1C200] =	vst v63  }
0xc5: {  	_ =	swait.ge [sflag:s9], $0x80  }
0xc6: {  	[sflag:s9] =	ssyncset.done $0x0  }
0xc7: {  	[sflag:s9] =	ssyncadd.s32 $0xFFFFFF80  }
0xc8: {  	_ =	swait.ge [sflag:s9], $0x80  }
0xc9: {  	[sflag:s9] =	ssyncset.done $0x0  }
0xca: {  	[sflag:s9] =	ssyncadd.s32 $0xFFFFFF80  }
0xcb: {  	_ =	swait.ge [sflag:s31], $0x4000  }
0xcc: {  	[sflag:s31] =	ssyncset.done $0x0  }
0xcd: {  	[sflag:s31] =	ssyncadd.s32 $0xFFFFC000  }
0xce: {  	[tilespmem:s11], [sflag:$0x6] =	stream.indirect.gather [hbm4b:s15+s1], $0x80, s16, s1, $0xb8;
	[tilespmem:$0x1C200] =	vst v63  }
0xcf: {  	_ =	swait.ge [sflag:s12], $0x4000  }
0xd0: {  	[sflag:s12] =	ssyncset.done $0x0  }
0xd1: {  	s14 =	rddreg [dreg:$0xd];
	[sflag:s12] =	ssyncadd.s32 $0xFFFFC000  }
0xd2: {  	[hbm4b:s14+s4] =	stream.linear.scatter [tilespmem:s11], [sflag:$0x5], $0x4000, $0x38;
	[tilespmem:$0x1C200] =	vst v63  }
0xd3: {  	v3 =	vld [tilespmem:$0x100];
	_ =	sdelay $0x4  }
0xd4: {  	v56 =	vshll.u32 v3, $0x2  }
0xd5: {  	v3 =	vand.u32 $0x7, v3;
	v4 =	vand.u32 $0xFFFFFFE0, v56  }
0xd6: {  	v3 =	vor.u32 v3, v4  }
0xd7: {  	v4 =	vperm.xlane v3, v0;
	_ =	sdelay $0x1  }
0xd8: {  	v4 =	vadd.s32 v1, v4;
	_ =	sdelay $0x1  }
0xd9: {  	v3 =	vperm.xlane v3, v2;
	_ =	sdelay $0x1  }
0xda: {  	s1 =	simm.s32 $0x10200;
	s15 =	sld [smem:$0x7EF];
	v3 =	vadd.s32 v1, v3  }
0xdb: {  	[tilespmem:s1], [sflag:$0x6] =	stream.indirect_vreg.gather [hbm4b:s0+s4], $0x80, v4, vm0, $0xb8;
	[tilespmem:$0x1C200] =	vst v63  }
0xdc: {  	s14 =	sld [smem:$0x7F0]  }
0xdd: {  	[tilespmem:s15], [sflag:$0x6] =	stream.indirect_vreg.gather [hbm4b:s6+s4], $0x80, v4, vm0, $0xb8;
	[tilespmem:$0x1C200] =	vst v63  }
0xde: {  	s15 =	sld [smem:$0x7F1]  }
0xdf: {  	[tilespmem:s14], [sflag:$0x6] =	stream.indirect_vreg.gather [hbm4b:s0+s4], $0x80, v3, vm0, $0xb8;
	[tilespmem:$0x1C200] =	vst v63  }
0xe0: {  	_ = 	snop  }
0xe1: {  	[tilespmem:s15], [sflag:$0x6] =	stream.indirect_vreg.gather [hbm4b:s6+s4], $0x80, v3, vm0, $0xb8;
	[tilespmem:$0x1C200] =	vst v63  }
0xe2: {  	v3 =	vld [tilespmem:$0x110];
	_ =	sdelay $0x4  }
0xe3: {  	v57 =	vshll.u32 v3, $0x2  }
0xe4: {  	v3 =	vand.u32 $0x7, v3;
	v4 =	vand.u32 $0xFFFFFFE0, v57  }
0xe5: {  	v3 =	vor.u32 v3, v4  }
0xe6: {  	v4 =	vperm.xlane v3, v0;
	_ =	sdelay $0x1  }
0xe7: {  	v4 =	vadd.s32 v1, v4;
	_ =	sdelay $0x1  }
0xe8: {  	s14 =	sld [smem:$0x7F2];
	v3 =	vperm.xlane v3, v2;
	_ =	sdelay $0x1  }
0xe9: {  	s15 =	sld [smem:$0x7F3];
	v3 =	vadd.s32 v1, v3  }
0xea: {  	[tilespmem:s14], [sflag:$0x6] =	stream.indirect_vreg.gather [hbm4b:s0+s4], $0x80, v4, vm0, $0xb8;
	[tilespmem:$0x1C200] =	vst v63  }
0xeb: {  	s10 =	sld [smem:$0x7F4]  }
0xec: {  	[tilespmem:s15], [sflag:$0x6] =	stream.indirect_vreg.gather [hbm4b:s6+s4], $0x80, v4, vm0, $0xb8;
	[tilespmem:$0x1C200] =	vst v63  }
0xed: {  	s15 =	sld [smem:$0x7F5]  }
0xee: {  	[tilespmem:s10], [sflag:$0x6] =	stream.indirect_vreg.gather [hbm4b:s0+s4], $0x80, v3, vm0, $0xb8;
	[tilespmem:$0x1C200] =	vst v63  }
0xef: {  	_ = 	snop  }
0xf0: {  	[tilespmem:s15], [sflag:$0x6] =	stream.indirect_vreg.gather [hbm4b:s6+s4], $0x80, v3, vm0, $0xb8;
	[tilespmem:$0x1C200] =	vst v63  }
0xf1: {  	v3 =	vld [tilespmem:$0x120];
	_ =	sdelay $0x4  }
0xf2: {  	v58 =	vshll.u32 v3, $0x2  }
0xf3: {  	v3 =	vand.u32 $0x7, v3;
	v4 =	vand.u32 $0xFFFFFFE0, v58  }
0xf4: {  	v3 =	vor.u32 v3, v4  }
0xf5: {  	v4 =	vperm.xlane v3, v0;
	_ =	sdelay $0x1  }
0xf6: {  	v4 =	vadd.s32 v1, v4;
	_ =	sdelay $0x1  }
0xf7: {  	s14 =	sld [smem:$0x7F6];
	v3 =	vperm.xlane v3, v2;
	_ =	sdelay $0x1  }
0xf8: {  	s15 =	sld [smem:$0x7F7];
	v3 =	vadd.s32 v1, v3  }
0xf9: {  	[tilespmem:s14], [sflag:$0x6] =	stream.indirect_vreg.gather [hbm4b:s0+s4], $0x80, v4, vm0, $0xb8;
	[tilespmem:$0x1C200] =	vst v63  }
0xfa: {  	s10 =	sld [smem:$0x7F8]  }
0xfb: {  	[tilespmem:s15], [sflag:$0x6] =	stream.indirect_vreg.gather [hbm4b:s6+s4], $0x80, v4, vm0, $0xb8;
	[tilespmem:$0x1C200] =	vst v63  }
0xfc: {  	s15 =	sld [smem:$0x7F9]  }
0xfd: {  	[tilespmem:s10], [sflag:$0x6] =	stream.indirect_vreg.gather [hbm4b:s0+s4], $0x80, v3, vm0, $0xb8;
	[tilespmem:$0x1C200] =	vst v63  }
0xfe: {  	_ = 	snop  }
0xff: {  	[tilespmem:s15], [sflag:$0x6] =	stream.indirect_vreg.gather [hbm4b:s6+s4], $0x80, v3, vm0, $0xb8;
	[tilespmem:$0x1C200] =	vst v63  }
0x100: {  	v3 =	vld [tilespmem:$0x130];
	_ =	sdelay $0x4  }
0x101: {  	v59 =	vshll.u32 v3, $0x2  }
0x102: {  	v3 =	vand.u32 $0x7, v3;
	v4 =	vand.u32 $0xFFFFFFE0, v59  }
0x103: {  	v3 =	vor.u32 v3, v4  }
0x104: {  	v4 =	vperm.xlane v3, v0;
	_ =	sdelay $0x1  }
0x105: {  	v4 =	vadd.s32 v1, v4;
	_ =	sdelay $0x1  }
0x106: {  	s14 =	sld [smem:$0x7FA];
	v3 =	vperm.xlane v3, v2;
	_ =	sdelay $0x1  }
0x107: {  	s15 =	sld [smem:$0x7FB];
	v3 =	vadd.s32 v1, v3  }
0x108: {  	[tilespmem:s14], [sflag:$0x6] =	stream.indirect_vreg.gather [hbm4b:s0+s4], $0x80, v4, vm0, $0xb8;
	[tilespmem:$0x1C200] =	vst v63  }
0x109: {  	s10 =	sld [smem:$0x7FC]  }
0x10a: {  	[tilespmem:s15], [sflag:$0x6] =	stream.indirect_vreg.gather [hbm4b:s6+s4], $0x80, v4, vm0, $0xb8;
	[tilespmem:$0x1C200] =	vst v63  }
0x10b: {  	s15 =	sld [smem:$0x7FD]  }
0x10c: {  	[tilespmem:s10], [sflag:$0x6] =	stream.indirect_vreg.gather [hbm4b:s0+s4], $0x80, v3, vm0, $0xb8;
	[tilespmem:$0x1C200] =	vst v63  }
0x10d: {  	_ = 	snop  }
0x10e: {  	[tilespmem:s15], [sflag:$0x6] =	stream.indirect_vreg.gather [hbm4b:s6+s4], $0x80, v3, vm0, $0xb8;
	[tilespmem:$0x1C200] =	vst v63  }
0x10f: {  	_ =	swait.ge [sflag:s12], $0x8000  }
0x110: {  	[sflag:s12] =	ssyncset.done $0x0  }
0x111: {  	s15 =	rddreg [dreg:$0xe];
	[sflag:s12] =	ssyncadd.s32 $0xFFFF8000  }
0x112: {  	[hbm4b:s15+s4] =	stream.linear.scatter [tilespmem:s1], [sflag:$0x4], $0x8000, $0x38;
	[tilespmem:$0x1C200] =	vst v63  }
0x113: {  	_ =	swait.ge [sflag:s2], $0x8000  }
0x114: {  	[sflag:s2] =	ssyncset.done $0x0  }
0x115: {  	[sflag:s2] =	ssyncadd.s32 $0xFFFF8000  }
0x116: {  	v3 =	vld [tilespmem:$0x140];
	_ =	sdelay $0x4  }
0x117: {  	v60 =	vshll.u32 v3, $0x2  }
0x118: {  	v3 =	vand.u32 $0x7, v3;
	v4 =	vand.u32 $0xFFFFFFE0, v60  }
0x119: {  	v3 =	vor.u32 v3, v4  }
0x11a: {  	v4 =	vperm.xlane v3, v0;
	_ =	sdelay $0x1  }
0x11b: {  	v4 =	vadd.s32 v1, v4;
	_ =	sdelay $0x1  }
0x11c: {  	v3 =	vperm.xlane v3, v2;
	_ =	sdelay $0x1  }
0x11d: {  	v3 =	vadd.s32 v1, v3  }
0x11e: {  	[tilespmem:s13], [sflag:$0x6] =	stream.indirect_vreg.gather [hbm4b:s0+s4], $0x80, v4, vm0, $0xb8;
	[tilespmem:$0x1C200] =	vst v63  }
0x11f: {  	_ = 	snop  }
0x120: {  	[tilespmem:s17], [sflag:$0x6] =	stream.indirect_vreg.gather [hbm4b:s6+s4], $0x80, v4, vm0, $0xb8;
	[tilespmem:$0x1C200] =	vst v63  }
0x121: {  	_ = 	snop  }
0x122: {  	[tilespmem:s18], [sflag:$0x6] =	stream.indirect_vreg.gather [hbm4b:s0+s4], $0x80, v3, vm0, $0xb8;
	[tilespmem:$0x1C200] =	vst v63  }
0x123: {  	_ = 	snop  }
0x124: {  	[tilespmem:s19], [sflag:$0x6] =	stream.indirect_vreg.gather [hbm4b:s6+s4], $0x80, v3, vm0, $0xb8;
	[tilespmem:$0x1C200] =	vst v63  }
0x125: {  	v3 =	vld [tilespmem:$0x150];
	_ =	sdelay $0x4  }
0x126: {  	v61 =	vshll.u32 v3, $0x2  }
0x127: {  	v3 =	vand.u32 $0x7, v3;
	v4 =	vand.u32 $0xFFFFFFE0, v61  }
0x128: {  	v3 =	vor.u32 v3, v4  }
0x129: {  	v4 =	vperm.xlane v3, v0;
	_ =	sdelay $0x1  }
0x12a: {  	v4 =	vadd.s32 v1, v4;
	_ =	sdelay $0x1  }
0x12b: {  	v3 =	vperm.xlane v3, v2;
	_ =	sdelay $0x1  }
0x12c: {  	v3 =	vadd.s32 v1, v3  }
0x12d: {  	[tilespmem:s20], [sflag:$0x6] =	stream.indirect_vreg.gather [hbm4b:s0+s4], $0x80, v4, vm0, $0xb8;
	[tilespmem:$0x1C200] =	vst v63  }
0x12e: {  	_ = 	snop  }
0x12f: {  	[tilespmem:s21], [sflag:$0x6] =	stream.indirect_vreg.gather [hbm4b:s6+s4], $0x80, v4, vm0, $0xb8;
	[tilespmem:$0x1C200] =	vst v63  }
0x130: {  	_ = 	snop  }
0x131: {  	[tilespmem:s22], [sflag:$0x6] =	stream.indirect_vreg.gather [hbm4b:s0+s4], $0x80, v3, vm0, $0xb8;
	[tilespmem:$0x1C200] =	vst v63  }
0x132: {  	_ = 	snop  }
0x133: {  	[tilespmem:s23], [sflag:$0x6] =	stream.indirect_vreg.gather [hbm4b:s6+s4], $0x80, v3, vm0, $0xb8;
	[tilespmem:$0x1C200] =	vst v63  }
0x134: {  	v3 =	vld [tilespmem:$0x160];
	_ =	sdelay $0x4  }
0x135: {  	v62 =	vshll.u32 v3, $0x2  }
0x136: {  	v3 =	vand.u32 $0x7, v3;
	v4 =	vand.u32 $0xFFFFFFE0, v62  }
0x137: {  	v3 =	vor.u32 v3, v4  }
0x138: {  	v4 =	vperm.xlane v3, v0;
	_ =	sdelay $0x1  }
0x139: {  	v4 =	vadd.s32 v1, v4;
	_ =	sdelay $0x1  }
0x13a: {  	v3 =	vperm.xlane v3, v2;
	_ =	sdelay $0x1  }
0x13b: {  	v3 =	vadd.s32 v1, v3  }
0x13c: {  	[tilespmem:s24], [sflag:$0x6] =	stream.indirect_vreg.gather [hbm4b:s0+s4], $0x80, v4, vm0, $0xb8;
	[tilespmem:$0x1C200] =	vst v63  }
0x13d: {  	_ = 	snop  }
0x13e: {  	[tilespmem:s25], [sflag:$0x6] =	stream.indirect_vreg.gather [hbm4b:s6+s4], $0x80, v4, vm0, $0xb8;
	[tilespmem:$0x1C200] =	vst v63  }
0x13f: {  	_ = 	snop  }
0x140: {  	[tilespmem:s26], [sflag:$0x6] =	stream.indirect_vreg.gather [hbm4b:s0+s4], $0x80, v3, vm0, $0xb8;
	[tilespmem:$0x1C200] =	vst v63  }
0x141: {  	_ = 	snop  }
0x142: {  	[tilespmem:s28], [sflag:$0x6] =	stream.indirect_vreg.gather [hbm4b:s6+s4], $0x80, v3, vm0, $0xb8;
	[tilespmem:$0x1C200] =	vst v63  }
0x143: {  	v3 =	vld [tilespmem:$0x170];
	_ =	sdelay $0x4  }
0x144: {  	v63 =	vshll.u32 v3, $0x2  }
0x145: {  	v3 =	vand.u32 $0x7, v3;
	v4 =	vand.u32 $0xFFFFFFE0, v63  }
0x146: {  	v3 =	vor.u32 v3, v4  }
0x147: {  	v4 =	vperm.xlane v3, v0;
	_ =	sdelay $0x1  }
0x148: {  	v4 =	vadd.s32 v1, v4;
	_ =	sdelay $0x1  }
0x149: {  	v3 =	vperm.xlane v3, v2;
	_ =	sdelay $0x1  }
0x14a: {  	v3 =	vadd.s32 v1, v3  }
0x14b: {  	[tilespmem:s29], [sflag:$0x6] =	stream.indirect_vreg.gather [hbm4b:s0+s4], $0x80, v4, vm0, $0xb8;
	[tilespmem:$0x1C200] =	vst v63  }
0x14c: {  	_ = 	snop  }
0x14d: {  	[tilespmem:s30], [sflag:$0x6] =	stream.indirect_vreg.gather [hbm4b:s6+s4], $0x80, v4, vm0, $0xb8;
	[tilespmem:$0x1C200] =	vst v63  }
0x14e: {  	_ = 	snop  }
0x14f: {  	[tilespmem:s3], [sflag:$0x6] =	stream.indirect_vreg.gather [hbm4b:s0+s4], $0x80, v3, vm0, $0xb8;
	[tilespmem:$0x1C200] =	vst v63  }
0x150: {  	_ = 	snop  }
0x151: {  	[tilespmem:s8], [sflag:$0x6] =	stream.indirect_vreg.gather [hbm4b:s6+s4], $0x80, v3, vm0, $0xb8;
	[tilespmem:$0x1C200] =	vst v63  }
0x152: {  	_ =	swait.ge [sflag:s12], $0x8000  }
0x153: {  	[sflag:s12] =	ssyncset.done $0x0  }
0x154: {  	s1 =	rddreg [dreg:$0xf];
	[sflag:s12] =	ssyncadd.s32 $0xFFFF8000  }
0x155: {  	[hbm4b:s1+s4] =	stream.linear.scatter [tilespmem:s13], [sflag:$0x2], $0x8000, $0x38;
	[tilespmem:$0x1C200] =	vst v63  }
0x156: {  	_ =	swait.ge [sflag:s2], $0x8000  }
0x157: {  	[sflag:s2] =	ssyncset.done $0x0  }
0x158: {  	s14 =	simm.s32 $0x3;
	[sflag:s2] =	ssyncadd.s32 $0xFFFF8000  }
0x159: {  	_ =	swait.ge [sflag:s14], $0x8000  }
0x15a: {  	[sflag:s14] =	ssyncset.done $0x0  }
0x15b: {  	s15 =	simm.s32 $0x4;
	[sflag:s14] =	ssyncadd.s32 $0xFFFF8000  }
0x15c: {  	p0 =	sne.s32 s7, $0x1;
	_ =	swait.ge [sflag:s15], $0x8000  }
.Ltmp0:
0x15d: {  	[sflag:s15] =	ssyncset.done $0x0;
	(pc) =	sbr.rel @p0 .LBB2_1-.Ltmp0, $4  }
0x15e: {  	[sflag:s15] =	ssyncadd.s32 $0xFFFF8000  }
0x15f: {  	_ =	swait.ge [sflag:s31], $0x4000  }
0x160: {  	[sflag:s31] =	ssyncset.done $0x0  }
0x161: {  	s7 =	sadd.s32 $0xFFFFFFFF, s7;
	[sflag:s31] =	ssyncadd.s32 $0xFFFFC000  }
0x162: {  	_ =	sfence.sel $0x180000  }
0x163: {  	[bflag:$0x0] =	sbarrier.arrive $0xFFFF  }
0x164: {  	_ =	strace $0x90000047  }
0x165: {  	s0 =	stileid.u32;
	[bflag:$0x2] =	sbarrier.arrive $0xFFFF  }
0x166: {  	p0 =	sne.s32 s0, $0x0;
	s0 =	rddreg [dreg:$0x6]  }
0x167: {  	s0 =	sadd.s32 @!p0 $0x100000, s0  }
0x168: {  	[sflag:s0] =	ssyncadd.tile.s32 @!p0 $0x1;
	_ =	shalt  }
.Lfunc_end2:
_tile_overlayer_lowered:
.L_overlay_start_2:
0x169: {  	(tag) =	ssettag $0x2  }
0x16a: {  	s0 =	rddreg [dreg:$0x0];
	s2 =	stileid.u32  }
0x16b: {  	s1 =	rddreg [dreg:$0x1];
	p0 =	sne.s32 s2, $0x0  }
0x16c: {  	s3 =	rddreg [dreg:$0x2];
	[bflag:$0x3] =	sbarrier.arrive $0xFFFF;
	s2 =	simm.s32 @!p0 $0x1C06  }
0x16d: {  	[timem:s3], [sflag:s2] =	dma.local @!p0 [hbm:s0], s1  }
0x16e: {  	s0 =	simm.s32 @!p0 $0x6  }
0x16f: {  	_ =	swait.ge @!p0 [sflag:s0], s1  }
0x170: {  	s1 =	ssub.s32 @!p0 $0x0, s1;
	[sflag:s0] =	ssyncset.done @!p0 $0x0  }
0x171: {  	[sflag:s0] =	ssyncadd.s32 @!p0 s1  }
0x172: {  	[bflag:$0x3] =	sbarrier.arrive $0xFFFF  }
0x173: {  	_ =	shalt  }

// kernel: kernel.13.cloned.1.call-start
scs
__scs_entry_jumppad:
0x0: {  	(pc) =	sbr.rel $0x88, $3  }
0x1: {  	(tag) =	ssettag $0x0;
	lr =	simm.s32 $0x1  }
0x2: {  	[smem:$0x3F91] =	sst lr;
	_ =	strace $0xD0000000  }
0x3: {  	_ = 	snop  }
0x4: {  	_ = 	snop  }
0x5: {  	_ = 	snop  }
0x6: {  	_ = 	snop  }
0x7: {  	_ = 	snop  }
__scs_overlays_trampoline_lowered:
0x8: {  	[smem:$0x3FA0] =	sst s0  }
0x9: {  	[smem:$0x3FA1] =	sst s1  }
0xa: {  	[smem:$0x3FA2] =	sst s2  }
0xb: {  	[smem:$0x3FA3] =	sst s3  }
0xc: {  	[smem:$0x3FA4] =	sst s4  }
0xd: {  	[smem:$0x3FA5] =	sst s5  }
0xe: {  	[smem:$0x3FA6] =	sst s6  }
0xf: {  	[smem:$0x3FA7] =	sst s7  }
0x10: {  	[smem:$0x3FA8] =	sst s8  }
0x11: {  	[smem:$0x3FA9] =	sst s9;
	s0 =	simm.s32 @!p0 $0x0  }
0x12: {  	s1 =	sld [smem:$0x3F8F];
	s0 =	simm.s32 @p0 $0x1  }
0x13: {  	[smem:$0x3FAA] =	sst s0;
	s0 =	simm.s32 @!p1 $0x0  }
0x14: {  	s2 =	sld [smem:$0x3F8E];
	s0 =	simm.s32 @p1 $0x1  }
0x15: {  	[smem:$0x3FAB] =	sst s0;
	s0 =	simm.s32 @!p2 $0x0  }
0x16: {  	s3 =	sld [smem:$0x3FDB];
	s0 =	simm.s32 @p2 $0x1  }
0x17: {  	s4 =	simm.s32 $0x1BF5;
	[smem:$0x3FAD] =	sst s0  }
0x18: {  	s0 =	sld [smem:$0x3F90];
	_ =	swait.ge [sflag:s4], $0x0  }
0x19: {  	s7 =	sld [smem:$0x3F91]  }
0x1a: {  	s8 =	sadd.s32 $0xFFFFE003, lr  }
0x1b: {  	s9 =	sadd.s32 $0xFFFFFEF7, lr;
	s5 =	simm.s32 $0xFFFFFFFF;
	p2 =	slt.u32 s8, $0xFFFFF086  }
0x1c: {  	p1 =	slt.u32 s9, $0xF7A;
	s5 =	simm.s32 @!p2 $0x0  }
0x1d: {  	s5 =	simm.s32 @p1 $0x1;
	p0 =	seq.s32 s7, s2  }
0x1e: {  	s7 =	smul.u32 @!p0 $0xF7A, s2;
	p2 =	seq.s32 @!p0 s5, $0x0  }
0x1f: {  	s9 =	smul.u32 $0xF7A, s1;
	s8 =	simm.s32 @!p0 $0x1BF5;
	p2 =	por !p2, p0  }
0x20: {  	[sflag:s8] =	ssyncset.s32 @!p0 $0xFFFFF086;
	s6 =	sadd.s32 @!p0 s3, s7;
	s7 =	simm.s32 @!p0 $0x108  }
0x21: {  	s3 =	sadd.s32 s3, s9;
	s6 =	sadd.s32 @!p0 $0x88, s6;
	s7 =	simm.s32 @p2 $0x1082  }
0x22: {  	[simem:s7], [sflag:s8] =	dma.local @!p0 [hbm:s6], $0xF7A  }
0x23: {  	s9 =	sor.u32 $0xD0000000, s2;
	s6 =	simm.s32 $0x108;
	_ =	swait.ge @!p0 [sflag:s8], $0x0  }
0x24: {  	s3 =	sadd.s32 $0x88, s3;
	s6 =	simm.s32 @!p1 $0x1082;
	[sflag:s4] =	ssyncset.s32 $0xFFFFF086  }
0x25: {  	[simem:s6], [sflag:s4] =	dma.local [hbm:s3], $0xF7A  }
0x26: {  	[smem:$0x3F91] =	sst s1;
	(tag) =	ssettag s2;
	_ =	strace s9  }
0x27: {  	s1 =	sld [smem:$0x3FA1]  }
0x28: {  	s2 =	sld [smem:$0x3FA2]  }
0x29: {  	s4 =	sld [smem:$0x3FA4]  }
0x2a: {  	p0 =	seq.s32 s5, $0x0;
	s5 =	sld [smem:$0x3FA5]  }
0x2b: {  	s6 =	sld [smem:$0x3FA6]  }
0x2c: {  	s7 =	sld [smem:$0x3FA7]  }
0x2d: {  	s3 =	simm.s32 $0x108;
	s8 =	sld [smem:$0x3FA8]  }
0x2e: {  	s3 =	simm.s32 @!p0 $0x1082;
	s9 =	sld [smem:$0x3FA9]  }
0x2f: {  	lr =	sadd.s32 s0, s3;
	s0 =	sld [smem:$0x3FA0]  }
0x30: {  	s3 =	sld [smem:$0x3FA3]  }
0x31: {  	[smem:$0x3FAC] =	sst s10  }
0x32: {  	s10 =	sld [smem:$0x3FAA];
	_ =	sdelay $0x3  }
0x33: {  	p0 =	seq.s32 s10, $0x1;
	s10 =	sld [smem:$0x3FAC];
	_ =	sdelay $0x3  }
0x34: {  	[smem:$0x3FAC] =	sst s10  }
0x35: {  	s10 =	sld [smem:$0x3FAB];
	_ =	sdelay $0x3  }
0x36: {  	p1 =	seq.s32 s10, $0x1;
	s10 =	sld [smem:$0x3FAC];
	_ =	sdelay $0x3  }
0x37: {  	[smem:$0x3FAC] =	sst s10  }
0x38: {  	s10 =	sld [smem:$0x3FAD]  }
0x39: {  	_ = 	snop;
	(pc) =	sbr.ind lr, $3  }
0x3a: {  	_ = 	snop  }
0x3b: {  	_ = 	snop  }
0x3c: {  	p2 =	seq.s32 s10, $0x1;
	s10 =	sld [smem:$0x3FAC]  }
0x3d: {  	_ =	shalt  }
0x3e: {  	_ =	shalt  }
0x3f: {  	_ =	shalt  }
0x40: {  	_ =	shalt  }
0x41: {  	_ =	shalt  }
0x42: {  	_ =	shalt  }
0x43: {  	_ =	shalt  }
0x44: {  	_ =	shalt  }
0x45: {  	_ =	shalt  }
0x46: {  	_ =	shalt  }
0x47: {  	_ =	shalt  }
0x48: {  	_ =	shalt  }
0x49: {  	_ =	shalt  }
0x4a: {  	_ =	shalt  }
0x4b: {  	_ =	shalt  }
0x4c: {  	_ =	shalt  }
0x4d: {  	_ =	shalt  }
0x4e: {  	_ =	shalt  }
0x4f: {  	_ =	shalt  }
0x50: {  	_ =	shalt  }
0x51: {  	_ =	shalt  }
0x52: {  	_ =	shalt  }
0x53: {  	_ =	shalt  }
0x54: {  	_ =	shalt  }
0x55: {  	_ =	shalt  }
0x56: {  	_ =	shalt  }
0x57: {  	_ =	shalt  }
0x58: {  	_ =	shalt  }
0x59: {  	_ =	shalt  }
0x5a: {  	_ =	shalt  }
0x5b: {  	_ =	shalt  }
0x5c: {  	_ =	shalt  }
0x5d: {  	_ =	shalt  }
0x5e: {  	_ =	shalt  }
0x5f: {  	_ =	shalt  }
0x60: {  	_ =	shalt  }
0x61: {  	_ =	shalt  }
0x62: {  	_ =	shalt  }
0x63: {  	_ =	shalt  }
0x64: {  	_ =	shalt  }
0x65: {  	_ =	shalt  }
0x66: {  	_ =	shalt  }
0x67: {  	_ =	shalt  }
0x68: {  	_ =	shalt  }
0x69: {  	_ =	shalt  }
0x6a: {  	_ =	shalt  }
0x6b: {  	_ =	shalt  }
0x6c: {  	_ =	shalt  }
0x6d: {  	_ =	shalt  }
0x6e: {  	_ =	shalt  }
0x6f: {  	_ =	shalt  }
0x70: {  	_ =	shalt  }
0x71: {  	_ =	shalt  }
0x72: {  	_ =	shalt  }
0x73: {  	_ =	shalt  }
0x74: {  	_ =	shalt  }
0x75: {  	_ =	shalt  }
0x76: {  	_ =	shalt  }
0x77: {  	_ =	shalt  }
0x78: {  	_ =	shalt  }
0x79: {  	_ =	shalt  }
0x7a: {  	_ =	shalt  }
0x7b: {  	_ =	shalt  }
0x7c: {  	_ =	shalt  }
0x7d: {  	_ =	shalt  }
0x7e: {  	_ =	shalt  }
0x7f: {  	_ =	shalt  }
0x80: {  	_ =	shalt  }
0x81: {  	_ =	shalt  }
0x82: {  	_ =	shalt  }
0x83: {  	_ =	shalt  }
0x84: {  	_ =	shalt  }
0x85: {  	_ =	shalt  }
0x86: {  	_ =	shalt  }
0x87: {  	_ =	shalt  }
.Lfunc_end0:
.L_simem_size_0:
called_computation.1_lowered:
.L_overlay_start_0:
0x88: {  	s2 =	sld [smem:$0x3FD9]  }
0x89: {  	s3 =	sld [smem:$0x3FFE];
	_ =	sdelay $0x1  }
0x8a: {  	s1 =	srdreg.scid  }
0x8b: {  	s0 =	sand.u32 $0x1, s1  }
0x8c: {  	s17 =	sshll.u32 s0, $0xA;
	s2 =	sadd.s32 s3, s2  }
0x8d: {  	s2 =	sadd.s32 s2, s17  }
0x8e: {  	[smem:$0x3FB8] =	sst s2  }
0x8f: {  	_ = 	snop  }
0x90: {  	s18 =	sld [smem:$0x3FC9]  }
0x91: {  	s4 =	sld [smem:$0x3FC8]  }
0x92: {  	s5 =	sld [smem:$0x3FC5]  }
0x93: {  	s6 =	sld [smem:$0x3FBB];
	(tm) =	ssettm $0x1  }
0x94: {  	s19 =	sld [smem:$0x3FFB];
	_ =	sdelay $0x3  }
0x95: {  	_ =	strace s19  }
0x96: {  	s2 =	sld [smem:$0x3FFC];
	_ =	sdelay $0x3  }
0x97: {  	_ =	strace s2  }
0x98: {  	s2 =	sld [smem:$0x3FFD];
	_ =	sdelay $0x3  }
0x99: {  	_ =	strace s2  }
0x9a: {  	_ =	strace $0x8FFFFFFF  }
0x9b: {  	s20 =	sld [smem:$0x3FDB];
	_ =	sdelay $0x1  }
0x9c: {  	s7 =	simm.s32 $_scs_section_size  }
0x9d: {  	s8 =	simm.s32 $_size__tile_overlayer_lowered;
	s9 =	simm.s32 $_tile_overlayer_lowered  }
0x9e: {  	s10 =	simm.s32 $0x1BFF;
	s21 =	sshll.u32 s9, $0x1;
	s7 =	sadd.s32 s7, s20  }
0x9f: {  	s22 =	simm.s32 $0x0;
	s8 =	sshll.u32 s8, $0x1;
	s9 =	sadd.s32 s21, s7  }
0xa0: {  	[timem:s22], [sflag:s10] =	dma.local [hbm:s9], s8  }
0xa1: {  	_ =	swait.ge [sflag:s10], s8  }
0xa2: {  	s8 =	ssub.s32 $0x0, s8;
	[sflag:s10] =	ssyncset.done $0x0  }
0xa3: {  	[sflag:s10] =	ssyncadd.s32 s8;
	_ =	sdelay $0x1  }
0xa4: {  	s23 =	simm.s32 $0x1B8B  }
0xa5: {  	_ =	swait.ge [sflag:s23], $0x1  }
0xa6: {  	[sflag:s23] =	ssyncset.done $0x0  }
0xa7: {  	[sflag:s23] =	ssyncadd.s32 $0xFFFFFFFF  }
0xa8: {  	s8 =	sld [smem:$0x0]  }
0xa9: {  	s9 =	sand.u32 $0xFFFFFFFE, s1  }
0xaa: {  	p0 =	sne.s32 s1, s9  }
0xab: {  	s9 =	sshll.u32 @p0 s9, $0xE  }
0xac: {  	s9 =	sadd.s32 @p0 $0x11B8D, s9;
	s10 =	sshll.u32 @p0 s8, $0x11  }
0xad: {  	s9 =	sor.u32 @p0 s10, s9  }
0xae: {  	[sflag:s9] =	ssyncadd.remote.s32 @p0 $0x1;
	_ =	sdelay $0x1  }
0xaf: {  	s9 =	simm.s32 @p0 $0x1B8D  }
0xb0: {  	_ =	swait.eq @p0 [sflag:s9], $0x1  }
0xb1: {  	[sflag:s9] =	ssyncadd.s32 @p0 $0xFFFFFFFF  }
0xb2: {  	s10 =	sshll.u32 @!p0 s1, $0xE  }
0xb3: {  	s10 =	sor.u32 @!p0 $0x4000, s10;
	s9 =	simm.s32 @!p0 $0x1B8D  }
0xb4: {  	s8 =	sshll.u32 @!p0 s8, $0x11;
	s10 =	sadd.s32 @!p0 $0x11B8D, s10;
	_ =	swait.eq @!p0 [sflag:s9], $0x1  }
0xb5: {  	s8 =	sor.u32 @!p0 s8, s10;
	[sflag:s9] =	ssyncadd.s32 @!p0 $0xFFFFFFFF  }
0xb6: {  	s25 =	simm.s32 $0x1B8E;
	s24 =	sld [smem:$0x3FFE];
	[sflag:s8] =	ssyncadd.remote.s32 @!p0 $0x1  }
0xb7: {  	s26 =	simm.s32 $execute0_lowered;
	[smem:$0x3FD2] =	sst s25  }
0xb8: {  	s9 =	sshll.u32 s26, $0x1;
	_ =	strace $0x80000049;
	[dreg:$0x1] =	wrdreg $0xFFFFFFFF  }
0xb9: {  	s28 =	simm.s32 $_size_execute0_lowered;
	s7 =	sadd.s32 s7, s9;
	[dreg:$0x0] =	wrdreg $0x0  }
0xba: {  	s9 =	sshll.u32 s28, $0x1;
	[dreg:$0x2] =	wrdreg s7  }
0xbb: {  	[dreg:$0x3] =	wrdreg s9  }
0xbc: {  	[dreg:$0x4] =	wrdreg $0xC0  }
0xbd: {  	_ =	task [dreg:s22], $0x5FFFF  }
0xbe: {  	[dreg:$0x1] =	wrdreg $0xFFFFFFFF  }
0xbf: {  	[dreg:$0x0] =	wrdreg $0x60  }
0xc0: {  	[dreg:$0x2] =	wrdreg s6  }
0xc1: {  	[dreg:$0x3] =	wrdreg s5  }
0xc2: {  	[dreg:$0x4] =	wrdreg s18  }
0xc3: {  	[dreg:$0x5] =	wrdreg s4  }
0xc4: {  	[dreg:$0x6] =	wrdreg s24  }
0xc5: {  	[dreg:$0x7] =	wrdreg $0xA  }
0xc6: {  	_ =	task.clear_ibuf [dreg:s22], $0x8FFFF;
	_ =	strace $0x90000049  }
0xc7: {  	s29 =	simm.s32 $0xA;
	_ =	strace $0x8000004B  }
0xc8: {  	_ =	swait.ge [sflag:s29], $0x1  }
0xc9: {  	[sflag:s29] =	ssyncadd.s32 $0xFFFFFFFF  }
0xca: {  	_ =	strace $0x9000004B  }
0xcb: {  	_ =	sfence  }
0xcc: {  	s30 =	sld [smem:$0x0];
	_ =	sdelay $0x2  }
0xcd: {  	s31 =	sshll.u32 s1, $0xD;
	s1 =	sshrl.u32 s1, $0x2  }
0xce: {  	s4 =	sand.u32 $0x4000, s31;
	s1 =	sadd.s32 s1, s30  }
0xcf: {  	s0 =	sor.u32 s4, s0;
	s1 =	sshll.u32 s1, $0x11  }
0xd0: {  	s0 =	sor.u32 s1, s0  }
0xd1: {  	s0 =	sadd.s32 $0x8F2B, s0  }
0xd2: {  	[sflag:s0] =	ssyncadd.remote.s32 $0x1  }
0xd3: {  	_ =	sfence.sel $0xFFFF  }
0xd4: {  	[dreg:$0x0] =	wrdreg $0xFFFFFFFF;
	(pc) =	sbr.abs _section_cstart, $3  }
0xd5: {  	[dreg:$0x1] =	wrdreg $0xFFFFFFFF  }
0xd6: {  	_ =	task.clear_ibuf [dreg:s22], $0x2FFFF;
	_ =	strace $0x9FFFFFFF  }
0xd7: {  	(tm) =	ssettm $0x7FFFFFFF  }
tec
execute0_lowered:
.L_overlay_start_1:
0x0: {  	(tag) =	ssettag $0x1  }
0x1: {  	s1 =	rddreg [dreg:$0x0];
	s0 =	srdreg.scid  }
0x2: {  	s2 =	rddreg [dreg:$0x2];
	s5 =	stileid.u32;
	s0 =	sand.u32 $0x1, s0  }
0x3: {  	s3 =	rddreg [dreg:$0x3];
	s5 =	sshll.u32 s5, $0x8;
	s4 =	sshll.u32 s0, $0xC  }
0x4: {  	s6 =	rddreg [dreg:$0x4];
	s5 =	sor.u32 s5, s4;
	s4 =	simm.s32 $0x0  }
0x5: {  	s18 =	simm.s32 $0x100;
	[smem:$0x7FF] =	sst s4  }
0x6: {  	s19 =	simm.s32 $0x8A00;
	_ =	strace $0x8000004A;
	[dreg:$0xf] =	wrdreg s18  }
0x7: {  	s20 =	simm.s32 $0x9200;
	[dreg:$0x10] =	wrdreg s19  }
0x8: {  	s21 =	simm.s32 $0x9A00;
	[dreg:$0x11] =	wrdreg s20  }
0x9: {  	s22 =	simm.s32 $0xA200;
	s23 =	simm.s32 $0xAA00;
	[dreg:$0x12] =	wrdreg s21  }
0xa: {  	s24 =	simm.s32 $0xB200;
	s8 =	sor.u32 $0x80, s5;
	[dreg:$0x13] =	wrdreg s22  }
0xb: {  	s10 =	sshrl.u32 s8, $0x1;
	s13 =	sshll.u32 s8, $0x4;
	[dreg:$0x14] =	wrdreg s23  }
0xc: {  	s15 =	sshll.u32 s8, $0x6;
	[dreg:$0x15] =	wrdreg s24;
	s8 =	simm.s32 $0xE200  }
0xd: {  	s31 =	simm.s32 $0x5;
	s18 =	simm.s32 $0x13A00;
	[dreg:$0x1b] =	wrdreg s8  }
0xe: {  	s28 =	simm.s32 $0x5A00;
	s19 =	simm.s32 $0x14200;
	[smem:$0x7F5] =	sst s18  }
0xf: {  	s29 =	simm.s32 $0x6200;
	s20 =	simm.s32 $0x14A00;
	[smem:$0x7F6] =	sst s19  }
0x10: {  	s30 =	simm.s32 $0x6A00;
	s21 =	simm.s32 $0x15200;
	[smem:$0x7F7] =	sst s20  }
0x11: {  	s26 =	sadd.s32 $0xA4000, s6;
	s22 =	simm.s32 $0x15A00;
	[smem:$0x7F8] =	sst s21  }
0x12: {  	s7 =	sshrl.u32 s5, $0x1;
	s23 =	simm.s32 $0x16200;
	[smem:$0x7F9] =	sst s22  }
0x13: {  	s7 =	sor.u32 $0x10, s7;
	s24 =	simm.s32 $0x16A00;
	[smem:$0x7FA] =	sst s23  }
0x14: {  	s6 =	sadd.s32 $0x84000, s6;
	s9 =	sadd.s32 s2, s7;
	[smem:$0x7FB] =	sst s24  }
0x15: {  	s0 =	ssub.s32 $0x2, s0;
	s7 =	sadd.s32 s3, s7;
	[dreg:$0x6] =	wrdreg s9  }
0x16: {  	s25 =	sor.u32 $0x10, s10;
	s14 =	sadd.s32 s6, s13;
	[dreg:$0x7] =	wrdreg s7  }
0x17: {  	s10 =	sshll.u32 s5, $0x4;
	s16 =	sadd.s32 s26, s15;
	[dreg:$0xc] =	wrdreg s14  }
0x18: {  	s5 =	sshll.u32 s5, $0x6;
	s13 =	simm.s32 $0x11200;
	[dreg:$0xd] =	wrdreg s16  }
0x19: {  	s15 =	simm.s32 $0x12200;
	s18 =	simm.s32 $0x1200;
	[smem:$0x7F0] =	sst s13  }
0x1a: {  	s19 =	simm.s32 $0x1A00;
	s2 =	sadd.s32 s2, s25;
	[smem:$0x7F2] =	sst s15  }
0x1b: {  	s20 =	simm.s32 $0x2200;
	s9 =	sadd.s32 s3, s25;
	[dreg:$0x8] =	wrdreg s2  }
0x1c: {  	s21 =	simm.s32 $0x2A00;
	s11 =	sadd.s32 s6, s10;
	[dreg:$0x9] =	wrdreg s9  }
0x1d: {  	s22 =	simm.s32 $0x3200;
	s5 =	sadd.s32 s26, s5;
	[dreg:$0xa] =	wrdreg s11  }
0x1e: {  	s23 =	simm.s32 $0x3A00;
	s25 =	simm.s32 $0xBA00;
	[smem:$0x7EF] =	sst s5  }
0x1f: {  	s24 =	simm.s32 $0x4200;
	s26 =	simm.s32 $0xC200;
	[dreg:$0x16] =	wrdreg s25  }
0x20: {  	s8 =	simm.s32 $0x7A00;
	s3 =	simm.s32 $0xCA00;
	[dreg:$0x17] =	wrdreg s26  }
0x21: {  	s6 =	sshrl.u32 s0, $0x1;
	s7 =	simm.s32 $0xDA00;
	[dreg:$0x18] =	wrdreg s3  }
0x22: {  	s10 =	simm.s32 $0xF200;
	s14 =	simm.s32 $0x11A00;
	[dreg:$0x1a] =	wrdreg s7  }
0x23: {  	s13 =	simm.s32 $0x200;
	s16 =	simm.s32 $0x12A00;
	[dreg:$0x1d] =	wrdreg s10  }
0x24: {  	s12 =	sadd.s32 $0x1000, s5;
	s17 =	sadd.s32 $0x3000, s5;
	[smem:$0x7F1] =	sst s14  }
0x25: {  	s5 =	simm.s32 $0xD200;
	s0 =	ssub.s32 s0, s6;
	[smem:$0x7F3] =	sst s16  }
0x26: {  	s6 =	sadd.s32 $0x100, s1;
	s9 =	simm.s32 $0xEA00;
	[dreg:$0xb] =	wrdreg s12  }
0x27: {  	s11 =	simm.s32 $0xFA00;
	s25 =	simm.s32 $0x17200;
	[dreg:$0xe] =	wrdreg s17  }
0x28: {  	s26 =	simm.s32 $0x17A00;
	s16 =	simm.s32 $0x180;
	[dreg:$0x19] =	wrdreg s5  }
0x29: {  	s3 =	simm.s32 $0x7200;
	s7 =	smax.u32 s0, $0x1;
	[dreg:$0x1c] =	wrdreg s9  }
0x2a: {  	s9 =	simm.s32 $0x1;
	[dreg:$0x1e] =	wrdreg s11;
	s12 =	simm.s32 $0x10A00  }
0x2b: {  	s11 =	simm.s32 $0x18200;
	s17 =	simm.s32 $0x13200;
	[smem:$0x7FC] =	sst s25  }
0x2c: {  	v2 =	vlaneseq.u32;
	[smem:$0x7FD] =	sst s26;
	s0 =	simm.s32 $0x2;
	s25 =	simm.s32 $0x4A00  }
0x2d: {  	vm0 =	vmmov $0xffff;
	v1 =	vshrl.u32 v2, $0x3;
	s26 =	simm.s32 $0x5200;
	s5 =	simm.s32 $0x8200;
	[dreg:$0x1f] =	wrdreg s12  }
0x2e: {  	v0 =	vand.u32 $0x7, v2;
	v2 =	vor.u32 $0x8, v2;
	v1 =	vmul.u32 $0x8, v1;
	s12 =	simm.s32 $0x6;
	[smem:$0x7F4] =	sst s17;
	s17 =	simm.s32 $0xA00  }
.LBB2_1:
0x2f: {  	s10 =	rddreg [dreg:$0x6]  }
0x30: {  	[tilespmem:s4], [sflag:$0x1] =	stream.linear.gather [hbm4b:s10+s4], $0x80, $0x38;
	[tilespmem:$0x1C200] =	vst v63  }
0x31: {  	s14 =	rddreg [dreg:$0x7];
	s2 =	simm.s32 $0x80  }
0x32: {  	[tilespmem:s2], [sflag:$0x1] =	stream.linear.gather [hbm4b:s14+s4], $0x80, $0x38;
	[tilespmem:$0x1C200] =	vst v63  }
0x33: {  	_ =	swait.ge [sflag:s9], $0x80  }
0x34: {  	[sflag:s9] =	ssyncset.done $0x0  }
0x35: {  	[sflag:s9] =	ssyncadd.s32 $0xFFFFFF80  }
0x36: {  	_ =	swait.ge [sflag:s9], $0x80  }
0x37: {  	s10 =	rddreg [dreg:$0x8];
	[sflag:s9] =	ssyncset.done $0x0  }
0x38: {  	s14 =	rddreg [dreg:$0xf];
	[sflag:s9] =	ssyncadd.s32 $0xFFFFFF80  }
0x39: {  	[tilespmem:s14], [sflag:$0x1] =	stream.linear.gather [hbm4b:s10+s4], $0x80, $0x38;
	[tilespmem:$0x1C200] =	vst v63  }
0x3a: {  	s15 =	rddreg [dreg:$0x9]  }
0x3b: {  	[tilespmem:s16], [sflag:$0x1] =	stream.linear.gather [hbm4b:s15+s4], $0x80, $0x38;
	[tilespmem:$0x1C200] =	vst v63  }
0x3c: {  	s15 =	rddreg [dreg:$0x1]  }
0x3d: {  	[tilespmem:s11], [sflag:$0x6] =	stream.indirect.gather [hbm4b:s15+s2], $0x80, s2, s2, $0xb8;
	[tilespmem:$0x1C200] =	vst v63  }
0x3e: {  	_ =	swait.ge [sflag:s12], $0x4000  }
0x3f: {  	[sflag:s12] =	ssyncset.done $0x0  }
0x40: {  	s14 =	rddreg [dreg:$0xa];
	[sflag:s12] =	ssyncadd.s32 $0xFFFFC000  }
0x41: {  	[hbm4b:s14+s4] =	stream.linear.scatter [tilespmem:s11], [sflag:$0x5], $0x4000, $0x38;
	[tilespmem:$0x1C200] =	vst v63  }
0x42: {  	v3 =	vld [tilespmem:$0x0];
	_ =	sdelay $0x4  }
0x43: {  	v4 =	vshll.u32 v3, $0x2  }
0x44: {  	v3 =	vand.u32 $0x7, v3;
	v4 =	vand.u32 $0xFFFFFFE0, v4  }
0x45: {  	v3 =	vor.u32 v3, v4  }
0x46: {  	v4 =	vperm.xlane v3, v0;
	_ =	sdelay $0x1  }
0x47: {  	v4 =	vadd.s32 v1, v4;
	_ =	sdelay $0x1  }
0x48: {  	v3 =	vperm.xlane v3, v2;
	_ =	sdelay $0x1  }
0x49: {  	v3 =	vadd.s32 v1, v3  }
0x4a: {  	[tilespmem:s13], [sflag:$0x6] =	stream.indirect_vreg.gather [hbm4b:s1+s4], $0x80, v4, vm0, $0xb8;
	[tilespmem:$0x1C200] =	vst v63  }
0x4b: {  	_ = 	snop  }
0x4c: {  	[tilespmem:s17], [sflag:$0x6] =	stream.indirect_vreg.gather [hbm4b:s6+s4], $0x80, v4, vm0, $0xb8;
	[tilespmem:$0x1C200] =	vst v63  }
0x4d: {  	_ = 	snop  }
0x4e: {  	[tilespmem:s18], [sflag:$0x6] =	stream.indirect_vreg.gather [hbm4b:s1+s4], $0x80, v3, vm0, $0xb8;
	[tilespmem:$0x1C200] =	vst v63  }
0x4f: {  	_ = 	snop  }
0x50: {  	[tilespmem:s19], [sflag:$0x6] =	stream.indirect_vreg.gather [hbm4b:s6+s4], $0x80, v3, vm0, $0xb8;
	[tilespmem:$0x1C200] =	vst v63  }
0x51: {  	v3 =	vld [tilespmem:$0x10];
	_ =	sdelay $0x4  }
0x52: {  	v49 =	vshll.u32 v3, $0x2  }
0x53: {  	v3 =	vand.u32 $0x7, v3;
	v4 =	vand.u32 $0xFFFFFFE0, v49  }
0x54: {  	v3 =	vor.u32 v3, v4  }
0x55: {  	v4 =	vperm.xlane v3, v0;
	_ =	sdelay $0x1  }
0x56: {  	v4 =	vadd.s32 v1, v4;
	_ =	sdelay $0x1  }
0x57: {  	v3 =	vperm.xlane v3, v2;
	_ =	sdelay $0x1  }
0x58: {  	v3 =	vadd.s32 v1, v3  }
0x59: {  	[tilespmem:s20], [sflag:$0x6] =	stream.indirect_vreg.gather [hbm4b:s1+s4], $0x80, v4, vm0, $0xb8;
	[tilespmem:$0x1C200] =	vst v63  }
0x5a: {  	_ = 	snop  }
0x5b: {  	[tilespmem:s21], [sflag:$0x6] =	stream.indirect_vreg.gather [hbm4b:s6+s4], $0x80, v4, vm0, $0xb8;
	[tilespmem:$0x1C200] =	vst v63  }
0x5c: {  	_ = 	snop  }
0x5d: {  	[tilespmem:s22], [sflag:$0x6] =	stream.indirect_vreg.gather [hbm4b:s1+s4], $0x80, v3, vm0, $0xb8;
	[tilespmem:$0x1C200] =	vst v63  }
0x5e: {  	_ = 	snop  }
0x5f: {  	[tilespmem:s23], [sflag:$0x6] =	stream.indirect_vreg.gather [hbm4b:s6+s4], $0x80, v3, vm0, $0xb8;
	[tilespmem:$0x1C200] =	vst v63  }
0x60: {  	v3 =	vld [tilespmem:$0x20];
	_ =	sdelay $0x4  }
0x61: {  	v50 =	vshll.u32 v3, $0x2  }
0x62: {  	v3 =	vand.u32 $0x7, v3;
	v4 =	vand.u32 $0xFFFFFFE0, v50  }
0x63: {  	v3 =	vor.u32 v3, v4  }
0x64: {  	v4 =	vperm.xlane v3, v0;
	_ =	sdelay $0x1  }
0x65: {  	v4 =	vadd.s32 v1, v4;
	_ =	sdelay $0x1  }
0x66: {  	v3 =	vperm.xlane v3, v2;
	_ =	sdelay $0x1  }
0x67: {  	v3 =	vadd.s32 v1, v3  }
0x68: {  	[tilespmem:s24], [sflag:$0x6] =	stream.indirect_vreg.gather [hbm4b:s1+s4], $0x80, v4, vm0, $0xb8;
	[tilespmem:$0x1C200] =	vst v63  }
0x69: {  	_ = 	snop  }
0x6a: {  	[tilespmem:s25], [sflag:$0x6] =	stream.indirect_vreg.gather [hbm4b:s6+s4], $0x80, v4, vm0, $0xb8;
	[tilespmem:$0x1C200] =	vst v63  }
0x6b: {  	_ = 	snop  }
0x6c: {  	[tilespmem:s26], [sflag:$0x6] =	stream.indirect_vreg.gather [hbm4b:s1+s4], $0x80, v3, vm0, $0xb8;
	[tilespmem:$0x1C200] =	vst v63  }
0x6d: {  	_ = 	snop  }
0x6e: {  	[tilespmem:s28], [sflag:$0x6] =	stream.indirect_vreg.gather [hbm4b:s6+s4], $0x80, v3, vm0, $0xb8;
	[tilespmem:$0x1C200] =	vst v63  }
0x6f: {  	v3 =	vld [tilespmem:$0x30];
	_ =	sdelay $0x4  }
0x70: {  	v51 =	vshll.u32 v3, $0x2  }
0x71: {  	v3 =	vand.u32 $0x7, v3;
	v4 =	vand.u32 $0xFFFFFFE0, v51  }
0x72: {  	v3 =	vor.u32 v3, v4  }
0x73: {  	v4 =	vperm.xlane v3, v0;
	_ =	sdelay $0x1  }
0x74: {  	v4 =	vadd.s32 v1, v4;
	_ =	sdelay $0x1  }
0x75: {  	v3 =	vperm.xlane v3, v2;
	_ =	sdelay $0x1  }
0x76: {  	v3 =	vadd.s32 v1, v3  }
0x77: {  	[tilespmem:s29], [sflag:$0x6] =	stream.indirect_vreg.gather [hbm4b:s1+s4], $0x80, v4, vm0, $0xb8;
	[tilespmem:$0x1C200] =	vst v63  }
0x78: {  	_ = 	snop  }
0x79: {  	[tilespmem:s30], [sflag:$0x6] =	stream.indirect_vreg.gather [hbm4b:s6+s4], $0x80, v4, vm0, $0xb8;
	[tilespmem:$0x1C200] =	vst v63  }
0x7a: {  	_ = 	snop  }
0x7b: {  	[tilespmem:s3], [sflag:$0x6] =	stream.indirect_vreg.gather [hbm4b:s1+s4], $0x80, v3, vm0, $0xb8;
	[tilespmem:$0x1C200] =	vst v63  }
0x7c: {  	_ = 	snop  }
0x7d: {  	[tilespmem:s8], [sflag:$0x6] =	stream.indirect_vreg.gather [hbm4b:s6+s4], $0x80, v3, vm0, $0xb8;
	[tilespmem:$0x1C200] =	vst v63  }
0x7e: {  	_ =	swait.ge [sflag:s12], $0x8000  }
0x7f: {  	s14 =	sld [smem:$0x7EF]  }
0x80: {  	[sflag:s12] =	ssyncset.done $0x0  }
0x81: {  	[sflag:s12] =	ssyncadd.s32 $0xFFFF8000  }
0x82: {  	[hbm4b:s14+s4] =	stream.linear.scatter [tilespmem:s13], [sflag:$0x2], $0x8000, $0x38;
	[tilespmem:$0x1C200] =	vst v63  }
0x83: {  	v3 =	vld [tilespmem:$0x40];
	_ =	sdelay $0x4  }
0x84: {  	v52 =	vshll.u32 v3, $0x2  }
0x85: {  	v3 =	vand.u32 $0x7, v3;
	v4 =	vand.u32 $0xFFFFFFE0, v52  }
0x86: {  	v3 =	vor.u32 v3, v4  }
0x87: {  	v4 =	vperm.xlane v3, v0;
	_ =	sdelay $0x1  }
0x88: {  	v4 =	vadd.s32 v1, v4;
	_ =	sdelay $0x1  }
0x89: {  	v3 =	vperm.xlane v3, v2;
	_ =	sdelay $0x1  }
0x8a: {  	v3 =	vadd.s32 v1, v3  }
0x8b: {  	[tilespmem:s5], [sflag:$0x6] =	stream.indirect_vreg.gather [hbm4b:s1+s4], $0x80, v4, vm0, $0xb8;
	[tilespmem:$0x1C200] =	vst v63  }
0x8c: {  	s10 =	rddreg [dreg:$0x10]  }
0x8d: {  	[tilespmem:s10], [sflag:$0x6] =	stream.indirect_vreg.gather [hbm4b:s6+s4], $0x80, v4, vm0, $0xb8;
	[tilespmem:$0x1C200] =	vst v63  }
0x8e: {  	s14 =	rddreg [dreg:$0x11]  }
0x8f: {  	[tilespmem:s14], [sflag:$0x6] =	stream.indirect_vreg.gather [hbm4b:s1+s4], $0x80, v3, vm0, $0xb8;
	[tilespmem:$0x1C200] =	vst v63  }
0x90: {  	s10 =	rddreg [dreg:$0x12]  }
0x91: {  	[tilespmem:s10], [sflag:$0x6] =	stream.indirect_vreg.gather [hbm4b:s6+s4], $0x80, v3, vm0, $0xb8;
	[tilespmem:$0x1C200] =	vst v63  }
0x92: {  	v3 =	vld [tilespmem:$0x50];
	_ =	sdelay $0x4  }
0x93: {  	v53 =	vshll.u32 v3, $0x2  }
0x94: {  	v3 =	vand.u32 $0x7, v3;
	v4 =	vand.u32 $0xFFFFFFE0, v53  }
0x95: {  	v3 =	vor.u32 v3, v4  }
0x96: {  	v4 =	vperm.xlane v3, v0;
	_ =	sdelay $0x1  }
0x97: {  	v4 =	vadd.s32 v1, v4;
	_ =	sdelay $0x1  }
0x98: {  	v3 =	vperm.xlane v3, v2;
	_ =	sdelay $0x1  }
0x99: {  	s10 =	rddreg [dreg:$0x13];
	v3 =	vadd.s32 v1, v3  }
0x9a: {  	[tilespmem:s10], [sflag:$0x6] =	stream.indirect_vreg.gather [hbm4b:s1+s4], $0x80, v4, vm0, $0xb8;
	[tilespmem:$0x1C200] =	vst v63  }
0x9b: {  	s14 =	rddreg [dreg:$0x14]  }
0x9c: {  	[tilespmem:s14], [sflag:$0x6] =	stream.indirect_vreg.gather [hbm4b:s6+s4], $0x80, v4, vm0, $0xb8;
	[tilespmem:$0x1C200] =	vst v63  }
0x9d: {  	s10 =	rddreg [dreg:$0x15]  }
0x9e: {  	[tilespmem:s10], [sflag:$0x6] =	stream.indirect_vreg.gather [hbm4b:s1+s4], $0x80, v3, vm0, $0xb8;
	[tilespmem:$0x1C200] =	vst v63  }
0x9f: {  	s14 =	rddreg [dreg:$0x16]  }
0xa0: {  	[tilespmem:s14], [sflag:$0x6] =	stream.indirect_vreg.gather [hbm4b:s6+s4], $0x80, v3, vm0, $0xb8;
	[tilespmem:$0x1C200] =	vst v63  }
0xa1: {  	v3 =	vld [tilespmem:$0x60];
	_ =	sdelay $0x4  }
0xa2: {  	v54 =	vshll.u32 v3, $0x2  }
0xa3: {  	v3 =	vand.u32 $0x7, v3;
	v4 =	vand.u32 $0xFFFFFFE0, v54  }
0xa4: {  	v3 =	vor.u32 v3, v4  }
0xa5: {  	v4 =	vperm.xlane v3, v0;
	_ =	sdelay $0x1  }
0xa6: {  	v4 =	vadd.s32 v1, v4;
	_ =	sdelay $0x1  }
0xa7: {  	v3 =	vperm.xlane v3, v2;
	_ =	sdelay $0x1  }
0xa8: {  	s10 =	rddreg [dreg:$0x17];
	v3 =	vadd.s32 v1, v3  }
0xa9: {  	[tilespmem:s10], [sflag:$0x6] =	stream.indirect_vreg.gather [hbm4b:s1+s4], $0x80, v4, vm0, $0xb8;
	[tilespmem:$0x1C200] =	vst v63  }
0xaa: {  	s14 =	rddreg [dreg:$0x18]  }
0xab: {  	[tilespmem:s14], [sflag:$0x6] =	stream.indirect_vreg.gather [hbm4b:s6+s4], $0x80, v4, vm0, $0xb8;
	[tilespmem:$0x1C200] =	vst v63  }
0xac: {  	s10 =	rddreg [dreg:$0x19]  }
0xad: {  	[tilespmem:s10], [sflag:$0x6] =	stream.indirect_vreg.gather [hbm4b:s1+s4], $0x80, v3, vm0, $0xb8;
	[tilespmem:$0x1C200] =	vst v63  }
0xae: {  	s14 =	rddreg [dreg:$0x1a]  }
0xaf: {  	[tilespmem:s14], [sflag:$0x6] =	stream.indirect_vreg.gather [hbm4b:s6+s4], $0x80, v3, vm0, $0xb8;
	[tilespmem:$0x1C200] =	vst v63  }
0xb0: {  	v3 =	vld [tilespmem:$0x70];
	_ =	sdelay $0x4  }
0xb1: {  	v55 =	vshll.u32 v3, $0x2  }
0xb2: {  	v3 =	vand.u32 $0x7, v3;
	v4 =	vand.u32 $0xFFFFFFE0, v55  }
0xb3: {  	v3 =	vor.u32 v3, v4  }
0xb4: {  	v4 =	vperm.xlane v3, v0;
	_ =	sdelay $0x1  }
0xb5: {  	v4 =	vadd.s32 v1, v4;
	_ =	sdelay $0x1  }
0xb6: {  	v3 =	vperm.xlane v3, v2;
	_ =	sdelay $0x1  }
0xb7: {  	s10 =	rddreg [dreg:$0x1b];
	v3 =	vadd.s32 v1, v3  }
0xb8: {  	[tilespmem:s10], [sflag:$0x6] =	stream.indirect_vreg.gather [hbm4b:s1+s4], $0x80, v4, vm0, $0xb8;
	[tilespmem:$0x1C200] =	vst v63  }
0xb9: {  	s14 =	rddreg [dreg:$0x1c]  }
0xba: {  	[tilespmem:s14], [sflag:$0x6] =	stream.indirect_vreg.gather [hbm4b:s6+s4], $0x80, v4, vm0, $0xb8;
	[tilespmem:$0x1C200] =	vst v63  }
0xbb: {  	s10 =	rddreg [dreg:$0x1d]  }
0xbc: {  	[tilespmem:s10], [sflag:$0x6] =	stream.indirect_vreg.gather [hbm4b:s1+s4], $0x80, v3, vm0, $0xb8;
	[tilespmem:$0x1C200] =	vst v63  }
0xbd: {  	s14 =	rddreg [dreg:$0x1e]  }
0xbe: {  	[tilespmem:s14], [sflag:$0x6] =	stream.indirect_vreg.gather [hbm4b:s6+s4], $0x80, v3, vm0, $0xb8;
	[tilespmem:$0x1C200] =	vst v63  }
0xbf: {  	_ =	swait.ge [sflag:s12], $0x8000  }
0xc0: {  	[sflag:s12] =	ssyncset.done $0x0  }
0xc1: {  	s14 =	rddreg [dreg:$0xb];
	[sflag:s12] =	ssyncadd.s32 $0xFFFF8000  }
0xc2: {  	[hbm4b:s14+s4] =	stream.linear.scatter [tilespmem:s5], [sflag:$0x3], $0x8000, $0x38;
	[tilespmem:$0x1C200] =	vst v63  }
0xc3: {  	_ =	swait.ge [sflag:s9], $0x80  }
0xc4: {  	[sflag:s9] =	ssyncset.done $0x0  }
0xc5: {  	[sflag:s9] =	ssyncadd.s32 $0xFFFFFF80  }
0xc6: {  	_ =	swait.ge [sflag:s9], $0x80  }
0xc7: {  	[sflag:s9] =	ssyncset.done $0x0  }
0xc8: {  	[sflag:s9] =	ssyncadd.s32 $0xFFFFFF80  }
0xc9: {  	_ =	swait.ge [sflag:s31], $0x4000  }
0xca: {  	[sflag:s31] =	ssyncset.done $0x0  }
0xcb: {  	[sflag:s31] =	ssyncadd.s32 $0xFFFFC000  }
0xcc: {  	[tilespmem:s11], [sflag:$0x6] =	stream.indirect.gather [hbm4b:s15+s2], $0x80, s16, s2, $0xb8;
	[tilespmem:$0x1C200] =	vst v63  }
0xcd: {  	_ =	swait.ge [sflag:s12], $0x4000  }
0xce: {  	[sflag:s12] =	ssyncset.done $0x0  }
0xcf: {  	s14 =	rddreg [dreg:$0xc];
	[sflag:s12] =	ssyncadd.s32 $0xFFFFC000  }
0xd0: {  	[hbm4b:s14+s4] =	stream.linear.scatter [tilespmem:s11], [sflag:$0x5], $0x4000, $0x38;
	[tilespmem:$0x1C200] =	vst v63  }
0xd1: {  	v3 =	vld [tilespmem:$0x100];
	_ =	sdelay $0x4  }
0xd2: {  	v56 =	vshll.u32 v3, $0x2  }
0xd3: {  	v3 =	vand.u32 $0x7, v3;
	v4 =	vand.u32 $0xFFFFFFE0, v56  }
0xd4: {  	v3 =	vor.u32 v3, v4  }
0xd5: {  	v4 =	vperm.xlane v3, v0;
	_ =	sdelay $0x1  }
0xd6: {  	v4 =	vadd.s32 v1, v4;
	_ =	sdelay $0x1  }
0xd7: {  	v3 =	vperm.xlane v3, v2;
	_ =	sdelay $0x1  }
0xd8: {  	s2 =	simm.s32 $0x10200;
	s15 =	rddreg [dreg:$0x1f];
	v3 =	vadd.s32 v1, v3  }
0xd9: {  	[tilespmem:s2], [sflag:$0x6] =	stream.indirect_vreg.gather [hbm4b:s1+s4], $0x80, v4, vm0, $0xb8;
	[tilespmem:$0x1C200] =	vst v63  }
0xda: {  	s14 =	sld [smem:$0x7F0]  }
0xdb: {  	[tilespmem:s15], [sflag:$0x6] =	stream.indirect_vreg.gather [hbm4b:s6+s4], $0x80, v4, vm0, $0xb8;
	[tilespmem:$0x1C200] =	vst v63  }
0xdc: {  	s15 =	sld [smem:$0x7F1]  }
0xdd: {  	[tilespmem:s14], [sflag:$0x6] =	stream.indirect_vreg.gather [hbm4b:s1+s4], $0x80, v3, vm0, $0xb8;
	[tilespmem:$0x1C200] =	vst v63  }
0xde: {  	_ = 	snop  }
0xdf: {  	[tilespmem:s15], [sflag:$0x6] =	stream.indirect_vreg.gather [hbm4b:s6+s4], $0x80, v3, vm0, $0xb8;
	[tilespmem:$0x1C200] =	vst v63  }
0xe0: {  	v3 =	vld [tilespmem:$0x110];
	_ =	sdelay $0x4  }
0xe1: {  	v57 =	vshll.u32 v3, $0x2  }
0xe2: {  	v3 =	vand.u32 $0x7, v3;
	v4 =	vand.u32 $0xFFFFFFE0, v57  }
0xe3: {  	v3 =	vor.u32 v3, v4  }
0xe4: {  	v4 =	vperm.xlane v3, v0;
	_ =	sdelay $0x1  }
0xe5: {  	v4 =	vadd.s32 v1, v4;
	_ =	sdelay $0x1  }
0xe6: {  	s14 =	sld [smem:$0x7F2];
	v3 =	vperm.xlane v3, v2;
	_ =	sdelay $0x1  }
0xe7: {  	s15 =	sld [smem:$0x7F3];
	v3 =	vadd.s32 v1, v3  }
0xe8: {  	[tilespmem:s14], [sflag:$0x6] =	stream.indirect_vreg.gather [hbm4b:s1+s4], $0x80, v4, vm0, $0xb8;
	[tilespmem:$0x1C200] =	vst v63  }
0xe9: {  	s10 =	sld [smem:$0x7F4]  }
0xea: {  	[tilespmem:s15], [sflag:$0x6] =	stream.indirect_vreg.gather [hbm4b:s6+s4], $0x80, v4, vm0, $0xb8;
	[tilespmem:$0x1C200] =	vst v63  }
0xeb: {  	s15 =	sld [smem:$0x7F5]  }
0xec: {  	[tilespmem:s10], [sflag:$0x6] =	stream.indirect_vreg.gather [hbm4b:s1+s4], $0x80, v3, vm0, $0xb8;
	[tilespmem:$0x1C200] =	vst v63  }
0xed: {  	_ = 	snop  }
0xee: {  	[tilespmem:s15], [sflag:$0x6] =	stream.indirect_vreg.gather [hbm4b:s6+s4], $0x80, v3, vm0, $0xb8;
	[tilespmem:$0x1C200] =	vst v63  }
0xef: {  	v3 =	vld [tilespmem:$0x120];
	_ =	sdelay $0x4  }
0xf0: {  	v58 =	vshll.u32 v3, $0x2  }
0xf1: {  	v3 =	vand.u32 $0x7, v3;
	v4 =	vand.u32 $0xFFFFFFE0, v58  }
0xf2: {  	v3 =	vor.u32 v3, v4  }
0xf3: {  	v4 =	vperm.xlane v3, v0;
	_ =	sdelay $0x1  }
0xf4: {  	v4 =	vadd.s32 v1, v4;
	_ =	sdelay $0x1  }
0xf5: {  	s14 =	sld [smem:$0x7F6];
	v3 =	vperm.xlane v3, v2;
	_ =	sdelay $0x1  }
0xf6: {  	s15 =	sld [smem:$0x7F7];
	v3 =	vadd.s32 v1, v3  }
0xf7: {  	[tilespmem:s14], [sflag:$0x6] =	stream.indirect_vreg.gather [hbm4b:s1+s4], $0x80, v4, vm0, $0xb8;
	[tilespmem:$0x1C200] =	vst v63  }
0xf8: {  	s10 =	sld [smem:$0x7F8]  }
0xf9: {  	[tilespmem:s15], [sflag:$0x6] =	stream.indirect_vreg.gather [hbm4b:s6+s4], $0x80, v4, vm0, $0xb8;
	[tilespmem:$0x1C200] =	vst v63  }
0xfa: {  	s15 =	sld [smem:$0x7F9]  }
0xfb: {  	[tilespmem:s10], [sflag:$0x6] =	stream.indirect_vreg.gather [hbm4b:s1+s4], $0x80, v3, vm0, $0xb8;
	[tilespmem:$0x1C200] =	vst v63  }
0xfc: {  	_ = 	snop  }
0xfd: {  	[tilespmem:s15], [sflag:$0x6] =	stream.indirect_vreg.gather [hbm4b:s6+s4], $0x80, v3, vm0, $0xb8;
	[tilespmem:$0x1C200] =	vst v63  }
0xfe: {  	v3 =	vld [tilespmem:$0x130];
	_ =	sdelay $0x4  }
0xff: {  	v59 =	vshll.u32 v3, $0x2  }
0x100: {  	v3 =	vand.u32 $0x7, v3;
	v4 =	vand.u32 $0xFFFFFFE0, v59  }
0x101: {  	v3 =	vor.u32 v3, v4  }
0x102: {  	v4 =	vperm.xlane v3, v0;
	_ =	sdelay $0x1  }
0x103: {  	v4 =	vadd.s32 v1, v4;
	_ =	sdelay $0x1  }
0x104: {  	s14 =	sld [smem:$0x7FA];
	v3 =	vperm.xlane v3, v2;
	_ =	sdelay $0x1  }
0x105: {  	s15 =	sld [smem:$0x7FB];
	v3 =	vadd.s32 v1, v3  }
0x106: {  	[tilespmem:s14], [sflag:$0x6] =	stream.indirect_vreg.gather [hbm4b:s1+s4], $0x80, v4, vm0, $0xb8;
	[tilespmem:$0x1C200] =	vst v63  }
0x107: {  	s10 =	sld [smem:$0x7FC]  }
0x108: {  	[tilespmem:s15], [sflag:$0x6] =	stream.indirect_vreg.gather [hbm4b:s6+s4], $0x80, v4, vm0, $0xb8;
	[tilespmem:$0x1C200] =	vst v63  }
0x109: {  	s15 =	sld [smem:$0x7FD]  }
0x10a: {  	[tilespmem:s10], [sflag:$0x6] =	stream.indirect_vreg.gather [hbm4b:s1+s4], $0x80, v3, vm0, $0xb8;
	[tilespmem:$0x1C200] =	vst v63  }
0x10b: {  	_ = 	snop  }
0x10c: {  	[tilespmem:s15], [sflag:$0x6] =	stream.indirect_vreg.gather [hbm4b:s6+s4], $0x80, v3, vm0, $0xb8;
	[tilespmem:$0x1C200] =	vst v63  }
0x10d: {  	_ =	swait.ge [sflag:s12], $0x8000  }
0x10e: {  	[sflag:s12] =	ssyncset.done $0x0  }
0x10f: {  	s15 =	rddreg [dreg:$0xd];
	[sflag:s12] =	ssyncadd.s32 $0xFFFF8000  }
0x110: {  	[hbm4b:s15+s4] =	stream.linear.scatter [tilespmem:s2], [sflag:$0x4], $0x8000, $0x38;
	[tilespmem:$0x1C200] =	vst v63  }
0x111: {  	_ =	swait.ge [sflag:s0], $0x8000  }
0x112: {  	[sflag:s0] =	ssyncset.done $0x0  }
0x113: {  	[sflag:s0] =	ssyncadd.s32 $0xFFFF8000  }
0x114: {  	v3 =	vld [tilespmem:$0x140];
	_ =	sdelay $0x4  }
0x115: {  	v60 =	vshll.u32 v3, $0x2  }
0x116: {  	v3 =	vand.u32 $0x7, v3;
	v4 =	vand.u32 $0xFFFFFFE0, v60  }
0x117: {  	v3 =	vor.u32 v3, v4  }
0x118: {  	v4 =	vperm.xlane v3, v0;
	_ =	sdelay $0x1  }
0x119: {  	v4 =	vadd.s32 v1, v4;
	_ =	sdelay $0x1  }
0x11a: {  	v3 =	vperm.xlane v3, v2;
	_ =	sdelay $0x1  }
0x11b: {  	v3 =	vadd.s32 v1, v3  }
0x11c: {  	[tilespmem:s13], [sflag:$0x6] =	stream.indirect_vreg.gather [hbm4b:s1+s4], $0x80, v4, vm0, $0xb8;
	[tilespmem:$0x1C200] =	vst v63  }
0x11d: {  	_ = 	snop  }
0x11e: {  	[tilespmem:s17], [sflag:$0x6] =	stream.indirect_vreg.gather [hbm4b:s6+s4], $0x80, v4, vm0, $0xb8;
	[tilespmem:$0x1C200] =	vst v63  }
0x11f: {  	_ = 	snop  }
0x120: {  	[tilespmem:s18], [sflag:$0x6] =	stream.indirect_vreg.gather [hbm4b:s1+s4], $0x80, v3, vm0, $0xb8;
	[tilespmem:$0x1C200] =	vst v63  }
0x121: {  	_ = 	snop  }
0x122: {  	[tilespmem:s19], [sflag:$0x6] =	stream.indirect_vreg.gather [hbm4b:s6+s4], $0x80, v3, vm0, $0xb8;
	[tilespmem:$0x1C200] =	vst v63  }
0x123: {  	v3 =	vld [tilespmem:$0x150];
	_ =	sdelay $0x4  }
0x124: {  	v61 =	vshll.u32 v3, $0x2  }
0x125: {  	v3 =	vand.u32 $0x7, v3;
	v4 =	vand.u32 $0xFFFFFFE0, v61  }
0x126: {  	v3 =	vor.u32 v3, v4  }
0x127: {  	v4 =	vperm.xlane v3, v0;
	_ =	sdelay $0x1  }
0x128: {  	v4 =	vadd.s32 v1, v4;
	_ =	sdelay $0x1  }
0x129: {  	v3 =	vperm.xlane v3, v2;
	_ =	sdelay $0x1  }
0x12a: {  	v3 =	vadd.s32 v1, v3  }
0x12b: {  	[tilespmem:s20], [sflag:$0x6] =	stream.indirect_vreg.gather [hbm4b:s1+s4], $0x80, v4, vm0, $0xb8;
	[tilespmem:$0x1C200] =	vst v63  }
0x12c: {  	_ = 	snop  }
0x12d: {  	[tilespmem:s21], [sflag:$0x6] =	stream.indirect_vreg.gather [hbm4b:s6+s4], $0x80, v4, vm0, $0xb8;
	[tilespmem:$0x1C200] =	vst v63  }
0x12e: {  	_ = 	snop  }
0x12f: {  	[tilespmem:s22], [sflag:$0x6] =	stream.indirect_vreg.gather [hbm4b:s1+s4], $0x80, v3, vm0, $0xb8;
	[tilespmem:$0x1C200] =	vst v63  }
0x130: {  	_ = 	snop  }
0x131: {  	[tilespmem:s23], [sflag:$0x6] =	stream.indirect_vreg.gather [hbm4b:s6+s4], $0x80, v3, vm0, $0xb8;
	[tilespmem:$0x1C200] =	vst v63  }
0x132: {  	v3 =	vld [tilespmem:$0x160];
	_ =	sdelay $0x4  }
0x133: {  	v62 =	vshll.u32 v3, $0x2  }
0x134: {  	v3 =	vand.u32 $0x7, v3;
	v4 =	vand.u32 $0xFFFFFFE0, v62  }
0x135: {  	v3 =	vor.u32 v3, v4  }
0x136: {  	v4 =	vperm.xlane v3, v0;
	_ =	sdelay $0x1  }
0x137: {  	v4 =	vadd.s32 v1, v4;
	_ =	sdelay $0x1  }
0x138: {  	v3 =	vperm.xlane v3, v2;
	_ =	sdelay $0x1  }
0x139: {  	v3 =	vadd.s32 v1, v3  }
0x13a: {  	[tilespmem:s24], [sflag:$0x6] =	stream.indirect_vreg.gather [hbm4b:s1+s4], $0x80, v4, vm0, $0xb8;
	[tilespmem:$0x1C200] =	vst v63  }
0x13b: {  	_ = 	snop  }
0x13c: {  	[tilespmem:s25], [sflag:$0x6] =	stream.indirect_vreg.gather [hbm4b:s6+s4], $0x80, v4, vm0, $0xb8;
	[tilespmem:$0x1C200] =	vst v63  }
0x13d: {  	_ = 	snop  }
0x13e: {  	[tilespmem:s26], [sflag:$0x6] =	stream.indirect_vreg.gather [hbm4b:s1+s4], $0x80, v3, vm0, $0xb8;
	[tilespmem:$0x1C200] =	vst v63  }
0x13f: {  	_ = 	snop  }
0x140: {  	[tilespmem:s28], [sflag:$0x6] =	stream.indirect_vreg.gather [hbm4b:s6+s4], $0x80, v3, vm0, $0xb8;
	[tilespmem:$0x1C200] =	vst v63  }
0x141: {  	v3 =	vld [tilespmem:$0x170];
	_ =	sdelay $0x4  }
0x142: {  	v63 =	vshll.u32 v3, $0x2  }
0x143: {  	v3 =	vand.u32 $0x7, v3;
	v4 =	vand.u32 $0xFFFFFFE0, v63  }
0x144: {  	v3 =	vor.u32 v3, v4  }
0x145: {  	v4 =	vperm.xlane v3, v0;
	_ =	sdelay $0x1  }
0x146: {  	v4 =	vadd.s32 v1, v4;
	_ =	sdelay $0x1  }
0x147: {  	v3 =	vperm.xlane v3, v2;
	_ =	sdelay $0x1  }
0x148: {  	v3 =	vadd.s32 v1, v3  }
0x149: {  	[tilespmem:s29], [sflag:$0x6] =	stream.indirect_vreg.gather [hbm4b:s1+s4], $0x80, v4, vm0, $0xb8;
	[tilespmem:$0x1C200] =	vst v63  }
0x14a: {  	_ = 	snop  }
0x14b: {  	[tilespmem:s30], [sflag:$0x6] =	stream.indirect_vreg.gather [hbm4b:s6+s4], $0x80, v4, vm0, $0xb8;
	[tilespmem:$0x1C200] =	vst v63  }
0x14c: {  	_ = 	snop  }
0x14d: {  	[tilespmem:s3], [sflag:$0x6] =	stream.indirect_vreg.gather [hbm4b:s1+s4], $0x80, v3, vm0, $0xb8;
	[tilespmem:$0x1C200] =	vst v63  }
0x14e: {  	_ = 	snop  }
0x14f: {  	[tilespmem:s8], [sflag:$0x6] =	stream.indirect_vreg.gather [hbm4b:s6+s4], $0x80, v3, vm0, $0xb8;
	[tilespmem:$0x1C200] =	vst v63  }
0x150: {  	_ =	swait.ge [sflag:s12], $0x8000  }
0x151: {  	[sflag:s12] =	ssyncset.done $0x0  }
0x152: {  	s2 =	rddreg [dreg:$0xe];
	[sflag:s12] =	ssyncadd.s32 $0xFFFF8000  }
0x153: {  	[hbm4b:s2+s4] =	stream.linear.scatter [tilespmem:s13], [sflag:$0x2], $0x8000, $0x38;
	[tilespmem:$0x1C200] =	vst v63  }
0x154: {  	_ =	swait.ge [sflag:s0], $0x8000  }
0x155: {  	[sflag:s0] =	ssyncset.done $0x0  }
0x156: {  	s14 =	simm.s32 $0x3;
	[sflag:s0] =	ssyncadd.s32 $0xFFFF8000  }
0x157: {  	_ =	swait.ge [sflag:s14], $0x8000  }
0x158: {  	[sflag:s14] =	ssyncset.done $0x0  }
0x159: {  	s15 =	simm.s32 $0x4;
	[sflag:s14] =	ssyncadd.s32 $0xFFFF8000  }
0x15a: {  	p0 =	sne.s32 s7, $0x1;
	_ =	swait.ge [sflag:s15], $0x8000  }
.Ltmp0:
0x15b: {  	[sflag:s15] =	ssyncset.done $0x0;
	(pc) =	sbr.rel @p0 .LBB2_1-.Ltmp0, $4  }
0x15c: {  	[sflag:s15] =	ssyncadd.s32 $0xFFFF8000  }
0x15d: {  	_ =	swait.ge [sflag:s31], $0x4000  }
0x15e: {  	[sflag:s31] =	ssyncset.done $0x0  }
0x15f: {  	s7 =	sadd.s32 $0xFFFFFFFF, s7;
	[sflag:s31] =	ssyncadd.s32 $0xFFFFC000  }
0x160: {  	_ =	sfence.sel $0x180000  }
0x161: {  	[bflag:$0x0] =	sbarrier.arrive $0xFFFF  }
0x162: {  	_ =	strace $0x9000004A  }
0x163: {  	s0 =	stileid.u32;
	[bflag:$0x2] =	sbarrier.arrive $0xFFFF  }
0x164: {  	p0 =	sne.s32 s0, $0x0;
	s0 =	rddreg [dreg:$0x5]  }
0x165: {  	s0 =	sadd.s32 @!p0 $0x100000, s0  }
0x166: {  	[sflag:s0] =	ssyncadd.tile.s32 @!p0 $0x1;
	_ =	shalt  }
.Lfunc_end2:
_tile_overlayer_lowered:
.L_overlay_start_2:
0x167: {  	(tag) =	ssettag $0x2  }
0x168: {  	s0 =	rddreg [dreg:$0x0];
	s2 =	stileid.u32  }
0x169: {  	s1 =	rddreg [dreg:$0x1];
	p0 =	sne.s32 s2, $0x0  }
0x16a: {  	s3 =	rddreg [dreg:$0x2];
	[bflag:$0x3] =	sbarrier.arrive $0xFFFF;
	s2 =	simm.s32 @!p0 $0x1C06  }
0x16b: {  	[timem:s3], [sflag:s2] =	dma.local @!p0 [hbm:s0], s1  }
0x16c: {  	s0 =	simm.s32 @!p0 $0x6  }
0x16d: {  	_ =	swait.ge @!p0 [sflag:s0], s1  }
0x16e: {  	s1 =	ssub.s32 @!p0 $0x0, s1;
	[sflag:s0] =	ssyncset.done @!p0 $0x0  }
0x16f: {  	[sflag:s0] =	ssyncadd.s32 @!p0 s1  }
0x170: {  	[bflag:$0x3] =	sbarrier.arrive $0xFFFF  }
0x171: {  	_ =	shalt  }

// kernel: kernel.16.cloned.1.call-start
scs
__scs_entry_jumppad:
0x0: {  	(pc) =	sbr.rel $0x88, $3  }
0x1: {  	(tag) =	ssettag $0x0;
	lr =	simm.s32 $0x1  }
0x2: {  	[smem:$0x3F91] =	sst lr;
	_ =	strace $0xD0000000  }
0x3: {  	_ = 	snop  }
0x4: {  	_ = 	snop  }
0x5: {  	_ = 	snop  }
0x6: {  	_ = 	snop  }
0x7: {  	_ = 	snop  }
__scs_overlays_trampoline_lowered:
0x8: {  	[smem:$0x3FA0] =	sst s0  }
0x9: {  	[smem:$0x3FA1] =	sst s1  }
0xa: {  	[smem:$0x3FA2] =	sst s2  }
0xb: {  	[smem:$0x3FA3] =	sst s3  }
0xc: {  	[smem:$0x3FA4] =	sst s4  }
0xd: {  	[smem:$0x3FA5] =	sst s5  }
0xe: {  	[smem:$0x3FA6] =	sst s6  }
0xf: {  	[smem:$0x3FA7] =	sst s7  }
0x10: {  	[smem:$0x3FA8] =	sst s8  }
0x11: {  	[smem:$0x3FA9] =	sst s9;
	s0 =	simm.s32 @!p0 $0x0  }
0x12: {  	s1 =	sld [smem:$0x3F8F];
	s0 =	simm.s32 @p0 $0x1  }
0x13: {  	[smem:$0x3FAA] =	sst s0;
	s0 =	simm.s32 @!p1 $0x0  }
0x14: {  	s2 =	sld [smem:$0x3F8E];
	s0 =	simm.s32 @p1 $0x1  }
0x15: {  	[smem:$0x3FAB] =	sst s0;
	s0 =	simm.s32 @!p2 $0x0  }
0x16: {  	s3 =	sld [smem:$0x3FDB];
	s0 =	simm.s32 @p2 $0x1  }
0x17: {  	s4 =	simm.s32 $0x1BF5;
	[smem:$0x3FAD] =	sst s0  }
0x18: {  	s0 =	sld [smem:$0x3F90];
	_ =	swait.ge [sflag:s4], $0x0  }
0x19: {  	s7 =	sld [smem:$0x3F91]  }
0x1a: {  	s8 =	sadd.s32 $0xFFFFE003, lr  }
0x1b: {  	s9 =	sadd.s32 $0xFFFFFEF7, lr;
	s5 =	simm.s32 $0xFFFFFFFF;
	p2 =	slt.u32 s8, $0xFFFFF086  }
0x1c: {  	p1 =	slt.u32 s9, $0xF7A;
	s5 =	simm.s32 @!p2 $0x0  }
0x1d: {  	s5 =	simm.s32 @p1 $0x1;
	p0 =	seq.s32 s7, s2  }
0x1e: {  	s7 =	smul.u32 @!p0 $0xF7A, s2;
	p2 =	seq.s32 @!p0 s5, $0x0  }
0x1f: {  	s9 =	smul.u32 $0xF7A, s1;
	s8 =	simm.s32 @!p0 $0x1BF5;
	p2 =	por !p2, p0  }
0x20: {  	[sflag:s8] =	ssyncset.s32 @!p0 $0xFFFFF086;
	s6 =	sadd.s32 @!p0 s3, s7;
	s7 =	simm.s32 @!p0 $0x108  }
0x21: {  	s3 =	sadd.s32 s3, s9;
	s6 =	sadd.s32 @!p0 $0x88, s6;
	s7 =	simm.s32 @p2 $0x1082  }
0x22: {  	[simem:s7], [sflag:s8] =	dma.local @!p0 [hbm:s6], $0xF7A  }
0x23: {  	s9 =	sor.u32 $0xD0000000, s2;
	s6 =	simm.s32 $0x108;
	_ =	swait.ge @!p0 [sflag:s8], $0x0  }
0x24: {  	s3 =	sadd.s32 $0x88, s3;
	s6 =	simm.s32 @!p1 $0x1082;
	[sflag:s4] =	ssyncset.s32 $0xFFFFF086  }
0x25: {  	[simem:s6], [sflag:s4] =	dma.local [hbm:s3], $0xF7A  }
0x26: {  	[smem:$0x3F91] =	sst s1;
	(tag) =	ssettag s2;
	_ =	strace s9  }
0x27: {  	s1 =	sld [smem:$0x3FA1]  }
0x28: {  	s2 =	sld [smem:$0x3FA2]  }
0x29: {  	s4 =	sld [smem:$0x3FA4]  }
0x2a: {  	p0 =	seq.s32 s5, $0x0;
	s5 =	sld [smem:$0x3FA5]  }
0x2b: {  	s6 =	sld [smem:$0x3FA6]  }
0x2c: {  	s7 =	sld [smem:$0x3FA7]  }
0x2d: {  	s3 =	simm.s32 $0x108;
	s8 =	sld [smem:$0x3FA8]  }
0x2e: {  	s3 =	simm.s32 @!p0 $0x1082;
	s9 =	sld [smem:$0x3FA9]  }
0x2f: {  	lr =	sadd.s32 s0, s3;
	s0 =	sld [smem:$0x3FA0]  }
0x30: {  	s3 =	sld [smem:$0x3FA3]  }
0x31: {  	[smem:$0x3FAC] =	sst s10  }
0x32: {  	s10 =	sld [smem:$0x3FAA];
	_ =	sdelay $0x3  }
0x33: {  	p0 =	seq.s32 s10, $0x1;
	s10 =	sld [smem:$0x3FAC];
	_ =	sdelay $0x3  }
0x34: {  	[smem:$0x3FAC] =	sst s10  }
0x35: {  	s10 =	sld [smem:$0x3FAB];
	_ =	sdelay $0x3  }
0x36: {  	p1 =	seq.s32 s10, $0x1;
	s10 =	sld [smem:$0x3FAC];
	_ =	sdelay $0x3  }
0x37: {  	[smem:$0x3FAC] =	sst s10  }
0x38: {  	s10 =	sld [smem:$0x3FAD]  }
0x39: {  	_ = 	snop;
	(pc) =	sbr.ind lr, $3  }
0x3a: {  	_ = 	snop  }
0x3b: {  	_ = 	snop  }
0x3c: {  	p2 =	seq.s32 s10, $0x1;
	s10 =	sld [smem:$0x3FAC]  }
0x3d: {  	_ =	shalt  }
0x3e: {  	_ =	shalt  }
0x3f: {  	_ =	shalt  }
0x40: {  	_ =	shalt  }
0x41: {  	_ =	shalt  }
0x42: {  	_ =	shalt  }
0x43: {  	_ =	shalt  }
0x44: {  	_ =	shalt  }
0x45: {  	_ =	shalt  }
0x46: {  	_ =	shalt  }
0x47: {  	_ =	shalt  }
0x48: {  	_ =	shalt  }
0x49: {  	_ =	shalt  }
0x4a: {  	_ =	shalt  }
0x4b: {  	_ =	shalt  }
0x4c: {  	_ =	shalt  }
0x4d: {  	_ =	shalt  }
0x4e: {  	_ =	shalt  }
0x4f: {  	_ =	shalt  }
0x50: {  	_ =	shalt  }
0x51: {  	_ =	shalt  }
0x52: {  	_ =	shalt  }
0x53: {  	_ =	shalt  }
0x54: {  	_ =	shalt  }
0x55: {  	_ =	shalt  }
0x56: {  	_ =	shalt  }
0x57: {  	_ =	shalt  }
0x58: {  	_ =	shalt  }
0x59: {  	_ =	shalt  }
0x5a: {  	_ =	shalt  }
0x5b: {  	_ =	shalt  }
0x5c: {  	_ =	shalt  }
0x5d: {  	_ =	shalt  }
0x5e: {  	_ =	shalt  }
0x5f: {  	_ =	shalt  }
0x60: {  	_ =	shalt  }
0x61: {  	_ =	shalt  }
0x62: {  	_ =	shalt  }
0x63: {  	_ =	shalt  }
0x64: {  	_ =	shalt  }
0x65: {  	_ =	shalt  }
0x66: {  	_ =	shalt  }
0x67: {  	_ =	shalt  }
0x68: {  	_ =	shalt  }
0x69: {  	_ =	shalt  }
0x6a: {  	_ =	shalt  }
0x6b: {  	_ =	shalt  }
0x6c: {  	_ =	shalt  }
0x6d: {  	_ =	shalt  }
0x6e: {  	_ =	shalt  }
0x6f: {  	_ =	shalt  }
0x70: {  	_ =	shalt  }
0x71: {  	_ =	shalt  }
0x72: {  	_ =	shalt  }
0x73: {  	_ =	shalt  }
0x74: {  	_ =	shalt  }
0x75: {  	_ =	shalt  }
0x76: {  	_ =	shalt  }
0x77: {  	_ =	shalt  }
0x78: {  	_ =	shalt  }
0x79: {  	_ =	shalt  }
0x7a: {  	_ =	shalt  }
0x7b: {  	_ =	shalt  }
0x7c: {  	_ =	shalt  }
0x7d: {  	_ =	shalt  }
0x7e: {  	_ =	shalt  }
0x7f: {  	_ =	shalt  }
0x80: {  	_ =	shalt  }
0x81: {  	_ =	shalt  }
0x82: {  	_ =	shalt  }
0x83: {  	_ =	shalt  }
0x84: {  	_ =	shalt  }
0x85: {  	_ =	shalt  }
0x86: {  	_ =	shalt  }
0x87: {  	_ =	shalt  }
.Lfunc_end0:
.L_simem_size_0:
called_computation.2_lowered:
.L_overlay_start_0:
0x88: {  	s2 =	sld [smem:$0x3FD9]  }
0x89: {  	s3 =	sld [smem:$0x3FFE];
	_ =	sdelay $0x1  }
0x8a: {  	s1 =	srdreg.scid  }
0x8b: {  	s0 =	sand.u32 $0x1, s1  }
0x8c: {  	s17 =	sshll.u32 s0, $0xA;
	s2 =	sadd.s32 s3, s2  }
0x8d: {  	s2 =	sadd.s32 s2, s17  }
0x8e: {  	[smem:$0x3FB8] =	sst s2  }
0x8f: {  	_ = 	snop  }
0x90: {  	s18 =	sld [smem:$0x3FC9]  }
0x91: {  	s4 =	sld [smem:$0x3FC8]  }
0x92: {  	s5 =	sld [smem:$0x3FC5]  }
0x93: {  	s6 =	sld [smem:$0x3FBB];
	(tm) =	ssettm $0x1  }
0x94: {  	s19 =	sld [smem:$0x3FFB];
	_ =	sdelay $0x3  }
0x95: {  	_ =	strace s19  }
0x96: {  	s2 =	sld [smem:$0x3FFC];
	_ =	sdelay $0x3  }
0x97: {  	_ =	strace s2  }
0x98: {  	s2 =	sld [smem:$0x3FFD];
	_ =	sdelay $0x3  }
0x99: {  	_ =	strace s2  }
0x9a: {  	_ =	strace $0x8FFFFFFF  }
0x9b: {  	s20 =	sld [smem:$0x3FDB];
	_ =	sdelay $0x1  }
0x9c: {  	s7 =	simm.s32 $_scs_section_size  }
0x9d: {  	s8 =	simm.s32 $_size__tile_overlayer_lowered;
	s9 =	simm.s32 $_tile_overlayer_lowered  }
0x9e: {  	s10 =	simm.s32 $0x1BFF;
	s21 =	sshll.u32 s9, $0x1;
	s7 =	sadd.s32 s7, s20  }
0x9f: {  	s22 =	simm.s32 $0x0;
	s8 =	sshll.u32 s8, $0x1;
	s9 =	sadd.s32 s21, s7  }
0xa0: {  	[timem:s22], [sflag:s10] =	dma.local [hbm:s9], s8  }
0xa1: {  	_ =	swait.ge [sflag:s10], s8  }
0xa2: {  	s8 =	ssub.s32 $0x0, s8;
	[sflag:s10] =	ssyncset.done $0x0  }
0xa3: {  	[sflag:s10] =	ssyncadd.s32 s8;
	_ =	sdelay $0x1  }
0xa4: {  	s23 =	simm.s32 $0x1B8B  }
0xa5: {  	_ =	swait.ge [sflag:s23], $0x1  }
0xa6: {  	[sflag:s23] =	ssyncset.done $0x0  }
0xa7: {  	[sflag:s23] =	ssyncadd.s32 $0xFFFFFFFF  }
0xa8: {  	s8 =	sld [smem:$0x0]  }
0xa9: {  	s9 =	sand.u32 $0xFFFFFFFE, s1  }
0xaa: {  	p0 =	sne.s32 s1, s9  }
0xab: {  	s9 =	sshll.u32 @p0 s9, $0xE  }
0xac: {  	s9 =	sadd.s32 @p0 $0x11B8D, s9;
	s10 =	sshll.u32 @p0 s8, $0x11  }
0xad: {  	s9 =	sor.u32 @p0 s10, s9  }
0xae: {  	[sflag:s9] =	ssyncadd.remote.s32 @p0 $0x1;
	_ =	sdelay $0x1  }
0xaf: {  	s9 =	simm.s32 @p0 $0x1B8D  }
0xb0: {  	_ =	swait.eq @p0 [sflag:s9], $0x1  }
0xb1: {  	[sflag:s9] =	ssyncadd.s32 @p0 $0xFFFFFFFF  }
0xb2: {  	s10 =	sshll.u32 @!p0 s1, $0xE  }
0xb3: {  	s10 =	sor.u32 @!p0 $0x4000, s10;
	s9 =	simm.s32 @!p0 $0x1B8D  }
0xb4: {  	s8 =	sshll.u32 @!p0 s8, $0x11;
	s10 =	sadd.s32 @!p0 $0x11B8D, s10;
	_ =	swait.eq @!p0 [sflag:s9], $0x1  }
0xb5: {  	s8 =	sor.u32 @!p0 s8, s10;
	[sflag:s9] =	ssyncadd.s32 @!p0 $0xFFFFFFFF  }
0xb6: {  	s25 =	simm.s32 $0x1B8E;
	s24 =	sld [smem:$0x3FFE];
	[sflag:s8] =	ssyncadd.remote.s32 @!p0 $0x1  }
0xb7: {  	s26 =	simm.s32 $execute0_lowered;
	[smem:$0x3FD2] =	sst s25  }
0xb8: {  	s9 =	sshll.u32 s26, $0x1;
	_ =	strace $0x8000004C;
	[dreg:$0x1] =	wrdreg $0xFFFFFFFF  }
0xb9: {  	s28 =	simm.s32 $_size_execute0_lowered;
	s7 =	sadd.s32 s7, s9;
	[dreg:$0x0] =	wrdreg $0x0  }
0xba: {  	s9 =	sshll.u32 s28, $0x1;
	[dreg:$0x2] =	wrdreg s7  }
0xbb: {  	[dreg:$0x3] =	wrdreg s9  }
0xbc: {  	[dreg:$0x4] =	wrdreg $0xC0  }
0xbd: {  	_ =	task [dreg:s22], $0x5FFFF  }
0xbe: {  	[dreg:$0x1] =	wrdreg $0xFFFFFFFF  }
0xbf: {  	[dreg:$0x0] =	wrdreg $0x60  }
0xc0: {  	[dreg:$0x2] =	wrdreg s6  }
0xc1: {  	[dreg:$0x3] =	wrdreg s5  }
0xc2: {  	[dreg:$0x4] =	wrdreg s18  }
0xc3: {  	[dreg:$0x5] =	wrdreg s4  }
0xc4: {  	[dreg:$0x6] =	wrdreg s24  }
0xc5: {  	[dreg:$0x7] =	wrdreg $0xB  }
0xc6: {  	_ =	task.clear_ibuf [dreg:s22], $0x8FFFF;
	_ =	strace $0x9000004C  }
0xc7: {  	s29 =	simm.s32 $0xB;
	_ =	strace $0x8000004E  }
0xc8: {  	_ =	swait.ge [sflag:s29], $0x1  }
0xc9: {  	[sflag:s29] =	ssyncadd.s32 $0xFFFFFFFF  }
0xca: {  	_ =	strace $0x9000004E  }
0xcb: {  	_ =	sfence  }
0xcc: {  	s30 =	sld [smem:$0x0];
	_ =	sdelay $0x2  }
0xcd: {  	s31 =	sshll.u32 s1, $0xD;
	s1 =	sshrl.u32 s1, $0x2  }
0xce: {  	s4 =	sand.u32 $0x4000, s31;
	s1 =	sadd.s32 s1, s30  }
0xcf: {  	s0 =	sor.u32 s4, s0;
	s1 =	sshll.u32 s1, $0x11  }
0xd0: {  	s0 =	sor.u32 s1, s0  }
0xd1: {  	s0 =	sadd.s32 $0x8F2B, s0  }
0xd2: {  	[sflag:s0] =	ssyncadd.remote.s32 $0x1  }
0xd3: {  	_ =	sfence.sel $0xFFFF  }
0xd4: {  	[dreg:$0x0] =	wrdreg $0xFFFFFFFF;
	(pc) =	sbr.abs _section_cstart, $3  }
0xd5: {  	[dreg:$0x1] =	wrdreg $0xFFFFFFFF  }
0xd6: {  	_ =	task.clear_ibuf [dreg:s22], $0x2FFFF;
	_ =	strace $0x9FFFFFFF  }
0xd7: {  	(tm) =	ssettm $0x7FFFFFFF  }
tec
execute0_lowered:
.L_overlay_start_1:
0x0: {  	(tag) =	ssettag $0x1  }
0x1: {  	s1 =	rddreg [dreg:$0x0];
	s0 =	srdreg.scid  }
0x2: {  	s2 =	rddreg [dreg:$0x2];
	s5 =	stileid.u32;
	s0 =	sand.u32 $0x1, s0  }
0x3: {  	s3 =	rddreg [dreg:$0x3];
	s5 =	sshll.u32 s5, $0x8;
	s4 =	sshll.u32 s0, $0xC  }
0x4: {  	s6 =	rddreg [dreg:$0x4];
	s5 =	sor.u32 s5, s4;
	s4 =	simm.s32 $0x0  }
0x5: {  	s18 =	simm.s32 $0x100;
	[smem:$0x7FF] =	sst s4  }
0x6: {  	s19 =	simm.s32 $0x8A00;
	_ =	strace $0x8000004D;
	[dreg:$0xf] =	wrdreg s18  }
0x7: {  	s20 =	simm.s32 $0x9200;
	[dreg:$0x10] =	wrdreg s19  }
0x8: {  	s21 =	simm.s32 $0x9A00;
	[dreg:$0x11] =	wrdreg s20  }
0x9: {  	s22 =	simm.s32 $0xA200;
	s23 =	simm.s32 $0xAA00;
	[dreg:$0x12] =	wrdreg s21  }
0xa: {  	s24 =	simm.s32 $0xB200;
	s8 =	sor.u32 $0x80, s5;
	[dreg:$0x13] =	wrdreg s22  }
0xb: {  	s10 =	sshrl.u32 s8, $0x1;
	s13 =	sshll.u32 s8, $0x4;
	[dreg:$0x14] =	wrdreg s23  }
0xc: {  	s15 =	sshll.u32 s8, $0x6;
	[dreg:$0x15] =	wrdreg s24;
	s8 =	simm.s32 $0xE200  }
0xd: {  	s31 =	simm.s32 $0x5;
	s18 =	simm.s32 $0x13A00;
	[dreg:$0x1b] =	wrdreg s8  }
0xe: {  	s28 =	simm.s32 $0x5A00;
	s19 =	simm.s32 $0x14200;
	[smem:$0x7F5] =	sst s18  }
0xf: {  	s29 =	simm.s32 $0x6200;
	s20 =	simm.s32 $0x14A00;
	[smem:$0x7F6] =	sst s19  }
0x10: {  	s30 =	simm.s32 $0x6A00;
	s21 =	simm.s32 $0x15200;
	[smem:$0x7F7] =	sst s20  }
0x11: {  	s26 =	sadd.s32 $0x144000, s6;
	s22 =	simm.s32 $0x15A00;
	[smem:$0x7F8] =	sst s21  }
0x12: {  	s7 =	sshrl.u32 s5, $0x1;
	s23 =	simm.s32 $0x16200;
	[smem:$0x7F9] =	sst s22  }
0x13: {  	s7 =	sor.u32 $0x20, s7;
	s24 =	simm.s32 $0x16A00;
	[smem:$0x7FA] =	sst s23  }
0x14: {  	s6 =	sadd.s32 $0x124000, s6;
	s9 =	sadd.s32 s2, s7;
	[smem:$0x7FB] =	sst s24  }
0x15: {  	s0 =	ssub.s32 $0x2, s0;
	s7 =	sadd.s32 s3, s7;
	[dreg:$0x6] =	wrdreg s9  }
0x16: {  	s25 =	sor.u32 $0x20, s10;
	s14 =	sadd.s32 s6, s13;
	[dreg:$0x7] =	wrdreg s7  }
0x17: {  	s10 =	sshll.u32 s5, $0x4;
	s16 =	sadd.s32 s26, s15;
	[dreg:$0xc] =	wrdreg s14  }
0x18: {  	s5 =	sshll.u32 s5, $0x6;
	s13 =	simm.s32 $0x11200;
	[dreg:$0xd] =	wrdreg s16  }
0x19: {  	s15 =	simm.s32 $0x12200;
	s18 =	simm.s32 $0x1200;
	[smem:$0x7F0] =	sst s13  }
0x1a: {  	s19 =	simm.s32 $0x1A00;
	s2 =	sadd.s32 s2, s25;
	[smem:$0x7F2] =	sst s15  }
0x1b: {  	s20 =	simm.s32 $0x2200;
	s9 =	sadd.s32 s3, s25;
	[dreg:$0x8] =	wrdreg s2  }
0x1c: {  	s21 =	simm.s32 $0x2A00;
	s11 =	sadd.s32 s6, s10;
	[dreg:$0x9] =	wrdreg s9  }
0x1d: {  	s22 =	simm.s32 $0x3200;
	s5 =	sadd.s32 s26, s5;
	[dreg:$0xa] =	wrdreg s11  }
0x1e: {  	s23 =	simm.s32 $0x3A00;
	s25 =	simm.s32 $0xBA00;
	[smem:$0x7EF] =	sst s5  }
0x1f: {  	s24 =	simm.s32 $0x4200;
	s26 =	simm.s32 $0xC200;
	[dreg:$0x16] =	wrdreg s25  }
0x20: {  	s8 =	simm.s32 $0x7A00;
	s3 =	simm.s32 $0xCA00;
	[dreg:$0x17] =	wrdreg s26  }
0x21: {  	s6 =	sshrl.u32 s0, $0x1;
	s7 =	simm.s32 $0xDA00;
	[dreg:$0x18] =	wrdreg s3  }
0x22: {  	s10 =	simm.s32 $0xF200;
	s14 =	simm.s32 $0x11A00;
	[dreg:$0x1a] =	wrdreg s7  }
0x23: {  	s13 =	simm.s32 $0x200;
	s16 =	simm.s32 $0x12A00;
	[dreg:$0x1d] =	wrdreg s10  }
0x24: {  	s12 =	sadd.s32 $0x1000, s5;
	s17 =	sadd.s32 $0x3000, s5;
	[smem:$0x7F1] =	sst s14  }
0x25: {  	s5 =	simm.s32 $0xD200;
	s0 =	ssub.s32 s0, s6;
	[smem:$0x7F3] =	sst s16  }
0x26: {  	s6 =	sadd.s32 $0x100, s1;
	s9 =	simm.s32 $0xEA00;
	[dreg:$0xb] =	wrdreg s12  }
0x27: {  	s11 =	simm.s32 $0xFA00;
	s25 =	simm.s32 $0x17200;
	[dreg:$0xe] =	wrdreg s17  }
0x28: {  	s26 =	simm.s32 $0x17A00;
	s16 =	simm.s32 $0x180;
	[dreg:$0x19] =	wrdreg s5  }
0x29: {  	s3 =	simm.s32 $0x7200;
	s7 =	smax.u32 s0, $0x1;
	[dreg:$0x1c] =	wrdreg s9  }
0x2a: {  	s9 =	simm.s32 $0x1;
	[dreg:$0x1e] =	wrdreg s11;
	s12 =	simm.s32 $0x10A00  }
0x2b: {  	s11 =	simm.s32 $0x18200;
	s17 =	simm.s32 $0x13200;
	[smem:$0x7FC] =	sst s25  }
0x2c: {  	v2 =	vlaneseq.u32;
	[smem:$0x7FD] =	sst s26;
	s0 =	simm.s32 $0x2;
	s25 =	simm.s32 $0x4A00  }
0x2d: {  	vm0 =	vmmov $0xffff;
	v1 =	vshrl.u32 v2, $0x3;
	s26 =	simm.s32 $0x5200;
	s5 =	simm.s32 $0x8200;
	[dreg:$0x1f] =	wrdreg s12  }
0x2e: {  	v0 =	vand.u32 $0x7, v2;
	v2 =	vor.u32 $0x8, v2;
	v1 =	vmul.u32 $0x8, v1;
	s12 =	simm.s32 $0x6;
	[smem:$0x7F4] =	sst s17;
	s17 =	simm.s32 $0xA00  }
.LBB2_1:
0x2f: {  	s10 =	rddreg [dreg:$0x6]  }
0x30: {  	[tilespmem:s4], [sflag:$0x1] =	stream.linear.gather [hbm4b:s10+s4], $0x80, $0x38;
	[tilespmem:$0x1C200] =	vst v63  }
0x31: {  	s14 =	rddreg [dreg:$0x7];
	s2 =	simm.s32 $0x80  }
0x32: {  	[tilespmem:s2], [sflag:$0x1] =	stream.linear.gather [hbm4b:s14+s4], $0x80, $0x38;
	[tilespmem:$0x1C200] =	vst v63  }
0x33: {  	_ =	swait.ge [sflag:s9], $0x80  }
0x34: {  	[sflag:s9] =	ssyncset.done $0x0  }
0x35: {  	[sflag:s9] =	ssyncadd.s32 $0xFFFFFF80  }
0x36: {  	_ =	swait.ge [sflag:s9], $0x80  }
0x37: {  	s10 =	rddreg [dreg:$0x8];
	[sflag:s9] =	ssyncset.done $0x0  }
0x38: {  	s14 =	rddreg [dreg:$0xf];
	[sflag:s9] =	ssyncadd.s32 $0xFFFFFF80  }
0x39: {  	[tilespmem:s14], [sflag:$0x1] =	stream.linear.gather [hbm4b:s10+s4], $0x80, $0x38;
	[tilespmem:$0x1C200] =	vst v63  }
0x3a: {  	s15 =	rddreg [dreg:$0x9]  }
0x3b: {  	[tilespmem:s16], [sflag:$0x1] =	stream.linear.gather [hbm4b:s15+s4], $0x80, $0x38;
	[tilespmem:$0x1C200] =	vst v63  }
0x3c: {  	s15 =	rddreg [dreg:$0x1]  }
0x3d: {  	[tilespmem:s11], [sflag:$0x6] =	stream.indirect.gather [hbm4b:s15+s2], $0x80, s2, s2, $0xb8;
	[tilespmem:$0x1C200] =	vst v63  }
0x3e: {  	_ =	swait.ge [sflag:s12], $0x4000  }
0x3f: {  	[sflag:s12] =	ssyncset.done $0x0  }
0x40: {  	s14 =	rddreg [dreg:$0xa];
	[sflag:s12] =	ssyncadd.s32 $0xFFFFC000  }
0x41: {  	[hbm4b:s14+s4] =	stream.linear.scatter [tilespmem:s11], [sflag:$0x5], $0x4000, $0x38;
	[tilespmem:$0x1C200] =	vst v63  }
0x42: {  	v3 =	vld [tilespmem:$0x0];
	_ =	sdelay $0x4  }
0x43: {  	v4 =	vshll.u32 v3, $0x2  }
0x44: {  	v3 =	vand.u32 $0x7, v3;
	v4 =	vand.u32 $0xFFFFFFE0, v4  }
0x45: {  	v3 =	vor.u32 v3, v4  }
0x46: {  	v4 =	vperm.xlane v3, v0;
	_ =	sdelay $0x1  }
0x47: {  	v4 =	vadd.s32 v1, v4;
	_ =	sdelay $0x1  }
0x48: {  	v3 =	vperm.xlane v3, v2;
	_ =	sdelay $0x1  }
0x49: {  	v3 =	vadd.s32 v1, v3  }
0x4a: {  	[tilespmem:s13], [sflag:$0x6] =	stream.indirect_vreg.gather [hbm4b:s1+s4], $0x80, v4, vm0, $0xb8;
	[tilespmem:$0x1C200] =	vst v63  }
0x4b: {  	_ = 	snop  }
0x4c: {  	[tilespmem:s17], [sflag:$0x6] =	stream.indirect_vreg.gather [hbm4b:s6+s4], $0x80, v4, vm0, $0xb8;
	[tilespmem:$0x1C200] =	vst v63  }
0x4d: {  	_ = 	snop  }
0x4e: {  	[tilespmem:s18], [sflag:$0x6] =	stream.indirect_vreg.gather [hbm4b:s1+s4], $0x80, v3, vm0, $0xb8;
	[tilespmem:$0x1C200] =	vst v63  }
0x4f: {  	_ = 	snop  }
0x50: {  	[tilespmem:s19], [sflag:$0x6] =	stream.indirect_vreg.gather [hbm4b:s6+s4], $0x80, v3, vm0, $0xb8;
	[tilespmem:$0x1C200] =	vst v63  }
0x51: {  	v3 =	vld [tilespmem:$0x10];
	_ =	sdelay $0x4  }
0x52: {  	v49 =	vshll.u32 v3, $0x2  }
0x53: {  	v3 =	vand.u32 $0x7, v3;
	v4 =	vand.u32 $0xFFFFFFE0, v49  }
0x54: {  	v3 =	vor.u32 v3, v4  }
0x55: {  	v4 =	vperm.xlane v3, v0;
	_ =	sdelay $0x1  }
0x56: {  	v4 =	vadd.s32 v1, v4;
	_ =	sdelay $0x1  }
0x57: {  	v3 =	vperm.xlane v3, v2;
	_ =	sdelay $0x1  }
0x58: {  	v3 =	vadd.s32 v1, v3  }
0x59: {  	[tilespmem:s20], [sflag:$0x6] =	stream.indirect_vreg.gather [hbm4b:s1+s4], $0x80, v4, vm0, $0xb8;
	[tilespmem:$0x1C200] =	vst v63  }
0x5a: {  	_ = 	snop  }
0x5b: {  	[tilespmem:s21], [sflag:$0x6] =	stream.indirect_vreg.gather [hbm4b:s6+s4], $0x80, v4, vm0, $0xb8;
	[tilespmem:$0x1C200] =	vst v63  }
0x5c: {  	_ = 	snop  }
0x5d: {  	[tilespmem:s22], [sflag:$0x6] =	stream.indirect_vreg.gather [hbm4b:s1+s4], $0x80, v3, vm0, $0xb8;
	[tilespmem:$0x1C200] =	vst v63  }
0x5e: {  	_ = 	snop  }
0x5f: {  	[tilespmem:s23], [sflag:$0x6] =	stream.indirect_vreg.gather [hbm4b:s6+s4], $0x80, v3, vm0, $0xb8;
	[tilespmem:$0x1C200] =	vst v63  }
0x60: {  	v3 =	vld [tilespmem:$0x20];
	_ =	sdelay $0x4  }
0x61: {  	v50 =	vshll.u32 v3, $0x2  }
0x62: {  	v3 =	vand.u32 $0x7, v3;
	v4 =	vand.u32 $0xFFFFFFE0, v50  }
0x63: {  	v3 =	vor.u32 v3, v4  }
0x64: {  	v4 =	vperm.xlane v3, v0;
	_ =	sdelay $0x1  }
0x65: {  	v4 =	vadd.s32 v1, v4;
	_ =	sdelay $0x1  }
0x66: {  	v3 =	vperm.xlane v3, v2;
	_ =	sdelay $0x1  }
0x67: {  	v3 =	vadd.s32 v1, v3  }
0x68: {  	[tilespmem:s24], [sflag:$0x6] =	stream.indirect_vreg.gather [hbm4b:s1+s4], $0x80, v4, vm0, $0xb8;
	[tilespmem:$0x1C200] =	vst v63  }
0x69: {  	_ = 	snop  }
0x6a: {  	[tilespmem:s25], [sflag:$0x6] =	stream.indirect_vreg.gather [hbm4b:s6+s4], $0x80, v4, vm0, $0xb8;
	[tilespmem:$0x1C200] =	vst v63  }
0x6b: {  	_ = 	snop  }
0x6c: {  	[tilespmem:s26], [sflag:$0x6] =	stream.indirect_vreg.gather [hbm4b:s1+s4], $0x80, v3, vm0, $0xb8;
	[tilespmem:$0x1C200] =	vst v63  }
0x6d: {  	_ = 	snop  }
0x6e: {  	[tilespmem:s28], [sflag:$0x6] =	stream.indirect_vreg.gather [hbm4b:s6+s4], $0x80, v3, vm0, $0xb8;
	[tilespmem:$0x1C200] =	vst v63  }
0x6f: {  	v3 =	vld [tilespmem:$0x30];
	_ =	sdelay $0x4  }
0x70: {  	v51 =	vshll.u32 v3, $0x2  }
0x71: {  	v3 =	vand.u32 $0x7, v3;
	v4 =	vand.u32 $0xFFFFFFE0, v51  }
0x72: {  	v3 =	vor.u32 v3, v4  }
0x73: {  	v4 =	vperm.xlane v3, v0;
	_ =	sdelay $0x1  }
0x74: {  	v4 =	vadd.s32 v1, v4;
	_ =	sdelay $0x1  }
0x75: {  	v3 =	vperm.xlane v3, v2;
	_ =	sdelay $0x1  }
0x76: {  	v3 =	vadd.s32 v1, v3  }
0x77: {  	[tilespmem:s29], [sflag:$0x6] =	stream.indirect_vreg.gather [hbm4b:s1+s4], $0x80, v4, vm0, $0xb8;
	[tilespmem:$0x1C200] =	vst v63  }
0x78: {  	_ = 	snop  }
0x79: {  	[tilespmem:s30], [sflag:$0x6] =	stream.indirect_vreg.gather [hbm4b:s6+s4], $0x80, v4, vm0, $0xb8;
	[tilespmem:$0x1C200] =	vst v63  }
0x7a: {  	_ = 	snop  }
0x7b: {  	[tilespmem:s3], [sflag:$0x6] =	stream.indirect_vreg.gather [hbm4b:s1+s4], $0x80, v3, vm0, $0xb8;
	[tilespmem:$0x1C200] =	vst v63  }
0x7c: {  	_ = 	snop  }
0x7d: {  	[tilespmem:s8], [sflag:$0x6] =	stream.indirect_vreg.gather [hbm4b:s6+s4], $0x80, v3, vm0, $0xb8;
	[tilespmem:$0x1C200] =	vst v63  }
0x7e: {  	_ =	swait.ge [sflag:s12], $0x8000  }
0x7f: {  	s14 =	sld [smem:$0x7EF]  }
0x80: {  	[sflag:s12] =	ssyncset.done $0x0  }
0x81: {  	[sflag:s12] =	ssyncadd.s32 $0xFFFF8000  }
0x82: {  	[hbm4b:s14+s4] =	stream.linear.scatter [tilespmem:s13], [sflag:$0x2], $0x8000, $0x38;
	[tilespmem:$0x1C200] =	vst v63  }
0x83: {  	v3 =	vld [tilespmem:$0x40];
	_ =	sdelay $0x4  }
0x84: {  	v52 =	vshll.u32 v3, $0x2  }
0x85: {  	v3 =	vand.u32 $0x7, v3;
	v4 =	vand.u32 $0xFFFFFFE0, v52  }
0x86: {  	v3 =	vor.u32 v3, v4  }
0x87: {  	v4 =	vperm.xlane v3, v0;
	_ =	sdelay $0x1  }
0x88: {  	v4 =	vadd.s32 v1, v4;
	_ =	sdelay $0x1  }
0x89: {  	v3 =	vperm.xlane v3, v2;
	_ =	sdelay $0x1  }
0x8a: {  	v3 =	vadd.s32 v1, v3  }
0x8b: {  	[tilespmem:s5], [sflag:$0x6] =	stream.indirect_vreg.gather [hbm4b:s1+s4], $0x80, v4, vm0, $0xb8;
	[tilespmem:$0x1C200] =	vst v63  }
0x8c: {  	s10 =	rddreg [dreg:$0x10]  }
0x8d: {  	[tilespmem:s10], [sflag:$0x6] =	stream.indirect_vreg.gather [hbm4b:s6+s4], $0x80, v4, vm0, $0xb8;
	[tilespmem:$0x1C200] =	vst v63  }
0x8e: {  	s14 =	rddreg [dreg:$0x11]  }
0x8f: {  	[tilespmem:s14], [sflag:$0x6] =	stream.indirect_vreg.gather [hbm4b:s1+s4], $0x80, v3, vm0, $0xb8;
	[tilespmem:$0x1C200] =	vst v63  }
0x90: {  	s10 =	rddreg [dreg:$0x12]  }
0x91: {  	[tilespmem:s10], [sflag:$0x6] =	stream.indirect_vreg.gather [hbm4b:s6+s4], $0x80, v3, vm0, $0xb8;
	[tilespmem:$0x1C200] =	vst v63  }
0x92: {  	v3 =	vld [tilespmem:$0x50];
	_ =	sdelay $0x4  }
0x93: {  	v53 =	vshll.u32 v3, $0x2  }
0x94: {  	v3 =	vand.u32 $0x7, v3;
	v4 =	vand.u32 $0xFFFFFFE0, v53  }
0x95: {  	v3 =	vor.u32 v3, v4  }
0x96: {  	v4 =	vperm.xlane v3, v0;
	_ =	sdelay $0x1  }
0x97: {  	v4 =	vadd.s32 v1, v4;
	_ =	sdelay $0x1  }
0x98: {  	v3 =	vperm.xlane v3, v2;
	_ =	sdelay $0x1  }
0x99: {  	s10 =	rddreg [dreg:$0x13];
	v3 =	vadd.s32 v1, v3  }
0x9a: {  	[tilespmem:s10], [sflag:$0x6] =	stream.indirect_vreg.gather [hbm4b:s1+s4], $0x80, v4, vm0, $0xb8;
	[tilespmem:$0x1C200] =	vst v63  }
0x9b: {  	s14 =	rddreg [dreg:$0x14]  }
0x9c: {  	[tilespmem:s14], [sflag:$0x6] =	stream.indirect_vreg.gather [hbm4b:s6+s4], $0x80, v4, vm0, $0xb8;
	[tilespmem:$0x1C200] =	vst v63  }
0x9d: {  	s10 =	rddreg [dreg:$0x15]  }
0x9e: {  	[tilespmem:s10], [sflag:$0x6] =	stream.indirect_vreg.gather [hbm4b:s1+s4], $0x80, v3, vm0, $0xb8;
	[tilespmem:$0x1C200] =	vst v63  }
0x9f: {  	s14 =	rddreg [dreg:$0x16]  }
0xa0: {  	[tilespmem:s14], [sflag:$0x6] =	stream.indirect_vreg.gather [hbm4b:s6+s4], $0x80, v3, vm0, $0xb8;
	[tilespmem:$0x1C200] =	vst v63  }
0xa1: {  	v3 =	vld [tilespmem:$0x60];
	_ =	sdelay $0x4  }
0xa2: {  	v54 =	vshll.u32 v3, $0x2  }
0xa3: {  	v3 =	vand.u32 $0x7, v3;
	v4 =	vand.u32 $0xFFFFFFE0, v54  }
0xa4: {  	v3 =	vor.u32 v3, v4  }
0xa5: {  	v4 =	vperm.xlane v3, v0;
	_ =	sdelay $0x1  }
0xa6: {  	v4 =	vadd.s32 v1, v4;
	_ =	sdelay $0x1  }
0xa7: {  	v3 =	vperm.xlane v3, v2;
	_ =	sdelay $0x1  }
0xa8: {  	s10 =	rddreg [dreg:$0x17];
	v3 =	vadd.s32 v1, v3  }
0xa9: {  	[tilespmem:s10], [sflag:$0x6] =	stream.indirect_vreg.gather [hbm4b:s1+s4], $0x80, v4, vm0, $0xb8;
	[tilespmem:$0x1C200] =	vst v63  }
0xaa: {  	s14 =	rddreg [dreg:$0x18]  }
0xab: {  	[tilespmem:s14], [sflag:$0x6] =	stream.indirect_vreg.gather [hbm4b:s6+s4], $0x80, v4, vm0, $0xb8;
	[tilespmem:$0x1C200] =	vst v63  }
0xac: {  	s10 =	rddreg [dreg:$0x19]  }
0xad: {  	[tilespmem:s10], [sflag:$0x6] =	stream.indirect_vreg.gather [hbm4b:s1+s4], $0x80, v3, vm0, $0xb8;
	[tilespmem:$0x1C200] =	vst v63  }
0xae: {  	s14 =	rddreg [dreg:$0x1a]  }
0xaf: {  	[tilespmem:s14], [sflag:$0x6] =	stream.indirect_vreg.gather [hbm4b:s6+s4], $0x80, v3, vm0, $0xb8;
	[tilespmem:$0x1C200] =	vst v63  }
0xb0: {  	v3 =	vld [tilespmem:$0x70];
	_ =	sdelay $0x4  }
0xb1: {  	v55 =	vshll.u32 v3, $0x2  }
0xb2: {  	v3 =	vand.u32 $0x7, v3;
	v4 =	vand.u32 $0xFFFFFFE0, v55  }
0xb3: {  	v3 =	vor.u32 v3, v4  }
0xb4: {  	v4 =	vperm.xlane v3, v0;
	_ =	sdelay $0x1  }
0xb5: {  	v4 =	vadd.s32 v1, v4;
	_ =	sdelay $0x1  }
0xb6: {  	v3 =	vperm.xlane v3, v2;
	_ =	sdelay $0x1  }
0xb7: {  	s10 =	rddreg [dreg:$0x1b];
	v3 =	vadd.s32 v1, v3  }
0xb8: {  	[tilespmem:s10], [sflag:$0x6] =	stream.indirect_vreg.gather [hbm4b:s1+s4], $0x80, v4, vm0, $0xb8;
	[tilespmem:$0x1C200] =	vst v63  }
0xb9: {  	s14 =	rddreg [dreg:$0x1c]  }
0xba: {  	[tilespmem:s14], [sflag:$0x6] =	stream.indirect_vreg.gather [hbm4b:s6+s4], $0x80, v4, vm0, $0xb8;
	[tilespmem:$0x1C200] =	vst v63  }
0xbb: {  	s10 =	rddreg [dreg:$0x1d]  }
0xbc: {  	[tilespmem:s10], [sflag:$0x6] =	stream.indirect_vreg.gather [hbm4b:s1+s4], $0x80, v3, vm0, $0xb8;
	[tilespmem:$0x1C200] =	vst v63  }
0xbd: {  	s14 =	rddreg [dreg:$0x1e]  }
0xbe: {  	[tilespmem:s14], [sflag:$0x6] =	stream.indirect_vreg.gather [hbm4b:s6+s4], $0x80, v3, vm0, $0xb8;
	[tilespmem:$0x1C200] =	vst v63  }
0xbf: {  	_ =	swait.ge [sflag:s12], $0x8000  }
0xc0: {  	[sflag:s12] =	ssyncset.done $0x0  }
0xc1: {  	s14 =	rddreg [dreg:$0xb];
	[sflag:s12] =	ssyncadd.s32 $0xFFFF8000  }
0xc2: {  	[hbm4b:s14+s4] =	stream.linear.scatter [tilespmem:s5], [sflag:$0x3], $0x8000, $0x38;
	[tilespmem:$0x1C200] =	vst v63  }
0xc3: {  	_ =	swait.ge [sflag:s9], $0x80  }
0xc4: {  	[sflag:s9] =	ssyncset.done $0x0  }
0xc5: {  	[sflag:s9] =	ssyncadd.s32 $0xFFFFFF80  }
0xc6: {  	_ =	swait.ge [sflag:s9], $0x80  }
0xc7: {  	[sflag:s9] =	ssyncset.done $0x0  }
0xc8: {  	[sflag:s9] =	ssyncadd.s32 $0xFFFFFF80  }
0xc9: {  	_ =	swait.ge [sflag:s31], $0x4000  }
0xca: {  	[sflag:s31] =	ssyncset.done $0x0  }
0xcb: {  	[sflag:s31] =	ssyncadd.s32 $0xFFFFC000  }
0xcc: {  	[tilespmem:s11], [sflag:$0x6] =	stream.indirect.gather [hbm4b:s15+s2], $0x80, s16, s2, $0xb8;
	[tilespmem:$0x1C200] =	vst v63  }
0xcd: {  	_ =	swait.ge [sflag:s12], $0x4000  }
0xce: {  	[sflag:s12] =	ssyncset.done $0x0  }
0xcf: {  	s14 =	rddreg [dreg:$0xc];
	[sflag:s12] =	ssyncadd.s32 $0xFFFFC000  }
0xd0: {  	[hbm4b:s14+s4] =	stream.linear.scatter [tilespmem:s11], [sflag:$0x5], $0x4000, $0x38;
	[tilespmem:$0x1C200] =	vst v63  }
0xd1: {  	v3 =	vld [tilespmem:$0x100];
	_ =	sdelay $0x4  }
0xd2: {  	v56 =	vshll.u32 v3, $0x2  }
0xd3: {  	v3 =	vand.u32 $0x7, v3;
	v4 =	vand.u32 $0xFFFFFFE0, v56  }
0xd4: {  	v3 =	vor.u32 v3, v4  }
0xd5: {  	v4 =	vperm.xlane v3, v0;
	_ =	sdelay $0x1  }
0xd6: {  	v4 =	vadd.s32 v1, v4;
	_ =	sdelay $0x1  }
0xd7: {  	v3 =	vperm.xlane v3, v2;
	_ =	sdelay $0x1  }
0xd8: {  	s2 =	simm.s32 $0x10200;
	s15 =	rddreg [dreg:$0x1f];
	v3 =	vadd.s32 v1, v3  }
0xd9: {  	[tilespmem:s2], [sflag:$0x6] =	stream.indirect_vreg.gather [hbm4b:s1+s4], $0x80, v4, vm0, $0xb8;
	[tilespmem:$0x1C200] =	vst v63  }
0xda: {  	s14 =	sld [smem:$0x7F0]  }
0xdb: {  	[tilespmem:s15], [sflag:$0x6] =	stream.indirect_vreg.gather [hbm4b:s6+s4], $0x80, v4, vm0, $0xb8;
	[tilespmem:$0x1C200] =	vst v63  }
0xdc: {  	s15 =	sld [smem:$0x7F1]  }
0xdd: {  	[tilespmem:s14], [sflag:$0x6] =	stream.indirect_vreg.gather [hbm4b:s1+s4], $0x80, v3, vm0, $0xb8;
	[tilespmem:$0x1C200] =	vst v63  }
0xde: {  	_ = 	snop  }
0xdf: {  	[tilespmem:s15], [sflag:$0x6] =	stream.indirect_vreg.gather [hbm4b:s6+s4], $0x80, v3, vm0, $0xb8;
	[tilespmem:$0x1C200] =	vst v63  }
0xe0: {  	v3 =	vld [tilespmem:$0x110];
	_ =	sdelay $0x4  }
0xe1: {  	v57 =	vshll.u32 v3, $0x2  }
0xe2: {  	v3 =	vand.u32 $0x7, v3;
	v4 =	vand.u32 $0xFFFFFFE0, v57  }
0xe3: {  	v3 =	vor.u32 v3, v4  }
0xe4: {  	v4 =	vperm.xlane v3, v0;
	_ =	sdelay $0x1  }
0xe5: {  	v4 =	vadd.s32 v1, v4;
	_ =	sdelay $0x1  }
0xe6: {  	s14 =	sld [smem:$0x7F2];
	v3 =	vperm.xlane v3, v2;
	_ =	sdelay $0x1  }
0xe7: {  	s15 =	sld [smem:$0x7F3];
	v3 =	vadd.s32 v1, v3  }
0xe8: {  	[tilespmem:s14], [sflag:$0x6] =	stream.indirect_vreg.gather [hbm4b:s1+s4], $0x80, v4, vm0, $0xb8;
	[tilespmem:$0x1C200] =	vst v63  }
0xe9: {  	s10 =	sld [smem:$0x7F4]  }
0xea: {  	[tilespmem:s15], [sflag:$0x6] =	stream.indirect_vreg.gather [hbm4b:s6+s4], $0x80, v4, vm0, $0xb8;
	[tilespmem:$0x1C200] =	vst v63  }
0xeb: {  	s15 =	sld [smem:$0x7F5]  }
0xec: {  	[tilespmem:s10], [sflag:$0x6] =	stream.indirect_vreg.gather [hbm4b:s1+s4], $0x80, v3, vm0, $0xb8;
	[tilespmem:$0x1C200] =	vst v63  }
0xed: {  	_ = 	snop  }
0xee: {  	[tilespmem:s15], [sflag:$0x6] =	stream.indirect_vreg.gather [hbm4b:s6+s4], $0x80, v3, vm0, $0xb8;
	[tilespmem:$0x1C200] =	vst v63  }
0xef: {  	v3 =	vld [tilespmem:$0x120];
	_ =	sdelay $0x4  }
0xf0: {  	v58 =	vshll.u32 v3, $0x2  }
0xf1: {  	v3 =	vand.u32 $0x7, v3;
	v4 =	vand.u32 $0xFFFFFFE0, v58  }
0xf2: {  	v3 =	vor.u32 v3, v4  }
0xf3: {  	v4 =	vperm.xlane v3, v0;
	_ =	sdelay $0x1  }
0xf4: {  	v4 =	vadd.s32 v1, v4;
	_ =	sdelay $0x1  }
0xf5: {  	s14 =	sld [smem:$0x7F6];
	v3 =	vperm.xlane v3, v2;
	_ =	sdelay $0x1  }
0xf6: {  	s15 =	sld [smem:$0x7F7];
	v3 =	vadd.s32 v1, v3  }
0xf7: {  	[tilespmem:s14], [sflag:$0x6] =	stream.indirect_vreg.gather [hbm4b:s1+s4], $0x80, v4, vm0, $0xb8;
	[tilespmem:$0x1C200] =	vst v63  }
0xf8: {  	s10 =	sld [smem:$0x7F8]  }
0xf9: {  	[tilespmem:s15], [sflag:$0x6] =	stream.indirect_vreg.gather [hbm4b:s6+s4], $0x80, v4, vm0, $0xb8;
	[tilespmem:$0x1C200] =	vst v63  }
0xfa: {  	s15 =	sld [smem:$0x7F9]  }
0xfb: {  	[tilespmem:s10], [sflag:$0x6] =	stream.indirect_vreg.gather [hbm4b:s1+s4], $0x80, v3, vm0, $0xb8;
	[tilespmem:$0x1C200] =	vst v63  }
0xfc: {  	_ = 	snop  }
0xfd: {  	[tilespmem:s15], [sflag:$0x6] =	stream.indirect_vreg.gather [hbm4b:s6+s4], $0x80, v3, vm0, $0xb8;
	[tilespmem:$0x1C200] =	vst v63  }
0xfe: {  	v3 =	vld [tilespmem:$0x130];
	_ =	sdelay $0x4  }
0xff: {  	v59 =	vshll.u32 v3, $0x2  }
0x100: {  	v3 =	vand.u32 $0x7, v3;
	v4 =	vand.u32 $0xFFFFFFE0, v59  }
0x101: {  	v3 =	vor.u32 v3, v4  }
0x102: {  	v4 =	vperm.xlane v3, v0;
	_ =	sdelay $0x1  }
0x103: {  	v4 =	vadd.s32 v1, v4;
	_ =	sdelay $0x1  }
0x104: {  	s14 =	sld [smem:$0x7FA];
	v3 =	vperm.xlane v3, v2;
	_ =	sdelay $0x1  }
0x105: {  	s15 =	sld [smem:$0x7FB];
	v3 =	vadd.s32 v1, v3  }
0x106: {  	[tilespmem:s14], [sflag:$0x6] =	stream.indirect_vreg.gather [hbm4b:s1+s4], $0x80, v4, vm0, $0xb8;
	[tilespmem:$0x1C200] =	vst v63  }
0x107: {  	s10 =	sld [smem:$0x7FC]  }
0x108: {  	[tilespmem:s15], [sflag:$0x6] =	stream.indirect_vreg.gather [hbm4b:s6+s4], $0x80, v4, vm0, $0xb8;
	[tilespmem:$0x1C200] =	vst v63  }
0x109: {  	s15 =	sld [smem:$0x7FD]  }
0x10a: {  	[tilespmem:s10], [sflag:$0x6] =	stream.indirect_vreg.gather [hbm4b:s1+s4], $0x80, v3, vm0, $0xb8;
	[tilespmem:$0x1C200] =	vst v63  }
0x10b: {  	_ = 	snop  }
0x10c: {  	[tilespmem:s15], [sflag:$0x6] =	stream.indirect_vreg.gather [hbm4b:s6+s4], $0x80, v3, vm0, $0xb8;
	[tilespmem:$0x1C200] =	vst v63  }
0x10d: {  	_ =	swait.ge [sflag:s12], $0x8000  }
0x10e: {  	[sflag:s12] =	ssyncset.done $0x0  }
0x10f: {  	s15 =	rddreg [dreg:$0xd];
	[sflag:s12] =	ssyncadd.s32 $0xFFFF8000  }
0x110: {  	[hbm4b:s15+s4] =	stream.linear.scatter [tilespmem:s2], [sflag:$0x4], $0x8000, $0x38;
	[tilespmem:$0x1C200] =	vst v63  }
0x111: {  	_ =	swait.ge [sflag:s0], $0x8000  }
0x112: {  	[sflag:s0] =	ssyncset.done $0x0  }
0x113: {  	[sflag:s0] =	ssyncadd.s32 $0xFFFF8000  }
0x114: {  	v3 =	vld [tilespmem:$0x140];
	_ =	sdelay $0x4  }
0x115: {  	v60 =	vshll.u32 v3, $0x2  }
0x116: {  	v3 =	vand.u32 $0x7, v3;
	v4 =	vand.u32 $0xFFFFFFE0, v60  }
0x117: {  	v3 =	vor.u32 v3, v4  }
0x118: {  	v4 =	vperm.xlane v3, v0;
	_ =	sdelay $0x1  }
0x119: {  	v4 =	vadd.s32 v1, v4;
	_ =	sdelay $0x1  }
0x11a: {  	v3 =	vperm.xlane v3, v2;
	_ =	sdelay $0x1  }
0x11b: {  	v3 =	vadd.s32 v1, v3  }
0x11c: {  	[tilespmem:s13], [sflag:$0x6] =	stream.indirect_vreg.gather [hbm4b:s1+s4], $0x80, v4, vm0, $0xb8;
	[tilespmem:$0x1C200] =	vst v63  }
0x11d: {  	_ = 	snop  }
0x11e: {  	[tilespmem:s17], [sflag:$0x6] =	stream.indirect_vreg.gather [hbm4b:s6+s4], $0x80, v4, vm0, $0xb8;
	[tilespmem:$0x1C200] =	vst v63  }
0x11f: {  	_ = 	snop  }
0x120: {  	[tilespmem:s18], [sflag:$0x6] =	stream.indirect_vreg.gather [hbm4b:s1+s4], $0x80, v3, vm0, $0xb8;
	[tilespmem:$0x1C200] =	vst v63  }
0x121: {  	_ = 	snop  }
0x122: {  	[tilespmem:s19], [sflag:$0x6] =	stream.indirect_vreg.gather [hbm4b:s6+s4], $0x80, v3, vm0, $0xb8;
	[tilespmem:$0x1C200] =	vst v63  }
0x123: {  	v3 =	vld [tilespmem:$0x150];
	_ =	sdelay $0x4  }
0x124: {  	v61 =	vshll.u32 v3, $0x2  }
0x125: {  	v3 =	vand.u32 $0x7, v3;
	v4 =	vand.u32 $0xFFFFFFE0, v61  }
0x126: {  	v3 =	vor.u32 v3, v4  }
0x127: {  	v4 =	vperm.xlane v3, v0;
	_ =	sdelay $0x1  }
0x128: {  	v4 =	vadd.s32 v1, v4;
	_ =	sdelay $0x1  }
0x129: {  	v3 =	vperm.xlane v3, v2;
	_ =	sdelay $0x1  }
0x12a: {  	v3 =	vadd.s32 v1, v3  }
0x12b: {  	[tilespmem:s20], [sflag:$0x6] =	stream.indirect_vreg.gather [hbm4b:s1+s4], $0x80, v4, vm0, $0xb8;
	[tilespmem:$0x1C200] =	vst v63  }
0x12c: {  	_ = 	snop  }
0x12d: {  	[tilespmem:s21], [sflag:$0x6] =	stream.indirect_vreg.gather [hbm4b:s6+s4], $0x80, v4, vm0, $0xb8;
	[tilespmem:$0x1C200] =	vst v63  }
0x12e: {  	_ = 	snop  }
0x12f: {  	[tilespmem:s22], [sflag:$0x6] =	stream.indirect_vreg.gather [hbm4b:s1+s4], $0x80, v3, vm0, $0xb8;
	[tilespmem:$0x1C200] =	vst v63  }
0x130: {  	_ = 	snop  }
0x131: {  	[tilespmem:s23], [sflag:$0x6] =	stream.indirect_vreg.gather [hbm4b:s6+s4], $0x80, v3, vm0, $0xb8;
	[tilespmem:$0x1C200] =	vst v63  }
0x132: {  	v3 =	vld [tilespmem:$0x160];
	_ =	sdelay $0x4  }
0x133: {  	v62 =	vshll.u32 v3, $0x2  }
0x134: {  	v3 =	vand.u32 $0x7, v3;
	v4 =	vand.u32 $0xFFFFFFE0, v62  }
0x135: {  	v3 =	vor.u32 v3, v4  }
0x136: {  	v4 =	vperm.xlane v3, v0;
	_ =	sdelay $0x1  }
0x137: {  	v4 =	vadd.s32 v1, v4;
	_ =	sdelay $0x1  }
0x138: {  	v3 =	vperm.xlane v3, v2;
	_ =	sdelay $0x1  }
0x139: {  	v3 =	vadd.s32 v1, v3  }
0x13a: {  	[tilespmem:s24], [sflag:$0x6] =	stream.indirect_vreg.gather [hbm4b:s1+s4], $0x80, v4, vm0, $0xb8;
	[tilespmem:$0x1C200] =	vst v63  }
0x13b: {  	_ = 	snop  }
0x13c: {  	[tilespmem:s25], [sflag:$0x6] =	stream.indirect_vreg.gather [hbm4b:s6+s4], $0x80, v4, vm0, $0xb8;
	[tilespmem:$0x1C200] =	vst v63  }
0x13d: {  	_ = 	snop  }
0x13e: {  	[tilespmem:s26], [sflag:$0x6] =	stream.indirect_vreg.gather [hbm4b:s1+s4], $0x80, v3, vm0, $0xb8;
	[tilespmem:$0x1C200] =	vst v63  }
0x13f: {  	_ = 	snop  }
0x140: {  	[tilespmem:s28], [sflag:$0x6] =	stream.indirect_vreg.gather [hbm4b:s6+s4], $0x80, v3, vm0, $0xb8;
	[tilespmem:$0x1C200] =	vst v63  }
0x141: {  	v3 =	vld [tilespmem:$0x170];
	_ =	sdelay $0x4  }
0x142: {  	v63 =	vshll.u32 v3, $0x2  }
0x143: {  	v3 =	vand.u32 $0x7, v3;
	v4 =	vand.u32 $0xFFFFFFE0, v63  }
0x144: {  	v3 =	vor.u32 v3, v4  }
0x145: {  	v4 =	vperm.xlane v3, v0;
	_ =	sdelay $0x1  }
0x146: {  	v4 =	vadd.s32 v1, v4;
	_ =	sdelay $0x1  }
0x147: {  	v3 =	vperm.xlane v3, v2;
	_ =	sdelay $0x1  }
0x148: {  	v3 =	vadd.s32 v1, v3  }
0x149: {  	[tilespmem:s29], [sflag:$0x6] =	stream.indirect_vreg.gather [hbm4b:s1+s4], $0x80, v4, vm0, $0xb8;
	[tilespmem:$0x1C200] =	vst v63  }
0x14a: {  	_ = 	snop  }
0x14b: {  	[tilespmem:s30], [sflag:$0x6] =	stream.indirect_vreg.gather [hbm4b:s6+s4], $0x80, v4, vm0, $0xb8;
	[tilespmem:$0x1C200] =	vst v63  }
0x14c: {  	_ = 	snop  }
0x14d: {  	[tilespmem:s3], [sflag:$0x6] =	stream.indirect_vreg.gather [hbm4b:s1+s4], $0x80, v3, vm0, $0xb8;
	[tilespmem:$0x1C200] =	vst v63  }
0x14e: {  	_ = 	snop  }
0x14f: {  	[tilespmem:s8], [sflag:$0x6] =	stream.indirect_vreg.gather [hbm4b:s6+s4], $0x80, v3, vm0, $0xb8;
	[tilespmem:$0x1C200] =	vst v63  }
0x150: {  	_ =	swait.ge [sflag:s12], $0x8000  }
0x151: {  	[sflag:s12] =	ssyncset.done $0x0  }
0x152: {  	s2 =	rddreg [dreg:$0xe];
	[sflag:s12] =	ssyncadd.s32 $0xFFFF8000  }
0x153: {  	[hbm4b:s2+s4] =	stream.linear.scatter [tilespmem:s13], [sflag:$0x2], $0x8000, $0x38;
	[tilespmem:$0x1C200] =	vst v63  }
0x154: {  	_ =	swait.ge [sflag:s0], $0x8000  }
0x155: {  	[sflag:s0] =	ssyncset.done $0x0  }
0x156: {  	s14 =	simm.s32 $0x3;
	[sflag:s0] =	ssyncadd.s32 $0xFFFF8000  }
0x157: {  	_ =	swait.ge [sflag:s14], $0x8000  }
0x158: {  	[sflag:s14] =	ssyncset.done $0x0  }
0x159: {  	s15 =	simm.s32 $0x4;
	[sflag:s14] =	ssyncadd.s32 $0xFFFF8000  }
0x15a: {  	p0 =	sne.s32 s7, $0x1;
	_ =	swait.ge [sflag:s15], $0x8000  }
.Ltmp0:
0x15b: {  	[sflag:s15] =	ssyncset.done $0x0;
	(pc) =	sbr.rel @p0 .LBB2_1-.Ltmp0, $4  }
0x15c: {  	[sflag:s15] =	ssyncadd.s32 $0xFFFF8000  }
0x15d: {  	_ =	swait.ge [sflag:s31], $0x4000  }
0x15e: {  	[sflag:s31] =	ssyncset.done $0x0  }
0x15f: {  	s7 =	sadd.s32 $0xFFFFFFFF, s7;
	[sflag:s31] =	ssyncadd.s32 $0xFFFFC000  }
0x160: {  	_ =	sfence.sel $0x180000  }
0x161: {  	[bflag:$0x0] =	sbarrier.arrive $0xFFFF  }
0x162: {  	_ =	strace $0x9000004D  }
0x163: {  	s0 =	stileid.u32;
	[bflag:$0x2] =	sbarrier.arrive $0xFFFF  }
0x164: {  	p0 =	sne.s32 s0, $0x0;
	s0 =	rddreg [dreg:$0x5]  }
0x165: {  	s0 =	sadd.s32 @!p0 $0x100000, s0  }
0x166: {  	[sflag:s0] =	ssyncadd.tile.s32 @!p0 $0x1;
	_ =	shalt  }
.Lfunc_end2:
_tile_overlayer_lowered:
.L_overlay_start_2:
0x167: {  	(tag) =	ssettag $0x2  }
0x168: {  	s0 =	rddreg [dreg:$0x0];
	s2 =	stileid.u32  }
0x169: {  	s1 =	rddreg [dreg:$0x1];
	p0 =	sne.s32 s2, $0x0  }
0x16a: {  	s3 =	rddreg [dreg:$0x2];
	[bflag:$0x3] =	sbarrier.arrive $0xFFFF;
	s2 =	simm.s32 @!p0 $0x1C06  }
0x16b: {  	[timem:s3], [sflag:s2] =	dma.local @!p0 [hbm:s0], s1  }
0x16c: {  	s0 =	simm.s32 @!p0 $0x6  }
0x16d: {  	_ =	swait.ge @!p0 [sflag:s0], s1  }
0x16e: {  	s1 =	ssub.s32 @!p0 $0x0, s1;
	[sflag:s0] =	ssyncset.done @!p0 $0x0  }
0x16f: {  	[sflag:s0] =	ssyncadd.s32 @!p0 s1  }
0x170: {  	[bflag:$0x3] =	sbarrier.arrive $0xFFFF  }
0x171: {  	_ =	shalt  }

// kernel: kernel.19.cloned.1.call-start
scs
__scs_entry_jumppad:
0x0: {  	(pc) =	sbr.rel $0x88, $3  }
0x1: {  	(tag) =	ssettag $0x0;
	lr =	simm.s32 $0x1  }
0x2: {  	[smem:$0x3F91] =	sst lr;
	_ =	strace $0xD0000000  }
0x3: {  	_ = 	snop  }
0x4: {  	_ = 	snop  }
0x5: {  	_ = 	snop  }
0x6: {  	_ = 	snop  }
0x7: {  	_ = 	snop  }
__scs_overlays_trampoline_lowered:
0x8: {  	[smem:$0x3FA0] =	sst s0  }
0x9: {  	[smem:$0x3FA1] =	sst s1  }
0xa: {  	[smem:$0x3FA2] =	sst s2  }
0xb: {  	[smem:$0x3FA3] =	sst s3  }
0xc: {  	[smem:$0x3FA4] =	sst s4  }
0xd: {  	[smem:$0x3FA5] =	sst s5  }
0xe: {  	[smem:$0x3FA6] =	sst s6  }
0xf: {  	[smem:$0x3FA7] =	sst s7  }
0x10: {  	[smem:$0x3FA8] =	sst s8  }
0x11: {  	[smem:$0x3FA9] =	sst s9;
	s0 =	simm.s32 @!p0 $0x0  }
0x12: {  	s1 =	sld [smem:$0x3F8F];
	s0 =	simm.s32 @p0 $0x1  }
0x13: {  	[smem:$0x3FAA] =	sst s0;
	s0 =	simm.s32 @!p1 $0x0  }
0x14: {  	s2 =	sld [smem:$0x3F8E];
	s0 =	simm.s32 @p1 $0x1  }
0x15: {  	[smem:$0x3FAB] =	sst s0;
	s0 =	simm.s32 @!p2 $0x0  }
0x16: {  	s3 =	sld [smem:$0x3FDB];
	s0 =	simm.s32 @p2 $0x1  }
0x17: {  	s4 =	simm.s32 $0x1BF5;
	[smem:$0x3FAD] =	sst s0  }
0x18: {  	s0 =	sld [smem:$0x3F90];
	_ =	swait.ge [sflag:s4], $0x0  }
0x19: {  	s7 =	sld [smem:$0x3F91]  }
0x1a: {  	s8 =	sadd.s32 $0xFFFFE003, lr  }
0x1b: {  	s9 =	sadd.s32 $0xFFFFFEF7, lr;
	s5 =	simm.s32 $0xFFFFFFFF;
	p2 =	slt.u32 s8, $0xFFFFF086  }
0x1c: {  	p1 =	slt.u32 s9, $0xF7A;
	s5 =	simm.s32 @!p2 $0x0  }
0x1d: {  	s5 =	simm.s32 @p1 $0x1;
	p0 =	seq.s32 s7, s2  }
0x1e: {  	s7 =	smul.u32 @!p0 $0xF7A, s2;
	p2 =	seq.s32 @!p0 s5, $0x0  }
0x1f: {  	s9 =	smul.u32 $0xF7A, s1;
	s8 =	simm.s32 @!p0 $0x1BF5;
	p2 =	por !p2, p0  }
0x20: {  	[sflag:s8] =	ssyncset.s32 @!p0 $0xFFFFF086;
	s6 =	sadd.s32 @!p0 s3, s7;
	s7 =	simm.s32 @!p0 $0x108  }
0x21: {  	s3 =	sadd.s32 s3, s9;
	s6 =	sadd.s32 @!p0 $0x88, s6;
	s7 =	simm.s32 @p2 $0x1082  }
0x22: {  	[simem:s7], [sflag:s8] =	dma.local @!p0 [hbm:s6], $0xF7A  }
0x23: {  	s9 =	sor.u32 $0xD0000000, s2;
	s6 =	simm.s32 $0x108;
	_ =	swait.ge @!p0 [sflag:s8], $0x0  }
0x24: {  	s3 =	sadd.s32 $0x88, s3;
	s6 =	simm.s32 @!p1 $0x1082;
	[sflag:s4] =	ssyncset.s32 $0xFFFFF086  }
0x25: {  	[simem:s6], [sflag:s4] =	dma.local [hbm:s3], $0xF7A  }
0x26: {  	[smem:$0x3F91] =	sst s1;
	(tag) =	ssettag s2;
	_ =	strace s9  }
0x27: {  	s1 =	sld [smem:$0x3FA1]  }
0x28: {  	s2 =	sld [smem:$0x3FA2]  }
0x29: {  	s4 =	sld [smem:$0x3FA4]  }
0x2a: {  	p0 =	seq.s32 s5, $0x0;
	s5 =	sld [smem:$0x3FA5]  }
0x2b: {  	s6 =	sld [smem:$0x3FA6]  }
0x2c: {  	s7 =	sld [smem:$0x3FA7]  }
0x2d: {  	s3 =	simm.s32 $0x108;
	s8 =	sld [smem:$0x3FA8]  }
0x2e: {  	s3 =	simm.s32 @!p0 $0x1082;
	s9 =	sld [smem:$0x3FA9]  }
0x2f: {  	lr =	sadd.s32 s0, s3;
	s0 =	sld [smem:$0x3FA0]  }
0x30: {  	s3 =	sld [smem:$0x3FA3]  }
0x31: {  	[smem:$0x3FAC] =	sst s10  }
0x32: {  	s10 =	sld [smem:$0x3FAA];
	_ =	sdelay $0x3  }
0x33: {  	p0 =	seq.s32 s10, $0x1;
	s10 =	sld [smem:$0x3FAC];
	_ =	sdelay $0x3  }
0x34: {  	[smem:$0x3FAC] =	sst s10  }
0x35: {  	s10 =	sld [smem:$0x3FAB];
	_ =	sdelay $0x3  }
0x36: {  	p1 =	seq.s32 s10, $0x1;
	s10 =	sld [smem:$0x3FAC];
	_ =	sdelay $0x3  }
0x37: {  	[smem:$0x3FAC] =	sst s10  }
0x38: {  	s10 =	sld [smem:$0x3FAD]  }
0x39: {  	_ = 	snop;
	(pc) =	sbr.ind lr, $3  }
0x3a: {  	_ = 	snop  }
0x3b: {  	_ = 	snop  }
0x3c: {  	p2 =	seq.s32 s10, $0x1;
	s10 =	sld [smem:$0x3FAC]  }
0x3d: {  	_ =	shalt  }
0x3e: {  	_ =	shalt  }
0x3f: {  	_ =	shalt  }
0x40: {  	_ =	shalt  }
0x41: {  	_ =	shalt  }
0x42: {  	_ =	shalt  }
0x43: {  	_ =	shalt  }
0x44: {  	_ =	shalt  }
0x45: {  	_ =	shalt  }
0x46: {  	_ =	shalt  }
0x47: {  	_ =	shalt  }
0x48: {  	_ =	shalt  }
0x49: {  	_ =	shalt  }
0x4a: {  	_ =	shalt  }
0x4b: {  	_ =	shalt  }
0x4c: {  	_ =	shalt  }
0x4d: {  	_ =	shalt  }
0x4e: {  	_ =	shalt  }
0x4f: {  	_ =	shalt  }
0x50: {  	_ =	shalt  }
0x51: {  	_ =	shalt  }
0x52: {  	_ =	shalt  }
0x53: {  	_ =	shalt  }
0x54: {  	_ =	shalt  }
0x55: {  	_ =	shalt  }
0x56: {  	_ =	shalt  }
0x57: {  	_ =	shalt  }
0x58: {  	_ =	shalt  }
0x59: {  	_ =	shalt  }
0x5a: {  	_ =	shalt  }
0x5b: {  	_ =	shalt  }
0x5c: {  	_ =	shalt  }
0x5d: {  	_ =	shalt  }
0x5e: {  	_ =	shalt  }
0x5f: {  	_ =	shalt  }
0x60: {  	_ =	shalt  }
0x61: {  	_ =	shalt  }
0x62: {  	_ =	shalt  }
0x63: {  	_ =	shalt  }
0x64: {  	_ =	shalt  }
0x65: {  	_ =	shalt  }
0x66: {  	_ =	shalt  }
0x67: {  	_ =	shalt  }
0x68: {  	_ =	shalt  }
0x69: {  	_ =	shalt  }
0x6a: {  	_ =	shalt  }
0x6b: {  	_ =	shalt  }
0x6c: {  	_ =	shalt  }
0x6d: {  	_ =	shalt  }
0x6e: {  	_ =	shalt  }
0x6f: {  	_ =	shalt  }
0x70: {  	_ =	shalt  }
0x71: {  	_ =	shalt  }
0x72: {  	_ =	shalt  }
0x73: {  	_ =	shalt  }
0x74: {  	_ =	shalt  }
0x75: {  	_ =	shalt  }
0x76: {  	_ =	shalt  }
0x77: {  	_ =	shalt  }
0x78: {  	_ =	shalt  }
0x79: {  	_ =	shalt  }
0x7a: {  	_ =	shalt  }
0x7b: {  	_ =	shalt  }
0x7c: {  	_ =	shalt  }
0x7d: {  	_ =	shalt  }
0x7e: {  	_ =	shalt  }
0x7f: {  	_ =	shalt  }
0x80: {  	_ =	shalt  }
0x81: {  	_ =	shalt  }
0x82: {  	_ =	shalt  }
0x83: {  	_ =	shalt  }
0x84: {  	_ =	shalt  }
0x85: {  	_ =	shalt  }
0x86: {  	_ =	shalt  }
0x87: {  	_ =	shalt  }
.Lfunc_end0:
.L_simem_size_0:
called_computation.3_lowered:
.L_overlay_start_0:
0x88: {  	s2 =	sld [smem:$0x3FD9]  }
0x89: {  	s3 =	sld [smem:$0x3FFE];
	_ =	sdelay $0x1  }
0x8a: {  	s1 =	srdreg.scid  }
0x8b: {  	s0 =	sand.u32 $0x1, s1  }
0x8c: {  	s17 =	sshll.u32 s0, $0xA;
	s2 =	sadd.s32 s3, s2  }
0x8d: {  	s2 =	sadd.s32 s2, s17  }
0x8e: {  	[smem:$0x3FB8] =	sst s2  }
0x8f: {  	_ = 	snop  }
0x90: {  	s18 =	sld [smem:$0x3FC9]  }
0x91: {  	s4 =	sld [smem:$0x3FC8]  }
0x92: {  	s5 =	sld [smem:$0x3FC5]  }
0x93: {  	s6 =	sld [smem:$0x3FBB];
	(tm) =	ssettm $0x1  }
0x94: {  	s19 =	sld [smem:$0x3FFB];
	_ =	sdelay $0x3  }
0x95: {  	_ =	strace s19  }
0x96: {  	s2 =	sld [smem:$0x3FFC];
	_ =	sdelay $0x3  }
0x97: {  	_ =	strace s2  }
0x98: {  	s2 =	sld [smem:$0x3FFD];
	_ =	sdelay $0x3  }
0x99: {  	_ =	strace s2  }
0x9a: {  	_ =	strace $0x8FFFFFFF  }
0x9b: {  	s20 =	sld [smem:$0x3FDB];
	_ =	sdelay $0x1  }
0x9c: {  	s7 =	simm.s32 $_scs_section_size  }
0x9d: {  	s8 =	simm.s32 $_size__tile_overlayer_lowered;
	s9 =	simm.s32 $_tile_overlayer_lowered  }
0x9e: {  	s10 =	simm.s32 $0x1BFF;
	s21 =	sshll.u32 s9, $0x1;
	s7 =	sadd.s32 s7, s20  }
0x9f: {  	s22 =	simm.s32 $0x0;
	s8 =	sshll.u32 s8, $0x1;
	s9 =	sadd.s32 s21, s7  }
0xa0: {  	[timem:s22], [sflag:s10] =	dma.local [hbm:s9], s8  }
0xa1: {  	_ =	swait.ge [sflag:s10], s8  }
0xa2: {  	s8 =	ssub.s32 $0x0, s8;
	[sflag:s10] =	ssyncset.done $0x0  }
0xa3: {  	[sflag:s10] =	ssyncadd.s32 s8;
	_ =	sdelay $0x1  }
0xa4: {  	s23 =	simm.s32 $0x1B8B  }
0xa5: {  	_ =	swait.ge [sflag:s23], $0x1  }
0xa6: {  	[sflag:s23] =	ssyncset.done $0x0  }
0xa7: {  	[sflag:s23] =	ssyncadd.s32 $0xFFFFFFFF  }
0xa8: {  	s8 =	sld [smem:$0x0]  }
0xa9: {  	s9 =	sand.u32 $0xFFFFFFFE, s1  }
0xaa: {  	p0 =	sne.s32 s1, s9  }
0xab: {  	s9 =	sshll.u32 @p0 s9, $0xE  }
0xac: {  	s9 =	sadd.s32 @p0 $0x11B8D, s9;
	s10 =	sshll.u32 @p0 s8, $0x11  }
0xad: {  	s9 =	sor.u32 @p0 s10, s9  }
0xae: {  	[sflag:s9] =	ssyncadd.remote.s32 @p0 $0x1;
	_ =	sdelay $0x1  }
0xaf: {  	s9 =	simm.s32 @p0 $0x1B8D  }
0xb0: {  	_ =	swait.eq @p0 [sflag:s9], $0x1  }
0xb1: {  	[sflag:s9] =	ssyncadd.s32 @p0 $0xFFFFFFFF  }
0xb2: {  	s10 =	sshll.u32 @!p0 s1, $0xE  }
0xb3: {  	s10 =	sor.u32 @!p0 $0x4000, s10;
	s9 =	simm.s32 @!p0 $0x1B8D  }
0xb4: {  	s8 =	sshll.u32 @!p0 s8, $0x11;
	s10 =	sadd.s32 @!p0 $0x11B8D, s10;
	_ =	swait.eq @!p0 [sflag:s9], $0x1  }
0xb5: {  	s8 =	sor.u32 @!p0 s8, s10;
	[sflag:s9] =	ssyncadd.s32 @!p0 $0xFFFFFFFF  }
0xb6: {  	s25 =	simm.s32 $0x1B8E;
	s24 =	sld [smem:$0x3FFE];
	[sflag:s8] =	ssyncadd.remote.s32 @!p0 $0x1  }
0xb7: {  	s26 =	simm.s32 $execute0_lowered;
	[smem:$0x3FD2] =	sst s25  }
0xb8: {  	s9 =	sshll.u32 s26, $0x1;
	_ =	strace $0x8000004F;
	[dreg:$0x1] =	wrdreg $0xFFFFFFFF  }
0xb9: {  	s28 =	simm.s32 $_size_execute0_lowered;
	s7 =	sadd.s32 s7, s9;
	[dreg:$0x0] =	wrdreg $0x0  }
0xba: {  	s9 =	sshll.u32 s28, $0x1;
	[dreg:$0x2] =	wrdreg s7  }
0xbb: {  	[dreg:$0x3] =	wrdreg s9  }
0xbc: {  	[dreg:$0x4] =	wrdreg $0xC0  }
0xbd: {  	_ =	task [dreg:s22], $0x5FFFF  }
0xbe: {  	[dreg:$0x1] =	wrdreg $0xFFFFFFFF  }
0xbf: {  	[dreg:$0x0] =	wrdreg $0x60  }
0xc0: {  	[dreg:$0x2] =	wrdreg s6  }
0xc1: {  	[dreg:$0x3] =	wrdreg s5  }
0xc2: {  	[dreg:$0x4] =	wrdreg s18  }
0xc3: {  	[dreg:$0x5] =	wrdreg s4  }
0xc4: {  	[dreg:$0x6] =	wrdreg s24  }
0xc5: {  	[dreg:$0x7] =	wrdreg $0xC  }
0xc6: {  	_ =	task.clear_ibuf [dreg:s22], $0x8FFFF;
	_ =	strace $0x9000004F  }
0xc7: {  	s29 =	simm.s32 $0xC;
	_ =	strace $0x80000051  }
0xc8: {  	_ =	swait.ge [sflag:s29], $0x1  }
0xc9: {  	[sflag:s29] =	ssyncadd.s32 $0xFFFFFFFF  }
0xca: {  	_ =	strace $0x90000051  }
0xcb: {  	_ =	sfence  }
0xcc: {  	s30 =	sld [smem:$0x0];
	_ =	sdelay $0x2  }
0xcd: {  	s31 =	sshll.u32 s1, $0xD;
	s1 =	sshrl.u32 s1, $0x2  }
0xce: {  	s4 =	sand.u32 $0x4000, s31;
	s1 =	sadd.s32 s1, s30  }
0xcf: {  	s0 =	sor.u32 s4, s0;
	s1 =	sshll.u32 s1, $0x11  }
0xd0: {  	s0 =	sor.u32 s1, s0  }
0xd1: {  	s0 =	sadd.s32 $0x8F2B, s0  }
0xd2: {  	[sflag:s0] =	ssyncadd.remote.s32 $0x1  }
0xd3: {  	_ =	sfence.sel $0xFFFF  }
0xd4: {  	[dreg:$0x0] =	wrdreg $0xFFFFFFFF;
	(pc) =	sbr.abs _section_cstart, $3  }
0xd5: {  	[dreg:$0x1] =	wrdreg $0xFFFFFFFF  }
0xd6: {  	_ =	task.clear_ibuf [dreg:s22], $0x2FFFF;
	_ =	strace $0x9FFFFFFF  }
0xd7: {  	(tm) =	ssettm $0x7FFFFFFF  }
tec
execute0_lowered:
.L_overlay_start_1:
0x0: {  	(tag) =	ssettag $0x1  }
0x1: {  	s1 =	rddreg [dreg:$0x0];
	s0 =	srdreg.scid  }
0x2: {  	s2 =	rddreg [dreg:$0x2];
	s5 =	stileid.u32;
	s0 =	sand.u32 $0x1, s0  }
0x3: {  	s3 =	rddreg [dreg:$0x3];
	s5 =	sshll.u32 s5, $0x8;
	s4 =	sshll.u32 s0, $0xC  }
0x4: {  	s6 =	rddreg [dreg:$0x4];
	s5 =	sor.u32 s5, s4;
	s4 =	simm.s32 $0x0  }
0x5: {  	s18 =	simm.s32 $0x100;
	[smem:$0x7FF] =	sst s4  }
0x6: {  	s19 =	simm.s32 $0x8A00;
	_ =	strace $0x80000050;
	[dreg:$0xf] =	wrdreg s18  }
0x7: {  	s20 =	simm.s32 $0x9200;
	[dreg:$0x10] =	wrdreg s19  }
0x8: {  	s21 =	simm.s32 $0x9A00;
	[dreg:$0x11] =	wrdreg s20  }
0x9: {  	s22 =	simm.s32 $0xA200;
	s23 =	simm.s32 $0xAA00;
	[dreg:$0x12] =	wrdreg s21  }
0xa: {  	s24 =	simm.s32 $0xB200;
	s8 =	sor.u32 $0x80, s5;
	[dreg:$0x13] =	wrdreg s22  }
0xb: {  	s10 =	sshrl.u32 s8, $0x1;
	s13 =	sshll.u32 s8, $0x4;
	[dreg:$0x14] =	wrdreg s23  }
0xc: {  	s15 =	sshll.u32 s8, $0x6;
	[dreg:$0x15] =	wrdreg s24;
	s8 =	simm.s32 $0xE200  }
0xd: {  	s31 =	simm.s32 $0x5;
	s18 =	simm.s32 $0x13A00;
	[dreg:$0x1b] =	wrdreg s8  }
0xe: {  	s28 =	simm.s32 $0x5A00;
	s19 =	simm.s32 $0x14200;
	[smem:$0x7F5] =	sst s18  }
0xf: {  	s29 =	simm.s32 $0x6200;
	s20 =	simm.s32 $0x14A00;
	[smem:$0x7F6] =	sst s19  }
0x10: {  	s30 =	simm.s32 $0x6A00;
	s21 =	simm.s32 $0x15200;
	[smem:$0x7F7] =	sst s20  }
0x11: {  	s26 =	sadd.s32 $0x1E4000, s6;
	s22 =	simm.s32 $0x15A00;
	[smem:$0x7F8] =	sst s21  }
0x12: {  	s7 =	sshrl.u32 s5, $0x1;
	s23 =	simm.s32 $0x16200;
	[smem:$0x7F9] =	sst s22  }
0x13: {  	s7 =	sor.u32 $0x30, s7;
	s24 =	simm.s32 $0x16A00;
	[smem:$0x7FA] =	sst s23  }
0x14: {  	s6 =	sadd.s32 $0x1C4000, s6;
	s9 =	sadd.s32 s2, s7;
	[smem:$0x7FB] =	sst s24  }
0x15: {  	s0 =	ssub.s32 $0x2, s0;
	s7 =	sadd.s32 s3, s7;
	[dreg:$0x6] =	wrdreg s9  }
0x16: {  	s25 =	sor.u32 $0x30, s10;
	s14 =	sadd.s32 s6, s13;
	[dreg:$0x7] =	wrdreg s7  }
0x17: {  	s10 =	sshll.u32 s5, $0x4;
	s16 =	sadd.s32 s26, s15;
	[dreg:$0xc] =	wrdreg s14  }
0x18: {  	s5 =	sshll.u32 s5, $0x6;
	s13 =	simm.s32 $0x11200;
	[dreg:$0xd] =	wrdreg s16  }
0x19: {  	s15 =	simm.s32 $0x12200;
	s18 =	simm.s32 $0x1200;
	[smem:$0x7F0] =	sst s13  }
0x1a: {  	s19 =	simm.s32 $0x1A00;
	s2 =	sadd.s32 s2, s25;
	[smem:$0x7F2] =	sst s15  }
0x1b: {  	s20 =	simm.s32 $0x2200;
	s9 =	sadd.s32 s3, s25;
	[dreg:$0x8] =	wrdreg s2  }
0x1c: {  	s21 =	simm.s32 $0x2A00;
	s11 =	sadd.s32 s6, s10;
	[dreg:$0x9] =	wrdreg s9  }
0x1d: {  	s22 =	simm.s32 $0x3200;
	s5 =	sadd.s32 s26, s5;
	[dreg:$0xa] =	wrdreg s11  }
0x1e: {  	s23 =	simm.s32 $0x3A00;
	s25 =	simm.s32 $0xBA00;
	[smem:$0x7EF] =	sst s5  }
0x1f: {  	s24 =	simm.s32 $0x4200;
	s26 =	simm.s32 $0xC200;
	[dreg:$0x16] =	wrdreg s25  }
0x20: {  	s8 =	simm.s32 $0x7A00;
	s3 =	simm.s32 $0xCA00;
	[dreg:$0x17] =	wrdreg s26  }
0x21: {  	s6 =	sshrl.u32 s0, $0x1;
	s7 =	simm.s32 $0xDA00;
	[dreg:$0x18] =	wrdreg s3  }
0x22: {  	s10 =	simm.s32 $0xF200;
	s14 =	simm.s32 $0x11A00;
	[dreg:$0x1a] =	wrdreg s7  }
0x23: {  	s13 =	simm.s32 $0x200;
	s16 =	simm.s32 $0x12A00;
	[dreg:$0x1d] =	wrdreg s10  }
0x24: {  	s12 =	sadd.s32 $0x1000, s5;
	s17 =	sadd.s32 $0x3000, s5;
	[smem:$0x7F1] =	sst s14  }
0x25: {  	s5 =	simm.s32 $0xD200;
	s0 =	ssub.s32 s0, s6;
	[smem:$0x7F3] =	sst s16  }
0x26: {  	s6 =	sadd.s32 $0x100, s1;
	s9 =	simm.s32 $0xEA00;
	[dreg:$0xb] =	wrdreg s12  }
0x27: {  	s11 =	simm.s32 $0xFA00;
	s25 =	simm.s32 $0x17200;
	[dreg:$0xe] =	wrdreg s17  }
0x28: {  	s26 =	simm.s32 $0x17A00;
	s16 =	simm.s32 $0x180;
	[dreg:$0x19] =	wrdreg s5  }
0x29: {  	s3 =	simm.s32 $0x7200;
	s7 =	smax.u32 s0, $0x1;
	[dreg:$0x1c] =	wrdreg s9  }
0x2a: {  	s9 =	simm.s32 $0x1;
	[dreg:$0x1e] =	wrdreg s11;
	s12 =	simm.s32 $0x10A00  }
0x2b: {  	s11 =	simm.s32 $0x18200;
	s17 =	simm.s32 $0x13200;
	[smem:$0x7FC] =	sst s25  }
0x2c: {  	v2 =	vlaneseq.u32;
	[smem:$0x7FD] =	sst s26;
	s0 =	simm.s32 $0x2;
	s25 =	simm.s32 $0x4A00  }
0x2d: {  	vm0 =	vmmov $0xffff;
	v1 =	vshrl.u32 v2, $0x3;
	s26 =	simm.s32 $0x5200;
	s5 =	simm.s32 $0x8200;
	[dreg:$0x1f] =	wrdreg s12  }
0x2e: {  	v0 =	vand.u32 $0x7, v2;
	v2 =	vor.u32 $0x8, v2;
	v1 =	vmul.u32 $0x8, v1;
	s12 =	simm.s32 $0x6;
	[smem:$0x7F4] =	sst s17;
	s17 =	simm.s32 $0xA00  }
.LBB2_1:
0x2f: {  	s10 =	rddreg [dreg:$0x6]  }
0x30: {  	[tilespmem:s4], [sflag:$0x1] =	stream.linear.gather [hbm4b:s10+s4], $0x80, $0x38;
	[tilespmem:$0x1C200] =	vst v63  }
0x31: {  	s14 =	rddreg [dreg:$0x7];
	s2 =	simm.s32 $0x80  }
0x32: {  	[tilespmem:s2], [sflag:$0x1] =	stream.linear.gather [hbm4b:s14+s4], $0x80, $0x38;
	[tilespmem:$0x1C200] =	vst v63  }
0x33: {  	_ =	swait.ge [sflag:s9], $0x80  }
0x34: {  	[sflag:s9] =	ssyncset.done $0x0  }
0x35: {  	[sflag:s9] =	ssyncadd.s32 $0xFFFFFF80  }
0x36: {  	_ =	swait.ge [sflag:s9], $0x80  }
0x37: {  	s10 =	rddreg [dreg:$0x8];
	[sflag:s9] =	ssyncset.done $0x0  }
0x38: {  	s14 =	rddreg [dreg:$0xf];
	[sflag:s9] =	ssyncadd.s32 $0xFFFFFF80  }
0x39: {  	[tilespmem:s14], [sflag:$0x1] =	stream.linear.gather [hbm4b:s10+s4], $0x80, $0x38;
	[tilespmem:$0x1C200] =	vst v63  }
0x3a: {  	s15 =	rddreg [dreg:$0x9]  }
0x3b: {  	[tilespmem:s16], [sflag:$0x1] =	stream.linear.gather [hbm4b:s15+s4], $0x80, $0x38;
	[tilespmem:$0x1C200] =	vst v63  }
0x3c: {  	s15 =	rddreg [dreg:$0x1]  }
0x3d: {  	[tilespmem:s11], [sflag:$0x6] =	stream.indirect.gather [hbm4b:s15+s2], $0x80, s2, s2, $0xb8;
	[tilespmem:$0x1C200] =	vst v63  }
0x3e: {  	_ =	swait.ge [sflag:s12], $0x4000  }
0x3f: {  	[sflag:s12] =	ssyncset.done $0x0  }
0x40: {  	s14 =	rddreg [dreg:$0xa];
	[sflag:s12] =	ssyncadd.s32 $0xFFFFC000  }
0x41: {  	[hbm4b:s14+s4] =	stream.linear.scatter [tilespmem:s11], [sflag:$0x5], $0x4000, $0x38;
	[tilespmem:$0x1C200] =	vst v63  }
0x42: {  	v3 =	vld [tilespmem:$0x0];
	_ =	sdelay $0x4  }
0x43: {  	v4 =	vshll.u32 v3, $0x2  }
0x44: {  	v3 =	vand.u32 $0x7, v3;
	v4 =	vand.u32 $0xFFFFFFE0, v4  }
0x45: {  	v3 =	vor.u32 v3, v4  }
0x46: {  	v4 =	vperm.xlane v3, v0;
	_ =	sdelay $0x1  }
0x47: {  	v4 =	vadd.s32 v1, v4;
	_ =	sdelay $0x1  }
0x48: {  	v3 =	vperm.xlane v3, v2;
	_ =	sdelay $0x1  }
0x49: {  	v3 =	vadd.s32 v1, v3  }
0x4a: {  	[tilespmem:s13], [sflag:$0x6] =	stream.indirect_vreg.gather [hbm4b:s1+s4], $0x80, v4, vm0, $0xb8;
	[tilespmem:$0x1C200] =	vst v63  }
0x4b: {  	_ = 	snop  }
0x4c: {  	[tilespmem:s17], [sflag:$0x6] =	stream.indirect_vreg.gather [hbm4b:s6+s4], $0x80, v4, vm0, $0xb8;
	[tilespmem:$0x1C200] =	vst v63  }
0x4d: {  	_ = 	snop  }
0x4e: {  	[tilespmem:s18], [sflag:$0x6] =	stream.indirect_vreg.gather [hbm4b:s1+s4], $0x80, v3, vm0, $0xb8;
	[tilespmem:$0x1C200] =	vst v63  }
0x4f: {  	_ = 	snop  }
0x50: {  	[tilespmem:s19], [sflag:$0x6] =	stream.indirect_vreg.gather [hbm4b:s6+s4], $0x80, v3, vm0, $0xb8;
	[tilespmem:$0x1C200] =	vst v63  }
0x51: {  	v3 =	vld [tilespmem:$0x10];
	_ =	sdelay $0x4  }
0x52: {  	v49 =	vshll.u32 v3, $0x2  }
0x53: {  	v3 =	vand.u32 $0x7, v3;
	v4 =	vand.u32 $0xFFFFFFE0, v49  }
0x54: {  	v3 =	vor.u32 v3, v4  }
0x55: {  	v4 =	vperm.xlane v3, v0;
	_ =	sdelay $0x1  }
0x56: {  	v4 =	vadd.s32 v1, v4;
	_ =	sdelay $0x1  }
0x57: {  	v3 =	vperm.xlane v3, v2;
	_ =	sdelay $0x1  }
0x58: {  	v3 =	vadd.s32 v1, v3  }
0x59: {  	[tilespmem:s20], [sflag:$0x6] =	stream.indirect_vreg.gather [hbm4b:s1+s4], $0x80, v4, vm0, $0xb8;
	[tilespmem:$0x1C200] =	vst v63  }
0x5a: {  	_ = 	snop  }
0x5b: {  	[tilespmem:s21], [sflag:$0x6] =	stream.indirect_vreg.gather [hbm4b:s6+s4], $0x80, v4, vm0, $0xb8;
	[tilespmem:$0x1C200] =	vst v63  }
0x5c: {  	_ = 	snop  }
0x5d: {  	[tilespmem:s22], [sflag:$0x6] =	stream.indirect_vreg.gather [hbm4b:s1+s4], $0x80, v3, vm0, $0xb8;
	[tilespmem:$0x1C200] =	vst v63  }
0x5e: {  	_ = 	snop  }
0x5f: {  	[tilespmem:s23], [sflag:$0x6] =	stream.indirect_vreg.gather [hbm4b:s6+s4], $0x80, v3, vm0, $0xb8;
	[tilespmem:$0x1C200] =	vst v63  }
0x60: {  	v3 =	vld [tilespmem:$0x20];
	_ =	sdelay $0x4  }
0x61: {  	v50 =	vshll.u32 v3, $0x2  }
0x62: {  	v3 =	vand.u32 $0x7, v3;
	v4 =	vand.u32 $0xFFFFFFE0, v50  }
0x63: {  	v3 =	vor.u32 v3, v4  }
0x64: {  	v4 =	vperm.xlane v3, v0;
	_ =	sdelay $0x1  }
0x65: {  	v4 =	vadd.s32 v1, v4;
	_ =	sdelay $0x1  }
0x66: {  	v3 =	vperm.xlane v3, v2;
	_ =	sdelay $0x1  }
0x67: {  	v3 =	vadd.s32 v1, v3  }
0x68: {  	[tilespmem:s24], [sflag:$0x6] =	stream.indirect_vreg.gather [hbm4b:s1+s4], $0x80, v4, vm0, $0xb8;
	[tilespmem:$0x1C200] =	vst v63  }
0x69: {  	_ = 	snop  }
0x6a: {  	[tilespmem:s25], [sflag:$0x6] =	stream.indirect_vreg.gather [hbm4b:s6+s4], $0x80, v4, vm0, $0xb8;
	[tilespmem:$0x1C200] =	vst v63  }
0x6b: {  	_ = 	snop  }
0x6c: {  	[tilespmem:s26], [sflag:$0x6] =	stream.indirect_vreg.gather [hbm4b:s1+s4], $0x80, v3, vm0, $0xb8;
	[tilespmem:$0x1C200] =	vst v63  }
0x6d: {  	_ = 	snop  }
0x6e: {  	[tilespmem:s28], [sflag:$0x6] =	stream.indirect_vreg.gather [hbm4b:s6+s4], $0x80, v3, vm0, $0xb8;
	[tilespmem:$0x1C200] =	vst v63  }
0x6f: {  	v3 =	vld [tilespmem:$0x30];
	_ =	sdelay $0x4  }
0x70: {  	v51 =	vshll.u32 v3, $0x2  }
0x71: {  	v3 =	vand.u32 $0x7, v3;
	v4 =	vand.u32 $0xFFFFFFE0, v51  }
0x72: {  	v3 =	vor.u32 v3, v4  }
0x73: {  	v4 =	vperm.xlane v3, v0;
	_ =	sdelay $0x1  }
0x74: {  	v4 =	vadd.s32 v1, v4;
	_ =	sdelay $0x1  }
0x75: {  	v3 =	vperm.xlane v3, v2;
	_ =	sdelay $0x1  }
0x76: {  	v3 =	vadd.s32 v1, v3  }
0x77: {  	[tilespmem:s29], [sflag:$0x6] =	stream.indirect_vreg.gather [hbm4b:s1+s4], $0x80, v4, vm0, $0xb8;
	[tilespmem:$0x1C200] =	vst v63  }
0x78: {  	_ = 	snop  }
0x79: {  	[tilespmem:s30], [sflag:$0x6] =	stream.indirect_vreg.gather [hbm4b:s6+s4], $0x80, v4, vm0, $0xb8;
	[tilespmem:$0x1C200] =	vst v63  }
0x7a: {  	_ = 	snop  }
0x7b: {  	[tilespmem:s3], [sflag:$0x6] =	stream.indirect_vreg.gather [hbm4b:s1+s4], $0x80, v3, vm0, $0xb8;
	[tilespmem:$0x1C200] =	vst v63  }
0x7c: {  	_ = 	snop  }
0x7d: {  	[tilespmem:s8], [sflag:$0x6] =	stream.indirect_vreg.gather [hbm4b:s6+s4], $0x80, v3, vm0, $0xb8;
	[tilespmem:$0x1C200] =	vst v63  }
0x7e: {  	_ =	swait.ge [sflag:s12], $0x8000  }
0x7f: {  	s14 =	sld [smem:$0x7EF]  }
0x80: {  	[sflag:s12] =	ssyncset.done $0x0  }
0x81: {  	[sflag:s12] =	ssyncadd.s32 $0xFFFF8000  }
0x82: {  	[hbm4b:s14+s4] =	stream.linear.scatter [tilespmem:s13], [sflag:$0x2], $0x8000, $0x38;
	[tilespmem:$0x1C200] =	vst v63  }
0x83: {  	v3 =	vld [tilespmem:$0x40];
	_ =	sdelay $0x4  }
0x84: {  	v52 =	vshll.u32 v3, $0x2  }
0x85: {  	v3 =	vand.u32 $0x7, v3;
	v4 =	vand.u32 $0xFFFFFFE0, v52  }
0x86: {  	v3 =	vor.u32 v3, v4  }
0x87: {  	v4 =	vperm.xlane v3, v0;
	_ =	sdelay $0x1  }
0x88: {  	v4 =	vadd.s32 v1, v4;
	_ =	sdelay $0x1  }
0x89: {  	v3 =	vperm.xlane v3, v2;
	_ =	sdelay $0x1  }
0x8a: {  	v3 =	vadd.s32 v1, v3  }
0x8b: {  	[tilespmem:s5], [sflag:$0x6] =	stream.indirect_vreg.gather [hbm4b:s1+s4], $0x80, v4, vm0, $0xb8;
	[tilespmem:$0x1C200] =	vst v63  }
0x8c: {  	s10 =	rddreg [dreg:$0x10]  }
0x8d: {  	[tilespmem:s10], [sflag:$0x6] =	stream.indirect_vreg.gather [hbm4b:s6+s4], $0x80, v4, vm0, $0xb8;
	[tilespmem:$0x1C200] =	vst v63  }
0x8e: {  	s14 =	rddreg [dreg:$0x11]  }
0x8f: {  	[tilespmem:s14], [sflag:$0x6] =	stream.indirect_vreg.gather [hbm4b:s1+s4], $0x80, v3, vm0, $0xb8;
	[tilespmem:$0x1C200] =	vst v63  }
0x90: {  	s10 =	rddreg [dreg:$0x12]  }
0x91: {  	[tilespmem:s10], [sflag:$0x6] =	stream.indirect_vreg.gather [hbm4b:s6+s4], $0x80, v3, vm0, $0xb8;
	[tilespmem:$0x1C200] =	vst v63  }
0x92: {  	v3 =	vld [tilespmem:$0x50];
	_ =	sdelay $0x4  }
0x93: {  	v53 =	vshll.u32 v3, $0x2  }
0x94: {  	v3 =	vand.u32 $0x7, v3;
	v4 =	vand.u32 $0xFFFFFFE0, v53  }
0x95: {  	v3 =	vor.u32 v3, v4  }
0x96: {  	v4 =	vperm.xlane v3, v0;
	_ =	sdelay $0x1  }
0x97: {  	v4 =	vadd.s32 v1, v4;
	_ =	sdelay $0x1  }
0x98: {  	v3 =	vperm.xlane v3, v2;
	_ =	sdelay $0x1  }
0x99: {  	s10 =	rddreg [dreg:$0x13];
	v3 =	vadd.s32 v1, v3  }
0x9a: {  	[tilespmem:s10], [sflag:$0x6] =	stream.indirect_vreg.gather [hbm4b:s1+s4], $0x80, v4, vm0, $0xb8;
	[tilespmem:$0x1C200] =	vst v63  }
0x9b: {  	s14 =	rddreg [dreg:$0x14]  }
0x9c: {  	[tilespmem:s14], [sflag:$0x6] =	stream.indirect_vreg.gather [hbm4b:s6+s4], $0x80, v4, vm0, $0xb8;
	[tilespmem:$0x1C200] =	vst v63  }
0x9d: {  	s10 =	rddreg [dreg:$0x15]  }
0x9e: {  	[tilespmem:s10], [sflag:$0x6] =	stream.indirect_vreg.gather [hbm4b:s1+s4], $0x80, v3, vm0, $0xb8;
	[tilespmem:$0x1C200] =	vst v63  }
0x9f: {  	s14 =	rddreg [dreg:$0x16]  }
0xa0: {  	[tilespmem:s14], [sflag:$0x6] =	stream.indirect_vreg.gather [hbm4b:s6+s4], $0x80, v3, vm0, $0xb8;
	[tilespmem:$0x1C200] =	vst v63  }
0xa1: {  	v3 =	vld [tilespmem:$0x60];
	_ =	sdelay $0x4  }
0xa2: {  	v54 =	vshll.u32 v3, $0x2  }
0xa3: {  	v3 =	vand.u32 $0x7, v3;
	v4 =	vand.u32 $0xFFFFFFE0, v54  }
0xa4: {  	v3 =	vor.u32 v3, v4  }
0xa5: {  	v4 =	vperm.xlane v3, v0;
	_ =	sdelay $0x1  }
0xa6: {  	v4 =	vadd.s32 v1, v4;
	_ =	sdelay $0x1  }
0xa7: {  	v3 =	vperm.xlane v3, v2;
	_ =	sdelay $0x1  }
0xa8: {  	s10 =	rddreg [dreg:$0x17];
	v3 =	vadd.s32 v1, v3  }
0xa9: {  	[tilespmem:s10], [sflag:$0x6] =	stream.indirect_vreg.gather [hbm4b:s1+s4], $0x80, v4, vm0, $0xb8;
	[tilespmem:$0x1C200] =	vst v63  }
0xaa: {  	s14 =	rddreg [dreg:$0x18]  }
0xab: {  	[tilespmem:s14], [sflag:$0x6] =	stream.indirect_vreg.gather [hbm4b:s6+s4], $0x80, v4, vm0, $0xb8;
	[tilespmem:$0x1C200] =	vst v63  }
0xac: {  	s10 =	rddreg [dreg:$0x19]  }
0xad: {  	[tilespmem:s10], [sflag:$0x6] =	stream.indirect_vreg.gather [hbm4b:s1+s4], $0x80, v3, vm0, $0xb8;
	[tilespmem:$0x1C200] =	vst v63  }
0xae: {  	s14 =	rddreg [dreg:$0x1a]  }
0xaf: {  	[tilespmem:s14], [sflag:$0x6] =	stream.indirect_vreg.gather [hbm4b:s6+s4], $0x80, v3, vm0, $0xb8;
	[tilespmem:$0x1C200] =	vst v63  }
0xb0: {  	v3 =	vld [tilespmem:$0x70];
	_ =	sdelay $0x4  }
0xb1: {  	v55 =	vshll.u32 v3, $0x2  }
0xb2: {  	v3 =	vand.u32 $0x7, v3;
	v4 =	vand.u32 $0xFFFFFFE0, v55  }
0xb3: {  	v3 =	vor.u32 v3, v4  }
0xb4: {  	v4 =	vperm.xlane v3, v0;
	_ =	sdelay $0x1  }
0xb5: {  	v4 =	vadd.s32 v1, v4;
	_ =	sdelay $0x1  }
0xb6: {  	v3 =	vperm.xlane v3, v2;
	_ =	sdelay $0x1  }
0xb7: {  	s10 =	rddreg [dreg:$0x1b];
	v3 =	vadd.s32 v1, v3  }
0xb8: {  	[tilespmem:s10], [sflag:$0x6] =	stream.indirect_vreg.gather [hbm4b:s1+s4], $0x80, v4, vm0, $0xb8;
	[tilespmem:$0x1C200] =	vst v63  }
0xb9: {  	s14 =	rddreg [dreg:$0x1c]  }
0xba: {  	[tilespmem:s14], [sflag:$0x6] =	stream.indirect_vreg.gather [hbm4b:s6+s4], $0x80, v4, vm0, $0xb8;
	[tilespmem:$0x1C200] =	vst v63  }
0xbb: {  	s10 =	rddreg [dreg:$0x1d]  }
0xbc: {  	[tilespmem:s10], [sflag:$0x6] =	stream.indirect_vreg.gather [hbm4b:s1+s4], $0x80, v3, vm0, $0xb8;
	[tilespmem:$0x1C200] =	vst v63  }
0xbd: {  	s14 =	rddreg [dreg:$0x1e]  }
0xbe: {  	[tilespmem:s14], [sflag:$0x6] =	stream.indirect_vreg.gather [hbm4b:s6+s4], $0x80, v3, vm0, $0xb8;
	[tilespmem:$0x1C200] =	vst v63  }
0xbf: {  	_ =	swait.ge [sflag:s12], $0x8000  }
0xc0: {  	[sflag:s12] =	ssyncset.done $0x0  }
0xc1: {  	s14 =	rddreg [dreg:$0xb];
	[sflag:s12] =	ssyncadd.s32 $0xFFFF8000  }
0xc2: {  	[hbm4b:s14+s4] =	stream.linear.scatter [tilespmem:s5], [sflag:$0x3], $0x8000, $0x38;
	[tilespmem:$0x1C200] =	vst v63  }
0xc3: {  	_ =	swait.ge [sflag:s9], $0x80  }
0xc4: {  	[sflag:s9] =	ssyncset.done $0x0  }
0xc5: {  	[sflag:s9] =	ssyncadd.s32 $0xFFFFFF80  }
0xc6: {  	_ =	swait.ge [sflag:s9], $0x80  }
0xc7: {  	[sflag:s9] =	ssyncset.done $0x0  }
0xc8: {  	[sflag:s9] =	ssyncadd.s32 $0xFFFFFF80  }
0xc9: {  	_ =	swait.ge [sflag:s31], $0x4000  }
0xca: {  	[sflag:s31] =	ssyncset.done $0x0  }
0xcb: {  	[sflag:s31] =	ssyncadd.s32 $0xFFFFC000  }
0xcc: {  	[tilespmem:s11], [sflag:$0x6] =	stream.indirect.gather [hbm4b:s15+s2], $0x80, s16, s2, $0xb8;
	[tilespmem:$0x1C200] =	vst v63  }
0xcd: {  	_ =	swait.ge [sflag:s12], $0x4000  }
0xce: {  	[sflag:s12] =	ssyncset.done $0x0  }
0xcf: {  	s14 =	rddreg [dreg:$0xc];
	[sflag:s12] =	ssyncadd.s32 $0xFFFFC000  }
0xd0: {  	[hbm4b:s14+s4] =	stream.linear.scatter [tilespmem:s11], [sflag:$0x5], $0x4000, $0x38;
	[tilespmem:$0x1C200] =	vst v63  }
0xd1: {  	v3 =	vld [tilespmem:$0x100];
	_ =	sdelay $0x4  }
0xd2: {  	v56 =	vshll.u32 v3, $0x2  }
0xd3: {  	v3 =	vand.u32 $0x7, v3;
	v4 =	vand.u32 $0xFFFFFFE0, v56  }
0xd4: {  	v3 =	vor.u32 v3, v4  }
0xd5: {  	v4 =	vperm.xlane v3, v0;
	_ =	sdelay $0x1  }
0xd6: {  	v4 =	vadd.s32 v1, v4;
	_ =	sdelay $0x1  }
0xd7: {  	v3 =	vperm.xlane v3, v2;
	_ =	sdelay $0x1  }
0xd8: {  	s2 =	simm.s32 $0x10200;
	s15 =	rddreg [dreg:$0x1f];
	v3 =	vadd.s32 v1, v3  }
0xd9: {  	[tilespmem:s2], [sflag:$0x6] =	stream.indirect_vreg.gather [hbm4b:s1+s4], $0x80, v4, vm0, $0xb8;
	[tilespmem:$0x1C200] =	vst v63  }
0xda: {  	s14 =	sld [smem:$0x7F0]  }
0xdb: {  	[tilespmem:s15], [sflag:$0x6] =	stream.indirect_vreg.gather [hbm4b:s6+s4], $0x80, v4, vm0, $0xb8;
	[tilespmem:$0x1C200] =	vst v63  }
0xdc: {  	s15 =	sld [smem:$0x7F1]  }
0xdd: {  	[tilespmem:s14], [sflag:$0x6] =	stream.indirect_vreg.gather [hbm4b:s1+s4], $0x80, v3, vm0, $0xb8;
	[tilespmem:$0x1C200] =	vst v63  }
0xde: {  	_ = 	snop  }
0xdf: {  	[tilespmem:s15], [sflag:$0x6] =	stream.indirect_vreg.gather [hbm4b:s6+s4], $0x80, v3, vm0, $0xb8;
	[tilespmem:$0x1C200] =	vst v63  }
0xe0: {  	v3 =	vld [tilespmem:$0x110];
	_ =	sdelay $0x4  }
0xe1: {  	v57 =	vshll.u32 v3, $0x2  }
0xe2: {  	v3 =	vand.u32 $0x7, v3;
	v4 =	vand.u32 $0xFFFFFFE0, v57  }
0xe3: {  	v3 =	vor.u32 v3, v4  }
0xe4: {  	v4 =	vperm.xlane v3, v0;
	_ =	sdelay $0x1  }
0xe5: {  	v4 =	vadd.s32 v1, v4;
	_ =	sdelay $0x1  }
0xe6: {  	s14 =	sld [smem:$0x7F2];
	v3 =	vperm.xlane v3, v2;
	_ =	sdelay $0x1  }
0xe7: {  	s15 =	sld [smem:$0x7F3];
	v3 =	vadd.s32 v1, v3  }
0xe8: {  	[tilespmem:s14], [sflag:$0x6] =	stream.indirect_vreg.gather [hbm4b:s1+s4], $0x80, v4, vm0, $0xb8;
	[tilespmem:$0x1C200] =	vst v63  }
0xe9: {  	s10 =	sld [smem:$0x7F4]  }
0xea: {  	[tilespmem:s15], [sflag:$0x6] =	stream.indirect_vreg.gather [hbm4b:s6+s4], $0x80, v4, vm0, $0xb8;
	[tilespmem:$0x1C200] =	vst v63  }
0xeb: {  	s15 =	sld [smem:$0x7F5]  }
0xec: {  	[tilespmem:s10], [sflag:$0x6] =	stream.indirect_vreg.gather [hbm4b:s1+s4], $0x80, v3, vm0, $0xb8;
	[tilespmem:$0x1C200] =	vst v63  }
0xed: {  	_ = 	snop  }
0xee: {  	[tilespmem:s15], [sflag:$0x6] =	stream.indirect_vreg.gather [hbm4b:s6+s4], $0x80, v3, vm0, $0xb8;
	[tilespmem:$0x1C200] =	vst v63  }
0xef: {  	v3 =	vld [tilespmem:$0x120];
	_ =	sdelay $0x4  }
0xf0: {  	v58 =	vshll.u32 v3, $0x2  }
0xf1: {  	v3 =	vand.u32 $0x7, v3;
	v4 =	vand.u32 $0xFFFFFFE0, v58  }
0xf2: {  	v3 =	vor.u32 v3, v4  }
0xf3: {  	v4 =	vperm.xlane v3, v0;
	_ =	sdelay $0x1  }
0xf4: {  	v4 =	vadd.s32 v1, v4;
	_ =	sdelay $0x1  }
0xf5: {  	s14 =	sld [smem:$0x7F6];
	v3 =	vperm.xlane v3, v2;
	_ =	sdelay $0x1  }
0xf6: {  	s15 =	sld [smem:$0x7F7];
	v3 =	vadd.s32 v1, v3  }
0xf7: {  	[tilespmem:s14], [sflag:$0x6] =	stream.indirect_vreg.gather [hbm4b:s1+s4], $0x80, v4, vm0, $0xb8;
	[tilespmem:$0x1C200] =	vst v63  }
0xf8: {  	s10 =	sld [smem:$0x7F8]  }
0xf9: {  	[tilespmem:s15], [sflag:$0x6] =	stream.indirect_vreg.gather [hbm4b:s6+s4], $0x80, v4, vm0, $0xb8;
	[tilespmem:$0x1C200] =	vst v63  }
0xfa: {  	s15 =	sld [smem:$0x7F9]  }
0xfb: {  	[tilespmem:s10], [sflag:$0x6] =	stream.indirect_vreg.gather [hbm4b:s1+s4], $0x80, v3, vm0, $0xb8;
	[tilespmem:$0x1C200] =	vst v63  }
0xfc: {  	_ = 	snop  }
0xfd: {  	[tilespmem:s15], [sflag:$0x6] =	stream.indirect_vreg.gather [hbm4b:s6+s4], $0x80, v3, vm0, $0xb8;
	[tilespmem:$0x1C200] =	vst v63  }
0xfe: {  	v3 =	vld [tilespmem:$0x130];
	_ =	sdelay $0x4  }
0xff: {  	v59 =	vshll.u32 v3, $0x2  }
0x100: {  	v3 =	vand.u32 $0x7, v3;
	v4 =	vand.u32 $0xFFFFFFE0, v59  }
0x101: {  	v3 =	vor.u32 v3, v4  }
0x102: {  	v4 =	vperm.xlane v3, v0;
	_ =	sdelay $0x1  }
0x103: {  	v4 =	vadd.s32 v1, v4;
	_ =	sdelay $0x1  }
0x104: {  	s14 =	sld [smem:$0x7FA];
	v3 =	vperm.xlane v3, v2;
	_ =	sdelay $0x1  }
0x105: {  	s15 =	sld [smem:$0x7FB];
	v3 =	vadd.s32 v1, v3  }
0x106: {  	[tilespmem:s14], [sflag:$0x6] =	stream.indirect_vreg.gather [hbm4b:s1+s4], $0x80, v4, vm0, $0xb8;
	[tilespmem:$0x1C200] =	vst v63  }
0x107: {  	s10 =	sld [smem:$0x7FC]  }
0x108: {  	[tilespmem:s15], [sflag:$0x6] =	stream.indirect_vreg.gather [hbm4b:s6+s4], $0x80, v4, vm0, $0xb8;
	[tilespmem:$0x1C200] =	vst v63  }
0x109: {  	s15 =	sld [smem:$0x7FD]  }
0x10a: {  	[tilespmem:s10], [sflag:$0x6] =	stream.indirect_vreg.gather [hbm4b:s1+s4], $0x80, v3, vm0, $0xb8;
	[tilespmem:$0x1C200] =	vst v63  }
0x10b: {  	_ = 	snop  }
0x10c: {  	[tilespmem:s15], [sflag:$0x6] =	stream.indirect_vreg.gather [hbm4b:s6+s4], $0x80, v3, vm0, $0xb8;
	[tilespmem:$0x1C200] =	vst v63  }
0x10d: {  	_ =	swait.ge [sflag:s12], $0x8000  }
0x10e: {  	[sflag:s12] =	ssyncset.done $0x0  }
0x10f: {  	s15 =	rddreg [dreg:$0xd];
	[sflag:s12] =	ssyncadd.s32 $0xFFFF8000  }
0x110: {  	[hbm4b:s15+s4] =	stream.linear.scatter [tilespmem:s2], [sflag:$0x4], $0x8000, $0x38;
	[tilespmem:$0x1C200] =	vst v63  }
0x111: {  	_ =	swait.ge [sflag:s0], $0x8000  }
0x112: {  	[sflag:s0] =	ssyncset.done $0x0  }
0x113: {  	[sflag:s0] =	ssyncadd.s32 $0xFFFF8000  }
0x114: {  	v3 =	vld [tilespmem:$0x140];
	_ =	sdelay $0x4  }
0x115: {  	v60 =	vshll.u32 v3, $0x2  }
0x116: {  	v3 =	vand.u32 $0x7, v3;
	v4 =	vand.u32 $0xFFFFFFE0, v60  }
0x117: {  	v3 =	vor.u32 v3, v4  }
0x118: {  	v4 =	vperm.xlane v3, v0;
	_ =	sdelay $0x1  }
0x119: {  	v4 =	vadd.s32 v1, v4;
	_ =	sdelay $0x1  }
0x11a: {  	v3 =	vperm.xlane v3, v2;
	_ =	sdelay $0x1  }
0x11b: {  	v3 =	vadd.s32 v1, v3  }
0x11c: {  	[tilespmem:s13], [sflag:$0x6] =	stream.indirect_vreg.gather [hbm4b:s1+s4], $0x80, v4, vm0, $0xb8;
	[tilespmem:$0x1C200] =	vst v63  }
0x11d: {  	_ = 	snop  }
0x11e: {  	[tilespmem:s17], [sflag:$0x6] =	stream.indirect_vreg.gather [hbm4b:s6+s4], $0x80, v4, vm0, $0xb8;
	[tilespmem:$0x1C200] =	vst v63  }
0x11f: {  	_ = 	snop  }
0x120: {  	[tilespmem:s18], [sflag:$0x6] =	stream.indirect_vreg.gather [hbm4b:s1+s4], $0x80, v3, vm0, $0xb8;
	[tilespmem:$0x1C200] =	vst v63  }
0x121: {  	_ = 	snop  }
0x122: {  	[tilespmem:s19], [sflag:$0x6] =	stream.indirect_vreg.gather [hbm4b:s6+s4], $0x80, v3, vm0, $0xb8;
	[tilespmem:$0x1C200] =	vst v63  }
0x123: {  	v3 =	vld [tilespmem:$0x150];
	_ =	sdelay $0x4  }
0x124: {  	v61 =	vshll.u32 v3, $0x2  }
0x125: {  	v3 =	vand.u32 $0x7, v3;
	v4 =	vand.u32 $0xFFFFFFE0, v61  }
0x126: {  	v3 =	vor.u32 v3, v4  }
0x127: {  	v4 =	vperm.xlane v3, v0;
	_ =	sdelay $0x1  }
0x128: {  	v4 =	vadd.s32 v1, v4;
	_ =	sdelay $0x1  }
0x129: {  	v3 =	vperm.xlane v3, v2;
	_ =	sdelay $0x1  }
0x12a: {  	v3 =	vadd.s32 v1, v3  }
0x12b: {  	[tilespmem:s20], [sflag:$0x6] =	stream.indirect_vreg.gather [hbm4b:s1+s4], $0x80, v4, vm0, $0xb8;
	[tilespmem:$0x1C200] =	vst v63  }
0x12c: {  	_ = 	snop  }
0x12d: {  	[tilespmem:s21], [sflag:$0x6] =	stream.indirect_vreg.gather [hbm4b:s6+s4], $0x80, v4, vm0, $0xb8;
	[tilespmem:$0x1C200] =	vst v63  }
0x12e: {  	_ = 	snop  }
0x12f: {  	[tilespmem:s22], [sflag:$0x6] =	stream.indirect_vreg.gather [hbm4b:s1+s4], $0x80, v3, vm0, $0xb8;
	[tilespmem:$0x1C200] =	vst v63  }
0x130: {  	_ = 	snop  }
0x131: {  	[tilespmem:s23], [sflag:$0x6] =	stream.indirect_vreg.gather [hbm4b:s6+s4], $0x80, v3, vm0, $0xb8;
	[tilespmem:$0x1C200] =	vst v63  }
0x132: {  	v3 =	vld [tilespmem:$0x160];
	_ =	sdelay $0x4  }
0x133: {  	v62 =	vshll.u32 v3, $0x2  }
0x134: {  	v3 =	vand.u32 $0x7, v3;
	v4 =	vand.u32 $0xFFFFFFE0, v62  }
0x135: {  	v3 =	vor.u32 v3, v4  }
0x136: {  	v4 =	vperm.xlane v3, v0;
	_ =	sdelay $0x1  }
0x137: {  	v4 =	vadd.s32 v1, v4;
	_ =	sdelay $0x1  }
0x138: {  	v3 =	vperm.xlane v3, v2;
	_ =	sdelay $0x1  }
0x139: {  	v3 =	vadd.s32 v1, v3  }
0x13a: {  	[tilespmem:s24], [sflag:$0x6] =	stream.indirect_vreg.gather [hbm4b:s1+s4], $0x80, v4, vm0, $0xb8;
	[tilespmem:$0x1C200] =	vst v63  }
0x13b: {  	_ = 	snop  }
0x13c: {  	[tilespmem:s25], [sflag:$0x6] =	stream.indirect_vreg.gather [hbm4b:s6+s4], $0x80, v4, vm0, $0xb8;
	[tilespmem:$0x1C200] =	vst v63  }
0x13d: {  	_ = 	snop  }
0x13e: {  	[tilespmem:s26], [sflag:$0x6] =	stream.indirect_vreg.gather [hbm4b:s1+s4], $0x80, v3, vm0, $0xb8;
	[tilespmem:$0x1C200] =	vst v63  }
0x13f: {  	_ = 	snop  }
0x140: {  	[tilespmem:s28], [sflag:$0x6] =	stream.indirect_vreg.gather [hbm4b:s6+s4], $0x80, v3, vm0, $0xb8;
	[tilespmem:$0x1C200] =	vst v63  }
0x141: {  	v3 =	vld [tilespmem:$0x170];
	_ =	sdelay $0x4  }
0x142: {  	v63 =	vshll.u32 v3, $0x2  }
0x143: {  	v3 =	vand.u32 $0x7, v3;
	v4 =	vand.u32 $0xFFFFFFE0, v63  }
0x144: {  	v3 =	vor.u32 v3, v4  }
0x145: {  	v4 =	vperm.xlane v3, v0;
	_ =	sdelay $0x1  }
0x146: {  	v4 =	vadd.s32 v1, v4;
	_ =	sdelay $0x1  }
0x147: {  	v3 =	vperm.xlane v3, v2;
	_ =	sdelay $0x1  }
0x148: {  	v3 =	vadd.s32 v1, v3  }
0x149: {  	[tilespmem:s29], [sflag:$0x6] =	stream.indirect_vreg.gather [hbm4b:s1+s4], $0x80, v4, vm0, $0xb8;
	[tilespmem:$0x1C200] =	vst v63  }
0x14a: {  	_ = 	snop  }
0x14b: {  	[tilespmem:s30], [sflag:$0x6] =	stream.indirect_vreg.gather [hbm4b:s6+s4], $0x80, v4, vm0, $0xb8;
	[tilespmem:$0x1C200] =	vst v63  }
0x14c: {  	_ = 	snop  }
0x14d: {  	[tilespmem:s3], [sflag:$0x6] =	stream.indirect_vreg.gather [hbm4b:s1+s4], $0x80, v3, vm0, $0xb8;
	[tilespmem:$0x1C200] =	vst v63  }
0x14e: {  	_ = 	snop  }
0x14f: {  	[tilespmem:s8], [sflag:$0x6] =	stream.indirect_vreg.gather [hbm4b:s6+s4], $0x80, v3, vm0, $0xb8;
	[tilespmem:$0x1C200] =	vst v63  }
0x150: {  	_ =	swait.ge [sflag:s12], $0x8000  }
0x151: {  	[sflag:s12] =	ssyncset.done $0x0  }
0x152: {  	s2 =	rddreg [dreg:$0xe];
	[sflag:s12] =	ssyncadd.s32 $0xFFFF8000  }
0x153: {  	[hbm4b:s2+s4] =	stream.linear.scatter [tilespmem:s13], [sflag:$0x2], $0x8000, $0x38;
	[tilespmem:$0x1C200] =	vst v63  }
0x154: {  	_ =	swait.ge [sflag:s0], $0x8000  }
0x155: {  	[sflag:s0] =	ssyncset.done $0x0  }
0x156: {  	s14 =	simm.s32 $0x3;
	[sflag:s0] =	ssyncadd.s32 $0xFFFF8000  }
0x157: {  	_ =	swait.ge [sflag:s14], $0x8000  }
0x158: {  	[sflag:s14] =	ssyncset.done $0x0  }
0x159: {  	s15 =	simm.s32 $0x4;
	[sflag:s14] =	ssyncadd.s32 $0xFFFF8000  }
0x15a: {  	p0 =	sne.s32 s7, $0x1;
	_ =	swait.ge [sflag:s15], $0x8000  }
.Ltmp0:
0x15b: {  	[sflag:s15] =	ssyncset.done $0x0;
	(pc) =	sbr.rel @p0 .LBB2_1-.Ltmp0, $4  }
0x15c: {  	[sflag:s15] =	ssyncadd.s32 $0xFFFF8000  }
0x15d: {  	_ =	swait.ge [sflag:s31], $0x4000  }
0x15e: {  	[sflag:s31] =	ssyncset.done $0x0  }
0x15f: {  	s7 =	sadd.s32 $0xFFFFFFFF, s7;
	[sflag:s31] =	ssyncadd.s32 $0xFFFFC000  }
0x160: {  	_ =	sfence.sel $0x180000  }
0x161: {  	[bflag:$0x0] =	sbarrier.arrive $0xFFFF  }
0x162: {  	_ =	strace $0x90000050  }
0x163: {  	s0 =	stileid.u32;
	[bflag:$0x2] =	sbarrier.arrive $0xFFFF  }
0x164: {  	p0 =	sne.s32 s0, $0x0;
	s0 =	rddreg [dreg:$0x5]  }
0x165: {  	s0 =	sadd.s32 @!p0 $0x100000, s0  }
0x166: {  	[sflag:s0] =	ssyncadd.tile.s32 @!p0 $0x1;
	_ =	shalt  }
.Lfunc_end2:
_tile_overlayer_lowered:
.L_overlay_start_2:
0x167: {  	(tag) =	ssettag $0x2  }
0x168: {  	s0 =	rddreg [dreg:$0x0];
	s2 =	stileid.u32  }
0x169: {  	s1 =	rddreg [dreg:$0x1];
	p0 =	sne.s32 s2, $0x0  }
0x16a: {  	s3 =	rddreg [dreg:$0x2];
	[bflag:$0x3] =	sbarrier.arrive $0xFFFF;
	s2 =	simm.s32 @!p0 $0x1C06  }
0x16b: {  	[timem:s3], [sflag:s2] =	dma.local @!p0 [hbm:s0], s1  }
0x16c: {  	s0 =	simm.s32 @!p0 $0x6  }
0x16d: {  	_ =	swait.ge @!p0 [sflag:s0], s1  }
0x16e: {  	s1 =	ssub.s32 @!p0 $0x0, s1;
	[sflag:s0] =	ssyncset.done @!p0 $0x0  }
0x16f: {  	[sflag:s0] =	ssyncadd.s32 @!p0 s1  }
0x170: {  	[bflag:$0x3] =	sbarrier.arrive $0xFFFF  }
0x171: {  	_ =	shalt  }

</sc_bundles>
